<compile_context>
chip_gen: v7x
topology: tpu7x:2x2x1
jax: 0.10.2.dev20260603
libtpu: 0.0.44.dev20260713+nightly
codegen_flags: <defaults>
</compile_context>

<pallas_src>
import jax
import jax.numpy as jnp
from jax import lax
from jax.experimental import pallas as pl
from jax.experimental.pallas import tpu as pltpu
from jax.experimental.pallas import tpu_sc as plsc

N = 10000
D = 128
H = 8
HD = 16
HH = H // 2
DH = D // 2
WA = 48
WB = 32
NC = 2
NS = 16
C = 128
NB = 4
NI = 8
N_ACC = 10112
RPT = N_ACC // NS


def _proj_body(x_ref, wt_ref, s4_ref, d4_ref,
               ha0_ref, hb0_ref, ha1_ref, hb1_ref, a0_ref, a1_ref):
    h = jnp.dot(x_ref[...], wt_ref[...], preferred_element_type=jnp.float32)
    a4 = jnp.dot(h, s4_ref[...], preferred_element_type=jnp.float32)
    d4 = jnp.dot(h, d4_ref[...], preferred_element_type=jnp.float32)
    ha0_ref[...] = h[:, :WA]
    hb0_ref[:, :16] = h[:, WA:DH]
    hb0_ref[:, 16:] = d4[:, :16]
    ha1_ref[...] = h[:, DH:DH + WA]
    hb1_ref[:, :16] = h[:, DH + WA:]
    hb1_ref[:, 16:] = d4[:, 16:]
    a0_ref[...] = a4[:, :16]
    a1_ref[...] = a4[:, 16:]


def _lane_bcast(v, hh):
    idx = jnp.full((16, 1), hh, jnp.int32)
    dn = lax.GatherDimensionNumbers(
        offset_dims=(), collapsed_slice_dims=(0,), start_index_map=(0,))
    return lax.gather(v, idx, dn, (1,),
                      mode=lax.GatherScatterMode.PROMISE_IN_BOUNDS)


def _sc_body(ha0_hbm, hb0_hbm, ha1_hbm, hb1_hbm, a0_hbm, a1_hbm,
             rc_hbm, z48_hbm, z32_hbm,
             outa_hbm, outb_hbm,
             outa_acc, outb_acc, rcvs, ars, hras, hrbs,
             gsems, ssems, isems):
    c = lax.axis_index("c")
    s = lax.axis_index("s")
    cpw = rc_hbm.shape[0] // NS

    def issue_idx(k, i):
        pltpu.async_copy(rc_hbm.at[s * cpw + k], rcvs[i % NI], isems[i % NI])

    def wait_idx(k, i):
        pltpu.make_async_copy(rc_hbm.at[s * cpw + k], rcvs[i % NI],
                              isems[i % NI]).wait()

    def issue_gathers(i):
        b, r = i % NB, i % NI

        @pl.when(c == 0)
        def _():
            pltpu.async_copy(a0_hbm.at[rcvs[r].at[0]], ars[b], gsems[b])
            pltpu.async_copy(ha0_hbm.at[rcvs[r].at[1]], hras[b], gsems[b])
            pltpu.async_copy(hb0_hbm.at[rcvs[r].at[1]], hrbs[b], gsems[b])

        @pl.when(c == 1)
        def _():
            pltpu.async_copy(a1_hbm.at[rcvs[r].at[0]], ars[b], gsems[b])
            pltpu.async_copy(ha1_hbm.at[rcvs[r].at[1]], hras[b], gsems[b])
            pltpu.async_copy(hb1_hbm.at[rcvs[r].at[1]], hrbs[b], gsems[b])

    def wait_gathers(i):
        b, r = i % NB, i % NI
        pltpu.make_async_copy(a0_hbm.at[rcvs[r].at[0]], ars[b],
                              gsems[b]).wait()
        pltpu.make_async_copy(ha0_hbm.at[rcvs[r].at[1]], hras[b],
                              gsems[b]).wait()
        pltpu.make_async_copy(hb0_hbm.at[rcvs[r].at[1]], hrbs[b],
                              gsems[b]).wait()

    def issue_scatters(i):
        b, r = i % NB, i % NI
        pltpu.async_copy(hras[b], outa_acc.at[rcvs[r].at[0]], ssems[b],
                         add=True)
        pltpu.async_copy(hrbs[b], outb_acc.at[rcvs[r].at[0]], ssems[b],
                         add=True)

    def wait_scatters(i):
        b, r = i % NB, i % NI
        pltpu.make_async_copy(hras[b], outa_acc.at[rcvs[r].at[0]],
                              ssems[b]).wait()
        pltpu.make_async_copy(hrbs[b], outb_acc.at[rcvs[r].at[0]],
                              ssems[b]).wait()

    issue_idx(0, 0)
    issue_idx(1, 1)
    issue_idx(2, 2)
    wait_idx(0, 0)
    issue_gathers(0)
    wait_idx(1, 1)
    issue_gathers(1)

    zbase = s * RPT
    pltpu.sync_copy(z48_hbm, outa_acc.at[pl.ds(zbase, RPT)])
    pltpu.sync_copy(z32_hbm, outb_acc.at[pl.ds(zbase, RPT)])
    plsc.subcore_barrier()

    @pl.loop(0, cpw, step=NI)
    def chunk_loop(k):
        for i in range(NI):
            kk = k + i
            b, r = i % NB, i % NI
            wait_gathers(i)
            ar, hra, hrb = ars[b], hras[b], hrbs[b]

            @pl.loop(0, C, unroll=2)
            def row_loop(j):
                e = ar[j, :] + hrb[j, pl.ds(16, 16)]
                e = jnp.maximum(e, 0.2 * e)
                exv = jnp.exp(e)
                hrb[j, pl.ds(16, 16)] = exv
                for hh in range(3):
                    m = _lane_bcast(exv, hh)
                    hra[j, pl.ds(hh * HD, HD)] = (
                        hra[j, pl.ds(hh * HD, HD)] * m)
                m3 = _lane_bcast(exv, 3)
                hrb[j, pl.ds(0, 16)] = hrb[j, pl.ds(0, 16)] * m3

            issue_scatters(i)

            @pl.when(kk >= 2)
            def _():
                wait_scatters(i + NI - 2)

            @pl.when(kk + 3 < cpw)
            def _():
                issue_idx(kk + 3, i + 3)

            @pl.when(kk + 2 < cpw)
            def _():
                wait_idx(kk + 2, i + 2)
                issue_gathers(i + 2)

    wait_scatters(cpw - 2)
    wait_scatters(cpw - 1)
    plsc.subcore_barrier()
    rbase = s * RPT
    pltpu.sync_copy(outa_acc.at[pl.ds(rbase, RPT)],
                    outa_hbm.at[c, pl.ds(rbase, RPT)])
    pltpu.sync_copy(outb_acc.at[pl.ds(rbase, RPT)],
                    outb_hbm.at[c, pl.ds(rbase, RPT)])


def _finish_body(pa_ref, pb_ref, o_ref):
    col = lax.broadcasted_iota(jnp.int32, (16, WA), 1) // HD
    rowi = lax.broadcasted_iota(jnp.int32, (16, WA), 0)
    ra = (col == rowi).astype(jnp.float32)
    rb = (lax.broadcasted_iota(jnp.int32, (16, 16), 0) == 3).astype(
        jnp.float32)
    for cc in range(NC):
        den16 = pb_ref[cc][:, 16:]
        dena = jnp.dot(den16, ra, preferred_element_type=jnp.float32)
        denb = jnp.dot(den16, rb, preferred_element_type=jnp.float32)
        o_ref[:, cc * DH:cc * DH + WA] = pa_ref[cc] / dena
        o_ref[:, cc * DH + WA:(cc + 1) * DH] = pb_ref[cc][:, :16] / denb


def kernel(x, edge_indices, W, src_attn, dst_attn):
    n, d = x.shape
    eye = jnp.eye(H, dtype=x.dtype)
    S = jnp.einsum("hk,hj->hkj", src_attn[0], eye).reshape(d, H)
    Dm = jnp.einsum("hk,hj->hkj", dst_attn[0], eye).reshape(d, H)
    S4 = jnp.concatenate(
        [jnp.tile(S[:, :HH], (1, 4)), jnp.tile(S[:, HH:], (1, 4))], axis=1)
    D4 = jnp.concatenate(
        [jnp.tile(Dm[:, :HH], (1, 4)), jnp.tile(Dm[:, HH:], (1, 4))], axis=1)

    BR = 1000
    ha0, hb0, ha1, hb1, a0, a1 = pl.pallas_call(
        _proj_body,
        grid=(n // BR,),
        in_specs=[
            pl.BlockSpec((BR, d), lambda i: (i, 0)),
            pl.BlockSpec((d, d), lambda i: (0, 0)),
            pl.BlockSpec((d, 32), lambda i: (0, 0)),
            pl.BlockSpec((d, 32), lambda i: (0, 0)),
        ],
        out_specs=[
            pl.BlockSpec((BR, WA), lambda i: (i, 0)),
            pl.BlockSpec((BR, WB), lambda i: (i, 0)),
            pl.BlockSpec((BR, WA), lambda i: (i, 0)),
            pl.BlockSpec((BR, WB), lambda i: (i, 0)),
            pl.BlockSpec((BR, 16), lambda i: (i, 0)),
            pl.BlockSpec((BR, 16), lambda i: (i, 0)),
        ],
        out_shape=[
            jax.ShapeDtypeStruct((n, WA), jnp.float32),
            jax.ShapeDtypeStruct((n, WB), jnp.float32),
            jax.ShapeDtypeStruct((n, WA), jnp.float32),
            jax.ShapeDtypeStruct((n, WB), jnp.float32),
            jax.ShapeDtypeStruct((n, 16), jnp.float32),
            jax.ShapeDtypeStruct((n, 16), jnp.float32),
        ],
    )(x, W.T, S4, D4)

    a0p = jnp.pad(a0, ((0, N_ACC - n), (0, 0)))
    a1p = jnp.pad(a1, ((0, N_ACC - n), (0, 0)))

    e_in = edge_indices.shape[1]
    e_tot = e_in + n
    cpw = -(-e_tot // (NS * C * NI)) * NI
    ep = NS * C * cpw
    loops = jnp.arange(n, dtype=edge_indices.dtype)
    trash = n + (jnp.arange(ep - e_tot) % (N_ACC - n)).astype(
        edge_indices.dtype)
    rowp = jnp.concatenate([edge_indices[0], loops, trash]).reshape(-1, C)
    colp = jnp.concatenate(
        [edge_indices[1], loops,
         jnp.zeros((ep - e_tot,), edge_indices.dtype)]).reshape(-1, C)
    rc = jnp.stack([rowp, colp], axis=1)

    z48 = jnp.zeros((RPT, WA), jnp.float32)
    z32 = jnp.zeros((RPT, WB), jnp.float32)

    sc = pl.kernel(
        _sc_body,
        out_type=[
            jax.ShapeDtypeStruct((NC, N_ACC, WA), jnp.float32),
            jax.ShapeDtypeStruct((NC, N_ACC, WB), jnp.float32),
        ],
        mesh=plsc.VectorSubcoreMesh(core_axis_name="c", subcore_axis_name="s"),
        compiler_params=pltpu.CompilerParams(use_tc_tiling_on_sc=False),
        scratch_types=[
            pltpu.VMEM_SHARED((N_ACC, WA), jnp.float32),
            pltpu.VMEM_SHARED((N_ACC, WB), jnp.float32),
            [pltpu.VMEM((2, C), jnp.int32) for _ in range(NI)],
            [pltpu.VMEM((C, 16), jnp.float32) for _ in range(NB)],
            [pltpu.VMEM((C, WA), jnp.float32) for _ in range(NB)],
            [pltpu.VMEM((C, WB), jnp.float32) for _ in range(NB)],
            [pltpu.SemaphoreType.DMA for _ in range(NB)],
            [pltpu.SemaphoreType.DMA for _ in range(NB)],
            [pltpu.SemaphoreType.DMA for _ in range(NI)],
        ],
    )
    outa, outb = sc(ha0, hb0, ha1, hb1, a0p, a1p, rc, z48, z32)

    out = pl.pallas_call(
        _finish_body,
        grid=(n // BR,),
        in_specs=[
            pl.BlockSpec((NC, BR, WA), lambda i: (0, i, 0)),
            pl.BlockSpec((NC, BR, WB), lambda i: (0, i, 0)),
        ],
        out_specs=pl.BlockSpec((BR, D), lambda i: (i, 0)),
        out_shape=jax.ShapeDtypeStruct((n, D), jnp.float32),
    )(outa, outb)
    return out

# --- scband reference (transcript-rebuilt; emitter-appended) ---
"""Pipeline reference for scband-gatlayer-17789754540237 (READ-ONLY COPY).

The authoritative reference and input builder live on the scoring server;
editing this copy changes nothing except your own understanding.
"""

import jax, jax.numpy as jnp
import numpy as np

N = 10000
E = 320000
D = 128
H = 8
HD = D // H


def setup_inputs(seed: int = 0) -> dict:
    key = jax.random.key(seed)
    k1, k2, k3, k4, k5 = jax.random.split(key, 5)
    x = jax.random.normal(k1, (N, D), dtype=jnp.float32)
    edge_indices = jax.random.randint(k2, (2, E), 0, N)
    # nn.Linear weight (out, in), kaiming-uniform-ish scale
    W = jax.random.normal(k3, (D, D), dtype=jnp.float32) * (1.0 / np.sqrt(D))
    # kaiming_normal_(nonlinearity='linear') on (1, H, HD): std = 1/sqrt(fan_in)
    src_attn = jax.random.normal(k4, (1, H, HD), dtype=jnp.float32) * (1.0 / np.sqrt(HD))
    dst_attn = jax.random.normal(k5, (1, H, HD), dtype=jnp.float32) * (1.0 / np.sqrt(HD))
    return {"x": x, "edge_indices": edge_indices, "W": W, "src_attn": src_attn, "dst_attn": dst_attn}


def reference(x, edge_indices, W, src_attn, dst_attn):
    n = x.shape[0]
    # add self loops
    loops = jnp.arange(n, dtype=edge_indices.dtype)
    ei = jnp.concatenate([edge_indices, jnp.stack([loops, loops])], axis=1)
    row = ei[0]
    col = ei[1]
    # linear projection (no bias), reshape to heads
    h = (x @ W.T).reshape(-1, H, HD)
    # dropout p=0 -> identity
    src_e = (h * src_attn).sum(axis=-1)[row]   # (E', H)
    dst_e = (h * dst_attn).sum(axis=-1)[col]   # (E', H)
    e = jax.nn.leaky_relu(src_e + dst_e, negative_slope=0.2)
    # sparse softmax over dim=1 (columns) per row index = segment softmax by row.
    # coalesce (summing duplicate entries) commutes with the final sparse matmul
    # by linearity, so it is omitted without changing the result.
    m = jax.ops.segment_max(e, row, num_segments=n)
    ex = jnp.exp(e - m[row])
    denom = jax.ops.segment_sum(ex, row, num_segments=n)
    w = ex / denom[row]                         # (E', H)
    # per-head sparse matmul: out[r] += w_e * h[col_e]; heads concatenated along dim 1
    out = jax.ops.segment_sum(w[:, :, None] * h[col], row, num_segments=n)  # (N, H, HD)
    return out.reshape(n, H * HD)

if __name__ == "__main__":
    import jax
    _d = setup_inputs()
    print(jax.jit(kernel)(*tuple(_d.values())))

</pallas_src>

<mosaic_0001>
#map = affine_map<(d0, d1) -> (0, 0)>
#map1 = affine_map<(d0, d1) -> (0, 0, 0)>
module attributes {stable_mosaic.version = 14 : i64} {
  func.func @_sc_body(%arg0: i32, %arg1: i32, %arg2: memref<10000x48xf32, #tpu.memory_space<hbm>>, %arg3: memref<10000x32xf32, #tpu.memory_space<hbm>>, %arg4: memref<10000x48xf32, #tpu.memory_space<hbm>>, %arg5: memref<10000x32xf32, #tpu.memory_space<hbm>>, %arg6: memref<10112x16xf32, #tpu.memory_space<hbm>>, %arg7: memref<10112x16xf32, #tpu.memory_space<hbm>>, %arg8: memref<2688x2x128xi32, #tpu.memory_space<hbm>>, %arg9: memref<632x48xf32, #tpu.memory_space<hbm>>, %arg10: memref<632x32xf32, #tpu.memory_space<hbm>>, %arg11: memref<2x10112x48xf32, #tpu.memory_space<hbm>>, %arg12: memref<2x10112x32xf32, #tpu.memory_space<hbm>>, %arg13: memref<10112x48xf32, #tpu.memory_space<vmem_shared>>, %arg14: memref<10112x32xf32, #tpu.memory_space<vmem_shared>>, %arg15: memref<2x128xi32, #tpu.memory_space<vmem>>, %arg16: memref<2x128xi32, #tpu.memory_space<vmem>>, %arg17: memref<2x128xi32, #tpu.memory_space<vmem>>, %arg18: memref<2x128xi32, #tpu.memory_space<vmem>>, %arg19: memref<2x128xi32, #tpu.memory_space<vmem>>, %arg20: memref<2x128xi32, #tpu.memory_space<vmem>>, %arg21: memref<2x128xi32, #tpu.memory_space<vmem>>, %arg22: memref<2x128xi32, #tpu.memory_space<vmem>>, %arg23: memref<128x16xf32, #tpu.memory_space<vmem>>, %arg24: memref<128x16xf32, #tpu.memory_space<vmem>>, %arg25: memref<128x16xf32, #tpu.memory_space<vmem>>, %arg26: memref<128x16xf32, #tpu.memory_space<vmem>>, %arg27: memref<128x48xf32, #tpu.memory_space<vmem>>, %arg28: memref<128x48xf32, #tpu.memory_space<vmem>>, %arg29: memref<128x48xf32, #tpu.memory_space<vmem>>, %arg30: memref<128x48xf32, #tpu.memory_space<vmem>>, %arg31: memref<128x32xf32, #tpu.memory_space<vmem>>, %arg32: memref<128x32xf32, #tpu.memory_space<vmem>>, %arg33: memref<128x32xf32, #tpu.memory_space<vmem>>, %arg34: memref<128x32xf32, #tpu.memory_space<vmem>>, %arg35: memref<!tpu.dma_semaphore, #tpu.memory_space<semaphore_mem>>, %arg36: memref<!tpu.dma_semaphore, #tpu.memory_space<semaphore_mem>>, %arg37: memref<!tpu.dma_semaphore, #tpu.memory_space<semaphore_mem>>, %arg38: memref<!tpu.dma_semaphore, #tpu.memory_space<semaphore_mem>>, %arg39: memref<!tpu.dma_semaphore, #tpu.memory_space<semaphore_mem>>, %arg40: memref<!tpu.dma_semaphore, #tpu.memory_space<semaphore_mem>>, %arg41: memref<!tpu.dma_semaphore, #tpu.memory_space<semaphore_mem>>, %arg42: memref<!tpu.dma_semaphore, #tpu.memory_space<semaphore_mem>>, %arg43: memref<!tpu.dma_semaphore, #tpu.memory_space<semaphore_mem>>, %arg44: memref<!tpu.dma_semaphore, #tpu.memory_space<semaphore_mem>>, %arg45: memref<!tpu.dma_semaphore, #tpu.memory_space<semaphore_mem>>, %arg46: memref<!tpu.dma_semaphore, #tpu.memory_space<semaphore_mem>>, %arg47: memref<!tpu.dma_semaphore, #tpu.memory_space<semaphore_mem>>, %arg48: memref<!tpu.dma_semaphore, #tpu.memory_space<semaphore_mem>>, %arg49: memref<!tpu.dma_semaphore, #tpu.memory_space<semaphore_mem>>, %arg50: memref<!tpu.dma_semaphore, #tpu.memory_space<semaphore_mem>>) attributes {dimension_semantics = [#tpu.dimension_semantics<core_parallel>, #tpu.dimension_semantics<subcore_parallel>], iteration_bounds = array<i64: 2, 16>, scalar_prefetch = 0 : i64, scratch_operands = 38 : i64, tpu.core_type = #tpu.core_type<sc_vector_subcore>, window_params = [{transform_indices = #map}, {transform_indices = #map}, {transform_indices = #map}, {transform_indices = #map}, {transform_indices = #map}, {transform_indices = #map}, {transform_indices = #map1}, {transform_indices = #map}, {transform_indices = #map}, {transform_indices = #map1}, {transform_indices = #map1}]} {
    %mul3A = arith.constant 168 : i32
    %mul3A_0 = arith.muli %arg1, %mul3A : i32
    %add3A = arith.constant 0 : i32
    %add3A_1 = arith.addi %mul3A_0, %add3A : i32
    %dma_start3A = arith.constant 0 : i32
    %dma_start3A_2 = arith.constant 0 : i32
    %dma_start3A_3 = tpu.memref_slice %arg8[%add3A_1, %dma_start3A, %dma_start3A_2] : memref<2688x2x128xi32, #tpu.memory_space<hbm>> -> memref<1x2x128xi32, #tpu.memory_space<hbm>>
    %dma_start3A_4 = tpu.memref_squeeze %dma_start3A_3 : memref<1x2x128xi32, #tpu.memory_space<hbm>> -> memref<2x128xi32, #tpu.memory_space<hbm>>
    %dma_start3A_5 = arith.constant 0 : i32
    %dma_start3A_6 = arith.constant 0 : i32
    %dma_start3A_7 = tpu.memref_slice %arg8[%add3A_1, %dma_start3A_5, %dma_start3A_6] : memref<2688x2x128xi32, #tpu.memory_space<hbm>> -> memref<1x2x128xi32, #tpu.memory_space<hbm>>
    %dma_start3A_8 = tpu.memref_squeeze %dma_start3A_7 : memref<1x2x128xi32, #tpu.memory_space<hbm>> -> memref<2x128xi32, #tpu.memory_space<hbm>>
    tpu.enqueue_dma source(%dma_start3A_8 : memref<2x128xi32, #tpu.memory_space<hbm>>) target(%arg15 : memref<2x128xi32, #tpu.memory_space<vmem>>) target_semaphore(%arg43 : memref<!tpu.dma_semaphore, #tpu.memory_space<semaphore_mem>>)
    %mul3A_9 = arith.constant 168 : i32
    %mul3A_10 = arith.muli %arg1, %mul3A_9 : i32
    %add3A_11 = arith.constant 1 : i32
    %add3A_12 = arith.addi %mul3A_10, %add3A_11 : i32
    %dma_start3A_13 = arith.constant 0 : i32
    %dma_start3A_14 = arith.constant 0 : i32
    %dma_start3A_15 = tpu.memref_slice %arg8[%add3A_12, %dma_start3A_13, %dma_start3A_14] : memref<2688x2x128xi32, #tpu.memory_space<hbm>> -> memref<1x2x128xi32, #tpu.memory_space<hbm>>
    %dma_start3A_16 = tpu.memref_squeeze %dma_start3A_15 : memref<1x2x128xi32, #tpu.memory_space<hbm>> -> memref<2x128xi32, #tpu.memory_space<hbm>>
    %dma_start3A_17 = arith.constant 0 : i32
    %dma_start3A_18 = arith.constant 0 : i32
    %dma_start3A_19 = tpu.memref_slice %arg8[%add3A_12, %dma_start3A_17, %dma_start3A_18] : memref<2688x2x128xi32, #tpu.memory_space<hbm>> -> memref<1x2x128xi32, #tpu.memory_space<hbm>>
    %dma_start3A_20 = tpu.memref_squeeze %dma_start3A_19 : memref<1x2x128xi32, #tpu.memory_space<hbm>> -> memref<2x128xi32, #tpu.memory_space<hbm>>
    tpu.enqueue_dma source(%dma_start3A_20 : memref<2x128xi32, #tpu.memory_space<hbm>>) target(%arg16 : memref<2x128xi32, #tpu.memory_space<vmem>>) target_semaphore(%arg44 : memref<!tpu.dma_semaphore, #tpu.memory_space<semaphore_mem>>)
    %mul3A_21 = arith.constant 168 : i32
    %mul3A_22 = arith.muli %arg1, %mul3A_21 : i32
    %add3A_23 = arith.constant 2 : i32
    %add3A_24 = arith.addi %mul3A_22, %add3A_23 : i32
    %dma_start3A_25 = arith.constant 0 : i32
    %dma_start3A_26 = arith.constant 0 : i32
    %dma_start3A_27 = tpu.memref_slice %arg8[%add3A_24, %dma_start3A_25, %dma_start3A_26] : memref<2688x2x128xi32, #tpu.memory_space<hbm>> -> memref<1x2x128xi32, #tpu.memory_space<hbm>>
    %dma_start3A_28 = tpu.memref_squeeze %dma_start3A_27 : memref<1x2x128xi32, #tpu.memory_space<hbm>> -> memref<2x128xi32, #tpu.memory_space<hbm>>
    %dma_start3A_29 = arith.constant 0 : i32
    %dma_start3A_30 = arith.constant 0 : i32
    %dma_start3A_31 = tpu.memref_slice %arg8[%add3A_24, %dma_start3A_29, %dma_start3A_30] : memref<2688x2x128xi32, #tpu.memory_space<hbm>> -> memref<1x2x128xi32, #tpu.memory_space<hbm>>
    %dma_start3A_32 = tpu.memref_squeeze %dma_start3A_31 : memref<1x2x128xi32, #tpu.memory_space<hbm>> -> memref<2x128xi32, #tpu.memory_space<hbm>>
    tpu.enqueue_dma source(%dma_start3A_32 : memref<2x128xi32, #tpu.memory_space<hbm>>) target(%arg17 : memref<2x128xi32, #tpu.memory_space<vmem>>) target_semaphore(%arg45 : memref<!tpu.dma_semaphore, #tpu.memory_space<semaphore_mem>>)
    %mul3A_33 = arith.constant 168 : i32
    %mul3A_34 = arith.muli %arg1, %mul3A_33 : i32
    %add3A_35 = arith.constant 0 : i32
    %add3A_36 = arith.addi %mul3A_34, %add3A_35 : i32
    %dma_wait3A = arith.constant 0 : i32
    %dma_wait3A_37 = arith.constant 0 : i32
    %dma_wait3A_38 = tpu.memref_slice %arg8[%add3A_36, %dma_wait3A, %dma_wait3A_37] : memref<2688x2x128xi32, #tpu.memory_space<hbm>> -> memref<1x2x128xi32, #tpu.memory_space<hbm>>
    %dma_wait3A_39 = tpu.memref_squeeze %dma_wait3A_38 : memref<1x2x128xi32, #tpu.memory_space<hbm>> -> memref<2x128xi32, #tpu.memory_space<hbm>>
    %dma_wait3A_40 = arith.constant 0 : i32
    %dma_wait3A_41 = arith.constant 0 : i32
    %dma_wait3A_42 = tpu.memref_slice %arg8[%add3A_36, %dma_wait3A_40, %dma_wait3A_41] : memref<2688x2x128xi32, #tpu.memory_space<hbm>> -> memref<1x2x128xi32, #tpu.memory_space<hbm>>
    %dma_wait3A_43 = tpu.memref_squeeze %dma_wait3A_42 : memref<1x2x128xi32, #tpu.memory_space<hbm>> -> memref<2x128xi32, #tpu.memory_space<hbm>>
    tpu.wait_dma2 semaphore(%arg43 : memref<!tpu.dma_semaphore, #tpu.memory_space<semaphore_mem>>) src(%dma_wait3A_43 : memref<2x128xi32, #tpu.memory_space<hbm>>) dst(%arg15 : memref<2x128xi32, #tpu.memory_space<vmem>>)
    %eq3A = arith.constant 0 : i32
    %eq3A_44 = arith.cmpi eq, %arg0, %eq3A : i32
    %convert_element_type3A = arith.extui %eq3A_44 : i1 to i32
    %cond3A = arith.constant 0 : i32
    %cond3A_45 = arith.cmpi ne, %convert_element_type3A, %cond3A : i32
    scf.if %cond3A_45 {
      %dma_start3A_110 = arith.constant 0 : i32
      %dma_start3A_111 = arith.constant 0 : i32
      %dma_start3A_112 = tpu.memref_slice %arg15[%dma_start3A_110, %dma_start3A_111] : memref<2x128xi32, #tpu.memory_space<vmem>> -> memref<1x128xi32, #tpu.memory_space<vmem>>
      %dma_start3A_113 = tpu.memref_squeeze %dma_start3A_112 : memref<1x128xi32, #tpu.memory_space<vmem>> -> memref<128xi32, #tpu.memory_space<vmem>>
      %dma_start3A_114 = arith.constant 0 : i32
      %dma_start3A_115 = arith.constant 0 : i32
      %dma_start3A_116 = tpu.memref_slice %arg6[%dma_start3A_114, %dma_start3A_115] : memref<10112x16xf32, #tpu.memory_space<hbm>> -> memref<10112x16xf32, #tpu.memory_space<hbm>>
      tpu.enqueue_indirect_dma source(%dma_start3A_116 : memref<10112x16xf32, #tpu.memory_space<hbm>>) target(%arg23 : memref<128x16xf32, #tpu.memory_space<vmem>>) offsets(%dma_start3A_113 : memref<128xi32, #tpu.memory_space<vmem>>) semaphore(%arg35 : memref<!tpu.dma_semaphore, #tpu.memory_space<semaphore_mem>>)
      %dma_start3A_117 = arith.constant 1 : i32
      %dma_start3A_118 = arith.constant 0 : i32
      %dma_start3A_119 = tpu.memref_slice %arg15[%dma_start3A_117, %dma_start3A_118] : memref<2x128xi32, #tpu.memory_space<vmem>> -> memref<1x128xi32, #tpu.memory_space<vmem>>
      %dma_start3A_120 = tpu.memref_squeeze %dma_start3A_119 : memref<1x128xi32, #tpu.memory_space<vmem>> -> memref<128xi32, #tpu.memory_space<vmem>>
      %dma_start3A_121 = arith.constant 0 : i32
      %dma_start3A_122 = arith.constant 0 : i32
      %dma_start3A_123 = tpu.memref_slice %arg2[%dma_start3A_121, %dma_start3A_122] : memref<10000x48xf32, #tpu.memory_space<hbm>> -> memref<10000x48xf32, #tpu.memory_space<hbm>>
      tpu.enqueue_indirect_dma source(%dma_start3A_123 : memref<10000x48xf32, #tpu.memory_space<hbm>>) target(%arg27 : memref<128x48xf32, #tpu.memory_space<vmem>>) offsets(%dma_start3A_120 : memref<128xi32, #tpu.memory_space<vmem>>) semaphore(%arg35 : memref<!tpu.dma_semaphore, #tpu.memory_space<semaphore_mem>>)
      %dma_start3A_124 = arith.constant 1 : i32
      %dma_start3A_125 = arith.constant 0 : i32
      %dma_start3A_126 = tpu.memref_slice %arg15[%dma_start3A_124, %dma_start3A_125] : memref<2x128xi32, #tpu.memory_space<vmem>> -> memref<1x128xi32, #tpu.memory_space<vmem>>
      %dma_start3A_127 = tpu.memref_squeeze %dma_start3A_126 : memref<1x128xi32, #tpu.memory_space<vmem>> -> memref<128xi32, #tpu.memory_space<vmem>>
      %dma_start3A_128 = arith.constant 0 : i32
      %dma_start3A_129 = arith.constant 0 : i32
      %dma_start3A_130 = tpu.memref_slice %arg3[%dma_start3A_128, %dma_start3A_129] : memref<10000x32xf32, #tpu.memory_space<hbm>> -> memref<10000x32xf32, #tpu.memory_space<hbm>>
      tpu.enqueue_indirect_dma source(%dma_start3A_130 : memref<10000x32xf32, #tpu.memory_space<hbm>>) target(%arg31 : memref<128x32xf32, #tpu.memory_space<vmem>>) offsets(%dma_start3A_127 : memref<128xi32, #tpu.memory_space<vmem>>) semaphore(%arg35 : memref<!tpu.dma_semaphore, #tpu.memory_space<semaphore_mem>>)
    } else {
    }
    %eq3A_46 = arith.constant 1 : i32
    %eq3A_47 = arith.cmpi eq, %arg0, %eq3A_46 : i32
    %convert_element_type3A_48 = arith.extui %eq3A_47 : i1 to i32
    %cond3A_49 = arith.constant 0 : i32
    %cond3A_50 = arith.cmpi ne, %convert_element_type3A_48, %cond3A_49 : i32
    scf.if %cond3A_50 {
      %dma_start3A_110 = arith.constant 0 : i32
      %dma_start3A_111 = arith.constant 0 : i32
      %dma_start3A_112 = tpu.memref_slice %arg15[%dma_start3A_110, %dma_start3A_111] : memref<2x128xi32, #tpu.memory_space<vmem>> -> memref<1x128xi32, #tpu.memory_space<vmem>>
      %dma_start3A_113 = tpu.memref_squeeze %dma_start3A_112 : memref<1x128xi32, #tpu.memory_space<vmem>> -> memref<128xi32, #tpu.memory_space<vmem>>
      %dma_start3A_114 = arith.constant 0 : i32
      %dma_start3A_115 = arith.constant 0 : i32
      %dma_start3A_116 = tpu.memref_slice %arg7[%dma_start3A_114, %dma_start3A_115] : memref<10112x16xf32, #tpu.memory_space<hbm>> -> memref<10112x16xf32, #tpu.memory_space<hbm>>
      tpu.enqueue_indirect_dma source(%dma_start3A_116 : memref<10112x16xf32, #tpu.memory_space<hbm>>) target(%arg23 : memref<128x16xf32, #tpu.memory_space<vmem>>) offsets(%dma_start3A_113 : memref<128xi32, #tpu.memory_space<vmem>>) semaphore(%arg35 : memref<!tpu.dma_semaphore, #tpu.memory_space<semaphore_mem>>)
      %dma_start3A_117 = arith.constant 1 : i32
      %dma_start3A_118 = arith.constant 0 : i32
      %dma_start3A_119 = tpu.memref_slice %arg15[%dma_start3A_117, %dma_start3A_118] : memref<2x128xi32, #tpu.memory_space<vmem>> -> memref<1x128xi32, #tpu.memory_space<vmem>>
      %dma_start3A_120 = tpu.memref_squeeze %dma_start3A_119 : memref<1x128xi32, #tpu.memory_space<vmem>> -> memref<128xi32, #tpu.memory_space<vmem>>
      %dma_start3A_121 = arith.constant 0 : i32
      %dma_start3A_122 = arith.constant 0 : i32
      %dma_start3A_123 = tpu.memref_slice %arg4[%dma_start3A_121, %dma_start3A_122] : memref<10000x48xf32, #tpu.memory_space<hbm>> -> memref<10000x48xf32, #tpu.memory_space<hbm>>
      tpu.enqueue_indirect_dma source(%dma_start3A_123 : memref<10000x48xf32, #tpu.memory_space<hbm>>) target(%arg27 : memref<128x48xf32, #tpu.memory_space<vmem>>) offsets(%dma_start3A_120 : memref<128xi32, #tpu.memory_space<vmem>>) semaphore(%arg35 : memref<!tpu.dma_semaphore, #tpu.memory_space<semaphore_mem>>)
      %dma_start3A_124 = arith.constant 1 : i32
      %dma_start3A_125 = arith.constant 0 : i32
      %dma_start3A_126 = tpu.memref_slice %arg15[%dma_start3A_124, %dma_start3A_125] : memref<2x128xi32, #tpu.memory_space<vmem>> -> memref<1x128xi32, #tpu.memory_space<vmem>>
      %dma_start3A_127 = tpu.memref_squeeze %dma_start3A_126 : memref<1x128xi32, #tpu.memory_space<vmem>> -> memref<128xi32, #tpu.memory_space<vmem>>
      %dma_start3A_128 = arith.constant 0 : i32
      %dma_start3A_129 = arith.constant 0 : i32
      %dma_start3A_130 = tpu.memref_slice %arg5[%dma_start3A_128, %dma_start3A_129] : memref<10000x32xf32, #tpu.memory_space<hbm>> -> memref<10000x32xf32, #tpu.memory_space<hbm>>
      tpu.enqueue_indirect_dma source(%dma_start3A_130 : memref<10000x32xf32, #tpu.memory_space<hbm>>) target(%arg31 : memref<128x32xf32, #tpu.memory_space<vmem>>) offsets(%dma_start3A_127 : memref<128xi32, #tpu.memory_space<vmem>>) semaphore(%arg35 : memref<!tpu.dma_semaphore, #tpu.memory_space<semaphore_mem>>)
    } else {
    }
    %mul3A_51 = arith.constant 168 : i32
    %mul3A_52 = arith.muli %arg1, %mul3A_51 : i32
    %add3A_53 = arith.constant 1 : i32
    %add3A_54 = arith.addi %mul3A_52, %add3A_53 : i32
    %dma_wait3A_55 = arith.constant 0 : i32
    %dma_wait3A_56 = arith.constant 0 : i32
    %dma_wait3A_57 = tpu.memref_slice %arg8[%add3A_54, %dma_wait3A_55, %dma_wait3A_56] : memref<2688x2x128xi32, #tpu.memory_space<hbm>> -> memref<1x2x128xi32, #tpu.memory_space<hbm>>
    %dma_wait3A_58 = tpu.memref_squeeze %dma_wait3A_57 : memref<1x2x128xi32, #tpu.memory_space<hbm>> -> memref<2x128xi32, #tpu.memory_space<hbm>>
    %dma_wait3A_59 = arith.constant 0 : i32
    %dma_wait3A_60 = arith.constant 0 : i32
    %dma_wait3A_61 = tpu.memref_slice %arg8[%add3A_54, %dma_wait3A_59, %dma_wait3A_60] : memref<2688x2x128xi32, #tpu.memory_space<hbm>> -> memref<1x2x128xi32, #tpu.memory_space<hbm>>
    %dma_wait3A_62 = tpu.memref_squeeze %dma_wait3A_61 : memref<1x2x128xi32, #tpu.memory_space<hbm>> -> memref<2x128xi32, #tpu.memory_space<hbm>>
    tpu.wait_dma2 semaphore(%arg44 : memref<!tpu.dma_semaphore, #tpu.memory_space<semaphore_mem>>) src(%dma_wait3A_62 : memref<2x128xi32, #tpu.memory_space<hbm>>) dst(%arg16 : memref<2x128xi32, #tpu.memory_space<vmem>>)
    %eq3A_63 = arith.constant 0 : i32
    %eq3A_64 = arith.cmpi eq, %arg0, %eq3A_63 : i32
    %convert_element_type3A_65 = arith.extui %eq3A_64 : i1 to i32
    %cond3A_66 = arith.constant 0 : i32
    %cond3A_67 = arith.cmpi ne, %convert_element_type3A_65, %cond3A_66 : i32
    scf.if %cond3A_67 {
      %dma_start3A_110 = arith.constant 0 : i32
      %dma_start3A_111 = arith.constant 0 : i32
      %dma_start3A_112 = tpu.memref_slice %arg16[%dma_start3A_110, %dma_start3A_111] : memref<2x128xi32, #tpu.memory_space<vmem>> -> memref<1x128xi32, #tpu.memory_space<vmem>>
      %dma_start3A_113 = tpu.memref_squeeze %dma_start3A_112 : memref<1x128xi32, #tpu.memory_space<vmem>> -> memref<128xi32, #tpu.memory_space<vmem>>
      %dma_start3A_114 = arith.constant 0 : i32
      %dma_start3A_115 = arith.constant 0 : i32
      %dma_start3A_116 = tpu.memref_slice %arg6[%dma_start3A_114, %dma_start3A_115] : memref<10112x16xf32, #tpu.memory_space<hbm>> -> memref<10112x16xf32, #tpu.memory_space<hbm>>
      tpu.enqueue_indirect_dma source(%dma_start3A_116 : memref<10112x16xf32, #tpu.memory_space<hbm>>) target(%arg24 : memref<128x16xf32, #tpu.memory_space<vmem>>) offsets(%dma_start3A_113 : memref<128xi32, #tpu.memory_space<vmem>>) semaphore(%arg36 : memref<!tpu.dma_semaphore, #tpu.memory_space<semaphore_mem>>)
      %dma_start3A_117 = arith.constant 1 : i32
      %dma_start3A_118 = arith.constant 0 : i32
      %dma_start3A_119 = tpu.memref_slice %arg16[%dma_start3A_117, %dma_start3A_118] : memref<2x128xi32, #tpu.memory_space<vmem>> -> memref<1x128xi32, #tpu.memory_space<vmem>>
      %dma_start3A_120 = tpu.memref_squeeze %dma_start3A_119 : memref<1x128xi32, #tpu.memory_space<vmem>> -> memref<128xi32, #tpu.memory_space<vmem>>
      %dma_start3A_121 = arith.constant 0 : i32
      %dma_start3A_122 = arith.constant 0 : i32
      %dma_start3A_123 = tpu.memref_slice %arg2[%dma_start3A_121, %dma_start3A_122] : memref<10000x48xf32, #tpu.memory_space<hbm>> -> memref<10000x48xf32, #tpu.memory_space<hbm>>
      tpu.enqueue_indirect_dma source(%dma_start3A_123 : memref<10000x48xf32, #tpu.memory_space<hbm>>) target(%arg28 : memref<128x48xf32, #tpu.memory_space<vmem>>) offsets(%dma_start3A_120 : memref<128xi32, #tpu.memory_space<vmem>>) semaphore(%arg36 : memref<!tpu.dma_semaphore, #tpu.memory_space<semaphore_mem>>)
      %dma_start3A_124 = arith.constant 1 : i32
      %dma_start3A_125 = arith.constant 0 : i32
      %dma_start3A_126 = tpu.memref_slice %arg16[%dma_start3A_124, %dma_start3A_125] : memref<2x128xi32, #tpu.memory_space<vmem>> -> memref<1x128xi32, #tpu.memory_space<vmem>>
      %dma_start3A_127 = tpu.memref_squeeze %dma_start3A_126 : memref<1x128xi32, #tpu.memory_space<vmem>> -> memref<128xi32, #tpu.memory_space<vmem>>
      %dma_start3A_128 = arith.constant 0 : i32
      %dma_start3A_129 = arith.constant 0 : i32
      %dma_start3A_130 = tpu.memref_slice %arg3[%dma_start3A_128, %dma_start3A_129] : memref<10000x32xf32, #tpu.memory_space<hbm>> -> memref<10000x32xf32, #tpu.memory_space<hbm>>
      tpu.enqueue_indirect_dma source(%dma_start3A_130 : memref<10000x32xf32, #tpu.memory_space<hbm>>) target(%arg32 : memref<128x32xf32, #tpu.memory_space<vmem>>) offsets(%dma_start3A_127 : memref<128xi32, #tpu.memory_space<vmem>>) semaphore(%arg36 : memref<!tpu.dma_semaphore, #tpu.memory_space<semaphore_mem>>)
    } else {
    }
    %eq3A_68 = arith.constant 1 : i32
    %eq3A_69 = arith.cmpi eq, %arg0, %eq3A_68 : i32
    %convert_element_type3A_70 = arith.extui %eq3A_69 : i1 to i32
    %cond3A_71 = arith.constant 0 : i32
    %cond3A_72 = arith.cmpi ne, %convert_element_type3A_70, %cond3A_71 : i32
    scf.if %cond3A_72 {
      %dma_start3A_110 = arith.constant 0 : i32
      %dma_start3A_111 = arith.constant 0 : i32
      %dma_start3A_112 = tpu.memref_slice %arg16[%dma_start3A_110, %dma_start3A_111] : memref<2x128xi32, #tpu.memory_space<vmem>> -> memref<1x128xi32, #tpu.memory_space<vmem>>
      %dma_start3A_113 = tpu.memref_squeeze %dma_start3A_112 : memref<1x128xi32, #tpu.memory_space<vmem>> -> memref<128xi32, #tpu.memory_space<vmem>>
      %dma_start3A_114 = arith.constant 0 : i32
      %dma_start3A_115 = arith.constant 0 : i32
      %dma_start3A_116 = tpu.memref_slice %arg7[%dma_start3A_114, %dma_start3A_115] : memref<10112x16xf32, #tpu.memory_space<hbm>> -> memref<10112x16xf32, #tpu.memory_space<hbm>>
      tpu.enqueue_indirect_dma source(%dma_start3A_116 : memref<10112x16xf32, #tpu.memory_space<hbm>>) target(%arg24 : memref<128x16xf32, #tpu.memory_space<vmem>>) offsets(%dma_start3A_113 : memref<128xi32, #tpu.memory_space<vmem>>) semaphore(%arg36 : memref<!tpu.dma_semaphore, #tpu.memory_space<semaphore_mem>>)
      %dma_start3A_117 = arith.constant 1 : i32
      %dma_start3A_118 = arith.constant 0 : i32
      %dma_start3A_119 = tpu.memref_slice %arg16[%dma_start3A_117, %dma_start3A_118] : memref<2x128xi32, #tpu.memory_space<vmem>> -> memref<1x128xi32, #tpu.memory_space<vmem>>
      %dma_start3A_120 = tpu.memref_squeeze %dma_start3A_119 : memref<1x128xi32, #tpu.memory_space<vmem>> -> memref<128xi32, #tpu.memory_space<vmem>>
      %dma_start3A_121 = arith.constant 0 : i32
      %dma_start3A_122 = arith.constant 0 : i32
      %dma_start3A_123 = tpu.memref_slice %arg4[%dma_start3A_121, %dma_start3A_122] : memref<10000x48xf32, #tpu.memory_space<hbm>> -> memref<10000x48xf32, #tpu.memory_space<hbm>>
      tpu.enqueue_indirect_dma source(%dma_start3A_123 : memref<10000x48xf32, #tpu.memory_space<hbm>>) target(%arg28 : memref<128x48xf32, #tpu.memory_space<vmem>>) offsets(%dma_start3A_120 : memref<128xi32, #tpu.memory_space<vmem>>) semaphore(%arg36 : memref<!tpu.dma_semaphore, #tpu.memory_space<semaphore_mem>>)
      %dma_start3A_124 = arith.constant 1 : i32
      %dma_start3A_125 = arith.constant 0 : i32
      %dma_start3A_126 = tpu.memref_slice %arg16[%dma_start3A_124, %dma_start3A_125] : memref<2x128xi32, #tpu.memory_space<vmem>> -> memref<1x128xi32, #tpu.memory_space<vmem>>
      %dma_start3A_127 = tpu.memref_squeeze %dma_start3A_126 : memref<1x128xi32, #tpu.memory_space<vmem>> -> memref<128xi32, #tpu.memory_space<vmem>>
      %dma_start3A_128 = arith.constant 0 : i32
      %dma_start3A_129 = arith.constant 0 : i32
      %dma_start3A_130 = tpu.memref_slice %arg5[%dma_start3A_128, %dma_start3A_129] : memref<10000x32xf32, #tpu.memory_space<hbm>> -> memref<10000x32xf32, #tpu.memory_space<hbm>>
      tpu.enqueue_indirect_dma source(%dma_start3A_130 : memref<10000x32xf32, #tpu.memory_space<hbm>>) target(%arg32 : memref<128x32xf32, #tpu.memory_space<vmem>>) offsets(%dma_start3A_127 : memref<128xi32, #tpu.memory_space<vmem>>) semaphore(%arg36 : memref<!tpu.dma_semaphore, #tpu.memory_space<semaphore_mem>>)
    } else {
    }
    %mul3A_73 = arith.constant 632 : i32
    %mul3A_74 = arith.muli %arg1, %mul3A_73 : i32
    "tpu.region"() ({
      %run_scoped3A = tpu.sem_alloc : memref<!tpu.dma_semaphore, #tpu.memory_space<semaphore_mem>>
      %dma_start3A_110 = arith.constant 0 : i32
      %dma_start3A_111 = tpu.memref_slice %arg13[%mul3A_74, %dma_start3A_110] : memref<10112x48xf32, #tpu.memory_space<vmem_shared>> -> memref<632x48xf32, #tpu.memory_space<vmem_shared>>
      tpu.enqueue_dma source(%arg9 : memref<632x48xf32, #tpu.memory_space<hbm>>) target(%dma_start3A_111 : memref<632x48xf32, #tpu.memory_space<vmem_shared>>) target_semaphore(%run_scoped3A : memref<!tpu.dma_semaphore, #tpu.memory_space<semaphore_mem>>)
      %dma_wait3A_112 = arith.constant 0 : i32
      %dma_wait3A_113 = tpu.memref_slice %arg13[%mul3A_74, %dma_wait3A_112] : memref<10112x48xf32, #tpu.memory_space<vmem_shared>> -> memref<632x48xf32, #tpu.memory_space<vmem_shared>>
      tpu.wait_dma2 semaphore(%run_scoped3A : memref<!tpu.dma_semaphore, #tpu.memory_space<semaphore_mem>>) src(%arg9 : memref<632x48xf32, #tpu.memory_space<hbm>>) dst(%dma_wait3A_113 : memref<632x48xf32, #tpu.memory_space<vmem_shared>>)
      tpu.yield
    }) : () -> ()
    "tpu.region"() ({
      %run_scoped3A = tpu.sem_alloc : memref<!tpu.dma_semaphore, #tpu.memory_space<semaphore_mem>>
      %dma_start3A_110 = arith.constant 0 : i32
      %dma_start3A_111 = tpu.memref_slice %arg14[%mul3A_74, %dma_start3A_110] : memref<10112x32xf32, #tpu.memory_space<vmem_shared>> -> memref<632x32xf32, #tpu.memory_space<vmem_shared>>
      tpu.enqueue_dma source(%arg10 : memref<632x32xf32, #tpu.memory_space<hbm>>) target(%dma_start3A_111 : memref<632x32xf32, #tpu.memory_space<vmem_shared>>) target_semaphore(%run_scoped3A : memref<!tpu.dma_semaphore, #tpu.memory_space<semaphore_mem>>)
      %dma_wait3A_112 = arith.constant 0 : i32
      %dma_wait3A_113 = tpu.memref_slice %arg14[%mul3A_74, %dma_wait3A_112] : memref<10112x32xf32, #tpu.memory_space<vmem_shared>> -> memref<632x32xf32, #tpu.memory_space<vmem_shared>>
      tpu.wait_dma2 semaphore(%run_scoped3A : memref<!tpu.dma_semaphore, #tpu.memory_space<semaphore_mem>>) src(%arg10 : memref<632x32xf32, #tpu.memory_space<hbm>>) dst(%dma_wait3A_113 : memref<632x32xf32, #tpu.memory_space<vmem_shared>>)
      tpu.yield
    }) : () -> ()
    %barrier3A = arith.constant 0 : index
    tpu.barrier barrier_id(%barrier3A)
    %scan3A = arith.constant 0 : i32
    %scan3A_75 = arith.constant 21 : i32
    %scan3A_76 = arith.addi %scan3A, %scan3A_75 : i32
    %scan3A_77 = arith.constant 1 : i32
    scf.for %scan3A_110 = %scan3A to %scan3A_76 step %scan3A_77  : i32 {
      %mul3A_111 = arith.constant 8 : i32
      %mul3A_112 = arith.muli %scan3A_110, %mul3A_111 : i32
      %add3A_113 = arith.constant 0 : i32
      %add3A_114 = arith.addi %add3A_113, %mul3A_112 : i32
      %add3A_115 = arith.constant 0 : i32
      %add3A_116 = arith.addi %add3A_114, %add3A_115 : i32
      %dma_wait3A_117 = arith.constant 0 : i32
      %dma_wait3A_118 = arith.constant 0 : i32
      %dma_wait3A_119 = tpu.memref_slice %arg15[%dma_wait3A_117, %dma_wait3A_118] : memref<2x128xi32, #tpu.memory_space<vmem>> -> memref<1x128xi32, #tpu.memory_space<vmem>>
      %dma_wait3A_120 = tpu.memref_squeeze %dma_wait3A_119 : memref<1x128xi32, #tpu.memory_space<vmem>> -> memref<128xi32, #tpu.memory_space<vmem>>
      %dma_wait3A_121 = arith.constant 0 : i32
      %dma_wait3A_122 = arith.constant 0 : i32
      %dma_wait3A_123 = tpu.memref_slice %arg6[%dma_wait3A_121, %dma_wait3A_122] : memref<10112x16xf32, #tpu.memory_space<hbm>> -> memref<10112x16xf32, #tpu.memory_space<hbm>>
      tpu.wait_indirect_dma semaphore(%arg35 : memref<!tpu.dma_semaphore, #tpu.memory_space<semaphore_mem>>) src(%dma_wait3A_123 : memref<10112x16xf32, #tpu.memory_space<hbm>>) dst(%arg23 : memref<128x16xf32, #tpu.memory_space<vmem>>)
      %dma_wait3A_124 = arith.constant 1 : i32
      %dma_wait3A_125 = arith.constant 0 : i32
      %dma_wait3A_126 = tpu.memref_slice %arg15[%dma_wait3A_124, %dma_wait3A_125] : memref<2x128xi32, #tpu.memory_space<vmem>> -> memref<1x128xi32, #tpu.memory_space<vmem>>
      %dma_wait3A_127 = tpu.memref_squeeze %dma_wait3A_126 : memref<1x128xi32, #tpu.memory_space<vmem>> -> memref<128xi32, #tpu.memory_space<vmem>>
      %dma_wait3A_128 = arith.constant 0 : i32
      %dma_wait3A_129 = arith.constant 0 : i32
      %dma_wait3A_130 = tpu.memref_slice %arg2[%dma_wait3A_128, %dma_wait3A_129] : memref<10000x48xf32, #tpu.memory_space<hbm>> -> memref<10000x48xf32, #tpu.memory_space<hbm>>
      tpu.wait_indirect_dma semaphore(%arg35 : memref<!tpu.dma_semaphore, #tpu.memory_space<semaphore_mem>>) src(%dma_wait3A_130 : memref<10000x48xf32, #tpu.memory_space<hbm>>) dst(%arg27 : memref<128x48xf32, #tpu.memory_space<vmem>>)
      %dma_wait3A_131 = arith.constant 1 : i32
      %dma_wait3A_132 = arith.constant 0 : i32
      %dma_wait3A_133 = tpu.memref_slice %arg15[%dma_wait3A_131, %dma_wait3A_132] : memref<2x128xi32, #tpu.memory_space<vmem>> -> memref<1x128xi32, #tpu.memory_space<vmem>>
      %dma_wait3A_134 = tpu.memref_squeeze %dma_wait3A_133 : memref<1x128xi32, #tpu.memory_space<vmem>> -> memref<128xi32, #tpu.memory_space<vmem>>
      %dma_wait3A_135 = arith.constant 0 : i32
      %dma_wait3A_136 = arith.constant 0 : i32
      %dma_wait3A_137 = tpu.memref_slice %arg3[%dma_wait3A_135, %dma_wait3A_136] : memref<10000x32xf32, #tpu.memory_space<hbm>> -> memref<10000x32xf32, #tpu.memory_space<hbm>>
      tpu.wait_indirect_dma semaphore(%arg35 : memref<!tpu.dma_semaphore, #tpu.memory_space<semaphore_mem>>) src(%dma_wait3A_137 : memref<10000x32xf32, #tpu.memory_space<hbm>>) dst(%arg31 : memref<128x32xf32, #tpu.memory_space<vmem>>)
      %scan3A_138 = arith.constant 0 : i32
      %scan3A_139 = arith.constant 128 : i32
      %scan3A_140 = arith.addi %scan3A_138, %scan3A_139 : i32
      %scan3A_141 = arith.constant 2 : i32
      scf.for %scan3A_601 = %scan3A_138 to %scan3A_140 step %scan3A_141  : i32 {
        %mul3A_602 = arith.constant 1 : i32
        %mul3A_603 = arith.muli %scan3A_601, %mul3A_602 : i32
        %add3A_604 = arith.constant 0 : i32
        %add3A_605 = arith.addi %add3A_604, %mul3A_603 : i32
        %get3A = arith.index_cast %add3A_605 : i32 to index
        %get3A_606 = arith.constant 0 : index
        %get3A_607 = tpu.vector_load %arg23[%get3A, %get3A_606] {strides = array<i32>} : memref<128x16xf32, #tpu.memory_space<vmem>>, vector<1x16xf32>,
        %get3A_608 = vector.shape_cast %get3A_607 : vector<1x16xf32> to vector<16xf32>
        %get3A_609 = arith.index_cast %add3A_605 : i32 to index
        %get3A_610 = arith.constant 16 : index
        %get3A_611 = tpu.vector_load %arg31[%get3A_609, %get3A_610] {strides = array<i32>} : memref<128x32xf32, #tpu.memory_space<vmem>>, vector<1x16xf32>,
        %get3A_612 = vector.shape_cast %get3A_611 : vector<1x16xf32> to vector<16xf32>
        %add3A_613 = arith.addf %get3A_608, %get3A_612 : vector<16xf32>
        %mul3A_614 = arith.constant 2.000000e-01 : f32
        %mul3A_615 = vector.broadcast %mul3A_614 : f32 to vector<16xf32>
        %mul3A_616 = arith.mulf %mul3A_615, %add3A_613 : vector<16xf32>
        %max3A = arith.maximumf %add3A_613, %mul3A_616 : vector<16xf32>
        %exp3A = math.exp %max3A : vector<16xf32>
        %swap3A = arith.index_cast %add3A_605 : i32 to index
        %swap3A_617 = arith.constant 16 : index
        %swap3A_618 = tpu.vector_load %arg31[%swap3A, %swap3A_617] {strides = array<i32>} : memref<128x32xf32, #tpu.memory_space<vmem>>, vector<1x16xf32>,
        %swap3A_619 = vector.shape_cast %swap3A_618 : vector<1x16xf32> to vector<16xf32>
        %swap3A_620 = vector.shape_cast %exp3A : vector<16xf32> to vector<1x16xf32>
        tpu.vector_store %arg31[%swap3A, %swap3A_617], %swap3A_620 {strides = array<i32>} : memref<128x32xf32, #tpu.memory_space<vmem>>, vector<1x16xf32>,
        %broadcast_in_dim3A = arith.constant 0 : i32
        %broadcast_in_dim3A_621 = vector.broadcast %broadcast_in_dim3A : i32 to vector<16x1xi32>
        %gather3A = vector.shape_cast %broadcast_in_dim3A_621 : vector<16x1xi32> to vector<16xi32>
        %gather3A_622 = tpu.dynamic_gather %exp3A[%gather3A] in [0] : vector<16xf32>, vector<16xi32> -> vector<16xf32>
        %get3A_623 = arith.index_cast %add3A_605 : i32 to index
        %get3A_624 = arith.constant 0 : index
        %get3A_625 = tpu.vector_load %arg27[%get3A_623, %get3A_624] {strides = array<i32>} : memref<128x48xf32, #tpu.memory_space<vmem>>, vector<1x16xf32>,
        %get3A_626 = vector.shape_cast %get3A_625 : vector<1x16xf32> to vector<16xf32>
        %mul3A_627 = arith.mulf %get3A_626, %gather3A_622 : vector<16xf32>
        %swap3A_628 = arith.index_cast %add3A_605 : i32 to index
        %swap3A_629 = arith.constant 0 : index
        %swap3A_630 = tpu.vector_load %arg27[%swap3A_628, %swap3A_629] {strides = array<i32>} : memref<128x48xf32, #tpu.memory_space<vmem>>, vector<1x16xf32>,
        %swap3A_631 = vector.shape_cast %swap3A_630 : vector<1x16xf32> to vector<16xf32>
        %swap3A_632 = vector.shape_cast %mul3A_627 : vector<16xf32> to vector<1x16xf32>
        tpu.vector_store %arg27[%swap3A_628, %swap3A_629], %swap3A_632 {strides = array<i32>} : memref<128x48xf32, #tpu.memory_space<vmem>>, vector<1x16xf32>,
        %broadcast_in_dim3A_633 = arith.constant 1 : i32
        %broadcast_in_dim3A_634 = vector.broadcast %broadcast_in_dim3A_633 : i32 to vector<16x1xi32>
        %gather3A_635 = vector.shape_cast %broadcast_in_dim3A_634 : vector<16x1xi32> to vector<16xi32>
        %gather3A_636 = tpu.dynamic_gather %exp3A[%gather3A_635] in [0] : vector<16xf32>, vector<16xi32> -> vector<16xf32>
        %get3A_637 = arith.index_cast %add3A_605 : i32 to index
        %get3A_638 = arith.constant 16 : index
        %get3A_639 = tpu.vector_load %arg27[%get3A_637, %get3A_638] {strides = array<i32>} : memref<128x48xf32, #tpu.memory_space<vmem>>, vector<1x16xf32>,
        %get3A_640 = vector.shape_cast %get3A_639 : vector<1x16xf32> to vector<16xf32>
        %mul3A_641 = arith.mulf %get3A_640, %gather3A_636 : vector<16xf32>
        %swap3A_642 = arith.index_cast %add3A_605 : i32 to index
        %swap3A_643 = arith.constant 16 : index
        %swap3A_644 = tpu.vector_load %arg27[%swap3A_642, %swap3A_643] {strides = array<i32>} : memref<128x48xf32, #tpu.memory_space<vmem>>, vector<1x16xf32>,
        %swap3A_645 = vector.shape_cast %swap3A_644 : vector<1x16xf32> to vector<16xf32>
        %swap3A_646 = vector.shape_cast %mul3A_641 : vector<16xf32> to vector<1x16xf32>
        tpu.vector_store %arg27[%swap3A_642, %swap3A_643], %swap3A_646 {strides = array<i32>} : memref<128x48xf32, #tpu.memory_space<vmem>>, vector<1x16xf32>,
        %broadcast_in_dim3A_647 = arith.constant 2 : i32
        %broadcast_in_dim3A_648 = vector.broadcast %broadcast_in_dim3A_647 : i32 to vector<16x1xi32>
        %gather3A_649 = vector.shape_cast %broadcast_in_dim3A_648 : vector<16x1xi32> to vector<16xi32>
        %gather3A_650 = tpu.dynamic_gather %exp3A[%gather3A_649] in [0] : vector<16xf32>, vector<16xi32> -> vector<16xf32>
        %get3A_651 = arith.index_cast %add3A_605 : i32 to index
        %get3A_652 = arith.constant 32 : index
        %get3A_653 = tpu.vector_load %arg27[%get3A_651, %get3A_652] {strides = array<i32>} : memref<128x48xf32, #tpu.memory_space<vmem>>, vector<1x16xf32>,
        %get3A_654 = vector.shape_cast %get3A_653 : vector<1x16xf32> to vector<16xf32>
        %mul3A_655 = arith.mulf %get3A_654, %gather3A_650 : vector<16xf32>
        %swap3A_656 = arith.index_cast %add3A_605 : i32 to index
        %swap3A_657 = arith.constant 32 : index
        %swap3A_658 = tpu.vector_load %arg27[%swap3A_656, %swap3A_657] {strides = array<i32>} : memref<128x48xf32, #tpu.memory_space<vmem>>, vector<1x16xf32>,
        %swap3A_659 = vector.shape_cast %swap3A_658 : vector<1x16xf32> to vector<16xf32>
        %swap3A_660 = vector.shape_cast %mul3A_655 : vector<16xf32> to vector<1x16xf32>
        tpu.vector_store %arg27[%swap3A_656, %swap3A_657], %swap3A_660 {strides = array<i32>} : memref<128x48xf32, #tpu.memory_space<vmem>>, vector<1x16xf32>,
        %broadcast_in_dim3A_661 = arith.constant 3 : i32
        %broadcast_in_dim3A_662 = vector.broadcast %broadcast_in_dim3A_661 : i32 to vector<16x1xi32>
        %gather3A_663 = vector.shape_cast %broadcast_in_dim3A_662 : vector<16x1xi32> to vector<16xi32>
        %gather3A_664 = tpu.dynamic_gather %exp3A[%gather3A_663] in [0] : vector<16xf32>, vector<16xi32> -> vector<16xf32>
        %get3A_665 = arith.index_cast %add3A_605 : i32 to index
        %get3A_666 = arith.constant 0 : index
        %get3A_667 = tpu.vector_load %arg31[%get3A_665, %get3A_666] {strides = array<i32>} : memref<128x32xf32, #tpu.memory_space<vmem>>, vector<1x16xf32>,
        %get3A_668 = vector.shape_cast %get3A_667 : vector<1x16xf32> to vector<16xf32>
        %mul3A_669 = arith.mulf %get3A_668, %gather3A_664 : vector<16xf32>
        %swap3A_670 = arith.index_cast %add3A_605 : i32 to index
        %swap3A_671 = arith.constant 0 : index
        %swap3A_672 = tpu.vector_load %arg31[%swap3A_670, %swap3A_671] {strides = array<i32>} : memref<128x32xf32, #tpu.memory_space<vmem>>, vector<1x16xf32>,
        %swap3A_673 = vector.shape_cast %swap3A_672 : vector<1x16xf32> to vector<16xf32>
        %swap3A_674 = vector.shape_cast %mul3A_669 : vector<16xf32> to vector<1x16xf32>
        tpu.vector_store %arg31[%swap3A_670, %swap3A_671], %swap3A_674 {strides = array<i32>} : memref<128x32xf32, #tpu.memory_space<vmem>>, vector<1x16xf32>,
        %scan3A_675 = arith.constant 1 : i32
        %scan3A_676 = arith.addi %scan3A_601, %scan3A_675 : i32
        %mul3A_677 = arith.constant 1 : i32
        %mul3A_678 = arith.muli %scan3A_676, %mul3A_677 : i32
        %add3A_679 = arith.constant 0 : i32
        %add3A_680 = arith.addi %add3A_679, %mul3A_678 : i32
        %get3A_681 = arith.index_cast %add3A_680 : i32 to index
        %get3A_682 = arith.constant 0 : index
        %get3A_683 = tpu.vector_load %arg23[%get3A_681, %get3A_682] {strides = array<i32>} : memref<128x16xf32, #tpu.memory_space<vmem>>, vector<1x16xf32>,
        %get3A_684 = vector.shape_cast %get3A_683 : vector<1x16xf32> to vector<16xf32>
        %get3A_685 = arith.index_cast %add3A_680 : i32 to index
        %get3A_686 = arith.constant 16 : index
        %get3A_687 = tpu.vector_load %arg31[%get3A_685, %get3A_686] {strides = array<i32>} : memref<128x32xf32, #tpu.memory_space<vmem>>, vector<1x16xf32>,
        %get3A_688 = vector.shape_cast %get3A_687 : vector<1x16xf32> to vector<16xf32>
        %add3A_689 = arith.addf %get3A_684, %get3A_688 : vector<16xf32>
        %mul3A_690 = arith.constant 2.000000e-01 : f32
        %mul3A_691 = vector.broadcast %mul3A_690 : f32 to vector<16xf32>
        %mul3A_692 = arith.mulf %mul3A_691, %add3A_689 : vector<16xf32>
        %max3A_693 = arith.maximumf %add3A_689, %mul3A_692 : vector<16xf32>
        %exp3A_694 = math.exp %max3A_693 : vector<16xf32>
        %swap3A_695 = arith.index_cast %add3A_680 : i32 to index
        %swap3A_696 = arith.constant 16 : index
        %swap3A_697 = tpu.vector_load %arg31[%swap3A_695, %swap3A_696] {strides = array<i32>} : memref<128x32xf32, #tpu.memory_space<vmem>>, vector<1x16xf32>,
        %swap3A_698 = vector.shape_cast %swap3A_697 : vector<1x16xf32> to vector<16xf32>
        %swap3A_699 = vector.shape_cast %exp3A_694 : vector<16xf32> to vector<1x16xf32>
        tpu.vector_store %arg31[%swap3A_695, %swap3A_696], %swap3A_699 {strides = array<i32>} : memref<128x32xf32, #tpu.memory_space<vmem>>, vector<1x16xf32>,
        %broadcast_in_dim3A_700 = arith.constant 0 : i32
        %broadcast_in_dim3A_701 = vector.broadcast %broadcast_in_dim3A_700 : i32 to vector<16x1xi32>
        %gather3A_702 = vector.shape_cast %broadcast_in_dim3A_701 : vector<16x1xi32> to vector<16xi32>
        %gather3A_703 = tpu.dynamic_gather %exp3A_694[%gather3A_702] in [0] : vector<16xf32>, vector<16xi32> -> vector<16xf32>
        %get3A_704 = arith.index_cast %add3A_680 : i32 to index
        %get3A_705 = arith.constant 0 : index
        %get3A_706 = tpu.vector_load %arg27[%get3A_704, %get3A_705] {strides = array<i32>} : memref<128x48xf32, #tpu.memory_space<vmem>>, vector<1x16xf32>,
        %get3A_707 = vector.shape_cast %get3A_706 : vector<1x16xf32> to vector<16xf32>
        %mul3A_708 = arith.mulf %get3A_707, %gather3A_703 : vector<16xf32>
        %swap3A_709 = arith.index_cast %add3A_680 : i32 to index
        %swap3A_710 = arith.constant 0 : index
        %swap3A_711 = tpu.vector_load %arg27[%swap3A_709, %swap3A_710] {strides = array<i32>} : memref<128x48xf32, #tpu.memory_space<vmem>>, vector<1x16xf32>,
        %swap3A_712 = vector.shape_cast %swap3A_711 : vector<1x16xf32> to vector<16xf32>
        %swap3A_713 = vector.shape_cast %mul3A_708 : vector<16xf32> to vector<1x16xf32>
        tpu.vector_store %arg27[%swap3A_709, %swap3A_710], %swap3A_713 {strides = array<i32>} : memref<128x48xf32, #tpu.memory_space<vmem>>, vector<1x16xf32>,
        %broadcast_in_dim3A_714 = arith.constant 1 : i32
        %broadcast_in_dim3A_715 = vector.broadcast %broadcast_in_dim3A_714 : i32 to vector<16x1xi32>
        %gather3A_716 = vector.shape_cast %broadcast_in_dim3A_715 : vector<16x1xi32> to vector<16xi32>
        %gather3A_717 = tpu.dynamic_gather %exp3A_694[%gather3A_716] in [0] : vector<16xf32>, vector<16xi32> -> vector<16xf32>
        %get3A_718 = arith.index_cast %add3A_680 : i32 to index
        %get3A_719 = arith.constant 16 : index
        %get3A_720 = tpu.vector_load %arg27[%get3A_718, %get3A_719] {strides = array<i32>} : memref<128x48xf32, #tpu.memory_space<vmem>>, vector<1x16xf32>,
        %get3A_721 = vector.shape_cast %get3A_720 : vector<1x16xf32> to vector<16xf32>
        %mul3A_722 = arith.mulf %get3A_721, %gather3A_717 : vector<16xf32>
        %swap3A_723 = arith.index_cast %add3A_680 : i32 to index
        %swap3A_724 = arith.constant 16 : index
        %swap3A_725 = tpu.vector_load %arg27[%swap3A_723, %swap3A_724] {strides = array<i32>} : memref<128x48xf32, #tpu.memory_space<vmem>>, vector<1x16xf32>,
        %swap3A_726 = vector.shape_cast %swap3A_725 : vector<1x16xf32> to vector<16xf32>
        %swap3A_727 = vector.shape_cast %mul3A_722 : vector<16xf32> to vector<1x16xf32>
        tpu.vector_store %arg27[%swap3A_723, %swap3A_724], %swap3A_727 {strides = array<i32>} : memref<128x48xf32, #tpu.memory_space<vmem>>, vector<1x16xf32>,
        %broadcast_in_dim3A_728 = arith.constant 2 : i32
        %broadcast_in_dim3A_729 = vector.broadcast %broadcast_in_dim3A_728 : i32 to vector<16x1xi32>
        %gather3A_730 = vector.shape_cast %broadcast_in_dim3A_729 : vector<16x1xi32> to vector<16xi32>
        %gather3A_731 = tpu.dynamic_gather %exp3A_694[%gather3A_730] in [0] : vector<16xf32>, vector<16xi32> -> vector<16xf32>
        %get3A_732 = arith.index_cast %add3A_680 : i32 to index
        %get3A_733 = arith.constant 32 : index
        %get3A_734 = tpu.vector_load %arg27[%get3A_732, %get3A_733] {strides = array<i32>} : memref<128x48xf32, #tpu.memory_space<vmem>>, vector<1x16xf32>,
        %get3A_735 = vector.shape_cast %get3A_734 : vector<1x16xf32> to vector<16xf32>
        %mul3A_736 = arith.mulf %get3A_735, %gather3A_731 : vector<16xf32>
        %swap3A_737 = arith.index_cast %add3A_680 : i32 to index
        %swap3A_738 = arith.constant 32 : index
        %swap3A_739 = tpu.vector_load %arg27[%swap3A_737, %swap3A_738] {strides = array<i32>} : memref<128x48xf32, #tpu.memory_space<vmem>>, vector<1x16xf32>,
        %swap3A_740 = vector.shape_cast %swap3A_739 : vector<1x16xf32> to vector<16xf32>
        %swap3A_741 = vector.shape_cast %mul3A_736 : vector<16xf32> to vector<1x16xf32>
        tpu.vector_store %arg27[%swap3A_737, %swap3A_738], %swap3A_741 {strides = array<i32>} : memref<128x48xf32, #tpu.memory_space<vmem>>, vector<1x16xf32>,
        %broadcast_in_dim3A_742 = arith.constant 3 : i32
        %broadcast_in_dim3A_743 = vector.broadcast %broadcast_in_dim3A_742 : i32 to vector<16x1xi32>
        %gather3A_744 = vector.shape_cast %broadcast_in_dim3A_743 : vector<16x1xi32> to vector<16xi32>
        %gather3A_745 = tpu.dynamic_gather %exp3A_694[%gather3A_744] in [0] : vector<16xf32>, vector<16xi32> -> vector<16xf32>
        %get3A_746 = arith.index_cast %add3A_680 : i32 to index
        %get3A_747 = arith.constant 0 : index
        %get3A_748 = tpu.vector_load %arg31[%get3A_746, %get3A_747] {strides = array<i32>} : memref<128x32xf32, #tpu.memory_space<vmem>>, vector<1x16xf32>,
        %get3A_749 = vector.shape_cast %get3A_748 : vector<1x16xf32> to vector<16xf32>
        %mul3A_750 = arith.mulf %get3A_749, %gather3A_745 : vector<16xf32>
        %swap3A_751 = arith.index_cast %add3A_680 : i32 to index
        %swap3A_752 = arith.constant 0 : index
        %swap3A_753 = tpu.vector_load %arg31[%swap3A_751, %swap3A_752] {strides = array<i32>} : memref<128x32xf32, #tpu.memory_space<vmem>>, vector<1x16xf32>,
        %swap3A_754 = vector.shape_cast %swap3A_753 : vector<1x16xf32> to vector<16xf32>
        %swap3A_755 = vector.shape_cast %mul3A_750 : vector<16xf32> to vector<1x16xf32>
        tpu.vector_store %arg31[%swap3A_751, %swap3A_752], %swap3A_755 {strides = array<i32>} : memref<128x32xf32, #tpu.memory_space<vmem>>, vector<1x16xf32>,
      }
      %scan3A_142 = arith.constant 128 : i32
      %dma_start3A_143 = arith.constant 0 : i32
      %dma_start3A_144 = arith.constant 0 : i32
      %dma_start3A_145 = tpu.memref_slice %arg15[%dma_start3A_143, %dma_start3A_144] : memref<2x128xi32, #tpu.memory_space<vmem>> -> memref<1x128xi32, #tpu.memory_space<vmem>>
      %dma_start3A_146 = tpu.memref_squeeze %dma_start3A_145 : memref<1x128xi32, #tpu.memory_space<vmem>> -> memref<128xi32, #tpu.memory_space<vmem>>
      %dma_start3A_147 = arith.constant 0 : i32
      %dma_start3A_148 = arith.constant 0 : i32
      %dma_start3A_149 = tpu.memref_slice %arg13[%dma_start3A_147, %dma_start3A_148] : memref<10112x48xf32, #tpu.memory_space<vmem_shared>> -> memref<10112x48xf32, #tpu.memory_space<vmem_shared>>
      tpu.enqueue_indirect_dma source(%arg27 : memref<128x48xf32, #tpu.memory_space<vmem>>) target(%dma_start3A_149 : memref<10112x48xf32, #tpu.memory_space<vmem_shared>>) offsets(%dma_start3A_146 : memref<128xi32, #tpu.memory_space<vmem>>) semaphore(%arg39 : memref<!tpu.dma_semaphore, #tpu.memory_space<semaphore_mem>>) {add = true}
      %dma_start3A_150 = arith.constant 0 : i32
      %dma_start3A_151 = arith.constant 0 : i32
      %dma_start3A_152 = tpu.memref_slice %arg15[%dma_start3A_150, %dma_start3A_151] : memref<2x128xi32, #tpu.memory_space<vmem>> -> memref<1x128xi32, #tpu.memory_space<vmem>>
      %dma_start3A_153 = tpu.memref_squeeze %dma_start3A_152 : memref<1x128xi32, #tpu.memory_space<vmem>> -> memref<128xi32, #tpu.memory_space<vmem>>
      %dma_start3A_154 = arith.constant 0 : i32
      %dma_start3A_155 = arith.constant 0 : i32
      %dma_start3A_156 = tpu.memref_slice %arg14[%dma_start3A_154, %dma_start3A_155] : memref<10112x32xf32, #tpu.memory_space<vmem_shared>> -> memref<10112x32xf32, #tpu.memory_space<vmem_shared>>
      tpu.enqueue_indirect_dma source(%arg31 : memref<128x32xf32, #tpu.memory_space<vmem>>) target(%dma_start3A_156 : memref<10112x32xf32, #tpu.memory_space<vmem_shared>>) offsets(%dma_start3A_153 : memref<128xi32, #tpu.memory_space<vmem>>) semaphore(%arg39 : memref<!tpu.dma_semaphore, #tpu.memory_space<semaphore_mem>>) {add = true}
      %ge3A = arith.constant 2 : i32
      %ge3A_157 = arith.cmpi sge, %add3A_116, %ge3A : i32
      %convert_element_type3A_158 = arith.extui %ge3A_157 : i1 to i32
      %cond3A_159 = arith.constant 0 : i32
      %cond3A_160 = arith.cmpi ne, %convert_element_type3A_158, %cond3A_159 : i32
      scf.if %cond3A_160 {
        %dma_wait3A_601 = arith.constant 0 : i32
        %dma_wait3A_602 = arith.constant 0 : i32
        %dma_wait3A_603 = tpu.memref_slice %arg21[%dma_wait3A_601, %dma_wait3A_602] : memref<2x128xi32, #tpu.memory_space<vmem>> -> memref<1x128xi32, #tpu.memory_space<vmem>>
        %dma_wait3A_604 = tpu.memref_squeeze %dma_wait3A_603 : memref<1x128xi32, #tpu.memory_space<vmem>> -> memref<128xi32, #tpu.memory_space<vmem>>
        %dma_wait3A_605 = arith.constant 0 : i32
        %dma_wait3A_606 = arith.constant 0 : i32
        %dma_wait3A_607 = tpu.memref_slice %arg13[%dma_wait3A_605, %dma_wait3A_606] : memref<10112x48xf32, #tpu.memory_space<vmem_shared>> -> memref<10112x48xf32, #tpu.memory_space<vmem_shared>>
        tpu.wait_indirect_dma semaphore(%arg41 : memref<!tpu.dma_semaphore, #tpu.memory_space<semaphore_mem>>) src(%arg29 : memref<128x48xf32, #tpu.memory_space<vmem>>) dst(%dma_wait3A_607 : memref<10112x48xf32, #tpu.memory_space<vmem_shared>>)
        %dma_wait3A_608 = arith.constant 0 : i32
        %dma_wait3A_609 = arith.constant 0 : i32
        %dma_wait3A_610 = tpu.memref_slice %arg21[%dma_wait3A_608, %dma_wait3A_609] : memref<2x128xi32, #tpu.memory_space<vmem>> -> memref<1x128xi32, #tpu.memory_space<vmem>>
        %dma_wait3A_611 = tpu.memref_squeeze %dma_wait3A_610 : memref<1x128xi32, #tpu.memory_space<vmem>> -> memref<128xi32, #tpu.memory_space<vmem>>
        %dma_wait3A_612 = arith.constant 0 : i32
        %dma_wait3A_613 = arith.constant 0 : i32
        %dma_wait3A_614 = tpu.memref_slice %arg14[%dma_wait3A_612, %dma_wait3A_613] : memref<10112x32xf32, #tpu.memory_space<vmem_shared>> -> memref<10112x32xf32, #tpu.memory_space<vmem_shared>>
        tpu.wait_indirect_dma semaphore(%arg41 : memref<!tpu.dma_semaphore, #tpu.memory_space<semaphore_mem>>) src(%arg33 : memref<128x32xf32, #tpu.memory_space<vmem>>) dst(%dma_wait3A_614 : memref<10112x32xf32, #tpu.memory_space<vmem_shared>>)
      } else {
      }
      %add3A_161 = arith.constant 3 : i32
      %add3A_162 = arith.addi %add3A_116, %add3A_161 : i32
      %lt3A = arith.constant 168 : i32
      %lt3A_163 = arith.cmpi slt, %add3A_162, %lt3A : i32
      %convert_element_type3A_164 = arith.extui %lt3A_163 : i1 to i32
      %cond3A_165 = arith.constant 0 : i32
      %cond3A_166 = arith.cmpi ne, %convert_element_type3A_164, %cond3A_165 : i32
      scf.if %cond3A_166 {
        %add3A_601 = arith.constant 3 : i32
        %add3A_602 = arith.addi %add3A_116, %add3A_601 : i32
        %mul3A_603 = arith.constant 168 : i32
        %mul3A_604 = arith.muli %arg1, %mul3A_603 : i32
        %add3A_605 = arith.addi %mul3A_604, %add3A_602 : i32
        %dma_start3A_606 = arith.constant 0 : i32
        %dma_start3A_607 = arith.constant 0 : i32
        %dma_start3A_608 = tpu.memref_slice %arg8[%add3A_605, %dma_start3A_606, %dma_start3A_607] : memref<2688x2x128xi32, #tpu.memory_space<hbm>> -> memref<1x2x128xi32, #tpu.memory_space<hbm>>
        %dma_start3A_609 = tpu.memref_squeeze %dma_start3A_608 : memref<1x2x128xi32, #tpu.memory_space<hbm>> -> memref<2x128xi32, #tpu.memory_space<hbm>>
        %dma_start3A_610 = arith.constant 0 : i32
        %dma_start3A_611 = arith.constant 0 : i32
        %dma_start3A_612 = tpu.memref_slice %arg8[%add3A_605, %dma_start3A_610, %dma_start3A_611] : memref<2688x2x128xi32, #tpu.memory_space<hbm>> -> memref<1x2x128xi32, #tpu.memory_space<hbm>>
        %dma_start3A_613 = tpu.memref_squeeze %dma_start3A_612 : memref<1x2x128xi32, #tpu.memory_space<hbm>> -> memref<2x128xi32, #tpu.memory_space<hbm>>
        tpu.enqueue_dma source(%dma_start3A_613 : memref<2x128xi32, #tpu.memory_space<hbm>>) target(%arg18 : memref<2x128xi32, #tpu.memory_space<vmem>>) target_semaphore(%arg46 : memref<!tpu.dma_semaphore, #tpu.memory_space<semaphore_mem>>)
      } else {
      }
      %add3A_167 = arith.constant 2 : i32
      %add3A_168 = arith.addi %add3A_116, %add3A_167 : i32
      %lt3A_169 = arith.constant 168 : i32
      %lt3A_170 = arith.cmpi slt, %add3A_168, %lt3A_169 : i32
      %convert_element_type3A_171 = arith.extui %lt3A_170 : i1 to i32
      %cond3A_172 = arith.constant 0 : i32
      %cond3A_173 = arith.cmpi ne, %convert_element_type3A_171, %cond3A_172 : i32
      scf.if %cond3A_173 {
        %add3A_601 = arith.constant 2 : i32
        %add3A_602 = arith.addi %add3A_116, %add3A_601 : i32
        %mul3A_603 = arith.constant 168 : i32
        %mul3A_604 = arith.muli %arg1, %mul3A_603 : i32
        %add3A_605 = arith.addi %mul3A_604, %add3A_602 : i32
        %dma_wait3A_606 = arith.constant 0 : i32
        %dma_wait3A_607 = arith.constant 0 : i32
        %dma_wait3A_608 = tpu.memref_slice %arg8[%add3A_605, %dma_wait3A_606, %dma_wait3A_607] : memref<2688x2x128xi32, #tpu.memory_space<hbm>> -> memref<1x2x128xi32, #tpu.memory_space<hbm>>
        %dma_wait3A_609 = tpu.memref_squeeze %dma_wait3A_608 : memref<1x2x128xi32, #tpu.memory_space<hbm>> -> memref<2x128xi32, #tpu.memory_space<hbm>>
        %dma_wait3A_610 = arith.constant 0 : i32
        %dma_wait3A_611 = arith.constant 0 : i32
        %dma_wait3A_612 = tpu.memref_slice %arg8[%add3A_605, %dma_wait3A_610, %dma_wait3A_611] : memref<2688x2x128xi32, #tpu.memory_space<hbm>> -> memref<1x2x128xi32, #tpu.memory_space<hbm>>
        %dma_wait3A_613 = tpu.memref_squeeze %dma_wait3A_612 : memref<1x2x128xi32, #tpu.memory_space<hbm>> -> memref<2x128xi32, #tpu.memory_space<hbm>>
        tpu.wait_dma2 semaphore(%arg45 : memref<!tpu.dma_semaphore, #tpu.memory_space<semaphore_mem>>) src(%dma_wait3A_613 : memref<2x128xi32, #tpu.memory_space<hbm>>) dst(%arg17 : memref<2x128xi32, #tpu.memory_space<vmem>>)
        %eq3A_614 = arith.constant 0 : i32
        %eq3A_615 = arith.cmpi eq, %arg0, %eq3A_614 : i32
        %convert_element_type3A_616 = arith.extui %eq3A_615 : i1 to i32
        %cond3A_617 = arith.constant 0 : i32
        %cond3A_618 = arith.cmpi ne, %convert_element_type3A_616, %cond3A_617 : i32
        scf.if %cond3A_618 {
          %dma_start3A_624 = arith.constant 0 : i32
          %dma_start3A_625 = arith.constant 0 : i32
          %dma_start3A_626 = tpu.memref_slice %arg17[%dma_start3A_624, %dma_start3A_625] : memref<2x128xi32, #tpu.memory_space<vmem>> -> memref<1x128xi32, #tpu.memory_space<vmem>>
          %dma_start3A_627 = tpu.memref_squeeze %dma_start3A_626 : memref<1x128xi32, #tpu.memory_space<vmem>> -> memref<128xi32, #tpu.memory_space<vmem>>
          %dma_start3A_628 = arith.constant 0 : i32
          %dma_start3A_629 = arith.constant 0 : i32
          %dma_start3A_630 = tpu.memref_slice %arg6[%dma_start3A_628, %dma_start3A_629] : memref<10112x16xf32, #tpu.memory_space<hbm>> -> memref<10112x16xf32, #tpu.memory_space<hbm>>
          tpu.enqueue_indirect_dma source(%dma_start3A_630 : memref<10112x16xf32, #tpu.memory_space<hbm>>) target(%arg25 : memref<128x16xf32, #tpu.memory_space<vmem>>) offsets(%dma_start3A_627 : memref<128xi32, #tpu.memory_space<vmem>>) semaphore(%arg37 : memref<!tpu.dma_semaphore, #tpu.memory_space<semaphore_mem>>)
          %dma_start3A_631 = arith.constant 1 : i32
          %dma_start3A_632 = arith.constant 0 : i32
          %dma_start3A_633 = tpu.memref_slice %arg17[%dma_start3A_631, %dma_start3A_632] : memref<2x128xi32, #tpu.memory_space<vmem>> -> memref<1x128xi32, #tpu.memory_space<vmem>>
          %dma_start3A_634 = tpu.memref_squeeze %dma_start3A_633 : memref<1x128xi32, #tpu.memory_space<vmem>> -> memref<128xi32, #tpu.memory_space<vmem>>
          %dma_start3A_635 = arith.constant 0 : i32
          %dma_start3A_636 = arith.constant 0 : i32
          %dma_start3A_637 = tpu.memref_slice %arg2[%dma_start3A_635, %dma_start3A_636] : memref<10000x48xf32, #tpu.memory_space<hbm>> -> memref<10000x48xf32, #tpu.memory_space<hbm>>
          tpu.enqueue_indirect_dma source(%dma_start3A_637 : memref<10000x48xf32, #tpu.memory_space<hbm>>) target(%arg29 : memref<128x48xf32, #tpu.memory_space<vmem>>) offsets(%dma_start3A_634 : memref<128xi32, #tpu.memory_space<vmem>>) semaphore(%arg37 : memref<!tpu.dma_semaphore, #tpu.memory_space<semaphore_mem>>)
          %dma_start3A_638 = arith.constant 1 : i32
          %dma_start3A_639 = arith.constant 0 : i32
          %dma_start3A_640 = tpu.memref_slice %arg17[%dma_start3A_638, %dma_start3A_639] : memref<2x128xi32, #tpu.memory_space<vmem>> -> memref<1x128xi32, #tpu.memory_space<vmem>>
          %dma_start3A_641 = tpu.memref_squeeze %dma_start3A_640 : memref<1x128xi32, #tpu.memory_space<vmem>> -> memref<128xi32, #tpu.memory_space<vmem>>
          %dma_start3A_642 = arith.constant 0 : i32
          %dma_start3A_643 = arith.constant 0 : i32
          %dma_start3A_644 = tpu.memref_slice %arg3[%dma_start3A_642, %dma_start3A_643] : memref<10000x32xf32, #tpu.memory_space<hbm>> -> memref<10000x32xf32, #tpu.memory_space<hbm>>
          tpu.enqueue_indirect_dma source(%dma_start3A_644 : memref<10000x32xf32, #tpu.memory_space<hbm>>) target(%arg33 : memref<128x32xf32, #tpu.memory_space<vmem>>) offsets(%dma_start3A_641 : memref<128xi32, #tpu.memory_space<vmem>>) semaphore(%arg37 : memref<!tpu.dma_semaphore, #tpu.memory_space<semaphore_mem>>)
        } else {
        }
        %eq3A_619 = arith.constant 1 : i32
        %eq3A_620 = arith.cmpi eq, %arg0, %eq3A_619 : i32
        %convert_element_type3A_621 = arith.extui %eq3A_620 : i1 to i32
        %cond3A_622 = arith.constant 0 : i32
        %cond3A_623 = arith.cmpi ne, %convert_element_type3A_621, %cond3A_622 : i32
        scf.if %cond3A_623 {
          %dma_start3A_624 = arith.constant 0 : i32
          %dma_start3A_625 = arith.constant 0 : i32
          %dma_start3A_626 = tpu.memref_slice %arg17[%dma_start3A_624, %dma_start3A_625] : memref<2x128xi32, #tpu.memory_space<vmem>> -> memref<1x128xi32, #tpu.memory_space<vmem>>
          %dma_start3A_627 = tpu.memref_squeeze %dma_start3A_626 : memref<1x128xi32, #tpu.memory_space<vmem>> -> memref<128xi32, #tpu.memory_space<vmem>>
          %dma_start3A_628 = arith.constant 0 : i32
          %dma_start3A_629 = arith.constant 0 : i32
          %dma_start3A_630 = tpu.memref_slice %arg7[%dma_start3A_628, %dma_start3A_629] : memref<10112x16xf32, #tpu.memory_space<hbm>> -> memref<10112x16xf32, #tpu.memory_space<hbm>>
          tpu.enqueue_indirect_dma source(%dma_start3A_630 : memref<10112x16xf32, #tpu.memory_space<hbm>>) target(%arg25 : memref<128x16xf32, #tpu.memory_space<vmem>>) offsets(%dma_start3A_627 : memref<128xi32, #tpu.memory_space<vmem>>) semaphore(%arg37 : memref<!tpu.dma_semaphore, #tpu.memory_space<semaphore_mem>>)
          %dma_start3A_631 = arith.constant 1 : i32
          %dma_start3A_632 = arith.constant 0 : i32
          %dma_start3A_633 = tpu.memref_slice %arg17[%dma_start3A_631, %dma_start3A_632] : memref<2x128xi32, #tpu.memory_space<vmem>> -> memref<1x128xi32, #tpu.memory_space<vmem>>
          %dma_start3A_634 = tpu.memref_squeeze %dma_start3A_633 : memref<1x128xi32, #tpu.memory_space<vmem>> -> memref<128xi32, #tpu.memory_space<vmem>>
          %dma_start3A_635 = arith.constant 0 : i32
          %dma_start3A_636 = arith.constant 0 : i32
          %dma_start3A_637 = tpu.memref_slice %arg4[%dma_start3A_635, %dma_start3A_636] : memref<10000x48xf32, #tpu.memory_space<hbm>> -> memref<10000x48xf32, #tpu.memory_space<hbm>>
          tpu.enqueue_indirect_dma source(%dma_start3A_637 : memref<10000x48xf32, #tpu.memory_space<hbm>>) target(%arg29 : memref<128x48xf32, #tpu.memory_space<vmem>>) offsets(%dma_start3A_634 : memref<128xi32, #tpu.memory_space<vmem>>) semaphore(%arg37 : memref<!tpu.dma_semaphore, #tpu.memory_space<semaphore_mem>>)
          %dma_start3A_638 = arith.constant 1 : i32
          %dma_start3A_639 = arith.constant 0 : i32
          %dma_start3A_640 = tpu.memref_slice %arg17[%dma_start3A_638, %dma_start3A_639] : memref<2x128xi32, #tpu.memory_space<vmem>> -> memref<1x128xi32, #tpu.memory_space<vmem>>
          %dma_start3A_641 = tpu.memref_squeeze %dma_start3A_640 : memref<1x128xi32, #tpu.memory_space<vmem>> -> memref<128xi32, #tpu.memory_space<vmem>>
          %dma_start3A_642 = arith.constant 0 : i32
          %dma_start3A_643 = arith.constant 0 : i32
          %dma_start3A_644 = tpu.memref_slice %arg5[%dma_start3A_642, %dma_start3A_643] : memref<10000x32xf32, #tpu.memory_space<hbm>> -> memref<10000x32xf32, #tpu.memory_space<hbm>>
          tpu.enqueue_indirect_dma source(%dma_start3A_644 : memref<10000x32xf32, #tpu.memory_space<hbm>>) target(%arg33 : memref<128x32xf32, #tpu.memory_space<vmem>>) offsets(%dma_start3A_641 : memref<128xi32, #tpu.memory_space<vmem>>) semaphore(%arg37 : memref<!tpu.dma_semaphore, #tpu.memory_space<semaphore_mem>>)
        } else {
        }
      } else {
      }
      %add3A_174 = arith.constant 1 : i32
      %add3A_175 = arith.addi %add3A_114, %add3A_174 : i32
      %dma_wait3A_176 = arith.constant 0 : i32
      %dma_wait3A_177 = arith.constant 0 : i32
      %dma_wait3A_178 = tpu.memref_slice %arg16[%dma_wait3A_176, %dma_wait3A_177] : memref<2x128xi32, #tpu.memory_space<vmem>> -> memref<1x128xi32, #tpu.memory_space<vmem>>
      %dma_wait3A_179 = tpu.memref_squeeze %dma_wait3A_178 : memref<1x128xi32, #tpu.memory_space<vmem>> -> memref<128xi32, #tpu.memory_space<vmem>>
      %dma_wait3A_180 = arith.constant 0 : i32
      %dma_wait3A_181 = arith.constant 0 : i32
      %dma_wait3A_182 = tpu.memref_slice %arg6[%dma_wait3A_180, %dma_wait3A_181] : memref<10112x16xf32, #tpu.memory_space<hbm>> -> memref<10112x16xf32, #tpu.memory_space<hbm>>
      tpu.wait_indirect_dma semaphore(%arg36 : memref<!tpu.dma_semaphore, #tpu.memory_space<semaphore_mem>>) src(%dma_wait3A_182 : memref<10112x16xf32, #tpu.memory_space<hbm>>) dst(%arg24 : memref<128x16xf32, #tpu.memory_space<vmem>>)
      %dma_wait3A_183 = arith.constant 1 : i32
      %dma_wait3A_184 = arith.constant 0 : i32
      %dma_wait3A_185 = tpu.memref_slice %arg16[%dma_wait3A_183, %dma_wait3A_184] : memref<2x128xi32, #tpu.memory_space<vmem>> -> memref<1x128xi32, #tpu.memory_space<vmem>>
      %dma_wait3A_186 = tpu.memref_squeeze %dma_wait3A_185 : memref<1x128xi32, #tpu.memory_space<vmem>> -> memref<128xi32, #tpu.memory_space<vmem>>
      %dma_wait3A_187 = arith.constant 0 : i32
      %dma_wait3A_188 = arith.constant 0 : i32
      %dma_wait3A_189 = tpu.memref_slice %arg2[%dma_wait3A_187, %dma_wait3A_188] : memref<10000x48xf32, #tpu.memory_space<hbm>> -> memref<10000x48xf32, #tpu.memory_space<hbm>>
      tpu.wait_indirect_dma semaphore(%arg36 : memref<!tpu.dma_semaphore, #tpu.memory_space<semaphore_mem>>) src(%dma_wait3A_189 : memref<10000x48xf32, #tpu.memory_space<hbm>>) dst(%arg28 : memref<128x48xf32, #tpu.memory_space<vmem>>)
      %dma_wait3A_190 = arith.constant 1 : i32
      %dma_wait3A_191 = arith.constant 0 : i32
      %dma_wait3A_192 = tpu.memref_slice %arg16[%dma_wait3A_190, %dma_wait3A_191] : memref<2x128xi32, #tpu.memory_space<vmem>> -> memref<1x128xi32, #tpu.memory_space<vmem>>
      %dma_wait3A_193 = tpu.memref_squeeze %dma_wait3A_192 : memref<1x128xi32, #tpu.memory_space<vmem>> -> memref<128xi32, #tpu.memory_space<vmem>>
      %dma_wait3A_194 = arith.constant 0 : i32
      %dma_wait3A_195 = arith.constant 0 : i32
      %dma_wait3A_196 = tpu.memref_slice %arg3[%dma_wait3A_194, %dma_wait3A_195] : memref<10000x32xf32, #tpu.memory_space<hbm>> -> memref<10000x32xf32, #tpu.memory_space<hbm>>
      tpu.wait_indirect_dma semaphore(%arg36 : memref<!tpu.dma_semaphore, #tpu.memory_space<semaphore_mem>>) src(%dma_wait3A_196 : memref<10000x32xf32, #tpu.memory_space<hbm>>) dst(%arg32 : memref<128x32xf32, #tpu.memory_space<vmem>>)
      %scan3A_197 = arith.constant 0 : i32
      %scan3A_198 = arith.constant 128 : i32
      %scan3A_199 = arith.addi %scan3A_197, %scan3A_198 : i32
      %scan3A_200 = arith.constant 2 : i32
      scf.for %scan3A_601 = %scan3A_197 to %scan3A_199 step %scan3A_200  : i32 {
        %mul3A_602 = arith.constant 1 : i32
        %mul3A_603 = arith.muli %scan3A_601, %mul3A_602 : i32
        %add3A_604 = arith.constant 0 : i32
        %add3A_605 = arith.addi %add3A_604, %mul3A_603 : i32
        %get3A = arith.index_cast %add3A_605 : i32 to index
        %get3A_606 = arith.constant 0 : index
        %get3A_607 = tpu.vector_load %arg24[%get3A, %get3A_606] {strides = array<i32>} : memref<128x16xf32, #tpu.memory_space<vmem>>, vector<1x16xf32>,
        %get3A_608 = vector.shape_cast %get3A_607 : vector<1x16xf32> to vector<16xf32>
        %get3A_609 = arith.index_cast %add3A_605 : i32 to index
        %get3A_610 = arith.constant 16 : index
        %get3A_611 = tpu.vector_load %arg32[%get3A_609, %get3A_610] {strides = array<i32>} : memref<128x32xf32, #tpu.memory_space<vmem>>, vector<1x16xf32>,
        %get3A_612 = vector.shape_cast %get3A_611 : vector<1x16xf32> to vector<16xf32>
        %add3A_613 = arith.addf %get3A_608, %get3A_612 : vector<16xf32>
        %mul3A_614 = arith.constant 2.000000e-01 : f32
        %mul3A_615 = vector.broadcast %mul3A_614 : f32 to vector<16xf32>
        %mul3A_616 = arith.mulf %mul3A_615, %add3A_613 : vector<16xf32>
        %max3A = arith.maximumf %add3A_613, %mul3A_616 : vector<16xf32>
        %exp3A = math.exp %max3A : vector<16xf32>
        %swap3A = arith.index_cast %add3A_605 : i32 to index
        %swap3A_617 = arith.constant 16 : index
        %swap3A_618 = tpu.vector_load %arg32[%swap3A, %swap3A_617] {strides = array<i32>} : memref<128x32xf32, #tpu.memory_space<vmem>>, vector<1x16xf32>,
        %swap3A_619 = vector.shape_cast %swap3A_618 : vector<1x16xf32> to vector<16xf32>
        %swap3A_620 = vector.shape_cast %exp3A : vector<16xf32> to vector<1x16xf32>
        tpu.vector_store %arg32[%swap3A, %swap3A_617], %swap3A_620 {strides = array<i32>} : memref<128x32xf32, #tpu.memory_space<vmem>>, vector<1x16xf32>,
        %broadcast_in_dim3A = arith.constant 0 : i32
        %broadcast_in_dim3A_621 = vector.broadcast %broadcast_in_dim3A : i32 to vector<16x1xi32>
        %gather3A = vector.shape_cast %broadcast_in_dim3A_621 : vector<16x1xi32> to vector<16xi32>
        %gather3A_622 = tpu.dynamic_gather %exp3A[%gather3A] in [0] : vector<16xf32>, vector<16xi32> -> vector<16xf32>
        %get3A_623 = arith.index_cast %add3A_605 : i32 to index
        %get3A_624 = arith.constant 0 : index
        %get3A_625 = tpu.vector_load %arg28[%get3A_623, %get3A_624] {strides = array<i32>} : memref<128x48xf32, #tpu.memory_space<vmem>>, vector<1x16xf32>,
        %get3A_626 = vector.shape_cast %get3A_625 : vector<1x16xf32> to vector<16xf32>
        %mul3A_627 = arith.mulf %get3A_626, %gather3A_622 : vector<16xf32>
        %swap3A_628 = arith.index_cast %add3A_605 : i32 to index
        %swap3A_629 = arith.constant 0 : index
        %swap3A_630 = tpu.vector_load %arg28[%swap3A_628, %swap3A_629] {strides = array<i32>} : memref<128x48xf32, #tpu.memory_space<vmem>>, vector<1x16xf32>,
        %swap3A_631 = vector.shape_cast %swap3A_630 : vector<1x16xf32> to vector<16xf32>
        %swap3A_632 = vector.shape_cast %mul3A_627 : vector<16xf32> to vector<1x16xf32>
        tpu.vector_store %arg28[%swap3A_628, %swap3A_629], %swap3A_632 {strides = array<i32>} : memref<128x48xf32, #tpu.memory_space<vmem>>, vector<1x16xf32>,
        %broadcast_in_dim3A_633 = arith.constant 1 : i32
        %broadcast_in_dim3A_634 = vector.broadcast %broadcast_in_dim3A_633 : i32 to vector<16x1xi32>
        %gather3A_635 = vector.shape_cast %broadcast_in_dim3A_634 : vector<16x1xi32> to vector<16xi32>
        %gather3A_636 = tpu.dynamic_gather %exp3A[%gather3A_635] in [0] : vector<16xf32>, vector<16xi32> -> vector<16xf32>
        %get3A_637 = arith.index_cast %add3A_605 : i32 to index
        %get3A_638 = arith.constant 16 : index
        %get3A_639 = tpu.vector_load %arg28[%get3A_637, %get3A_638] {strides = array<i32>} : memref<128x48xf32, #tpu.memory_space<vmem>>, vector<1x16xf32>,
        %get3A_640 = vector.shape_cast %get3A_639 : vector<1x16xf32> to vector<16xf32>
        %mul3A_641 = arith.mulf %get3A_640, %gather3A_636 : vector<16xf32>
        %swap3A_642 = arith.index_cast %add3A_605 : i32 to index
        %swap3A_643 = arith.constant 16 : index
        %swap3A_644 = tpu.vector_load %arg28[%swap3A_642, %swap3A_643] {strides = array<i32>} : memref<128x48xf32, #tpu.memory_space<vmem>>, vector<1x16xf32>,
        %swap3A_645 = vector.shape_cast %swap3A_644 : vector<1x16xf32> to vector<16xf32>
        %swap3A_646 = vector.shape_cast %mul3A_641 : vector<16xf32> to vector<1x16xf32>
        tpu.vector_store %arg28[%swap3A_642, %swap3A_643], %swap3A_646 {strides = array<i32>} : memref<128x48xf32, #tpu.memory_space<vmem>>, vector<1x16xf32>,
        %broadcast_in_dim3A_647 = arith.constant 2 : i32
        %broadcast_in_dim3A_648 = vector.broadcast %broadcast_in_dim3A_647 : i32 to vector<16x1xi32>
        %gather3A_649 = vector.shape_cast %broadcast_in_dim3A_648 : vector<16x1xi32> to vector<16xi32>
        %gather3A_650 = tpu.dynamic_gather %exp3A[%gather3A_649] in [0] : vector<16xf32>, vector<16xi32> -> vector<16xf32>
        %get3A_651 = arith.index_cast %add3A_605 : i32 to index
        %get3A_652 = arith.constant 32 : index
        %get3A_653 = tpu.vector_load %arg28[%get3A_651, %get3A_652] {strides = array<i32>} : memref<128x48xf32, #tpu.memory_space<vmem>>, vector<1x16xf32>,
        %get3A_654 = vector.shape_cast %get3A_653 : vector<1x16xf32> to vector<16xf32>
        %mul3A_655 = arith.mulf %get3A_654, %gather3A_650 : vector<16xf32>
        %swap3A_656 = arith.index_cast %add3A_605 : i32 to index
        %swap3A_657 = arith.constant 32 : index
        %swap3A_658 = tpu.vector_load %arg28[%swap3A_656, %swap3A_657] {strides = array<i32>} : memref<128x48xf32, #tpu.memory_space<vmem>>, vector<1x16xf32>,
        %swap3A_659 = vector.shape_cast %swap3A_658 : vector<1x16xf32> to vector<16xf32>
        %swap3A_660 = vector.shape_cast %mul3A_655 : vector<16xf32> to vector<1x16xf32>
        tpu.vector_store %arg28[%swap3A_656, %swap3A_657], %swap3A_660 {strides = array<i32>} : memref<128x48xf32, #tpu.memory_space<vmem>>, vector<1x16xf32>,
        %broadcast_in_dim3A_661 = arith.constant 3 : i32
        %broadcast_in_dim3A_662 = vector.broadcast %broadcast_in_dim3A_661 : i32 to vector<16x1xi32>
        %gather3A_663 = vector.shape_cast %broadcast_in_dim3A_662 : vector<16x1xi32> to vector<16xi32>
        %gather3A_664 = tpu.dynamic_gather %exp3A[%gather3A_663] in [0] : vector<16xf32>, vector<16xi32> -> vector<16xf32>
        %get3A_665 = arith.index_cast %add3A_605 : i32 to index
        %get3A_666 = arith.constant 0 : index
        %get3A_667 = tpu.vector_load %arg32[%get3A_665, %get3A_666] {strides = array<i32>} : memref<128x32xf32, #tpu.memory_space<vmem>>, vector<1x16xf32>,
        %get3A_668 = vector.shape_cast %get3A_667 : vector<1x16xf32> to vector<16xf32>
        %mul3A_669 = arith.mulf %get3A_668, %gather3A_664 : vector<16xf32>
        %swap3A_670 = arith.index_cast %add3A_605 : i32 to index
        %swap3A_671 = arith.constant 0 : index
        %swap3A_672 = tpu.vector_load %arg32[%swap3A_670, %swap3A_671] {strides = array<i32>} : memref<128x32xf32, #tpu.memory_space<vmem>>, vector<1x16xf32>,
        %swap3A_673 = vector.shape_cast %swap3A_672 : vector<1x16xf32> to vector<16xf32>
        %swap3A_674 = vector.shape_cast %mul3A_669 : vector<16xf32> to vector<1x16xf32>
        tpu.vector_store %arg32[%swap3A_670, %swap3A_671], %swap3A_674 {strides = array<i32>} : memref<128x32xf32, #tpu.memory_space<vmem>>, vector<1x16xf32>,
        %scan3A_675 = arith.constant 1 : i32
        %scan3A_676 = arith.addi %scan3A_601, %scan3A_675 : i32
        %mul3A_677 = arith.constant 1 : i32
        %mul3A_678 = arith.muli %scan3A_676, %mul3A_677 : i32
        %add3A_679 = arith.constant 0 : i32
        %add3A_680 = arith.addi %add3A_679, %mul3A_678 : i32
        %get3A_681 = arith.index_cast %add3A_680 : i32 to index
        %get3A_682 = arith.constant 0 : index
        %get3A_683 = tpu.vector_load %arg24[%get3A_681, %get3A_682] {strides = array<i32>} : memref<128x16xf32, #tpu.memory_space<vmem>>, vector<1x16xf32>,
        %get3A_684 = vector.shape_cast %get3A_683 : vector<1x16xf32> to vector<16xf32>
        %get3A_685 = arith.index_cast %add3A_680 : i32 to index
        %get3A_686 = arith.constant 16 : index
        %get3A_687 = tpu.vector_load %arg32[%get3A_685, %get3A_686] {strides = array<i32>} : memref<128x32xf32, #tpu.memory_space<vmem>>, vector<1x16xf32>,
        %get3A_688 = vector.shape_cast %get3A_687 : vector<1x16xf32> to vector<16xf32>
        %add3A_689 = arith.addf %get3A_684, %get3A_688 : vector<16xf32>
        %mul3A_690 = arith.constant 2.000000e-01 : f32
        %mul3A_691 = vector.broadcast %mul3A_690 : f32 to vector<16xf32>
        %mul3A_692 = arith.mulf %mul3A_691, %add3A_689 : vector<16xf32>
        %max3A_693 = arith.maximumf %add3A_689, %mul3A_692 : vector<16xf32>
        %exp3A_694 = math.exp %max3A_693 : vector<16xf32>
        %swap3A_695 = arith.index_cast %add3A_680 : i32 to index
        %swap3A_696 = arith.constant 16 : index
        %swap3A_697 = tpu.vector_load %arg32[%swap3A_695, %swap3A_696] {strides = array<i32>} : memref<128x32xf32, #tpu.memory_space<vmem>>, vector<1x16xf32>,
        %swap3A_698 = vector.shape_cast %swap3A_697 : vector<1x16xf32> to vector<16xf32>
        %swap3A_699 = vector.shape_cast %exp3A_694 : vector<16xf32> to vector<1x16xf32>
        tpu.vector_store %arg32[%swap3A_695, %swap3A_696], %swap3A_699 {strides = array<i32>} : memref<128x32xf32, #tpu.memory_space<vmem>>, vector<1x16xf32>,
        %broadcast_in_dim3A_700 = arith.constant 0 : i32
        %broadcast_in_dim3A_701 = vector.broadcast %broadcast_in_dim3A_700 : i32 to vector<16x1xi32>
        %gather3A_702 = vector.shape_cast %broadcast_in_dim3A_701 : vector<16x1xi32> to vector<16xi32>
        %gather3A_703 = tpu.dynamic_gather %exp3A_694[%gather3A_702] in [0] : vector<16xf32>, vector<16xi32> -> vector<16xf32>
        %get3A_704 = arith.index_cast %add3A_680 : i32 to index
        %get3A_705 = arith.constant 0 : index
        %get3A_706 = tpu.vector_load %arg28[%get3A_704, %get3A_705] {strides = array<i32>} : memref<128x48xf32, #tpu.memory_space<vmem>>, vector<1x16xf32>,
        %get3A_707 = vector.shape_cast %get3A_706 : vector<1x16xf32> to vector<16xf32>
        %mul3A_708 = arith.mulf %get3A_707, %gather3A_703 : vector<16xf32>
        %swap3A_709 = arith.index_cast %add3A_680 : i32 to index
        %swap3A_710 = arith.constant 0 : index
        %swap3A_711 = tpu.vector_load %arg28[%swap3A_709, %swap3A_710] {strides = array<i32>} : memref<128x48xf32, #tpu.memory_space<vmem>>, vector<1x16xf32>,
        %swap3A_712 = vector.shape_cast %swap3A_711 : vector<1x16xf32> to vector<16xf32>
        %swap3A_713 = vector.shape_cast %mul3A_708 : vector<16xf32> to vector<1x16xf32>
        tpu.vector_store %arg28[%swap3A_709, %swap3A_710], %swap3A_713 {strides = array<i32>} : memref<128x48xf32, #tpu.memory_space<vmem>>, vector<1x16xf32>,
        %broadcast_in_dim3A_714 = arith.constant 1 : i32
        %broadcast_in_dim3A_715 = vector.broadcast %broadcast_in_dim3A_714 : i32 to vector<16x1xi32>
        %gather3A_716 = vector.shape_cast %broadcast_in_dim3A_715 : vector<16x1xi32> to vector<16xi32>
        %gather3A_717 = tpu.dynamic_gather %exp3A_694[%gather3A_716] in [0] : vector<16xf32>, vector<16xi32> -> vector<16xf32>
        %get3A_718 = arith.index_cast %add3A_680 : i32 to index
        %get3A_719 = arith.constant 16 : index
        %get3A_720 = tpu.vector_load %arg28[%get3A_718, %get3A_719] {strides = array<i32>} : memref<128x48xf32, #tpu.memory_space<vmem>>, vector<1x16xf32>,
        %get3A_721 = vector.shape_cast %get3A_720 : vector<1x16xf32> to vector<16xf32>
        %mul3A_722 = arith.mulf %get3A_721, %gather3A_717 : vector<16xf32>
        %swap3A_723 = arith.index_cast %add3A_680 : i32 to index
        %swap3A_724 = arith.constant 16 : index
        %swap3A_725 = tpu.vector_load %arg28[%swap3A_723, %swap3A_724] {strides = array<i32>} : memref<128x48xf32, #tpu.memory_space<vmem>>, vector<1x16xf32>,
        %swap3A_726 = vector.shape_cast %swap3A_725 : vector<1x16xf32> to vector<16xf32>
        %swap3A_727 = vector.shape_cast %mul3A_722 : vector<16xf32> to vector<1x16xf32>
        tpu.vector_store %arg28[%swap3A_723, %swap3A_724], %swap3A_727 {strides = array<i32>} : memref<128x48xf32, #tpu.memory_space<vmem>>, vector<1x16xf32>,
        %broadcast_in_dim3A_728 = arith.constant 2 : i32
        %broadcast_in_dim3A_729 = vector.broadcast %broadcast_in_dim3A_728 : i32 to vector<16x1xi32>
        %gather3A_730 = vector.shape_cast %broadcast_in_dim3A_729 : vector<16x1xi32> to vector<16xi32>
        %gather3A_731 = tpu.dynamic_gather %exp3A_694[%gather3A_730] in [0] : vector<16xf32>, vector<16xi32> -> vector<16xf32>
        %get3A_732 = arith.index_cast %add3A_680 : i32 to index
        %get3A_733 = arith.constant 32 : index
        %get3A_734 = tpu.vector_load %arg28[%get3A_732, %get3A_733] {strides = array<i32>} : memref<128x48xf32, #tpu.memory_space<vmem>>, vector<1x16xf32>,
        %get3A_735 = vector.shape_cast %get3A_734 : vector<1x16xf32> to vector<16xf32>
        %mul3A_736 = arith.mulf %get3A_735, %gather3A_731 : vector<16xf32>
        %swap3A_737 = arith.index_cast %add3A_680 : i32 to index
        %swap3A_738 = arith.constant 32 : index
        %swap3A_739 = tpu.vector_load %arg28[%swap3A_737, %swap3A_738] {strides = array<i32>} : memref<128x48xf32, #tpu.memory_space<vmem>>, vector<1x16xf32>,
        %swap3A_740 = vector.shape_cast %swap3A_739 : vector<1x16xf32> to vector<16xf32>
        %swap3A_741 = vector.shape_cast %mul3A_736 : vector<16xf32> to vector<1x16xf32>
        tpu.vector_store %arg28[%swap3A_737, %swap3A_738], %swap3A_741 {strides = array<i32>} : memref<128x48xf32, #tpu.memory_space<vmem>>, vector<1x16xf32>,
        %broadcast_in_dim3A_742 = arith.constant 3 : i32
        %broadcast_in_dim3A_743 = vector.broadcast %broadcast_in_dim3A_742 : i32 to vector<16x1xi32>
        %gather3A_744 = vector.shape_cast %broadcast_in_dim3A_743 : vector<16x1xi32> to vector<16xi32>
        %gather3A_745 = tpu.dynamic_gather %exp3A_694[%gather3A_744] in [0] : vector<16xf32>, vector<16xi32> -> vector<16xf32>
        %get3A_746 = arith.index_cast %add3A_680 : i32 to index
        %get3A_747 = arith.constant 0 : index
        %get3A_748 = tpu.vector_load %arg32[%get3A_746, %get3A_747] {strides = array<i32>} : memref<128x32xf32, #tpu.memory_space<vmem>>, vector<1x16xf32>,
        %get3A_749 = vector.shape_cast %get3A_748 : vector<1x16xf32> to vector<16xf32>
        %mul3A_750 = arith.mulf %get3A_749, %gather3A_745 : vector<16xf32>
        %swap3A_751 = arith.index_cast %add3A_680 : i32 to index
        %swap3A_752 = arith.constant 0 : index
        %swap3A_753 = tpu.vector_load %arg32[%swap3A_751, %swap3A_752] {strides = array<i32>} : memref<128x32xf32, #tpu.memory_space<vmem>>, vector<1x16xf32>,
        %swap3A_754 = vector.shape_cast %swap3A_753 : vector<1x16xf32> to vector<16xf32>
        %swap3A_755 = vector.shape_cast %mul3A_750 : vector<16xf32> to vector<1x16xf32>
        tpu.vector_store %arg32[%swap3A_751, %swap3A_752], %swap3A_755 {strides = array<i32>} : memref<128x32xf32, #tpu.memory_space<vmem>>, vector<1x16xf32>,
      }
      %scan3A_201 = arith.constant 128 : i32
      %dma_start3A_202 = arith.constant 0 : i32
      %dma_start3A_203 = arith.constant 0 : i32
      %dma_start3A_204 = tpu.memref_slice %arg16[%dma_start3A_202, %dma_start3A_203] : memref<2x128xi32, #tpu.memory_space<vmem>> -> memref<1x128xi32, #tpu.memory_space<vmem>>
      %dma_start3A_205 = tpu.memref_squeeze %dma_start3A_204 : memref<1x128xi32, #tpu.memory_space<vmem>> -> memref<128xi32, #tpu.memory_space<vmem>>
      %dma_start3A_206 = arith.constant 0 : i32
      %dma_start3A_207 = arith.constant 0 : i32
      %dma_start3A_208 = tpu.memref_slice %arg13[%dma_start3A_206, %dma_start3A_207] : memref<10112x48xf32, #tpu.memory_space<vmem_shared>> -> memref<10112x48xf32, #tpu.memory_space<vmem_shared>>
      tpu.enqueue_indirect_dma source(%arg28 : memref<128x48xf32, #tpu.memory_space<vmem>>) target(%dma_start3A_208 : memref<10112x48xf32, #tpu.memory_space<vmem_shared>>) offsets(%dma_start3A_205 : memref<128xi32, #tpu.memory_space<vmem>>) semaphore(%arg40 : memref<!tpu.dma_semaphore, #tpu.memory_space<semaphore_mem>>) {add = true}
      %dma_start3A_209 = arith.constant 0 : i32
      %dma_start3A_210 = arith.constant 0 : i32
      %dma_start3A_211 = tpu.memref_slice %arg16[%dma_start3A_209, %dma_start3A_210] : memref<2x128xi32, #tpu.memory_space<vmem>> -> memref<1x128xi32, #tpu.memory_space<vmem>>
      %dma_start3A_212 = tpu.memref_squeeze %dma_start3A_211 : memref<1x128xi32, #tpu.memory_space<vmem>> -> memref<128xi32, #tpu.memory_space<vmem>>
      %dma_start3A_213 = arith.constant 0 : i32
      %dma_start3A_214 = arith.constant 0 : i32
      %dma_start3A_215 = tpu.memref_slice %arg14[%dma_start3A_213, %dma_start3A_214] : memref<10112x32xf32, #tpu.memory_space<vmem_shared>> -> memref<10112x32xf32, #tpu.memory_space<vmem_shared>>
      tpu.enqueue_indirect_dma source(%arg32 : memref<128x32xf32, #tpu.memory_space<vmem>>) target(%dma_start3A_215 : memref<10112x32xf32, #tpu.memory_space<vmem_shared>>) offsets(%dma_start3A_212 : memref<128xi32, #tpu.memory_space<vmem>>) semaphore(%arg40 : memref<!tpu.dma_semaphore, #tpu.memory_space<semaphore_mem>>) {add = true}
      %ge3A_216 = arith.constant 2 : i32
      %ge3A_217 = arith.cmpi sge, %add3A_175, %ge3A_216 : i32
      %convert_element_type3A_218 = arith.extui %ge3A_217 : i1 to i32
      %cond3A_219 = arith.constant 0 : i32
      %cond3A_220 = arith.cmpi ne, %convert_element_type3A_218, %cond3A_219 : i32
      scf.if %cond3A_220 {
        %dma_wait3A_601 = arith.constant 0 : i32
        %dma_wait3A_602 = arith.constant 0 : i32
        %dma_wait3A_603 = tpu.memref_slice %arg22[%dma_wait3A_601, %dma_wait3A_602] : memref<2x128xi32, #tpu.memory_space<vmem>> -> memref<1x128xi32, #tpu.memory_space<vmem>>
        %dma_wait3A_604 = tpu.memref_squeeze %dma_wait3A_603 : memref<1x128xi32, #tpu.memory_space<vmem>> -> memref<128xi32, #tpu.memory_space<vmem>>
        %dma_wait3A_605 = arith.constant 0 : i32
        %dma_wait3A_606 = arith.constant 0 : i32
        %dma_wait3A_607 = tpu.memref_slice %arg13[%dma_wait3A_605, %dma_wait3A_606] : memref<10112x48xf32, #tpu.memory_space<vmem_shared>> -> memref<10112x48xf32, #tpu.memory_space<vmem_shared>>
        tpu.wait_indirect_dma semaphore(%arg42 : memref<!tpu.dma_semaphore, #tpu.memory_space<semaphore_mem>>) src(%arg30 : memref<128x48xf32, #tpu.memory_space<vmem>>) dst(%dma_wait3A_607 : memref<10112x48xf32, #tpu.memory_space<vmem_shared>>)
        %dma_wait3A_608 = arith.constant 0 : i32
        %dma_wait3A_609 = arith.constant 0 : i32
        %dma_wait3A_610 = tpu.memref_slice %arg22[%dma_wait3A_608, %dma_wait3A_609] : memref<2x128xi32, #tpu.memory_space<vmem>> -> memref<1x128xi32, #tpu.memory_space<vmem>>
        %dma_wait3A_611 = tpu.memref_squeeze %dma_wait3A_610 : memref<1x128xi32, #tpu.memory_space<vmem>> -> memref<128xi32, #tpu.memory_space<vmem>>
        %dma_wait3A_612 = arith.constant 0 : i32
        %dma_wait3A_613 = arith.constant 0 : i32
        %dma_wait3A_614 = tpu.memref_slice %arg14[%dma_wait3A_612, %dma_wait3A_613] : memref<10112x32xf32, #tpu.memory_space<vmem_shared>> -> memref<10112x32xf32, #tpu.memory_space<vmem_shared>>
        tpu.wait_indirect_dma semaphore(%arg42 : memref<!tpu.dma_semaphore, #tpu.memory_space<semaphore_mem>>) src(%arg34 : memref<128x32xf32, #tpu.memory_space<vmem>>) dst(%dma_wait3A_614 : memref<10112x32xf32, #tpu.memory_space<vmem_shared>>)
      } else {
      }
      %add3A_221 = arith.constant 3 : i32
      %add3A_222 = arith.addi %add3A_175, %add3A_221 : i32
      %lt3A_223 = arith.constant 168 : i32
      %lt3A_224 = arith.cmpi slt, %add3A_222, %lt3A_223 : i32
      %convert_element_type3A_225 = arith.extui %lt3A_224 : i1 to i32
      %cond3A_226 = arith.constant 0 : i32
      %cond3A_227 = arith.cmpi ne, %convert_element_type3A_225, %cond3A_226 : i32
      scf.if %cond3A_227 {
        %add3A_601 = arith.constant 3 : i32
        %add3A_602 = arith.addi %add3A_175, %add3A_601 : i32
        %mul3A_603 = arith.constant 168 : i32
        %mul3A_604 = arith.muli %arg1, %mul3A_603 : i32
        %add3A_605 = arith.addi %mul3A_604, %add3A_602 : i32
        %dma_start3A_606 = arith.constant 0 : i32
        %dma_start3A_607 = arith.constant 0 : i32
        %dma_start3A_608 = tpu.memref_slice %arg8[%add3A_605, %dma_start3A_606, %dma_start3A_607] : memref<2688x2x128xi32, #tpu.memory_space<hbm>> -> memref<1x2x128xi32, #tpu.memory_space<hbm>>
        %dma_start3A_609 = tpu.memref_squeeze %dma_start3A_608 : memref<1x2x128xi32, #tpu.memory_space<hbm>> -> memref<2x128xi32, #tpu.memory_space<hbm>>
        %dma_start3A_610 = arith.constant 0 : i32
        %dma_start3A_611 = arith.constant 0 : i32
        %dma_start3A_612 = tpu.memref_slice %arg8[%add3A_605, %dma_start3A_610, %dma_start3A_611] : memref<2688x2x128xi32, #tpu.memory_space<hbm>> -> memref<1x2x128xi32, #tpu.memory_space<hbm>>
        %dma_start3A_613 = tpu.memref_squeeze %dma_start3A_612 : memref<1x2x128xi32, #tpu.memory_space<hbm>> -> memref<2x128xi32, #tpu.memory_space<hbm>>
        tpu.enqueue_dma source(%dma_start3A_613 : memref<2x128xi32, #tpu.memory_space<hbm>>) target(%arg19 : memref<2x128xi32, #tpu.memory_space<vmem>>) target_semaphore(%arg47 : memref<!tpu.dma_semaphore, #tpu.memory_space<semaphore_mem>>)
      } else {
      }
      %add3A_228 = arith.constant 2 : i32
      %add3A_229 = arith.addi %add3A_175, %add3A_228 : i32
      %lt3A_230 = arith.constant 168 : i32
      %lt3A_231 = arith.cmpi slt, %add3A_229, %lt3A_230 : i32
      %convert_element_type3A_232 = arith.extui %lt3A_231 : i1 to i32
      %cond3A_233 = arith.constant 0 : i32
      %cond3A_234 = arith.cmpi ne, %convert_element_type3A_232, %cond3A_233 : i32
      scf.if %cond3A_234 {
        %add3A_601 = arith.constant 2 : i32
        %add3A_602 = arith.addi %add3A_175, %add3A_601 : i32
        %mul3A_603 = arith.constant 168 : i32
        %mul3A_604 = arith.muli %arg1, %mul3A_603 : i32
        %add3A_605 = arith.addi %mul3A_604, %add3A_602 : i32
        %dma_wait3A_606 = arith.constant 0 : i32
        %dma_wait3A_607 = arith.constant 0 : i32
        %dma_wait3A_608 = tpu.memref_slice %arg8[%add3A_605, %dma_wait3A_606, %dma_wait3A_607] : memref<2688x2x128xi32, #tpu.memory_space<hbm>> -> memref<1x2x128xi32, #tpu.memory_space<hbm>>
        %dma_wait3A_609 = tpu.memref_squeeze %dma_wait3A_608 : memref<1x2x128xi32, #tpu.memory_space<hbm>> -> memref<2x128xi32, #tpu.memory_space<hbm>>
        %dma_wait3A_610 = arith.constant 0 : i32
        %dma_wait3A_611 = arith.constant 0 : i32
        %dma_wait3A_612 = tpu.memref_slice %arg8[%add3A_605, %dma_wait3A_610, %dma_wait3A_611] : memref<2688x2x128xi32, #tpu.memory_space<hbm>> -> memref<1x2x128xi32, #tpu.memory_space<hbm>>
        %dma_wait3A_613 = tpu.memref_squeeze %dma_wait3A_612 : memref<1x2x128xi32, #tpu.memory_space<hbm>> -> memref<2x128xi32, #tpu.memory_space<hbm>>
        tpu.wait_dma2 semaphore(%arg46 : memref<!tpu.dma_semaphore, #tpu.memory_space<semaphore_mem>>) src(%dma_wait3A_613 : memref<2x128xi32, #tpu.memory_space<hbm>>) dst(%arg18 : memref<2x128xi32, #tpu.memory_space<vmem>>)
        %eq3A_614 = arith.constant 0 : i32
        %eq3A_615 = arith.cmpi eq, %arg0, %eq3A_614 : i32
        %convert_element_type3A_616 = arith.extui %eq3A_615 : i1 to i32
        %cond3A_617 = arith.constant 0 : i32
        %cond3A_618 = arith.cmpi ne, %convert_element_type3A_616, %cond3A_617 : i32
        scf.if %cond3A_618 {
          %dma_start3A_624 = arith.constant 0 : i32
          %dma_start3A_625 = arith.constant 0 : i32
          %dma_start3A_626 = tpu.memref_slice %arg18[%dma_start3A_624, %dma_start3A_625] : memref<2x128xi32, #tpu.memory_space<vmem>> -> memref<1x128xi32, #tpu.memory_space<vmem>>
          %dma_start3A_627 = tpu.memref_squeeze %dma_start3A_626 : memref<1x128xi32, #tpu.memory_space<vmem>> -> memref<128xi32, #tpu.memory_space<vmem>>
          %dma_start3A_628 = arith.constant 0 : i32
          %dma_start3A_629 = arith.constant 0 : i32
          %dma_start3A_630 = tpu.memref_slice %arg6[%dma_start3A_628, %dma_start3A_629] : memref<10112x16xf32, #tpu.memory_space<hbm>> -> memref<10112x16xf32, #tpu.memory_space<hbm>>
          tpu.enqueue_indirect_dma source(%dma_start3A_630 : memref<10112x16xf32, #tpu.memory_space<hbm>>) target(%arg26 : memref<128x16xf32, #tpu.memory_space<vmem>>) offsets(%dma_start3A_627 : memref<128xi32, #tpu.memory_space<vmem>>) semaphore(%arg38 : memref<!tpu.dma_semaphore, #tpu.memory_space<semaphore_mem>>)
          %dma_start3A_631 = arith.constant 1 : i32
          %dma_start3A_632 = arith.constant 0 : i32
          %dma_start3A_633 = tpu.memref_slice %arg18[%dma_start3A_631, %dma_start3A_632] : memref<2x128xi32, #tpu.memory_space<vmem>> -> memref<1x128xi32, #tpu.memory_space<vmem>>
          %dma_start3A_634 = tpu.memref_squeeze %dma_start3A_633 : memref<1x128xi32, #tpu.memory_space<vmem>> -> memref<128xi32, #tpu.memory_space<vmem>>
          %dma_start3A_635 = arith.constant 0 : i32
          %dma_start3A_636 = arith.constant 0 : i32
          %dma_start3A_637 = tpu.memref_slice %arg2[%dma_start3A_635, %dma_start3A_636] : memref<10000x48xf32, #tpu.memory_space<hbm>> -> memref<10000x48xf32, #tpu.memory_space<hbm>>
          tpu.enqueue_indirect_dma source(%dma_start3A_637 : memref<10000x48xf32, #tpu.memory_space<hbm>>) target(%arg30 : memref<128x48xf32, #tpu.memory_space<vmem>>) offsets(%dma_start3A_634 : memref<128xi32, #tpu.memory_space<vmem>>) semaphore(%arg38 : memref<!tpu.dma_semaphore, #tpu.memory_space<semaphore_mem>>)
          %dma_start3A_638 = arith.constant 1 : i32
          %dma_start3A_639 = arith.constant 0 : i32
          %dma_start3A_640 = tpu.memref_slice %arg18[%dma_start3A_638, %dma_start3A_639] : memref<2x128xi32, #tpu.memory_space<vmem>> -> memref<1x128xi32, #tpu.memory_space<vmem>>
          %dma_start3A_641 = tpu.memref_squeeze %dma_start3A_640 : memref<1x128xi32, #tpu.memory_space<vmem>> -> memref<128xi32, #tpu.memory_space<vmem>>
          %dma_start3A_642 = arith.constant 0 : i32
          %dma_start3A_643 = arith.constant 0 : i32
          %dma_start3A_644 = tpu.memref_slice %arg3[%dma_start3A_642, %dma_start3A_643] : memref<10000x32xf32, #tpu.memory_space<hbm>> -> memref<10000x32xf32, #tpu.memory_space<hbm>>
          tpu.enqueue_indirect_dma source(%dma_start3A_644 : memref<10000x32xf32, #tpu.memory_space<hbm>>) target(%arg34 : memref<128x32xf32, #tpu.memory_space<vmem>>) offsets(%dma_start3A_641 : memref<128xi32, #tpu.memory_space<vmem>>) semaphore(%arg38 : memref<!tpu.dma_semaphore, #tpu.memory_space<semaphore_mem>>)
        } else {
        }
        %eq3A_619 = arith.constant 1 : i32
        %eq3A_620 = arith.cmpi eq, %arg0, %eq3A_619 : i32
        %convert_element_type3A_621 = arith.extui %eq3A_620 : i1 to i32
        %cond3A_622 = arith.constant 0 : i32
        %cond3A_623 = arith.cmpi ne, %convert_element_type3A_621, %cond3A_622 : i32
        scf.if %cond3A_623 {
          %dma_start3A_624 = arith.constant 0 : i32
          %dma_start3A_625 = arith.constant 0 : i32
          %dma_start3A_626 = tpu.memref_slice %arg18[%dma_start3A_624, %dma_start3A_625] : memref<2x128xi32, #tpu.memory_space<vmem>> -> memref<1x128xi32, #tpu.memory_space<vmem>>
          %dma_start3A_627 = tpu.memref_squeeze %dma_start3A_626 : memref<1x128xi32, #tpu.memory_space<vmem>> -> memref<128xi32, #tpu.memory_space<vmem>>
          %dma_start3A_628 = arith.constant 0 : i32
          %dma_start3A_629 = arith.constant 0 : i32
          %dma_start3A_630 = tpu.memref_slice %arg7[%dma_start3A_628, %dma_start3A_629] : memref<10112x16xf32, #tpu.memory_space<hbm>> -> memref<10112x16xf32, #tpu.memory_space<hbm>>
          tpu.enqueue_indirect_dma source(%dma_start3A_630 : memref<10112x16xf32, #tpu.memory_space<hbm>>) target(%arg26 : memref<128x16xf32, #tpu.memory_space<vmem>>) offsets(%dma_start3A_627 : memref<128xi32, #tpu.memory_space<vmem>>) semaphore(%arg38 : memref<!tpu.dma_semaphore, #tpu.memory_space<semaphore_mem>>)
          %dma_start3A_631 = arith.constant 1 : i32
          %dma_start3A_632 = arith.constant 0 : i32
          %dma_start3A_633 = tpu.memref_slice %arg18[%dma_start3A_631, %dma_start3A_632] : memref<2x128xi32, #tpu.memory_space<vmem>> -> memref<1x128xi32, #tpu.memory_space<vmem>>
          %dma_start3A_634 = tpu.memref_squeeze %dma_start3A_633 : memref<1x128xi32, #tpu.memory_space<vmem>> -> memref<128xi32, #tpu.memory_space<vmem>>
          %dma_start3A_635 = arith.constant 0 : i32
          %dma_start3A_636 = arith.constant 0 : i32
          %dma_start3A_637 = tpu.memref_slice %arg4[%dma_start3A_635, %dma_start3A_636] : memref<10000x48xf32, #tpu.memory_space<hbm>> -> memref<10000x48xf32, #tpu.memory_space<hbm>>
          tpu.enqueue_indirect_dma source(%dma_start3A_637 : memref<10000x48xf32, #tpu.memory_space<hbm>>) target(%arg30 : memref<128x48xf32, #tpu.memory_space<vmem>>) offsets(%dma_start3A_634 : memref<128xi32, #tpu.memory_space<vmem>>) semaphore(%arg38 : memref<!tpu.dma_semaphore, #tpu.memory_space<semaphore_mem>>)
          %dma_start3A_638 = arith.constant 1 : i32
          %dma_start3A_639 = arith.constant 0 : i32
          %dma_start3A_640 = tpu.memref_slice %arg18[%dma_start3A_638, %dma_start3A_639] : memref<2x128xi32, #tpu.memory_space<vmem>> -> memref<1x128xi32, #tpu.memory_space<vmem>>
          %dma_start3A_641 = tpu.memref_squeeze %dma_start3A_640 : memref<1x128xi32, #tpu.memory_space<vmem>> -> memref<128xi32, #tpu.memory_space<vmem>>
          %dma_start3A_642 = arith.constant 0 : i32
          %dma_start3A_643 = arith.constant 0 : i32
          %dma_start3A_644 = tpu.memref_slice %arg5[%dma_start3A_642, %dma_start3A_643] : memref<10000x32xf32, #tpu.memory_space<hbm>> -> memref<10000x32xf32, #tpu.memory_space<hbm>>
          tpu.enqueue_indirect_dma source(%dma_start3A_644 : memref<10000x32xf32, #tpu.memory_space<hbm>>) target(%arg34 : memref<128x32xf32, #tpu.memory_space<vmem>>) offsets(%dma_start3A_641 : memref<128xi32, #tpu.memory_space<vmem>>) semaphore(%arg38 : memref<!tpu.dma_semaphore, #tpu.memory_space<semaphore_mem>>)
        } else {
        }
      } else {
      }
      %add3A_235 = arith.constant 2 : i32
      %add3A_236 = arith.addi %add3A_114, %add3A_235 : i32
      %dma_wait3A_237 = arith.constant 0 : i32
      %dma_wait3A_238 = arith.constant 0 : i32
      %dma_wait3A_239 = tpu.memref_slice %arg17[%dma_wait3A_237, %dma_wait3A_238] : memref<2x128xi32, #tpu.memory_space<vmem>> -> memref<1x128xi32, #tpu.memory_space<vmem>>
      %dma_wait3A_240 = tpu.memref_squeeze %dma_wait3A_239 : memref<1x128xi32, #tpu.memory_space<vmem>> -> memref<128xi32, #tpu.memory_space<vmem>>
      %dma_wait3A_241 = arith.constant 0 : i32
      %dma_wait3A_242 = arith.constant 0 : i32
      %dma_wait3A_243 = tpu.memref_slice %arg6[%dma_wait3A_241, %dma_wait3A_242] : memref<10112x16xf32, #tpu.memory_space<hbm>> -> memref<10112x16xf32, #tpu.memory_space<hbm>>
      tpu.wait_indirect_dma semaphore(%arg37 : memref<!tpu.dma_semaphore, #tpu.memory_space<semaphore_mem>>) src(%dma_wait3A_243 : memref<10112x16xf32, #tpu.memory_space<hbm>>) dst(%arg25 : memref<128x16xf32, #tpu.memory_space<vmem>>)
      %dma_wait3A_244 = arith.constant 1 : i32
      %dma_wait3A_245 = arith.constant 0 : i32
      %dma_wait3A_246 = tpu.memref_slice %arg17[%dma_wait3A_244, %dma_wait3A_245] : memref<2x128xi32, #tpu.memory_space<vmem>> -> memref<1x128xi32, #tpu.memory_space<vmem>>
      %dma_wait3A_247 = tpu.memref_squeeze %dma_wait3A_246 : memref<1x128xi32, #tpu.memory_space<vmem>> -> memref<128xi32, #tpu.memory_space<vmem>>
      %dma_wait3A_248 = arith.constant 0 : i32
      %dma_wait3A_249 = arith.constant 0 : i32
      %dma_wait3A_250 = tpu.memref_slice %arg2[%dma_wait3A_248, %dma_wait3A_249] : memref<10000x48xf32, #tpu.memory_space<hbm>> -> memref<10000x48xf32, #tpu.memory_space<hbm>>
      tpu.wait_indirect_dma semaphore(%arg37 : memref<!tpu.dma_semaphore, #tpu.memory_space<semaphore_mem>>) src(%dma_wait3A_250 : memref<10000x48xf32, #tpu.memory_space<hbm>>) dst(%arg29 : memref<128x48xf32, #tpu.memory_space<vmem>>)
      %dma_wait3A_251 = arith.constant 1 : i32
      %dma_wait3A_252 = arith.constant 0 : i32
      %dma_wait3A_253 = tpu.memref_slice %arg17[%dma_wait3A_251, %dma_wait3A_252] : memref<2x128xi32, #tpu.memory_space<vmem>> -> memref<1x128xi32, #tpu.memory_space<vmem>>
      %dma_wait3A_254 = tpu.memref_squeeze %dma_wait3A_253 : memref<1x128xi32, #tpu.memory_space<vmem>> -> memref<128xi32, #tpu.memory_space<vmem>>
      %dma_wait3A_255 = arith.constant 0 : i32
      %dma_wait3A_256 = arith.constant 0 : i32
      %dma_wait3A_257 = tpu.memref_slice %arg3[%dma_wait3A_255, %dma_wait3A_256] : memref<10000x32xf32, #tpu.memory_space<hbm>> -> memref<10000x32xf32, #tpu.memory_space<hbm>>
      tpu.wait_indirect_dma semaphore(%arg37 : memref<!tpu.dma_semaphore, #tpu.memory_space<semaphore_mem>>) src(%dma_wait3A_257 : memref<10000x32xf32, #tpu.memory_space<hbm>>) dst(%arg33 : memref<128x32xf32, #tpu.memory_space<vmem>>)
      %scan3A_258 = arith.constant 0 : i32
      %scan3A_259 = arith.constant 128 : i32
      %scan3A_260 = arith.addi %scan3A_258, %scan3A_259 : i32
      %scan3A_261 = arith.constant 2 : i32
      scf.for %scan3A_601 = %scan3A_258 to %scan3A_260 step %scan3A_261  : i32 {
        %mul3A_602 = arith.constant 1 : i32
        %mul3A_603 = arith.muli %scan3A_601, %mul3A_602 : i32
        %add3A_604 = arith.constant 0 : i32
        %add3A_605 = arith.addi %add3A_604, %mul3A_603 : i32
        %get3A = arith.index_cast %add3A_605 : i32 to index
        %get3A_606 = arith.constant 0 : index
        %get3A_607 = tpu.vector_load %arg25[%get3A, %get3A_606] {strides = array<i32>} : memref<128x16xf32, #tpu.memory_space<vmem>>, vector<1x16xf32>,
        %get3A_608 = vector.shape_cast %get3A_607 : vector<1x16xf32> to vector<16xf32>
        %get3A_609 = arith.index_cast %add3A_605 : i32 to index
        %get3A_610 = arith.constant 16 : index
        %get3A_611 = tpu.vector_load %arg33[%get3A_609, %get3A_610] {strides = array<i32>} : memref<128x32xf32, #tpu.memory_space<vmem>>, vector<1x16xf32>,
        %get3A_612 = vector.shape_cast %get3A_611 : vector<1x16xf32> to vector<16xf32>
        %add3A_613 = arith.addf %get3A_608, %get3A_612 : vector<16xf32>
        %mul3A_614 = arith.constant 2.000000e-01 : f32
        %mul3A_615 = vector.broadcast %mul3A_614 : f32 to vector<16xf32>
        %mul3A_616 = arith.mulf %mul3A_615, %add3A_613 : vector<16xf32>
        %max3A = arith.maximumf %add3A_613, %mul3A_616 : vector<16xf32>
        %exp3A = math.exp %max3A : vector<16xf32>
        %swap3A = arith.index_cast %add3A_605 : i32 to index
        %swap3A_617 = arith.constant 16 : index
        %swap3A_618 = tpu.vector_load %arg33[%swap3A, %swap3A_617] {strides = array<i32>} : memref<128x32xf32, #tpu.memory_space<vmem>>, vector<1x16xf32>,
        %swap3A_619 = vector.shape_cast %swap3A_618 : vector<1x16xf32> to vector<16xf32>
        %swap3A_620 = vector.shape_cast %exp3A : vector<16xf32> to vector<1x16xf32>
        tpu.vector_store %arg33[%swap3A, %swap3A_617], %swap3A_620 {strides = array<i32>} : memref<128x32xf32, #tpu.memory_space<vmem>>, vector<1x16xf32>,
        %broadcast_in_dim3A = arith.constant 0 : i32
        %broadcast_in_dim3A_621 = vector.broadcast %broadcast_in_dim3A : i32 to vector<16x1xi32>
        %gather3A = vector.shape_cast %broadcast_in_dim3A_621 : vector<16x1xi32> to vector<16xi32>
        %gather3A_622 = tpu.dynamic_gather %exp3A[%gather3A] in [0] : vector<16xf32>, vector<16xi32> -> vector<16xf32>
        %get3A_623 = arith.index_cast %add3A_605 : i32 to index
        %get3A_624 = arith.constant 0 : index
        %get3A_625 = tpu.vector_load %arg29[%get3A_623, %get3A_624] {strides = array<i32>} : memref<128x48xf32, #tpu.memory_space<vmem>>, vector<1x16xf32>,
        %get3A_626 = vector.shape_cast %get3A_625 : vector<1x16xf32> to vector<16xf32>
        %mul3A_627 = arith.mulf %get3A_626, %gather3A_622 : vector<16xf32>
        %swap3A_628 = arith.index_cast %add3A_605 : i32 to index
        %swap3A_629 = arith.constant 0 : index
        %swap3A_630 = tpu.vector_load %arg29[%swap3A_628, %swap3A_629] {strides = array<i32>} : memref<128x48xf32, #tpu.memory_space<vmem>>, vector<1x16xf32>,
        %swap3A_631 = vector.shape_cast %swap3A_630 : vector<1x16xf32> to vector<16xf32>
        %swap3A_632 = vector.shape_cast %mul3A_627 : vector<16xf32> to vector<1x16xf32>
        tpu.vector_store %arg29[%swap3A_628, %swap3A_629], %swap3A_632 {strides = array<i32>} : memref<128x48xf32, #tpu.memory_space<vmem>>, vector<1x16xf32>,
        %broadcast_in_dim3A_633 = arith.constant 1 : i32
        %broadcast_in_dim3A_634 = vector.broadcast %broadcast_in_dim3A_633 : i32 to vector<16x1xi32>
        %gather3A_635 = vector.shape_cast %broadcast_in_dim3A_634 : vector<16x1xi32> to vector<16xi32>
        %gather3A_636 = tpu.dynamic_gather %exp3A[%gather3A_635] in [0] : vector<16xf32>, vector<16xi32> -> vector<16xf32>
        %get3A_637 = arith.index_cast %add3A_605 : i32 to index
        %get3A_638 = arith.constant 16 : index
        %get3A_639 = tpu.vector_load %arg29[%get3A_637, %get3A_638] {strides = array<i32>} : memref<128x48xf32, #tpu.memory_space<vmem>>, vector<1x16xf32>,
        %get3A_640 = vector.shape_cast %get3A_639 : vector<1x16xf32> to vector<16xf32>
        %mul3A_641 = arith.mulf %get3A_640, %gather3A_636 : vector<16xf32>
        %swap3A_642 = arith.index_cast %add3A_605 : i32 to index
        %swap3A_643 = arith.constant 16 : index
        %swap3A_644 = tpu.vector_load %arg29[%swap3A_642, %swap3A_643] {strides = array<i32>} : memref<128x48xf32, #tpu.memory_space<vmem>>, vector<1x16xf32>,
        %swap3A_645 = vector.shape_cast %swap3A_644 : vector<1x16xf32> to vector<16xf32>
        %swap3A_646 = vector.shape_cast %mul3A_641 : vector<16xf32> to vector<1x16xf32>
        tpu.vector_store %arg29[%swap3A_642, %swap3A_643], %swap3A_646 {strides = array<i32>} : memref<128x48xf32, #tpu.memory_space<vmem>>, vector<1x16xf32>,
        %broadcast_in_dim3A_647 = arith.constant 2 : i32
        %broadcast_in_dim3A_648 = vector.broadcast %broadcast_in_dim3A_647 : i32 to vector<16x1xi32>
        %gather3A_649 = vector.shape_cast %broadcast_in_dim3A_648 : vector<16x1xi32> to vector<16xi32>
        %gather3A_650 = tpu.dynamic_gather %exp3A[%gather3A_649] in [0] : vector<16xf32>, vector<16xi32> -> vector<16xf32>
        %get3A_651 = arith.index_cast %add3A_605 : i32 to index
        %get3A_652 = arith.constant 32 : index
        %get3A_653 = tpu.vector_load %arg29[%get3A_651, %get3A_652] {strides = array<i32>} : memref<128x48xf32, #tpu.memory_space<vmem>>, vector<1x16xf32>,
        %get3A_654 = vector.shape_cast %get3A_653 : vector<1x16xf32> to vector<16xf32>
        %mul3A_655 = arith.mulf %get3A_654, %gather3A_650 : vector<16xf32>
        %swap3A_656 = arith.index_cast %add3A_605 : i32 to index
        %swap3A_657 = arith.constant 32 : index
        %swap3A_658 = tpu.vector_load %arg29[%swap3A_656, %swap3A_657] {strides = array<i32>} : memref<128x48xf32, #tpu.memory_space<vmem>>, vector<1x16xf32>,
        %swap3A_659 = vector.shape_cast %swap3A_658 : vector<1x16xf32> to vector<16xf32>
        %swap3A_660 = vector.shape_cast %mul3A_655 : vector<16xf32> to vector<1x16xf32>
        tpu.vector_store %arg29[%swap3A_656, %swap3A_657], %swap3A_660 {strides = array<i32>} : memref<128x48xf32, #tpu.memory_space<vmem>>, vector<1x16xf32>,
        %broadcast_in_dim3A_661 = arith.constant 3 : i32
        %broadcast_in_dim3A_662 = vector.broadcast %broadcast_in_dim3A_661 : i32 to vector<16x1xi32>
        %gather3A_663 = vector.shape_cast %broadcast_in_dim3A_662 : vector<16x1xi32> to vector<16xi32>
        %gather3A_664 = tpu.dynamic_gather %exp3A[%gather3A_663] in [0] : vector<16xf32>, vector<16xi32> -> vector<16xf32>
        %get3A_665 = arith.index_cast %add3A_605 : i32 to index
        %get3A_666 = arith.constant 0 : index
        %get3A_667 = tpu.vector_load %arg33[%get3A_665, %get3A_666] {strides = array<i32>} : memref<128x32xf32, #tpu.memory_space<vmem>>, vector<1x16xf32>,
        %get3A_668 = vector.shape_cast %get3A_667 : vector<1x16xf32> to vector<16xf32>
        %mul3A_669 = arith.mulf %get3A_668, %gather3A_664 : vector<16xf32>
        %swap3A_670 = arith.index_cast %add3A_605 : i32 to index
        %swap3A_671 = arith.constant 0 : index
        %swap3A_672 = tpu.vector_load %arg33[%swap3A_670, %swap3A_671] {strides = array<i32>} : memref<128x32xf32, #tpu.memory_space<vmem>>, vector<1x16xf32>,
        %swap3A_673 = vector.shape_cast %swap3A_672 : vector<1x16xf32> to vector<16xf32>
        %swap3A_674 = vector.shape_cast %mul3A_669 : vector<16xf32> to vector<1x16xf32>
        tpu.vector_store %arg33[%swap3A_670, %swap3A_671], %swap3A_674 {strides = array<i32>} : memref<128x32xf32, #tpu.memory_space<vmem>>, vector<1x16xf32>,
        %scan3A_675 = arith.constant 1 : i32
        %scan3A_676 = arith.addi %scan3A_601, %scan3A_675 : i32
        %mul3A_677 = arith.constant 1 : i32
        %mul3A_678 = arith.muli %scan3A_676, %mul3A_677 : i32
        %add3A_679 = arith.constant 0 : i32
        %add3A_680 = arith.addi %add3A_679, %mul3A_678 : i32
        %get3A_681 = arith.index_cast %add3A_680 : i32 to index
        %get3A_682 = arith.constant 0 : index
        %get3A_683 = tpu.vector_load %arg25[%get3A_681, %get3A_682] {strides = array<i32>} : memref<128x16xf32, #tpu.memory_space<vmem>>, vector<1x16xf32>,
        %get3A_684 = vector.shape_cast %get3A_683 : vector<1x16xf32> to vector<16xf32>
        %get3A_685 = arith.index_cast %add3A_680 : i32 to index
        %get3A_686 = arith.constant 16 : index
        %get3A_687 = tpu.vector_load %arg33[%get3A_685, %get3A_686] {strides = array<i32>} : memref<128x32xf32, #tpu.memory_space<vmem>>, vector<1x16xf32>,
        %get3A_688 = vector.shape_cast %get3A_687 : vector<1x16xf32> to vector<16xf32>
        %add3A_689 = arith.addf %get3A_684, %get3A_688 : vector<16xf32>
        %mul3A_690 = arith.constant 2.000000e-01 : f32
        %mul3A_691 = vector.broadcast %mul3A_690 : f32 to vector<16xf32>
        %mul3A_692 = arith.mulf %mul3A_691, %add3A_689 : vector<16xf32>
        %max3A_693 = arith.maximumf %add3A_689, %mul3A_692 : vector<16xf32>
        %exp3A_694 = math.exp %max3A_693 : vector<16xf32>
        %swap3A_695 = arith.index_cast %add3A_680 : i32 to index
        %swap3A_696 = arith.constant 16 : index
        %swap3A_697 = tpu.vector_load %arg33[%swap3A_695, %swap3A_696] {strides = array<i32>} : memref<128x32xf32, #tpu.memory_space<vmem>>, vector<1x16xf32>,
        %swap3A_698 = vector.shape_cast %swap3A_697 : vector<1x16xf32> to vector<16xf32>
        %swap3A_699 = vector.shape_cast %exp3A_694 : vector<16xf32> to vector<1x16xf32>
        tpu.vector_store %arg33[%swap3A_695, %swap3A_696], %swap3A_699 {strides = array<i32>} : memref<128x32xf32, #tpu.memory_space<vmem>>, vector<1x16xf32>,
        %broadcast_in_dim3A_700 = arith.constant 0 : i32
        %broadcast_in_dim3A_701 = vector.broadcast %broadcast_in_dim3A_700 : i32 to vector<16x1xi32>
        %gather3A_702 = vector.shape_cast %broadcast_in_dim3A_701 : vector<16x1xi32> to vector<16xi32>
        %gather3A_703 = tpu.dynamic_gather %exp3A_694[%gather3A_702] in [0] : vector<16xf32>, vector<16xi32> -> vector<16xf32>
        %get3A_704 = arith.index_cast %add3A_680 : i32 to index
        %get3A_705 = arith.constant 0 : index
        %get3A_706 = tpu.vector_load %arg29[%get3A_704, %get3A_705] {strides = array<i32>} : memref<128x48xf32, #tpu.memory_space<vmem>>, vector<1x16xf32>,
        %get3A_707 = vector.shape_cast %get3A_706 : vector<1x16xf32> to vector<16xf32>
        %mul3A_708 = arith.mulf %get3A_707, %gather3A_703 : vector<16xf32>
        %swap3A_709 = arith.index_cast %add3A_680 : i32 to index
        %swap3A_710 = arith.constant 0 : index
        %swap3A_711 = tpu.vector_load %arg29[%swap3A_709, %swap3A_710] {strides = array<i32>} : memref<128x48xf32, #tpu.memory_space<vmem>>, vector<1x16xf32>,
        %swap3A_712 = vector.shape_cast %swap3A_711 : vector<1x16xf32> to vector<16xf32>
        %swap3A_713 = vector.shape_cast %mul3A_708 : vector<16xf32> to vector<1x16xf32>
        tpu.vector_store %arg29[%swap3A_709, %swap3A_710], %swap3A_713 {strides = array<i32>} : memref<128x48xf32, #tpu.memory_space<vmem>>, vector<1x16xf32>,
        %broadcast_in_dim3A_714 = arith.constant 1 : i32
        %broadcast_in_dim3A_715 = vector.broadcast %broadcast_in_dim3A_714 : i32 to vector<16x1xi32>
        %gather3A_716 = vector.shape_cast %broadcast_in_dim3A_715 : vector<16x1xi32> to vector<16xi32>
        %gather3A_717 = tpu.dynamic_gather %exp3A_694[%gather3A_716] in [0] : vector<16xf32>, vector<16xi32> -> vector<16xf32>
        %get3A_718 = arith.index_cast %add3A_680 : i32 to index
        %get3A_719 = arith.constant 16 : index
        %get3A_720 = tpu.vector_load %arg29[%get3A_718, %get3A_719] {strides = array<i32>} : memref<128x48xf32, #tpu.memory_space<vmem>>, vector<1x16xf32>,
        %get3A_721 = vector.shape_cast %get3A_720 : vector<1x16xf32> to vector<16xf32>
        %mul3A_722 = arith.mulf %get3A_721, %gather3A_717 : vector<16xf32>
        %swap3A_723 = arith.index_cast %add3A_680 : i32 to index
        %swap3A_724 = arith.constant 16 : index
        %swap3A_725 = tpu.vector_load %arg29[%swap3A_723, %swap3A_724] {strides = array<i32>} : memref<128x48xf32, #tpu.memory_space<vmem>>, vector<1x16xf32>,
        %swap3A_726 = vector.shape_cast %swap3A_725 : vector<1x16xf32> to vector<16xf32>
        %swap3A_727 = vector.shape_cast %mul3A_722 : vector<16xf32> to vector<1x16xf32>
        tpu.vector_store %arg29[%swap3A_723, %swap3A_724], %swap3A_727 {strides = array<i32>} : memref<128x48xf32, #tpu.memory_space<vmem>>, vector<1x16xf32>,
        %broadcast_in_dim3A_728 = arith.constant 2 : i32
        %broadcast_in_dim3A_729 = vector.broadcast %broadcast_in_dim3A_728 : i32 to vector<16x1xi32>
        %gather3A_730 = vector.shape_cast %broadcast_in_dim3A_729 : vector<16x1xi32> to vector<16xi32>
        %gather3A_731 = tpu.dynamic_gather %exp3A_694[%gather3A_730] in [0] : vector<16xf32>, vector<16xi32> -> vector<16xf32>
        %get3A_732 = arith.index_cast %add3A_680 : i32 to index
        %get3A_733 = arith.constant 32 : index
        %get3A_734 = tpu.vector_load %arg29[%get3A_732, %get3A_733] {strides = array<i32>} : memref<128x48xf32, #tpu.memory_space<vmem>>, vector<1x16xf32>,
        %get3A_735 = vector.shape_cast %get3A_734 : vector<1x16xf32> to vector<16xf32>
        %mul3A_736 = arith.mulf %get3A_735, %gather3A_731 : vector<16xf32>
        %swap3A_737 = arith.index_cast %add3A_680 : i32 to index
        %swap3A_738 = arith.constant 32 : index
        %swap3A_739 = tpu.vector_load %arg29[%swap3A_737, %swap3A_738] {strides = array<i32>} : memref<128x48xf32, #tpu.memory_space<vmem>>, vector<1x16xf32>,
        %swap3A_740 = vector.shape_cast %swap3A_739 : vector<1x16xf32> to vector<16xf32>
        %swap3A_741 = vector.shape_cast %mul3A_736 : vector<16xf32> to vector<1x16xf32>
        tpu.vector_store %arg29[%swap3A_737, %swap3A_738], %swap3A_741 {strides = array<i32>} : memref<128x48xf32, #tpu.memory_space<vmem>>, vector<1x16xf32>,
        %broadcast_in_dim3A_742 = arith.constant 3 : i32
        %broadcast_in_dim3A_743 = vector.broadcast %broadcast_in_dim3A_742 : i32 to vector<16x1xi32>
        %gather3A_744 = vector.shape_cast %broadcast_in_dim3A_743 : vector<16x1xi32> to vector<16xi32>
        %gather3A_745 = tpu.dynamic_gather %exp3A_694[%gather3A_744] in [0] : vector<16xf32>, vector<16xi32> -> vector<16xf32>
        %get3A_746 = arith.index_cast %add3A_680 : i32 to index
        %get3A_747 = arith.constant 0 : index
        %get3A_748 = tpu.vector_load %arg33[%get3A_746, %get3A_747] {strides = array<i32>} : memref<128x32xf32, #tpu.memory_space<vmem>>, vector<1x16xf32>,
        %get3A_749 = vector.shape_cast %get3A_748 : vector<1x16xf32> to vector<16xf32>
        %mul3A_750 = arith.mulf %get3A_749, %gather3A_745 : vector<16xf32>
        %swap3A_751 = arith.index_cast %add3A_680 : i32 to index
        %swap3A_752 = arith.constant 0 : index
        %swap3A_753 = tpu.vector_load %arg33[%swap3A_751, %swap3A_752] {strides = array<i32>} : memref<128x32xf32, #tpu.memory_space<vmem>>, vector<1x16xf32>,
        %swap3A_754 = vector.shape_cast %swap3A_753 : vector<1x16xf32> to vector<16xf32>
        %swap3A_755 = vector.shape_cast %mul3A_750 : vector<16xf32> to vector<1x16xf32>
        tpu.vector_store %arg33[%swap3A_751, %swap3A_752], %swap3A_755 {strides = array<i32>} : memref<128x32xf32, #tpu.memory_space<vmem>>, vector<1x16xf32>,
      }
      %scan3A_262 = arith.constant 128 : i32
      %dma_start3A_263 = arith.constant 0 : i32
      %dma_start3A_264 = arith.constant 0 : i32
      %dma_start3A_265 = tpu.memref_slice %arg17[%dma_start3A_263, %dma_start3A_264] : memref<2x128xi32, #tpu.memory_space<vmem>> -> memref<1x128xi32, #tpu.memory_space<vmem>>
      %dma_start3A_266 = tpu.memref_squeeze %dma_start3A_265 : memref<1x128xi32, #tpu.memory_space<vmem>> -> memref<128xi32, #tpu.memory_space<vmem>>
      %dma_start3A_267 = arith.constant 0 : i32
      %dma_start3A_268 = arith.constant 0 : i32
      %dma_start3A_269 = tpu.memref_slice %arg13[%dma_start3A_267, %dma_start3A_268] : memref<10112x48xf32, #tpu.memory_space<vmem_shared>> -> memref<10112x48xf32, #tpu.memory_space<vmem_shared>>
      tpu.enqueue_indirect_dma source(%arg29 : memref<128x48xf32, #tpu.memory_space<vmem>>) target(%dma_start3A_269 : memref<10112x48xf32, #tpu.memory_space<vmem_shared>>) offsets(%dma_start3A_266 : memref<128xi32, #tpu.memory_space<vmem>>) semaphore(%arg41 : memref<!tpu.dma_semaphore, #tpu.memory_space<semaphore_mem>>) {add = true}
      %dma_start3A_270 = arith.constant 0 : i32
      %dma_start3A_271 = arith.constant 0 : i32
      %dma_start3A_272 = tpu.memref_slice %arg17[%dma_start3A_270, %dma_start3A_271] : memref<2x128xi32, #tpu.memory_space<vmem>> -> memref<1x128xi32, #tpu.memory_space<vmem>>
      %dma_start3A_273 = tpu.memref_squeeze %dma_start3A_272 : memref<1x128xi32, #tpu.memory_space<vmem>> -> memref<128xi32, #tpu.memory_space<vmem>>
      %dma_start3A_274 = arith.constant 0 : i32
      %dma_start3A_275 = arith.constant 0 : i32
      %dma_start3A_276 = tpu.memref_slice %arg14[%dma_start3A_274, %dma_start3A_275] : memref<10112x32xf32, #tpu.memory_space<vmem_shared>> -> memref<10112x32xf32, #tpu.memory_space<vmem_shared>>
      tpu.enqueue_indirect_dma source(%arg33 : memref<128x32xf32, #tpu.memory_space<vmem>>) target(%dma_start3A_276 : memref<10112x32xf32, #tpu.memory_space<vmem_shared>>) offsets(%dma_start3A_273 : memref<128xi32, #tpu.memory_space<vmem>>) semaphore(%arg41 : memref<!tpu.dma_semaphore, #tpu.memory_space<semaphore_mem>>) {add = true}
      %ge3A_277 = arith.constant 2 : i32
      %ge3A_278 = arith.cmpi sge, %add3A_236, %ge3A_277 : i32
      %convert_element_type3A_279 = arith.extui %ge3A_278 : i1 to i32
      %cond3A_280 = arith.constant 0 : i32
      %cond3A_281 = arith.cmpi ne, %convert_element_type3A_279, %cond3A_280 : i32
      scf.if %cond3A_281 {
        %dma_wait3A_601 = arith.constant 0 : i32
        %dma_wait3A_602 = arith.constant 0 : i32
        %dma_wait3A_603 = tpu.memref_slice %arg15[%dma_wait3A_601, %dma_wait3A_602] : memref<2x128xi32, #tpu.memory_space<vmem>> -> memref<1x128xi32, #tpu.memory_space<vmem>>
        %dma_wait3A_604 = tpu.memref_squeeze %dma_wait3A_603 : memref<1x128xi32, #tpu.memory_space<vmem>> -> memref<128xi32, #tpu.memory_space<vmem>>
        %dma_wait3A_605 = arith.constant 0 : i32
        %dma_wait3A_606 = arith.constant 0 : i32
        %dma_wait3A_607 = tpu.memref_slice %arg13[%dma_wait3A_605, %dma_wait3A_606] : memref<10112x48xf32, #tpu.memory_space<vmem_shared>> -> memref<10112x48xf32, #tpu.memory_space<vmem_shared>>
        tpu.wait_indirect_dma semaphore(%arg39 : memref<!tpu.dma_semaphore, #tpu.memory_space<semaphore_mem>>) src(%arg27 : memref<128x48xf32, #tpu.memory_space<vmem>>) dst(%dma_wait3A_607 : memref<10112x48xf32, #tpu.memory_space<vmem_shared>>)
        %dma_wait3A_608 = arith.constant 0 : i32
        %dma_wait3A_609 = arith.constant 0 : i32
        %dma_wait3A_610 = tpu.memref_slice %arg15[%dma_wait3A_608, %dma_wait3A_609] : memref<2x128xi32, #tpu.memory_space<vmem>> -> memref<1x128xi32, #tpu.memory_space<vmem>>
        %dma_wait3A_611 = tpu.memref_squeeze %dma_wait3A_610 : memref<1x128xi32, #tpu.memory_space<vmem>> -> memref<128xi32, #tpu.memory_space<vmem>>
        %dma_wait3A_612 = arith.constant 0 : i32
        %dma_wait3A_613 = arith.constant 0 : i32
        %dma_wait3A_614 = tpu.memref_slice %arg14[%dma_wait3A_612, %dma_wait3A_613] : memref<10112x32xf32, #tpu.memory_space<vmem_shared>> -> memref<10112x32xf32, #tpu.memory_space<vmem_shared>>
        tpu.wait_indirect_dma semaphore(%arg39 : memref<!tpu.dma_semaphore, #tpu.memory_space<semaphore_mem>>) src(%arg31 : memref<128x32xf32, #tpu.memory_space<vmem>>) dst(%dma_wait3A_614 : memref<10112x32xf32, #tpu.memory_space<vmem_shared>>)
      } else {
      }
      %add3A_282 = arith.constant 3 : i32
      %add3A_283 = arith.addi %add3A_236, %add3A_282 : i32
      %lt3A_284 = arith.constant 168 : i32
      %lt3A_285 = arith.cmpi slt, %add3A_283, %lt3A_284 : i32
      %convert_element_type3A_286 = arith.extui %lt3A_285 : i1 to i32
      %cond3A_287 = arith.constant 0 : i32
      %cond3A_288 = arith.cmpi ne, %convert_element_type3A_286, %cond3A_287 : i32
      scf.if %cond3A_288 {
        %add3A_601 = arith.constant 3 : i32
        %add3A_602 = arith.addi %add3A_236, %add3A_601 : i32
        %mul3A_603 = arith.constant 168 : i32
        %mul3A_604 = arith.muli %arg1, %mul3A_603 : i32
        %add3A_605 = arith.addi %mul3A_604, %add3A_602 : i32
        %dma_start3A_606 = arith.constant 0 : i32
        %dma_start3A_607 = arith.constant 0 : i32
        %dma_start3A_608 = tpu.memref_slice %arg8[%add3A_605, %dma_start3A_606, %dma_start3A_607] : memref<2688x2x128xi32, #tpu.memory_space<hbm>> -> memref<1x2x128xi32, #tpu.memory_space<hbm>>
        %dma_start3A_609 = tpu.memref_squeeze %dma_start3A_608 : memref<1x2x128xi32, #tpu.memory_space<hbm>> -> memref<2x128xi32, #tpu.memory_space<hbm>>
        %dma_start3A_610 = arith.constant 0 : i32
        %dma_start3A_611 = arith.constant 0 : i32
        %dma_start3A_612 = tpu.memref_slice %arg8[%add3A_605, %dma_start3A_610, %dma_start3A_611] : memref<2688x2x128xi32, #tpu.memory_space<hbm>> -> memref<1x2x128xi32, #tpu.memory_space<hbm>>
        %dma_start3A_613 = tpu.memref_squeeze %dma_start3A_612 : memref<1x2x128xi32, #tpu.memory_space<hbm>> -> memref<2x128xi32, #tpu.memory_space<hbm>>
        tpu.enqueue_dma source(%dma_start3A_613 : memref<2x128xi32, #tpu.memory_space<hbm>>) target(%arg20 : memref<2x128xi32, #tpu.memory_space<vmem>>) target_semaphore(%arg48 : memref<!tpu.dma_semaphore, #tpu.memory_space<semaphore_mem>>)
      } else {
      }
      %add3A_289 = arith.constant 2 : i32
      %add3A_290 = arith.addi %add3A_236, %add3A_289 : i32
      %lt3A_291 = arith.constant 168 : i32
      %lt3A_292 = arith.cmpi slt, %add3A_290, %lt3A_291 : i32
      %convert_element_type3A_293 = arith.extui %lt3A_292 : i1 to i32
      %cond3A_294 = arith.constant 0 : i32
      %cond3A_295 = arith.cmpi ne, %convert_element_type3A_293, %cond3A_294 : i32
      scf.if %cond3A_295 {
        %add3A_601 = arith.constant 2 : i32
        %add3A_602 = arith.addi %add3A_236, %add3A_601 : i32
        %mul3A_603 = arith.constant 168 : i32
        %mul3A_604 = arith.muli %arg1, %mul3A_603 : i32
        %add3A_605 = arith.addi %mul3A_604, %add3A_602 : i32
        %dma_wait3A_606 = arith.constant 0 : i32
        %dma_wait3A_607 = arith.constant 0 : i32
        %dma_wait3A_608 = tpu.memref_slice %arg8[%add3A_605, %dma_wait3A_606, %dma_wait3A_607] : memref<2688x2x128xi32, #tpu.memory_space<hbm>> -> memref<1x2x128xi32, #tpu.memory_space<hbm>>
        %dma_wait3A_609 = tpu.memref_squeeze %dma_wait3A_608 : memref<1x2x128xi32, #tpu.memory_space<hbm>> -> memref<2x128xi32, #tpu.memory_space<hbm>>
        %dma_wait3A_610 = arith.constant 0 : i32
        %dma_wait3A_611 = arith.constant 0 : i32
        %dma_wait3A_612 = tpu.memref_slice %arg8[%add3A_605, %dma_wait3A_610, %dma_wait3A_611] : memref<2688x2x128xi32, #tpu.memory_space<hbm>> -> memref<1x2x128xi32, #tpu.memory_space<hbm>>
        %dma_wait3A_613 = tpu.memref_squeeze %dma_wait3A_612 : memref<1x2x128xi32, #tpu.memory_space<hbm>> -> memref<2x128xi32, #tpu.memory_space<hbm>>
        tpu.wait_dma2 semaphore(%arg47 : memref<!tpu.dma_semaphore, #tpu.memory_space<semaphore_mem>>) src(%dma_wait3A_613 : memref<2x128xi32, #tpu.memory_space<hbm>>) dst(%arg19 : memref<2x128xi32, #tpu.memory_space<vmem>>)
        %eq3A_614 = arith.constant 0 : i32
        %eq3A_615 = arith.cmpi eq, %arg0, %eq3A_614 : i32
        %convert_element_type3A_616 = arith.extui %eq3A_615 : i1 to i32
        %cond3A_617 = arith.constant 0 : i32
        %cond3A_618 = arith.cmpi ne, %convert_element_type3A_616, %cond3A_617 : i32
        scf.if %cond3A_618 {
          %dma_start3A_624 = arith.constant 0 : i32
          %dma_start3A_625 = arith.constant 0 : i32
          %dma_start3A_626 = tpu.memref_slice %arg19[%dma_start3A_624, %dma_start3A_625] : memref<2x128xi32, #tpu.memory_space<vmem>> -> memref<1x128xi32, #tpu.memory_space<vmem>>
          %dma_start3A_627 = tpu.memref_squeeze %dma_start3A_626 : memref<1x128xi32, #tpu.memory_space<vmem>> -> memref<128xi32, #tpu.memory_space<vmem>>
          %dma_start3A_628 = arith.constant 0 : i32
          %dma_start3A_629 = arith.constant 0 : i32
          %dma_start3A_630 = tpu.memref_slice %arg6[%dma_start3A_628, %dma_start3A_629] : memref<10112x16xf32, #tpu.memory_space<hbm>> -> memref<10112x16xf32, #tpu.memory_space<hbm>>
          tpu.enqueue_indirect_dma source(%dma_start3A_630 : memref<10112x16xf32, #tpu.memory_space<hbm>>) target(%arg23 : memref<128x16xf32, #tpu.memory_space<vmem>>) offsets(%dma_start3A_627 : memref<128xi32, #tpu.memory_space<vmem>>) semaphore(%arg35 : memref<!tpu.dma_semaphore, #tpu.memory_space<semaphore_mem>>)
          %dma_start3A_631 = arith.constant 1 : i32
          %dma_start3A_632 = arith.constant 0 : i32
          %dma_start3A_633 = tpu.memref_slice %arg19[%dma_start3A_631, %dma_start3A_632] : memref<2x128xi32, #tpu.memory_space<vmem>> -> memref<1x128xi32, #tpu.memory_space<vmem>>
          %dma_start3A_634 = tpu.memref_squeeze %dma_start3A_633 : memref<1x128xi32, #tpu.memory_space<vmem>> -> memref<128xi32, #tpu.memory_space<vmem>>
          %dma_start3A_635 = arith.constant 0 : i32
          %dma_start3A_636 = arith.constant 0 : i32
          %dma_start3A_637 = tpu.memref_slice %arg2[%dma_start3A_635, %dma_start3A_636] : memref<10000x48xf32, #tpu.memory_space<hbm>> -> memref<10000x48xf32, #tpu.memory_space<hbm>>
          tpu.enqueue_indirect_dma source(%dma_start3A_637 : memref<10000x48xf32, #tpu.memory_space<hbm>>) target(%arg27 : memref<128x48xf32, #tpu.memory_space<vmem>>) offsets(%dma_start3A_634 : memref<128xi32, #tpu.memory_space<vmem>>) semaphore(%arg35 : memref<!tpu.dma_semaphore, #tpu.memory_space<semaphore_mem>>)
          %dma_start3A_638 = arith.constant 1 : i32
          %dma_start3A_639 = arith.constant 0 : i32
          %dma_start3A_640 = tpu.memref_slice %arg19[%dma_start3A_638, %dma_start3A_639] : memref<2x128xi32, #tpu.memory_space<vmem>> -> memref<1x128xi32, #tpu.memory_space<vmem>>
          %dma_start3A_641 = tpu.memref_squeeze %dma_start3A_640 : memref<1x128xi32, #tpu.memory_space<vmem>> -> memref<128xi32, #tpu.memory_space<vmem>>
          %dma_start3A_642 = arith.constant 0 : i32
          %dma_start3A_643 = arith.constant 0 : i32
          %dma_start3A_644 = tpu.memref_slice %arg3[%dma_start3A_642, %dma_start3A_643] : memref<10000x32xf32, #tpu.memory_space<hbm>> -> memref<10000x32xf32, #tpu.memory_space<hbm>>
          tpu.enqueue_indirect_dma source(%dma_start3A_644 : memref<10000x32xf32, #tpu.memory_space<hbm>>) target(%arg31 : memref<128x32xf32, #tpu.memory_space<vmem>>) offsets(%dma_start3A_641 : memref<128xi32, #tpu.memory_space<vmem>>) semaphore(%arg35 : memref<!tpu.dma_semaphore, #tpu.memory_space<semaphore_mem>>)
        } else {
        }
        %eq3A_619 = arith.constant 1 : i32
        %eq3A_620 = arith.cmpi eq, %arg0, %eq3A_619 : i32
        %convert_element_type3A_621 = arith.extui %eq3A_620 : i1 to i32
        %cond3A_622 = arith.constant 0 : i32
        %cond3A_623 = arith.cmpi ne, %convert_element_type3A_621, %cond3A_622 : i32
        scf.if %cond3A_623 {
          %dma_start3A_624 = arith.constant 0 : i32
          %dma_start3A_625 = arith.constant 0 : i32
          %dma_start3A_626 = tpu.memref_slice %arg19[%dma_start3A_624, %dma_start3A_625] : memref<2x128xi32, #tpu.memory_space<vmem>> -> memref<1x128xi32, #tpu.memory_space<vmem>>
          %dma_start3A_627 = tpu.memref_squeeze %dma_start3A_626 : memref<1x128xi32, #tpu.memory_space<vmem>> -> memref<128xi32, #tpu.memory_space<vmem>>
          %dma_start3A_628 = arith.constant 0 : i32
          %dma_start3A_629 = arith.constant 0 : i32
          %dma_start3A_630 = tpu.memref_slice %arg7[%dma_start3A_628, %dma_start3A_629] : memref<10112x16xf32, #tpu.memory_space<hbm>> -> memref<10112x16xf32, #tpu.memory_space<hbm>>
          tpu.enqueue_indirect_dma source(%dma_start3A_630 : memref<10112x16xf32, #tpu.memory_space<hbm>>) target(%arg23 : memref<128x16xf32, #tpu.memory_space<vmem>>) offsets(%dma_start3A_627 : memref<128xi32, #tpu.memory_space<vmem>>) semaphore(%arg35 : memref<!tpu.dma_semaphore, #tpu.memory_space<semaphore_mem>>)
          %dma_start3A_631 = arith.constant 1 : i32
          %dma_start3A_632 = arith.constant 0 : i32
          %dma_start3A_633 = tpu.memref_slice %arg19[%dma_start3A_631, %dma_start3A_632] : memref<2x128xi32, #tpu.memory_space<vmem>> -> memref<1x128xi32, #tpu.memory_space<vmem>>
          %dma_start3A_634 = tpu.memref_squeeze %dma_start3A_633 : memref<1x128xi32, #tpu.memory_space<vmem>> -> memref<128xi32, #tpu.memory_space<vmem>>
          %dma_start3A_635 = arith.constant 0 : i32
          %dma_start3A_636 = arith.constant 0 : i32
          %dma_start3A_637 = tpu.memref_slice %arg4[%dma_start3A_635, %dma_start3A_636] : memref<10000x48xf32, #tpu.memory_space<hbm>> -> memref<10000x48xf32, #tpu.memory_space<hbm>>
          tpu.enqueue_indirect_dma source(%dma_start3A_637 : memref<10000x48xf32, #tpu.memory_space<hbm>>) target(%arg27 : memref<128x48xf32, #tpu.memory_space<vmem>>) offsets(%dma_start3A_634 : memref<128xi32, #tpu.memory_space<vmem>>) semaphore(%arg35 : memref<!tpu.dma_semaphore, #tpu.memory_space<semaphore_mem>>)
          %dma_start3A_638 = arith.constant 1 : i32
          %dma_start3A_639 = arith.constant 0 : i32
          %dma_start3A_640 = tpu.memref_slice %arg19[%dma_start3A_638, %dma_start3A_639] : memref<2x128xi32, #tpu.memory_space<vmem>> -> memref<1x128xi32, #tpu.memory_space<vmem>>
          %dma_start3A_641 = tpu.memref_squeeze %dma_start3A_640 : memref<1x128xi32, #tpu.memory_space<vmem>> -> memref<128xi32, #tpu.memory_space<vmem>>
          %dma_start3A_642 = arith.constant 0 : i32
          %dma_start3A_643 = arith.constant 0 : i32
          %dma_start3A_644 = tpu.memref_slice %arg5[%dma_start3A_642, %dma_start3A_643] : memref<10000x32xf32, #tpu.memory_space<hbm>> -> memref<10000x32xf32, #tpu.memory_space<hbm>>
          tpu.enqueue_indirect_dma source(%dma_start3A_644 : memref<10000x32xf32, #tpu.memory_space<hbm>>) target(%arg31 : memref<128x32xf32, #tpu.memory_space<vmem>>) offsets(%dma_start3A_641 : memref<128xi32, #tpu.memory_space<vmem>>) semaphore(%arg35 : memref<!tpu.dma_semaphore, #tpu.memory_space<semaphore_mem>>)
        } else {
        }
      } else {
      }
      %add3A_296 = arith.constant 3 : i32
      %add3A_297 = arith.addi %add3A_114, %add3A_296 : i32
      %dma_wait3A_298 = arith.constant 0 : i32
      %dma_wait3A_299 = arith.constant 0 : i32
      %dma_wait3A_300 = tpu.memref_slice %arg18[%dma_wait3A_298, %dma_wait3A_299] : memref<2x128xi32, #tpu.memory_space<vmem>> -> memref<1x128xi32, #tpu.memory_space<vmem>>
      %dma_wait3A_301 = tpu.memref_squeeze %dma_wait3A_300 : memref<1x128xi32, #tpu.memory_space<vmem>> -> memref<128xi32, #tpu.memory_space<vmem>>
      %dma_wait3A_302 = arith.constant 0 : i32
      %dma_wait3A_303 = arith.constant 0 : i32
      %dma_wait3A_304 = tpu.memref_slice %arg6[%dma_wait3A_302, %dma_wait3A_303] : memref<10112x16xf32, #tpu.memory_space<hbm>> -> memref<10112x16xf32, #tpu.memory_space<hbm>>
      tpu.wait_indirect_dma semaphore(%arg38 : memref<!tpu.dma_semaphore, #tpu.memory_space<semaphore_mem>>) src(%dma_wait3A_304 : memref<10112x16xf32, #tpu.memory_space<hbm>>) dst(%arg26 : memref<128x16xf32, #tpu.memory_space<vmem>>)
      %dma_wait3A_305 = arith.constant 1 : i32
      %dma_wait3A_306 = arith.constant 0 : i32
      %dma_wait3A_307 = tpu.memref_slice %arg18[%dma_wait3A_305, %dma_wait3A_306] : memref<2x128xi32, #tpu.memory_space<vmem>> -> memref<1x128xi32, #tpu.memory_space<vmem>>
      %dma_wait3A_308 = tpu.memref_squeeze %dma_wait3A_307 : memref<1x128xi32, #tpu.memory_space<vmem>> -> memref<128xi32, #tpu.memory_space<vmem>>
      %dma_wait3A_309 = arith.constant 0 : i32
      %dma_wait3A_310 = arith.constant 0 : i32
      %dma_wait3A_311 = tpu.memref_slice %arg2[%dma_wait3A_309, %dma_wait3A_310] : memref<10000x48xf32, #tpu.memory_space<hbm>> -> memref<10000x48xf32, #tpu.memory_space<hbm>>
      tpu.wait_indirect_dma semaphore(%arg38 : memref<!tpu.dma_semaphore, #tpu.memory_space<semaphore_mem>>) src(%dma_wait3A_311 : memref<10000x48xf32, #tpu.memory_space<hbm>>) dst(%arg30 : memref<128x48xf32, #tpu.memory_space<vmem>>)
      %dma_wait3A_312 = arith.constant 1 : i32
      %dma_wait3A_313 = arith.constant 0 : i32
      %dma_wait3A_314 = tpu.memref_slice %arg18[%dma_wait3A_312, %dma_wait3A_313] : memref<2x128xi32, #tpu.memory_space<vmem>> -> memref<1x128xi32, #tpu.memory_space<vmem>>
      %dma_wait3A_315 = tpu.memref_squeeze %dma_wait3A_314 : memref<1x128xi32, #tpu.memory_space<vmem>> -> memref<128xi32, #tpu.memory_space<vmem>>
      %dma_wait3A_316 = arith.constant 0 : i32
      %dma_wait3A_317 = arith.constant 0 : i32
      %dma_wait3A_318 = tpu.memref_slice %arg3[%dma_wait3A_316, %dma_wait3A_317] : memref<10000x32xf32, #tpu.memory_space<hbm>> -> memref<10000x32xf32, #tpu.memory_space<hbm>>
      tpu.wait_indirect_dma semaphore(%arg38 : memref<!tpu.dma_semaphore, #tpu.memory_space<semaphore_mem>>) src(%dma_wait3A_318 : memref<10000x32xf32, #tpu.memory_space<hbm>>) dst(%arg34 : memref<128x32xf32, #tpu.memory_space<vmem>>)
      %scan3A_319 = arith.constant 0 : i32
      %scan3A_320 = arith.constant 128 : i32
      %scan3A_321 = arith.addi %scan3A_319, %scan3A_320 : i32
      %scan3A_322 = arith.constant 2 : i32
      scf.for %scan3A_601 = %scan3A_319 to %scan3A_321 step %scan3A_322  : i32 {
        %mul3A_602 = arith.constant 1 : i32
        %mul3A_603 = arith.muli %scan3A_601, %mul3A_602 : i32
        %add3A_604 = arith.constant 0 : i32
        %add3A_605 = arith.addi %add3A_604, %mul3A_603 : i32
        %get3A = arith.index_cast %add3A_605 : i32 to index
        %get3A_606 = arith.constant 0 : index
        %get3A_607 = tpu.vector_load %arg26[%get3A, %get3A_606] {strides = array<i32>} : memref<128x16xf32, #tpu.memory_space<vmem>>, vector<1x16xf32>,
        %get3A_608 = vector.shape_cast %get3A_607 : vector<1x16xf32> to vector<16xf32>
        %get3A_609 = arith.index_cast %add3A_605 : i32 to index
        %get3A_610 = arith.constant 16 : index
        %get3A_611 = tpu.vector_load %arg34[%get3A_609, %get3A_610] {strides = array<i32>} : memref<128x32xf32, #tpu.memory_space<vmem>>, vector<1x16xf32>,
        %get3A_612 = vector.shape_cast %get3A_611 : vector<1x16xf32> to vector<16xf32>
        %add3A_613 = arith.addf %get3A_608, %get3A_612 : vector<16xf32>
        %mul3A_614 = arith.constant 2.000000e-01 : f32
        %mul3A_615 = vector.broadcast %mul3A_614 : f32 to vector<16xf32>
        %mul3A_616 = arith.mulf %mul3A_615, %add3A_613 : vector<16xf32>
        %max3A = arith.maximumf %add3A_613, %mul3A_616 : vector<16xf32>
        %exp3A = math.exp %max3A : vector<16xf32>
        %swap3A = arith.index_cast %add3A_605 : i32 to index
        %swap3A_617 = arith.constant 16 : index
        %swap3A_618 = tpu.vector_load %arg34[%swap3A, %swap3A_617] {strides = array<i32>} : memref<128x32xf32, #tpu.memory_space<vmem>>, vector<1x16xf32>,
        %swap3A_619 = vector.shape_cast %swap3A_618 : vector<1x16xf32> to vector<16xf32>
        %swap3A_620 = vector.shape_cast %exp3A : vector<16xf32> to vector<1x16xf32>
        tpu.vector_store %arg34[%swap3A, %swap3A_617], %swap3A_620 {strides = array<i32>} : memref<128x32xf32, #tpu.memory_space<vmem>>, vector<1x16xf32>,
        %broadcast_in_dim3A = arith.constant 0 : i32
        %broadcast_in_dim3A_621 = vector.broadcast %broadcast_in_dim3A : i32 to vector<16x1xi32>
        %gather3A = vector.shape_cast %broadcast_in_dim3A_621 : vector<16x1xi32> to vector<16xi32>
        %gather3A_622 = tpu.dynamic_gather %exp3A[%gather3A] in [0] : vector<16xf32>, vector<16xi32> -> vector<16xf32>
        %get3A_623 = arith.index_cast %add3A_605 : i32 to index
        %get3A_624 = arith.constant 0 : index
        %get3A_625 = tpu.vector_load %arg30[%get3A_623, %get3A_624] {strides = array<i32>} : memref<128x48xf32, #tpu.memory_space<vmem>>, vector<1x16xf32>,
        %get3A_626 = vector.shape_cast %get3A_625 : vector<1x16xf32> to vector<16xf32>
        %mul3A_627 = arith.mulf %get3A_626, %gather3A_622 : vector<16xf32>
        %swap3A_628 = arith.index_cast %add3A_605 : i32 to index
        %swap3A_629 = arith.constant 0 : index
        %swap3A_630 = tpu.vector_load %arg30[%swap3A_628, %swap3A_629] {strides = array<i32>} : memref<128x48xf32, #tpu.memory_space<vmem>>, vector<1x16xf32>,
        %swap3A_631 = vector.shape_cast %swap3A_630 : vector<1x16xf32> to vector<16xf32>
        %swap3A_632 = vector.shape_cast %mul3A_627 : vector<16xf32> to vector<1x16xf32>
        tpu.vector_store %arg30[%swap3A_628, %swap3A_629], %swap3A_632 {strides = array<i32>} : memref<128x48xf32, #tpu.memory_space<vmem>>, vector<1x16xf32>,
        %broadcast_in_dim3A_633 = arith.constant 1 : i32
        %broadcast_in_dim3A_634 = vector.broadcast %broadcast_in_dim3A_633 : i32 to vector<16x1xi32>
        %gather3A_635 = vector.shape_cast %broadcast_in_dim3A_634 : vector<16x1xi32> to vector<16xi32>
        %gather3A_636 = tpu.dynamic_gather %exp3A[%gather3A_635] in [0] : vector<16xf32>, vector<16xi32> -> vector<16xf32>
        %get3A_637 = arith.index_cast %add3A_605 : i32 to index
        %get3A_638 = arith.constant 16 : index
        %get3A_639 = tpu.vector_load %arg30[%get3A_637, %get3A_638] {strides = array<i32>} : memref<128x48xf32, #tpu.memory_space<vmem>>, vector<1x16xf32>,
        %get3A_640 = vector.shape_cast %get3A_639 : vector<1x16xf32> to vector<16xf32>
        %mul3A_641 = arith.mulf %get3A_640, %gather3A_636 : vector<16xf32>
        %swap3A_642 = arith.index_cast %add3A_605 : i32 to index
        %swap3A_643 = arith.constant 16 : index
        %swap3A_644 = tpu.vector_load %arg30[%swap3A_642, %swap3A_643] {strides = array<i32>} : memref<128x48xf32, #tpu.memory_space<vmem>>, vector<1x16xf32>,
        %swap3A_645 = vector.shape_cast %swap3A_644 : vector<1x16xf32> to vector<16xf32>
        %swap3A_646 = vector.shape_cast %mul3A_641 : vector<16xf32> to vector<1x16xf32>
        tpu.vector_store %arg30[%swap3A_642, %swap3A_643], %swap3A_646 {strides = array<i32>} : memref<128x48xf32, #tpu.memory_space<vmem>>, vector<1x16xf32>,
        %broadcast_in_dim3A_647 = arith.constant 2 : i32
        %broadcast_in_dim3A_648 = vector.broadcast %broadcast_in_dim3A_647 : i32 to vector<16x1xi32>
        %gather3A_649 = vector.shape_cast %broadcast_in_dim3A_648 : vector<16x1xi32> to vector<16xi32>
        %gather3A_650 = tpu.dynamic_gather %exp3A[%gather3A_649] in [0] : vector<16xf32>, vector<16xi32> -> vector<16xf32>
        %get3A_651 = arith.index_cast %add3A_605 : i32 to index
        %get3A_652 = arith.constant 32 : index
        %get3A_653 = tpu.vector_load %arg30[%get3A_651, %get3A_652] {strides = array<i32>} : memref<128x48xf32, #tpu.memory_space<vmem>>, vector<1x16xf32>,
        %get3A_654 = vector.shape_cast %get3A_653 : vector<1x16xf32> to vector<16xf32>
        %mul3A_655 = arith.mulf %get3A_654, %gather3A_650 : vector<16xf32>
        %swap3A_656 = arith.index_cast %add3A_605 : i32 to index
        %swap3A_657 = arith.constant 32 : index
        %swap3A_658 = tpu.vector_load %arg30[%swap3A_656, %swap3A_657] {strides = array<i32>} : memref<128x48xf32, #tpu.memory_space<vmem>>, vector<1x16xf32>,
        %swap3A_659 = vector.shape_cast %swap3A_658 : vector<1x16xf32> to vector<16xf32>
        %swap3A_660 = vector.shape_cast %mul3A_655 : vector<16xf32> to vector<1x16xf32>
        tpu.vector_store %arg30[%swap3A_656, %swap3A_657], %swap3A_660 {strides = array<i32>} : memref<128x48xf32, #tpu.memory_space<vmem>>, vector<1x16xf32>,
        %broadcast_in_dim3A_661 = arith.constant 3 : i32
        %broadcast_in_dim3A_662 = vector.broadcast %broadcast_in_dim3A_661 : i32 to vector<16x1xi32>
        %gather3A_663 = vector.shape_cast %broadcast_in_dim3A_662 : vector<16x1xi32> to vector<16xi32>
        %gather3A_664 = tpu.dynamic_gather %exp3A[%gather3A_663] in [0] : vector<16xf32>, vector<16xi32> -> vector<16xf32>
        %get3A_665 = arith.index_cast %add3A_605 : i32 to index
        %get3A_666 = arith.constant 0 : index
        %get3A_667 = tpu.vector_load %arg34[%get3A_665, %get3A_666] {strides = array<i32>} : memref<128x32xf32, #tpu.memory_space<vmem>>, vector<1x16xf32>,
        %get3A_668 = vector.shape_cast %get3A_667 : vector<1x16xf32> to vector<16xf32>
        %mul3A_669 = arith.mulf %get3A_668, %gather3A_664 : vector<16xf32>
        %swap3A_670 = arith.index_cast %add3A_605 : i32 to index
        %swap3A_671 = arith.constant 0 : index
        %swap3A_672 = tpu.vector_load %arg34[%swap3A_670, %swap3A_671] {strides = array<i32>} : memref<128x32xf32, #tpu.memory_space<vmem>>, vector<1x16xf32>,
        %swap3A_673 = vector.shape_cast %swap3A_672 : vector<1x16xf32> to vector<16xf32>
        %swap3A_674 = vector.shape_cast %mul3A_669 : vector<16xf32> to vector<1x16xf32>
        tpu.vector_store %arg34[%swap3A_670, %swap3A_671], %swap3A_674 {strides = array<i32>} : memref<128x32xf32, #tpu.memory_space<vmem>>, vector<1x16xf32>,
        %scan3A_675 = arith.constant 1 : i32
        %scan3A_676 = arith.addi %scan3A_601, %scan3A_675 : i32
        %mul3A_677 = arith.constant 1 : i32
        %mul3A_678 = arith.muli %scan3A_676, %mul3A_677 : i32
        %add3A_679 = arith.constant 0 : i32
        %add3A_680 = arith.addi %add3A_679, %mul3A_678 : i32
        %get3A_681 = arith.index_cast %add3A_680 : i32 to index
        %get3A_682 = arith.constant 0 : index
        %get3A_683 = tpu.vector_load %arg26[%get3A_681, %get3A_682] {strides = array<i32>} : memref<128x16xf32, #tpu.memory_space<vmem>>, vector<1x16xf32>,
        %get3A_684 = vector.shape_cast %get3A_683 : vector<1x16xf32> to vector<16xf32>
        %get3A_685 = arith.index_cast %add3A_680 : i32 to index
        %get3A_686 = arith.constant 16 : index
        %get3A_687 = tpu.vector_load %arg34[%get3A_685, %get3A_686] {strides = array<i32>} : memref<128x32xf32, #tpu.memory_space<vmem>>, vector<1x16xf32>,
        %get3A_688 = vector.shape_cast %get3A_687 : vector<1x16xf32> to vector<16xf32>
        %add3A_689 = arith.addf %get3A_684, %get3A_688 : vector<16xf32>
        %mul3A_690 = arith.constant 2.000000e-01 : f32
        %mul3A_691 = vector.broadcast %mul3A_690 : f32 to vector<16xf32>
        %mul3A_692 = arith.mulf %mul3A_691, %add3A_689 : vector<16xf32>
        %max3A_693 = arith.maximumf %add3A_689, %mul3A_692 : vector<16xf32>
        %exp3A_694 = math.exp %max3A_693 : vector<16xf32>
        %swap3A_695 = arith.index_cast %add3A_680 : i32 to index
        %swap3A_696 = arith.constant 16 : index
        %swap3A_697 = tpu.vector_load %arg34[%swap3A_695, %swap3A_696] {strides = array<i32>} : memref<128x32xf32, #tpu.memory_space<vmem>>, vector<1x16xf32>,
        %swap3A_698 = vector.shape_cast %swap3A_697 : vector<1x16xf32> to vector<16xf32>
        %swap3A_699 = vector.shape_cast %exp3A_694 : vector<16xf32> to vector<1x16xf32>
        tpu.vector_store %arg34[%swap3A_695, %swap3A_696], %swap3A_699 {strides = array<i32>} : memref<128x32xf32, #tpu.memory_space<vmem>>, vector<1x16xf32>,
        %broadcast_in_dim3A_700 = arith.constant 0 : i32
        %broadcast_in_dim3A_701 = vector.broadcast %broadcast_in_dim3A_700 : i32 to vector<16x1xi32>
        %gather3A_702 = vector.shape_cast %broadcast_in_dim3A_701 : vector<16x1xi32> to vector<16xi32>
        %gather3A_703 = tpu.dynamic_gather %exp3A_694[%gather3A_702] in [0] : vector<16xf32>, vector<16xi32> -> vector<16xf32>
        %get3A_704 = arith.index_cast %add3A_680 : i32 to index
        %get3A_705 = arith.constant 0 : index
        %get3A_706 = tpu.vector_load %arg30[%get3A_704, %get3A_705] {strides = array<i32>} : memref<128x48xf32, #tpu.memory_space<vmem>>, vector<1x16xf32>,
        %get3A_707 = vector.shape_cast %get3A_706 : vector<1x16xf32> to vector<16xf32>
        %mul3A_708 = arith.mulf %get3A_707, %gather3A_703 : vector<16xf32>
        %swap3A_709 = arith.index_cast %add3A_680 : i32 to index
        %swap3A_710 = arith.constant 0 : index
        %swap3A_711 = tpu.vector_load %arg30[%swap3A_709, %swap3A_710] {strides = array<i32>} : memref<128x48xf32, #tpu.memory_space<vmem>>, vector<1x16xf32>,
        %swap3A_712 = vector.shape_cast %swap3A_711 : vector<1x16xf32> to vector<16xf32>
        %swap3A_713 = vector.shape_cast %mul3A_708 : vector<16xf32> to vector<1x16xf32>
        tpu.vector_store %arg30[%swap3A_709, %swap3A_710], %swap3A_713 {strides = array<i32>} : memref<128x48xf32, #tpu.memory_space<vmem>>, vector<1x16xf32>,
        %broadcast_in_dim3A_714 = arith.constant 1 : i32
        %broadcast_in_dim3A_715 = vector.broadcast %broadcast_in_dim3A_714 : i32 to vector<16x1xi32>
        %gather3A_716 = vector.shape_cast %broadcast_in_dim3A_715 : vector<16x1xi32> to vector<16xi32>
        %gather3A_717 = tpu.dynamic_gather %exp3A_694[%gather3A_716] in [0] : vector<16xf32>, vector<16xi32> -> vector<16xf32>
        %get3A_718 = arith.index_cast %add3A_680 : i32 to index
        %get3A_719 = arith.constant 16 : index
        %get3A_720 = tpu.vector_load %arg30[%get3A_718, %get3A_719] {strides = array<i32>} : memref<128x48xf32, #tpu.memory_space<vmem>>, vector<1x16xf32>,
        %get3A_721 = vector.shape_cast %get3A_720 : vector<1x16xf32> to vector<16xf32>
        %mul3A_722 = arith.mulf %get3A_721, %gather3A_717 : vector<16xf32>
        %swap3A_723 = arith.index_cast %add3A_680 : i32 to index
        %swap3A_724 = arith.constant 16 : index
        %swap3A_725 = tpu.vector_load %arg30[%swap3A_723, %swap3A_724] {strides = array<i32>} : memref<128x48xf32, #tpu.memory_space<vmem>>, vector<1x16xf32>,
        %swap3A_726 = vector.shape_cast %swap3A_725 : vector<1x16xf32> to vector<16xf32>
        %swap3A_727 = vector.shape_cast %mul3A_722 : vector<16xf32> to vector<1x16xf32>
        tpu.vector_store %arg30[%swap3A_723, %swap3A_724], %swap3A_727 {strides = array<i32>} : memref<128x48xf32, #tpu.memory_space<vmem>>, vector<1x16xf32>,
        %broadcast_in_dim3A_728 = arith.constant 2 : i32
        %broadcast_in_dim3A_729 = vector.broadcast %broadcast_in_dim3A_728 : i32 to vector<16x1xi32>
        %gather3A_730 = vector.shape_cast %broadcast_in_dim3A_729 : vector<16x1xi32> to vector<16xi32>
        %gather3A_731 = tpu.dynamic_gather %exp3A_694[%gather3A_730] in [0] : vector<16xf32>, vector<16xi32> -> vector<16xf32>
        %get3A_732 = arith.index_cast %add3A_680 : i32 to index
        %get3A_733 = arith.constant 32 : index
        %get3A_734 = tpu.vector_load %arg30[%get3A_732, %get3A_733] {strides = array<i32>} : memref<128x48xf32, #tpu.memory_space<vmem>>, vector<1x16xf32>,
        %get3A_735 = vector.shape_cast %get3A_734 : vector<1x16xf32> to vector<16xf32>
        %mul3A_736 = arith.mulf %get3A_735, %gather3A_731 : vector<16xf32>
        %swap3A_737 = arith.index_cast %add3A_680 : i32 to index
        %swap3A_738 = arith.constant 32 : index
        %swap3A_739 = tpu.vector_load %arg30[%swap3A_737, %swap3A_738] {strides = array<i32>} : memref<128x48xf32, #tpu.memory_space<vmem>>, vector<1x16xf32>,
        %swap3A_740 = vector.shape_cast %swap3A_739 : vector<1x16xf32> to vector<16xf32>
        %swap3A_741 = vector.shape_cast %mul3A_736 : vector<16xf32> to vector<1x16xf32>
        tpu.vector_store %arg30[%swap3A_737, %swap3A_738], %swap3A_741 {strides = array<i32>} : memref<128x48xf32, #tpu.memory_space<vmem>>, vector<1x16xf32>,
        %broadcast_in_dim3A_742 = arith.constant 3 : i32
        %broadcast_in_dim3A_743 = vector.broadcast %broadcast_in_dim3A_742 : i32 to vector<16x1xi32>
        %gather3A_744 = vector.shape_cast %broadcast_in_dim3A_743 : vector<16x1xi32> to vector<16xi32>
        %gather3A_745 = tpu.dynamic_gather %exp3A_694[%gather3A_744] in [0] : vector<16xf32>, vector<16xi32> -> vector<16xf32>
        %get3A_746 = arith.index_cast %add3A_680 : i32 to index
        %get3A_747 = arith.constant 0 : index
        %get3A_748 = tpu.vector_load %arg34[%get3A_746, %get3A_747] {strides = array<i32>} : memref<128x32xf32, #tpu.memory_space<vmem>>, vector<1x16xf32>,
        %get3A_749 = vector.shape_cast %get3A_748 : vector<1x16xf32> to vector<16xf32>
        %mul3A_750 = arith.mulf %get3A_749, %gather3A_745 : vector<16xf32>
        %swap3A_751 = arith.index_cast %add3A_680 : i32 to index
        %swap3A_752 = arith.constant 0 : index
        %swap3A_753 = tpu.vector_load %arg34[%swap3A_751, %swap3A_752] {strides = array<i32>} : memref<128x32xf32, #tpu.memory_space<vmem>>, vector<1x16xf32>,
        %swap3A_754 = vector.shape_cast %swap3A_753 : vector<1x16xf32> to vector<16xf32>
        %swap3A_755 = vector.shape_cast %mul3A_750 : vector<16xf32> to vector<1x16xf32>
        tpu.vector_store %arg34[%swap3A_751, %swap3A_752], %swap3A_755 {strides = array<i32>} : memref<128x32xf32, #tpu.memory_space<vmem>>, vector<1x16xf32>,
      }
      %scan3A_323 = arith.constant 128 : i32
      %dma_start3A_324 = arith.constant 0 : i32
      %dma_start3A_325 = arith.constant 0 : i32
      %dma_start3A_326 = tpu.memref_slice %arg18[%dma_start3A_324, %dma_start3A_325] : memref<2x128xi32, #tpu.memory_space<vmem>> -> memref<1x128xi32, #tpu.memory_space<vmem>>
      %dma_start3A_327 = tpu.memref_squeeze %dma_start3A_326 : memref<1x128xi32, #tpu.memory_space<vmem>> -> memref<128xi32, #tpu.memory_space<vmem>>
      %dma_start3A_328 = arith.constant 0 : i32
      %dma_start3A_329 = arith.constant 0 : i32
      %dma_start3A_330 = tpu.memref_slice %arg13[%dma_start3A_328, %dma_start3A_329] : memref<10112x48xf32, #tpu.memory_space<vmem_shared>> -> memref<10112x48xf32, #tpu.memory_space<vmem_shared>>
      tpu.enqueue_indirect_dma source(%arg30 : memref<128x48xf32, #tpu.memory_space<vmem>>) target(%dma_start3A_330 : memref<10112x48xf32, #tpu.memory_space<vmem_shared>>) offsets(%dma_start3A_327 : memref<128xi32, #tpu.memory_space<vmem>>) semaphore(%arg42 : memref<!tpu.dma_semaphore, #tpu.memory_space<semaphore_mem>>) {add = true}
      %dma_start3A_331 = arith.constant 0 : i32
      %dma_start3A_332 = arith.constant 0 : i32
      %dma_start3A_333 = tpu.memref_slice %arg18[%dma_start3A_331, %dma_start3A_332] : memref<2x128xi32, #tpu.memory_space<vmem>> -> memref<1x128xi32, #tpu.memory_space<vmem>>
      %dma_start3A_334 = tpu.memref_squeeze %dma_start3A_333 : memref<1x128xi32, #tpu.memory_space<vmem>> -> memref<128xi32, #tpu.memory_space<vmem>>
      %dma_start3A_335 = arith.constant 0 : i32
      %dma_start3A_336 = arith.constant 0 : i32
      %dma_start3A_337 = tpu.memref_slice %arg14[%dma_start3A_335, %dma_start3A_336] : memref<10112x32xf32, #tpu.memory_space<vmem_shared>> -> memref<10112x32xf32, #tpu.memory_space<vmem_shared>>
      tpu.enqueue_indirect_dma source(%arg34 : memref<128x32xf32, #tpu.memory_space<vmem>>) target(%dma_start3A_337 : memref<10112x32xf32, #tpu.memory_space<vmem_shared>>) offsets(%dma_start3A_334 : memref<128xi32, #tpu.memory_space<vmem>>) semaphore(%arg42 : memref<!tpu.dma_semaphore, #tpu.memory_space<semaphore_mem>>) {add = true}
      %ge3A_338 = arith.constant 2 : i32
      %ge3A_339 = arith.cmpi sge, %add3A_297, %ge3A_338 : i32
      %convert_element_type3A_340 = arith.extui %ge3A_339 : i1 to i32
      %cond3A_341 = arith.constant 0 : i32
      %cond3A_342 = arith.cmpi ne, %convert_element_type3A_340, %cond3A_341 : i32
      scf.if %cond3A_342 {
        %dma_wait3A_601 = arith.constant 0 : i32
        %dma_wait3A_602 = arith.constant 0 : i32
        %dma_wait3A_603 = tpu.memref_slice %arg16[%dma_wait3A_601, %dma_wait3A_602] : memref<2x128xi32, #tpu.memory_space<vmem>> -> memref<1x128xi32, #tpu.memory_space<vmem>>
        %dma_wait3A_604 = tpu.memref_squeeze %dma_wait3A_603 : memref<1x128xi32, #tpu.memory_space<vmem>> -> memref<128xi32, #tpu.memory_space<vmem>>
        %dma_wait3A_605 = arith.constant 0 : i32
        %dma_wait3A_606 = arith.constant 0 : i32
        %dma_wait3A_607 = tpu.memref_slice %arg13[%dma_wait3A_605, %dma_wait3A_606] : memref<10112x48xf32, #tpu.memory_space<vmem_shared>> -> memref<10112x48xf32, #tpu.memory_space<vmem_shared>>
        tpu.wait_indirect_dma semaphore(%arg40 : memref<!tpu.dma_semaphore, #tpu.memory_space<semaphore_mem>>) src(%arg28 : memref<128x48xf32, #tpu.memory_space<vmem>>) dst(%dma_wait3A_607 : memref<10112x48xf32, #tpu.memory_space<vmem_shared>>)
        %dma_wait3A_608 = arith.constant 0 : i32
        %dma_wait3A_609 = arith.constant 0 : i32
        %dma_wait3A_610 = tpu.memref_slice %arg16[%dma_wait3A_608, %dma_wait3A_609] : memref<2x128xi32, #tpu.memory_space<vmem>> -> memref<1x128xi32, #tpu.memory_space<vmem>>
        %dma_wait3A_611 = tpu.memref_squeeze %dma_wait3A_610 : memref<1x128xi32, #tpu.memory_space<vmem>> -> memref<128xi32, #tpu.memory_space<vmem>>
        %dma_wait3A_612 = arith.constant 0 : i32
        %dma_wait3A_613 = arith.constant 0 : i32
        %dma_wait3A_614 = tpu.memref_slice %arg14[%dma_wait3A_612, %dma_wait3A_613] : memref<10112x32xf32, #tpu.memory_space<vmem_shared>> -> memref<10112x32xf32, #tpu.memory_space<vmem_shared>>
        tpu.wait_indirect_dma semaphore(%arg40 : memref<!tpu.dma_semaphore, #tpu.memory_space<semaphore_mem>>) src(%arg32 : memref<128x32xf32, #tpu.memory_space<vmem>>) dst(%dma_wait3A_614 : memref<10112x32xf32, #tpu.memory_space<vmem_shared>>)
      } else {
      }
      %add3A_343 = arith.constant 3 : i32
      %add3A_344 = arith.addi %add3A_297, %add3A_343 : i32
      %lt3A_345 = arith.constant 168 : i32
      %lt3A_346 = arith.cmpi slt, %add3A_344, %lt3A_345 : i32
      %convert_element_type3A_347 = arith.extui %lt3A_346 : i1 to i32
      %cond3A_348 = arith.constant 0 : i32
      %cond3A_349 = arith.cmpi ne, %convert_element_type3A_347, %cond3A_348 : i32
      scf.if %cond3A_349 {
        %add3A_601 = arith.constant 3 : i32
        %add3A_602 = arith.addi %add3A_297, %add3A_601 : i32
        %mul3A_603 = arith.constant 168 : i32
        %mul3A_604 = arith.muli %arg1, %mul3A_603 : i32
        %add3A_605 = arith.addi %mul3A_604, %add3A_602 : i32
        %dma_start3A_606 = arith.constant 0 : i32
        %dma_start3A_607 = arith.constant 0 : i32
        %dma_start3A_608 = tpu.memref_slice %arg8[%add3A_605, %dma_start3A_606, %dma_start3A_607] : memref<2688x2x128xi32, #tpu.memory_space<hbm>> -> memref<1x2x128xi32, #tpu.memory_space<hbm>>
        %dma_start3A_609 = tpu.memref_squeeze %dma_start3A_608 : memref<1x2x128xi32, #tpu.memory_space<hbm>> -> memref<2x128xi32, #tpu.memory_space<hbm>>
        %dma_start3A_610 = arith.constant 0 : i32
        %dma_start3A_611 = arith.constant 0 : i32
        %dma_start3A_612 = tpu.memref_slice %arg8[%add3A_605, %dma_start3A_610, %dma_start3A_611] : memref<2688x2x128xi32, #tpu.memory_space<hbm>> -> memref<1x2x128xi32, #tpu.memory_space<hbm>>
        %dma_start3A_613 = tpu.memref_squeeze %dma_start3A_612 : memref<1x2x128xi32, #tpu.memory_space<hbm>> -> memref<2x128xi32, #tpu.memory_space<hbm>>
        tpu.enqueue_dma source(%dma_start3A_613 : memref<2x128xi32, #tpu.memory_space<hbm>>) target(%arg21 : memref<2x128xi32, #tpu.memory_space<vmem>>) target_semaphore(%arg49 : memref<!tpu.dma_semaphore, #tpu.memory_space<semaphore_mem>>)
      } else {
      }
      %add3A_350 = arith.constant 2 : i32
      %add3A_351 = arith.addi %add3A_297, %add3A_350 : i32
      %lt3A_352 = arith.constant 168 : i32
      %lt3A_353 = arith.cmpi slt, %add3A_351, %lt3A_352 : i32
      %convert_element_type3A_354 = arith.extui %lt3A_353 : i1 to i32
      %cond3A_355 = arith.constant 0 : i32
      %cond3A_356 = arith.cmpi ne, %convert_element_type3A_354, %cond3A_355 : i32
      scf.if %cond3A_356 {
        %add3A_601 = arith.constant 2 : i32
        %add3A_602 = arith.addi %add3A_297, %add3A_601 : i32
        %mul3A_603 = arith.constant 168 : i32
        %mul3A_604 = arith.muli %arg1, %mul3A_603 : i32
        %add3A_605 = arith.addi %mul3A_604, %add3A_602 : i32
        %dma_wait3A_606 = arith.constant 0 : i32
        %dma_wait3A_607 = arith.constant 0 : i32
        %dma_wait3A_608 = tpu.memref_slice %arg8[%add3A_605, %dma_wait3A_606, %dma_wait3A_607] : memref<2688x2x128xi32, #tpu.memory_space<hbm>> -> memref<1x2x128xi32, #tpu.memory_space<hbm>>
        %dma_wait3A_609 = tpu.memref_squeeze %dma_wait3A_608 : memref<1x2x128xi32, #tpu.memory_space<hbm>> -> memref<2x128xi32, #tpu.memory_space<hbm>>
        %dma_wait3A_610 = arith.constant 0 : i32
        %dma_wait3A_611 = arith.constant 0 : i32
        %dma_wait3A_612 = tpu.memref_slice %arg8[%add3A_605, %dma_wait3A_610, %dma_wait3A_611] : memref<2688x2x128xi32, #tpu.memory_space<hbm>> -> memref<1x2x128xi32, #tpu.memory_space<hbm>>
        %dma_wait3A_613 = tpu.memref_squeeze %dma_wait3A_612 : memref<1x2x128xi32, #tpu.memory_space<hbm>> -> memref<2x128xi32, #tpu.memory_space<hbm>>
        tpu.wait_dma2 semaphore(%arg48 : memref<!tpu.dma_semaphore, #tpu.memory_space<semaphore_mem>>) src(%dma_wait3A_613 : memref<2x128xi32, #tpu.memory_space<hbm>>) dst(%arg20 : memref<2x128xi32, #tpu.memory_space<vmem>>)
        %eq3A_614 = arith.constant 0 : i32
        %eq3A_615 = arith.cmpi eq, %arg0, %eq3A_614 : i32
        %convert_element_type3A_616 = arith.extui %eq3A_615 : i1 to i32
        %cond3A_617 = arith.constant 0 : i32
        %cond3A_618 = arith.cmpi ne, %convert_element_type3A_616, %cond3A_617 : i32
        scf.if %cond3A_618 {
          %dma_start3A_624 = arith.constant 0 : i32
          %dma_start3A_625 = arith.constant 0 : i32
          %dma_start3A_626 = tpu.memref_slice %arg20[%dma_start3A_624, %dma_start3A_625] : memref<2x128xi32, #tpu.memory_space<vmem>> -> memref<1x128xi32, #tpu.memory_space<vmem>>
          %dma_start3A_627 = tpu.memref_squeeze %dma_start3A_626 : memref<1x128xi32, #tpu.memory_space<vmem>> -> memref<128xi32, #tpu.memory_space<vmem>>
          %dma_start3A_628 = arith.constant 0 : i32
          %dma_start3A_629 = arith.constant 0 : i32
          %dma_start3A_630 = tpu.memref_slice %arg6[%dma_start3A_628, %dma_start3A_629] : memref<10112x16xf32, #tpu.memory_space<hbm>> -> memref<10112x16xf32, #tpu.memory_space<hbm>>
          tpu.enqueue_indirect_dma source(%dma_start3A_630 : memref<10112x16xf32, #tpu.memory_space<hbm>>) target(%arg24 : memref<128x16xf32, #tpu.memory_space<vmem>>) offsets(%dma_start3A_627 : memref<128xi32, #tpu.memory_space<vmem>>) semaphore(%arg36 : memref<!tpu.dma_semaphore, #tpu.memory_space<semaphore_mem>>)
          %dma_start3A_631 = arith.constant 1 : i32
          %dma_start3A_632 = arith.constant 0 : i32
          %dma_start3A_633 = tpu.memref_slice %arg20[%dma_start3A_631, %dma_start3A_632] : memref<2x128xi32, #tpu.memory_space<vmem>> -> memref<1x128xi32, #tpu.memory_space<vmem>>
          %dma_start3A_634 = tpu.memref_squeeze %dma_start3A_633 : memref<1x128xi32, #tpu.memory_space<vmem>> -> memref<128xi32, #tpu.memory_space<vmem>>
          %dma_start3A_635 = arith.constant 0 : i32
          %dma_start3A_636 = arith.constant 0 : i32
          %dma_start3A_637 = tpu.memref_slice %arg2[%dma_start3A_635, %dma_start3A_636] : memref<10000x48xf32, #tpu.memory_space<hbm>> -> memref<10000x48xf32, #tpu.memory_space<hbm>>
          tpu.enqueue_indirect_dma source(%dma_start3A_637 : memref<10000x48xf32, #tpu.memory_space<hbm>>) target(%arg28 : memref<128x48xf32, #tpu.memory_space<vmem>>) offsets(%dma_start3A_634 : memref<128xi32, #tpu.memory_space<vmem>>) semaphore(%arg36 : memref<!tpu.dma_semaphore, #tpu.memory_space<semaphore_mem>>)
          %dma_start3A_638 = arith.constant 1 : i32
          %dma_start3A_639 = arith.constant 0 : i32
          %dma_start3A_640 = tpu.memref_slice %arg20[%dma_start3A_638, %dma_start3A_639] : memref<2x128xi32, #tpu.memory_space<vmem>> -> memref<1x128xi32, #tpu.memory_space<vmem>>
          %dma_start3A_641 = tpu.memref_squeeze %dma_start3A_640 : memref<1x128xi32, #tpu.memory_space<vmem>> -> memref<128xi32, #tpu.memory_space<vmem>>
          %dma_start3A_642 = arith.constant 0 : i32
          %dma_start3A_643 = arith.constant 0 : i32
          %dma_start3A_644 = tpu.memref_slice %arg3[%dma_start3A_642, %dma_start3A_643] : memref<10000x32xf32, #tpu.memory_space<hbm>> -> memref<10000x32xf32, #tpu.memory_space<hbm>>
          tpu.enqueue_indirect_dma source(%dma_start3A_644 : memref<10000x32xf32, #tpu.memory_space<hbm>>) target(%arg32 : memref<128x32xf32, #tpu.memory_space<vmem>>) offsets(%dma_start3A_641 : memref<128xi32, #tpu.memory_space<vmem>>) semaphore(%arg36 : memref<!tpu.dma_semaphore, #tpu.memory_space<semaphore_mem>>)
        } else {
        }
        %eq3A_619 = arith.constant 1 : i32
        %eq3A_620 = arith.cmpi eq, %arg0, %eq3A_619 : i32
        %convert_element_type3A_621 = arith.extui %eq3A_620 : i1 to i32
        %cond3A_622 = arith.constant 0 : i32
        %cond3A_623 = arith.cmpi ne, %convert_element_type3A_621, %cond3A_622 : i32
        scf.if %cond3A_623 {
          %dma_start3A_624 = arith.constant 0 : i32
          %dma_start3A_625 = arith.constant 0 : i32
          %dma_start3A_626 = tpu.memref_slice %arg20[%dma_start3A_624, %dma_start3A_625] : memref<2x128xi32, #tpu.memory_space<vmem>> -> memref<1x128xi32, #tpu.memory_space<vmem>>
          %dma_start3A_627 = tpu.memref_squeeze %dma_start3A_626 : memref<1x128xi32, #tpu.memory_space<vmem>> -> memref<128xi32, #tpu.memory_space<vmem>>
          %dma_start3A_628 = arith.constant 0 : i32
          %dma_start3A_629 = arith.constant 0 : i32
          %dma_start3A_630 = tpu.memref_slice %arg7[%dma_start3A_628, %dma_start3A_629] : memref<10112x16xf32, #tpu.memory_space<hbm>> -> memref<10112x16xf32, #tpu.memory_space<hbm>>
          tpu.enqueue_indirect_dma source(%dma_start3A_630 : memref<10112x16xf32, #tpu.memory_space<hbm>>) target(%arg24 : memref<128x16xf32, #tpu.memory_space<vmem>>) offsets(%dma_start3A_627 : memref<128xi32, #tpu.memory_space<vmem>>) semaphore(%arg36 : memref<!tpu.dma_semaphore, #tpu.memory_space<semaphore_mem>>)
          %dma_start3A_631 = arith.constant 1 : i32
          %dma_start3A_632 = arith.constant 0 : i32
          %dma_start3A_633 = tpu.memref_slice %arg20[%dma_start3A_631, %dma_start3A_632] : memref<2x128xi32, #tpu.memory_space<vmem>> -> memref<1x128xi32, #tpu.memory_space<vmem>>
          %dma_start3A_634 = tpu.memref_squeeze %dma_start3A_633 : memref<1x128xi32, #tpu.memory_space<vmem>> -> memref<128xi32, #tpu.memory_space<vmem>>
          %dma_start3A_635 = arith.constant 0 : i32
          %dma_start3A_636 = arith.constant 0 : i32
          %dma_start3A_637 = tpu.memref_slice %arg4[%dma_start3A_635, %dma_start3A_636] : memref<10000x48xf32, #tpu.memory_space<hbm>> -> memref<10000x48xf32, #tpu.memory_space<hbm>>
          tpu.enqueue_indirect_dma source(%dma_start3A_637 : memref<10000x48xf32, #tpu.memory_space<hbm>>) target(%arg28 : memref<128x48xf32, #tpu.memory_space<vmem>>) offsets(%dma_start3A_634 : memref<128xi32, #tpu.memory_space<vmem>>) semaphore(%arg36 : memref<!tpu.dma_semaphore, #tpu.memory_space<semaphore_mem>>)
          %dma_start3A_638 = arith.constant 1 : i32
          %dma_start3A_639 = arith.constant 0 : i32
          %dma_start3A_640 = tpu.memref_slice %arg20[%dma_start3A_638, %dma_start3A_639] : memref<2x128xi32, #tpu.memory_space<vmem>> -> memref<1x128xi32, #tpu.memory_space<vmem>>
          %dma_start3A_641 = tpu.memref_squeeze %dma_start3A_640 : memref<1x128xi32, #tpu.memory_space<vmem>> -> memref<128xi32, #tpu.memory_space<vmem>>
          %dma_start3A_642 = arith.constant 0 : i32
          %dma_start3A_643 = arith.constant 0 : i32
          %dma_start3A_644 = tpu.memref_slice %arg5[%dma_start3A_642, %dma_start3A_643] : memref<10000x32xf32, #tpu.memory_space<hbm>> -> memref<10000x32xf32, #tpu.memory_space<hbm>>
          tpu.enqueue_indirect_dma source(%dma_start3A_644 : memref<10000x32xf32, #tpu.memory_space<hbm>>) target(%arg32 : memref<128x32xf32, #tpu.memory_space<vmem>>) offsets(%dma_start3A_641 : memref<128xi32, #tpu.memory_space<vmem>>) semaphore(%arg36 : memref<!tpu.dma_semaphore, #tpu.memory_space<semaphore_mem>>)
        } else {
        }
      } else {
      }
      %add3A_357 = arith.constant 4 : i32
      %add3A_358 = arith.addi %add3A_114, %add3A_357 : i32
      %dma_wait3A_359 = arith.constant 0 : i32
      %dma_wait3A_360 = arith.constant 0 : i32
      %dma_wait3A_361 = tpu.memref_slice %arg19[%dma_wait3A_359, %dma_wait3A_360] : memref<2x128xi32, #tpu.memory_space<vmem>> -> memref<1x128xi32, #tpu.memory_space<vmem>>
      %dma_wait3A_362 = tpu.memref_squeeze %dma_wait3A_361 : memref<1x128xi32, #tpu.memory_space<vmem>> -> memref<128xi32, #tpu.memory_space<vmem>>
      %dma_wait3A_363 = arith.constant 0 : i32
      %dma_wait3A_364 = arith.constant 0 : i32
      %dma_wait3A_365 = tpu.memref_slice %arg6[%dma_wait3A_363, %dma_wait3A_364] : memref<10112x16xf32, #tpu.memory_space<hbm>> -> memref<10112x16xf32, #tpu.memory_space<hbm>>
      tpu.wait_indirect_dma semaphore(%arg35 : memref<!tpu.dma_semaphore, #tpu.memory_space<semaphore_mem>>) src(%dma_wait3A_365 : memref<10112x16xf32, #tpu.memory_space<hbm>>) dst(%arg23 : memref<128x16xf32, #tpu.memory_space<vmem>>)
      %dma_wait3A_366 = arith.constant 1 : i32
      %dma_wait3A_367 = arith.constant 0 : i32
      %dma_wait3A_368 = tpu.memref_slice %arg19[%dma_wait3A_366, %dma_wait3A_367] : memref<2x128xi32, #tpu.memory_space<vmem>> -> memref<1x128xi32, #tpu.memory_space<vmem>>
      %dma_wait3A_369 = tpu.memref_squeeze %dma_wait3A_368 : memref<1x128xi32, #tpu.memory_space<vmem>> -> memref<128xi32, #tpu.memory_space<vmem>>
      %dma_wait3A_370 = arith.constant 0 : i32
      %dma_wait3A_371 = arith.constant 0 : i32
      %dma_wait3A_372 = tpu.memref_slice %arg2[%dma_wait3A_370, %dma_wait3A_371] : memref<10000x48xf32, #tpu.memory_space<hbm>> -> memref<10000x48xf32, #tpu.memory_space<hbm>>
      tpu.wait_indirect_dma semaphore(%arg35 : memref<!tpu.dma_semaphore, #tpu.memory_space<semaphore_mem>>) src(%dma_wait3A_372 : memref<10000x48xf32, #tpu.memory_space<hbm>>) dst(%arg27 : memref<128x48xf32, #tpu.memory_space<vmem>>)
      %dma_wait3A_373 = arith.constant 1 : i32
      %dma_wait3A_374 = arith.constant 0 : i32
      %dma_wait3A_375 = tpu.memref_slice %arg19[%dma_wait3A_373, %dma_wait3A_374] : memref<2x128xi32, #tpu.memory_space<vmem>> -> memref<1x128xi32, #tpu.memory_space<vmem>>
      %dma_wait3A_376 = tpu.memref_squeeze %dma_wait3A_375 : memref<1x128xi32, #tpu.memory_space<vmem>> -> memref<128xi32, #tpu.memory_space<vmem>>
      %dma_wait3A_377 = arith.constant 0 : i32
      %dma_wait3A_378 = arith.constant 0 : i32
      %dma_wait3A_379 = tpu.memref_slice %arg3[%dma_wait3A_377, %dma_wait3A_378] : memref<10000x32xf32, #tpu.memory_space<hbm>> -> memref<10000x32xf32, #tpu.memory_space<hbm>>
      tpu.wait_indirect_dma semaphore(%arg35 : memref<!tpu.dma_semaphore, #tpu.memory_space<semaphore_mem>>) src(%dma_wait3A_379 : memref<10000x32xf32, #tpu.memory_space<hbm>>) dst(%arg31 : memref<128x32xf32, #tpu.memory_space<vmem>>)
      %scan3A_380 = arith.constant 0 : i32
      %scan3A_381 = arith.constant 128 : i32
      %scan3A_382 = arith.addi %scan3A_380, %scan3A_381 : i32
      %scan3A_383 = arith.constant 2 : i32
      scf.for %scan3A_601 = %scan3A_380 to %scan3A_382 step %scan3A_383  : i32 {
        %mul3A_602 = arith.constant 1 : i32
        %mul3A_603 = arith.muli %scan3A_601, %mul3A_602 : i32
        %add3A_604 = arith.constant 0 : i32
        %add3A_605 = arith.addi %add3A_604, %mul3A_603 : i32
        %get3A = arith.index_cast %add3A_605 : i32 to index
        %get3A_606 = arith.constant 0 : index
        %get3A_607 = tpu.vector_load %arg23[%get3A, %get3A_606] {strides = array<i32>} : memref<128x16xf32, #tpu.memory_space<vmem>>, vector<1x16xf32>,
        %get3A_608 = vector.shape_cast %get3A_607 : vector<1x16xf32> to vector<16xf32>
        %get3A_609 = arith.index_cast %add3A_605 : i32 to index
        %get3A_610 = arith.constant 16 : index
        %get3A_611 = tpu.vector_load %arg31[%get3A_609, %get3A_610] {strides = array<i32>} : memref<128x32xf32, #tpu.memory_space<vmem>>, vector<1x16xf32>,
        %get3A_612 = vector.shape_cast %get3A_611 : vector<1x16xf32> to vector<16xf32>
        %add3A_613 = arith.addf %get3A_608, %get3A_612 : vector<16xf32>
        %mul3A_614 = arith.constant 2.000000e-01 : f32
        %mul3A_615 = vector.broadcast %mul3A_614 : f32 to vector<16xf32>
        %mul3A_616 = arith.mulf %mul3A_615, %add3A_613 : vector<16xf32>
        %max3A = arith.maximumf %add3A_613, %mul3A_616 : vector<16xf32>
        %exp3A = math.exp %max3A : vector<16xf32>
        %swap3A = arith.index_cast %add3A_605 : i32 to index
        %swap3A_617 = arith.constant 16 : index
        %swap3A_618 = tpu.vector_load %arg31[%swap3A, %swap3A_617] {strides = array<i32>} : memref<128x32xf32, #tpu.memory_space<vmem>>, vector<1x16xf32>,
        %swap3A_619 = vector.shape_cast %swap3A_618 : vector<1x16xf32> to vector<16xf32>
        %swap3A_620 = vector.shape_cast %exp3A : vector<16xf32> to vector<1x16xf32>
        tpu.vector_store %arg31[%swap3A, %swap3A_617], %swap3A_620 {strides = array<i32>} : memref<128x32xf32, #tpu.memory_space<vmem>>, vector<1x16xf32>,
        %broadcast_in_dim3A = arith.constant 0 : i32
        %broadcast_in_dim3A_621 = vector.broadcast %broadcast_in_dim3A : i32 to vector<16x1xi32>
        %gather3A = vector.shape_cast %broadcast_in_dim3A_621 : vector<16x1xi32> to vector<16xi32>
        %gather3A_622 = tpu.dynamic_gather %exp3A[%gather3A] in [0] : vector<16xf32>, vector<16xi32> -> vector<16xf32>
        %get3A_623 = arith.index_cast %add3A_605 : i32 to index
        %get3A_624 = arith.constant 0 : index
        %get3A_625 = tpu.vector_load %arg27[%get3A_623, %get3A_624] {strides = array<i32>} : memref<128x48xf32, #tpu.memory_space<vmem>>, vector<1x16xf32>,
        %get3A_626 = vector.shape_cast %get3A_625 : vector<1x16xf32> to vector<16xf32>
        %mul3A_627 = arith.mulf %get3A_626, %gather3A_622 : vector<16xf32>
        %swap3A_628 = arith.index_cast %add3A_605 : i32 to index
        %swap3A_629 = arith.constant 0 : index
        %swap3A_630 = tpu.vector_load %arg27[%swap3A_628, %swap3A_629] {strides = array<i32>} : memref<128x48xf32, #tpu.memory_space<vmem>>, vector<1x16xf32>,
        %swap3A_631 = vector.shape_cast %swap3A_630 : vector<1x16xf32> to vector<16xf32>
        %swap3A_632 = vector.shape_cast %mul3A_627 : vector<16xf32> to vector<1x16xf32>
        tpu.vector_store %arg27[%swap3A_628, %swap3A_629], %swap3A_632 {strides = array<i32>} : memref<128x48xf32, #tpu.memory_space<vmem>>, vector<1x16xf32>,
        %broadcast_in_dim3A_633 = arith.constant 1 : i32
        %broadcast_in_dim3A_634 = vector.broadcast %broadcast_in_dim3A_633 : i32 to vector<16x1xi32>
        %gather3A_635 = vector.shape_cast %broadcast_in_dim3A_634 : vector<16x1xi32> to vector<16xi32>
        %gather3A_636 = tpu.dynamic_gather %exp3A[%gather3A_635] in [0] : vector<16xf32>, vector<16xi32> -> vector<16xf32>
        %get3A_637 = arith.index_cast %add3A_605 : i32 to index
        %get3A_638 = arith.constant 16 : index
        %get3A_639 = tpu.vector_load %arg27[%get3A_637, %get3A_638] {strides = array<i32>} : memref<128x48xf32, #tpu.memory_space<vmem>>, vector<1x16xf32>,
        %get3A_640 = vector.shape_cast %get3A_639 : vector<1x16xf32> to vector<16xf32>
        %mul3A_641 = arith.mulf %get3A_640, %gather3A_636 : vector<16xf32>
        %swap3A_642 = arith.index_cast %add3A_605 : i32 to index
        %swap3A_643 = arith.constant 16 : index
        %swap3A_644 = tpu.vector_load %arg27[%swap3A_642, %swap3A_643] {strides = array<i32>} : memref<128x48xf32, #tpu.memory_space<vmem>>, vector<1x16xf32>,
        %swap3A_645 = vector.shape_cast %swap3A_644 : vector<1x16xf32> to vector<16xf32>
        %swap3A_646 = vector.shape_cast %mul3A_641 : vector<16xf32> to vector<1x16xf32>
        tpu.vector_store %arg27[%swap3A_642, %swap3A_643], %swap3A_646 {strides = array<i32>} : memref<128x48xf32, #tpu.memory_space<vmem>>, vector<1x16xf32>,
        %broadcast_in_dim3A_647 = arith.constant 2 : i32
        %broadcast_in_dim3A_648 = vector.broadcast %broadcast_in_dim3A_647 : i32 to vector<16x1xi32>
        %gather3A_649 = vector.shape_cast %broadcast_in_dim3A_648 : vector<16x1xi32> to vector<16xi32>
        %gather3A_650 = tpu.dynamic_gather %exp3A[%gather3A_649] in [0] : vector<16xf32>, vector<16xi32> -> vector<16xf32>
        %get3A_651 = arith.index_cast %add3A_605 : i32 to index
        %get3A_652 = arith.constant 32 : index
        %get3A_653 = tpu.vector_load %arg27[%get3A_651, %get3A_652] {strides = array<i32>} : memref<128x48xf32, #tpu.memory_space<vmem>>, vector<1x16xf32>,
        %get3A_654 = vector.shape_cast %get3A_653 : vector<1x16xf32> to vector<16xf32>
        %mul3A_655 = arith.mulf %get3A_654, %gather3A_650 : vector<16xf32>
        %swap3A_656 = arith.index_cast %add3A_605 : i32 to index
        %swap3A_657 = arith.constant 32 : index
        %swap3A_658 = tpu.vector_load %arg27[%swap3A_656, %swap3A_657] {strides = array<i32>} : memref<128x48xf32, #tpu.memory_space<vmem>>, vector<1x16xf32>,
        %swap3A_659 = vector.shape_cast %swap3A_658 : vector<1x16xf32> to vector<16xf32>
        %swap3A_660 = vector.shape_cast %mul3A_655 : vector<16xf32> to vector<1x16xf32>
        tpu.vector_store %arg27[%swap3A_656, %swap3A_657], %swap3A_660 {strides = array<i32>} : memref<128x48xf32, #tpu.memory_space<vmem>>, vector<1x16xf32>,
        %broadcast_in_dim3A_661 = arith.constant 3 : i32
        %broadcast_in_dim3A_662 = vector.broadcast %broadcast_in_dim3A_661 : i32 to vector<16x1xi32>
        %gather3A_663 = vector.shape_cast %broadcast_in_dim3A_662 : vector<16x1xi32> to vector<16xi32>
        %gather3A_664 = tpu.dynamic_gather %exp3A[%gather3A_663] in [0] : vector<16xf32>, vector<16xi32> -> vector<16xf32>
        %get3A_665 = arith.index_cast %add3A_605 : i32 to index
        %get3A_666 = arith.constant 0 : index
        %get3A_667 = tpu.vector_load %arg31[%get3A_665, %get3A_666] {strides = array<i32>} : memref<128x32xf32, #tpu.memory_space<vmem>>, vector<1x16xf32>,
        %get3A_668 = vector.shape_cast %get3A_667 : vector<1x16xf32> to vector<16xf32>
        %mul3A_669 = arith.mulf %get3A_668, %gather3A_664 : vector<16xf32>
        %swap3A_670 = arith.index_cast %add3A_605 : i32 to index
        %swap3A_671 = arith.constant 0 : index
        %swap3A_672 = tpu.vector_load %arg31[%swap3A_670, %swap3A_671] {strides = array<i32>} : memref<128x32xf32, #tpu.memory_space<vmem>>, vector<1x16xf32>,
        %swap3A_673 = vector.shape_cast %swap3A_672 : vector<1x16xf32> to vector<16xf32>
        %swap3A_674 = vector.shape_cast %mul3A_669 : vector<16xf32> to vector<1x16xf32>
        tpu.vector_store %arg31[%swap3A_670, %swap3A_671], %swap3A_674 {strides = array<i32>} : memref<128x32xf32, #tpu.memory_space<vmem>>, vector<1x16xf32>,
        %scan3A_675 = arith.constant 1 : i32
        %scan3A_676 = arith.addi %scan3A_601, %scan3A_675 : i32
        %mul3A_677 = arith.constant 1 : i32
        %mul3A_678 = arith.muli %scan3A_676, %mul3A_677 : i32
        %add3A_679 = arith.constant 0 : i32
        %add3A_680 = arith.addi %add3A_679, %mul3A_678 : i32
        %get3A_681 = arith.index_cast %add3A_680 : i32 to index
        %get3A_682 = arith.constant 0 : index
        %get3A_683 = tpu.vector_load %arg23[%get3A_681, %get3A_682] {strides = array<i32>} : memref<128x16xf32, #tpu.memory_space<vmem>>, vector<1x16xf32>,
        %get3A_684 = vector.shape_cast %get3A_683 : vector<1x16xf32> to vector<16xf32>
        %get3A_685 = arith.index_cast %add3A_680 : i32 to index
        %get3A_686 = arith.constant 16 : index
        %get3A_687 = tpu.vector_load %arg31[%get3A_685, %get3A_686] {strides = array<i32>} : memref<128x32xf32, #tpu.memory_space<vmem>>, vector<1x16xf32>,
        %get3A_688 = vector.shape_cast %get3A_687 : vector<1x16xf32> to vector<16xf32>
        %add3A_689 = arith.addf %get3A_684, %get3A_688 : vector<16xf32>
        %mul3A_690 = arith.constant 2.000000e-01 : f32
        %mul3A_691 = vector.broadcast %mul3A_690 : f32 to vector<16xf32>
        %mul3A_692 = arith.mulf %mul3A_691, %add3A_689 : vector<16xf32>
        %max3A_693 = arith.maximumf %add3A_689, %mul3A_692 : vector<16xf32>
        %exp3A_694 = math.exp %max3A_693 : vector<16xf32>
        %swap3A_695 = arith.index_cast %add3A_680 : i32 to index
        %swap3A_696 = arith.constant 16 : index
        %swap3A_697 = tpu.vector_load %arg31[%swap3A_695, %swap3A_696] {strides = array<i32>} : memref<128x32xf32, #tpu.memory_space<vmem>>, vector<1x16xf32>,
        %swap3A_698 = vector.shape_cast %swap3A_697 : vector<1x16xf32> to vector<16xf32>
        %swap3A_699 = vector.shape_cast %exp3A_694 : vector<16xf32> to vector<1x16xf32>
        tpu.vector_store %arg31[%swap3A_695, %swap3A_696], %swap3A_699 {strides = array<i32>} : memref<128x32xf32, #tpu.memory_space<vmem>>, vector<1x16xf32>,
        %broadcast_in_dim3A_700 = arith.constant 0 : i32
        %broadcast_in_dim3A_701 = vector.broadcast %broadcast_in_dim3A_700 : i32 to vector<16x1xi32>
        %gather3A_702 = vector.shape_cast %broadcast_in_dim3A_701 : vector<16x1xi32> to vector<16xi32>
        %gather3A_703 = tpu.dynamic_gather %exp3A_694[%gather3A_702] in [0] : vector<16xf32>, vector<16xi32> -> vector<16xf32>
        %get3A_704 = arith.index_cast %add3A_680 : i32 to index
        %get3A_705 = arith.constant 0 : index
        %get3A_706 = tpu.vector_load %arg27[%get3A_704, %get3A_705] {strides = array<i32>} : memref<128x48xf32, #tpu.memory_space<vmem>>, vector<1x16xf32>,
        %get3A_707 = vector.shape_cast %get3A_706 : vector<1x16xf32> to vector<16xf32>
        %mul3A_708 = arith.mulf %get3A_707, %gather3A_703 : vector<16xf32>
        %swap3A_709 = arith.index_cast %add3A_680 : i32 to index
        %swap3A_710 = arith.constant 0 : index
        %swap3A_711 = tpu.vector_load %arg27[%swap3A_709, %swap3A_710] {strides = array<i32>} : memref<128x48xf32, #tpu.memory_space<vmem>>, vector<1x16xf32>,
        %swap3A_712 = vector.shape_cast %swap3A_711 : vector<1x16xf32> to vector<16xf32>
        %swap3A_713 = vector.shape_cast %mul3A_708 : vector<16xf32> to vector<1x16xf32>
        tpu.vector_store %arg27[%swap3A_709, %swap3A_710], %swap3A_713 {strides = array<i32>} : memref<128x48xf32, #tpu.memory_space<vmem>>, vector<1x16xf32>,
        %broadcast_in_dim3A_714 = arith.constant 1 : i32
        %broadcast_in_dim3A_715 = vector.broadcast %broadcast_in_dim3A_714 : i32 to vector<16x1xi32>
        %gather3A_716 = vector.shape_cast %broadcast_in_dim3A_715 : vector<16x1xi32> to vector<16xi32>
        %gather3A_717 = tpu.dynamic_gather %exp3A_694[%gather3A_716] in [0] : vector<16xf32>, vector<16xi32> -> vector<16xf32>
        %get3A_718 = arith.index_cast %add3A_680 : i32 to index
        %get3A_719 = arith.constant 16 : index
        %get3A_720 = tpu.vector_load %arg27[%get3A_718, %get3A_719] {strides = array<i32>} : memref<128x48xf32, #tpu.memory_space<vmem>>, vector<1x16xf32>,
        %get3A_721 = vector.shape_cast %get3A_720 : vector<1x16xf32> to vector<16xf32>
        %mul3A_722 = arith.mulf %get3A_721, %gather3A_717 : vector<16xf32>
        %swap3A_723 = arith.index_cast %add3A_680 : i32 to index
        %swap3A_724 = arith.constant 16 : index
        %swap3A_725 = tpu.vector_load %arg27[%swap3A_723, %swap3A_724] {strides = array<i32>} : memref<128x48xf32, #tpu.memory_space<vmem>>, vector<1x16xf32>,
        %swap3A_726 = vector.shape_cast %swap3A_725 : vector<1x16xf32> to vector<16xf32>
        %swap3A_727 = vector.shape_cast %mul3A_722 : vector<16xf32> to vector<1x16xf32>
        tpu.vector_store %arg27[%swap3A_723, %swap3A_724], %swap3A_727 {strides = array<i32>} : memref<128x48xf32, #tpu.memory_space<vmem>>, vector<1x16xf32>,
        %broadcast_in_dim3A_728 = arith.constant 2 : i32
        %broadcast_in_dim3A_729 = vector.broadcast %broadcast_in_dim3A_728 : i32 to vector<16x1xi32>
        %gather3A_730 = vector.shape_cast %broadcast_in_dim3A_729 : vector<16x1xi32> to vector<16xi32>
        %gather3A_731 = tpu.dynamic_gather %exp3A_694[%gather3A_730] in [0] : vector<16xf32>, vector<16xi32> -> vector<16xf32>
        %get3A_732 = arith.index_cast %add3A_680 : i32 to index
        %get3A_733 = arith.constant 32 : index
        %get3A_734 = tpu.vector_load %arg27[%get3A_732, %get3A_733] {strides = array<i32>} : memref<128x48xf32, #tpu.memory_space<vmem>>, vector<1x16xf32>,
        %get3A_735 = vector.shape_cast %get3A_734 : vector<1x16xf32> to vector<16xf32>
        %mul3A_736 = arith.mulf %get3A_735, %gather3A_731 : vector<16xf32>
        %swap3A_737 = arith.index_cast %add3A_680 : i32 to index
        %swap3A_738 = arith.constant 32 : index
        %swap3A_739 = tpu.vector_load %arg27[%swap3A_737, %swap3A_738] {strides = array<i32>} : memref<128x48xf32, #tpu.memory_space<vmem>>, vector<1x16xf32>,
        %swap3A_740 = vector.shape_cast %swap3A_739 : vector<1x16xf32> to vector<16xf32>
        %swap3A_741 = vector.shape_cast %mul3A_736 : vector<16xf32> to vector<1x16xf32>
        tpu.vector_store %arg27[%swap3A_737, %swap3A_738], %swap3A_741 {strides = array<i32>} : memref<128x48xf32, #tpu.memory_space<vmem>>, vector<1x16xf32>,
        %broadcast_in_dim3A_742 = arith.constant 3 : i32
        %broadcast_in_dim3A_743 = vector.broadcast %broadcast_in_dim3A_742 : i32 to vector<16x1xi32>
        %gather3A_744 = vector.shape_cast %broadcast_in_dim3A_743 : vector<16x1xi32> to vector<16xi32>
        %gather3A_745 = tpu.dynamic_gather %exp3A_694[%gather3A_744] in [0] : vector<16xf32>, vector<16xi32> -> vector<16xf32>
        %get3A_746 = arith.index_cast %add3A_680 : i32 to index
        %get3A_747 = arith.constant 0 : index
        %get3A_748 = tpu.vector_load %arg31[%get3A_746, %get3A_747] {strides = array<i32>} : memref<128x32xf32, #tpu.memory_space<vmem>>, vector<1x16xf32>,
        %get3A_749 = vector.shape_cast %get3A_748 : vector<1x16xf32> to vector<16xf32>
        %mul3A_750 = arith.mulf %get3A_749, %gather3A_745 : vector<16xf32>
        %swap3A_751 = arith.index_cast %add3A_680 : i32 to index
        %swap3A_752 = arith.constant 0 : index
        %swap3A_753 = tpu.vector_load %arg31[%swap3A_751, %swap3A_752] {strides = array<i32>} : memref<128x32xf32, #tpu.memory_space<vmem>>, vector<1x16xf32>,
        %swap3A_754 = vector.shape_cast %swap3A_753 : vector<1x16xf32> to vector<16xf32>
        %swap3A_755 = vector.shape_cast %mul3A_750 : vector<16xf32> to vector<1x16xf32>
        tpu.vector_store %arg31[%swap3A_751, %swap3A_752], %swap3A_755 {strides = array<i32>} : memref<128x32xf32, #tpu.memory_space<vmem>>, vector<1x16xf32>,
      }
      %scan3A_384 = arith.constant 128 : i32
      %dma_start3A_385 = arith.constant 0 : i32
      %dma_start3A_386 = arith.constant 0 : i32
      %dma_start3A_387 = tpu.memref_slice %arg19[%dma_start3A_385, %dma_start3A_386] : memref<2x128xi32, #tpu.memory_space<vmem>> -> memref<1x128xi32, #tpu.memory_space<vmem>>
      %dma_start3A_388 = tpu.memref_squeeze %dma_start3A_387 : memref<1x128xi32, #tpu.memory_space<vmem>> -> memref<128xi32, #tpu.memory_space<vmem>>
      %dma_start3A_389 = arith.constant 0 : i32
      %dma_start3A_390 = arith.constant 0 : i32
      %dma_start3A_391 = tpu.memref_slice %arg13[%dma_start3A_389, %dma_start3A_390] : memref<10112x48xf32, #tpu.memory_space<vmem_shared>> -> memref<10112x48xf32, #tpu.memory_space<vmem_shared>>
      tpu.enqueue_indirect_dma source(%arg27 : memref<128x48xf32, #tpu.memory_space<vmem>>) target(%dma_start3A_391 : memref<10112x48xf32, #tpu.memory_space<vmem_shared>>) offsets(%dma_start3A_388 : memref<128xi32, #tpu.memory_space<vmem>>) semaphore(%arg39 : memref<!tpu.dma_semaphore, #tpu.memory_space<semaphore_mem>>) {add = true}
      %dma_start3A_392 = arith.constant 0 : i32
      %dma_start3A_393 = arith.constant 0 : i32
      %dma_start3A_394 = tpu.memref_slice %arg19[%dma_start3A_392, %dma_start3A_393] : memref<2x128xi32, #tpu.memory_space<vmem>> -> memref<1x128xi32, #tpu.memory_space<vmem>>
      %dma_start3A_395 = tpu.memref_squeeze %dma_start3A_394 : memref<1x128xi32, #tpu.memory_space<vmem>> -> memref<128xi32, #tpu.memory_space<vmem>>
      %dma_start3A_396 = arith.constant 0 : i32
      %dma_start3A_397 = arith.constant 0 : i32
      %dma_start3A_398 = tpu.memref_slice %arg14[%dma_start3A_396, %dma_start3A_397] : memref<10112x32xf32, #tpu.memory_space<vmem_shared>> -> memref<10112x32xf32, #tpu.memory_space<vmem_shared>>
      tpu.enqueue_indirect_dma source(%arg31 : memref<128x32xf32, #tpu.memory_space<vmem>>) target(%dma_start3A_398 : memref<10112x32xf32, #tpu.memory_space<vmem_shared>>) offsets(%dma_start3A_395 : memref<128xi32, #tpu.memory_space<vmem>>) semaphore(%arg39 : memref<!tpu.dma_semaphore, #tpu.memory_space<semaphore_mem>>) {add = true}
      %ge3A_399 = arith.constant 2 : i32
      %ge3A_400 = arith.cmpi sge, %add3A_358, %ge3A_399 : i32
      %convert_element_type3A_401 = arith.extui %ge3A_400 : i1 to i32
      %cond3A_402 = arith.constant 0 : i32
      %cond3A_403 = arith.cmpi ne, %convert_element_type3A_401, %cond3A_402 : i32
      scf.if %cond3A_403 {
        %dma_wait3A_601 = arith.constant 0 : i32
        %dma_wait3A_602 = arith.constant 0 : i32
        %dma_wait3A_603 = tpu.memref_slice %arg17[%dma_wait3A_601, %dma_wait3A_602] : memref<2x128xi32, #tpu.memory_space<vmem>> -> memref<1x128xi32, #tpu.memory_space<vmem>>
        %dma_wait3A_604 = tpu.memref_squeeze %dma_wait3A_603 : memref<1x128xi32, #tpu.memory_space<vmem>> -> memref<128xi32, #tpu.memory_space<vmem>>
        %dma_wait3A_605 = arith.constant 0 : i32
        %dma_wait3A_606 = arith.constant 0 : i32
        %dma_wait3A_607 = tpu.memref_slice %arg13[%dma_wait3A_605, %dma_wait3A_606] : memref<10112x48xf32, #tpu.memory_space<vmem_shared>> -> memref<10112x48xf32, #tpu.memory_space<vmem_shared>>
        tpu.wait_indirect_dma semaphore(%arg41 : memref<!tpu.dma_semaphore, #tpu.memory_space<semaphore_mem>>) src(%arg29 : memref<128x48xf32, #tpu.memory_space<vmem>>) dst(%dma_wait3A_607 : memref<10112x48xf32, #tpu.memory_space<vmem_shared>>)
        %dma_wait3A_608 = arith.constant 0 : i32
        %dma_wait3A_609 = arith.constant 0 : i32
        %dma_wait3A_610 = tpu.memref_slice %arg17[%dma_wait3A_608, %dma_wait3A_609] : memref<2x128xi32, #tpu.memory_space<vmem>> -> memref<1x128xi32, #tpu.memory_space<vmem>>
        %dma_wait3A_611 = tpu.memref_squeeze %dma_wait3A_610 : memref<1x128xi32, #tpu.memory_space<vmem>> -> memref<128xi32, #tpu.memory_space<vmem>>
        %dma_wait3A_612 = arith.constant 0 : i32
        %dma_wait3A_613 = arith.constant 0 : i32
        %dma_wait3A_614 = tpu.memref_slice %arg14[%dma_wait3A_612, %dma_wait3A_613] : memref<10112x32xf32, #tpu.memory_space<vmem_shared>> -> memref<10112x32xf32, #tpu.memory_space<vmem_shared>>
        tpu.wait_indirect_dma semaphore(%arg41 : memref<!tpu.dma_semaphore, #tpu.memory_space<semaphore_mem>>) src(%arg33 : memref<128x32xf32, #tpu.memory_space<vmem>>) dst(%dma_wait3A_614 : memref<10112x32xf32, #tpu.memory_space<vmem_shared>>)
      } else {
      }
      %add3A_404 = arith.constant 3 : i32
      %add3A_405 = arith.addi %add3A_358, %add3A_404 : i32
      %lt3A_406 = arith.constant 168 : i32
      %lt3A_407 = arith.cmpi slt, %add3A_405, %lt3A_406 : i32
      %convert_element_type3A_408 = arith.extui %lt3A_407 : i1 to i32
      %cond3A_409 = arith.constant 0 : i32
      %cond3A_410 = arith.cmpi ne, %convert_element_type3A_408, %cond3A_409 : i32
      scf.if %cond3A_410 {
        %add3A_601 = arith.constant 3 : i32
        %add3A_602 = arith.addi %add3A_358, %add3A_601 : i32
        %mul3A_603 = arith.constant 168 : i32
        %mul3A_604 = arith.muli %arg1, %mul3A_603 : i32
        %add3A_605 = arith.addi %mul3A_604, %add3A_602 : i32
        %dma_start3A_606 = arith.constant 0 : i32
        %dma_start3A_607 = arith.constant 0 : i32
        %dma_start3A_608 = tpu.memref_slice %arg8[%add3A_605, %dma_start3A_606, %dma_start3A_607] : memref<2688x2x128xi32, #tpu.memory_space<hbm>> -> memref<1x2x128xi32, #tpu.memory_space<hbm>>
        %dma_start3A_609 = tpu.memref_squeeze %dma_start3A_608 : memref<1x2x128xi32, #tpu.memory_space<hbm>> -> memref<2x128xi32, #tpu.memory_space<hbm>>
        %dma_start3A_610 = arith.constant 0 : i32
        %dma_start3A_611 = arith.constant 0 : i32
        %dma_start3A_612 = tpu.memref_slice %arg8[%add3A_605, %dma_start3A_610, %dma_start3A_611] : memref<2688x2x128xi32, #tpu.memory_space<hbm>> -> memref<1x2x128xi32, #tpu.memory_space<hbm>>
        %dma_start3A_613 = tpu.memref_squeeze %dma_start3A_612 : memref<1x2x128xi32, #tpu.memory_space<hbm>> -> memref<2x128xi32, #tpu.memory_space<hbm>>
        tpu.enqueue_dma source(%dma_start3A_613 : memref<2x128xi32, #tpu.memory_space<hbm>>) target(%arg22 : memref<2x128xi32, #tpu.memory_space<vmem>>) target_semaphore(%arg50 : memref<!tpu.dma_semaphore, #tpu.memory_space<semaphore_mem>>)
      } else {
      }
      %add3A_411 = arith.constant 2 : i32
      %add3A_412 = arith.addi %add3A_358, %add3A_411 : i32
      %lt3A_413 = arith.constant 168 : i32
      %lt3A_414 = arith.cmpi slt, %add3A_412, %lt3A_413 : i32
      %convert_element_type3A_415 = arith.extui %lt3A_414 : i1 to i32
      %cond3A_416 = arith.constant 0 : i32
      %cond3A_417 = arith.cmpi ne, %convert_element_type3A_415, %cond3A_416 : i32
      scf.if %cond3A_417 {
        %add3A_601 = arith.constant 2 : i32
        %add3A_602 = arith.addi %add3A_358, %add3A_601 : i32
        %mul3A_603 = arith.constant 168 : i32
        %mul3A_604 = arith.muli %arg1, %mul3A_603 : i32
        %add3A_605 = arith.addi %mul3A_604, %add3A_602 : i32
        %dma_wait3A_606 = arith.constant 0 : i32
        %dma_wait3A_607 = arith.constant 0 : i32
        %dma_wait3A_608 = tpu.memref_slice %arg8[%add3A_605, %dma_wait3A_606, %dma_wait3A_607] : memref<2688x2x128xi32, #tpu.memory_space<hbm>> -> memref<1x2x128xi32, #tpu.memory_space<hbm>>
        %dma_wait3A_609 = tpu.memref_squeeze %dma_wait3A_608 : memref<1x2x128xi32, #tpu.memory_space<hbm>> -> memref<2x128xi32, #tpu.memory_space<hbm>>
        %dma_wait3A_610 = arith.constant 0 : i32
        %dma_wait3A_611 = arith.constant 0 : i32
        %dma_wait3A_612 = tpu.memref_slice %arg8[%add3A_605, %dma_wait3A_610, %dma_wait3A_611] : memref<2688x2x128xi32, #tpu.memory_space<hbm>> -> memref<1x2x128xi32, #tpu.memory_space<hbm>>
        %dma_wait3A_613 = tpu.memref_squeeze %dma_wait3A_612 : memref<1x2x128xi32, #tpu.memory_space<hbm>> -> memref<2x128xi32, #tpu.memory_space<hbm>>
        tpu.wait_dma2 semaphore(%arg49 : memref<!tpu.dma_semaphore, #tpu.memory_space<semaphore_mem>>) src(%dma_wait3A_613 : memref<2x128xi32, #tpu.memory_space<hbm>>) dst(%arg21 : memref<2x128xi32, #tpu.memory_space<vmem>>)
        %eq3A_614 = arith.constant 0 : i32
        %eq3A_615 = arith.cmpi eq, %arg0, %eq3A_614 : i32
        %convert_element_type3A_616 = arith.extui %eq3A_615 : i1 to i32
        %cond3A_617 = arith.constant 0 : i32
        %cond3A_618 = arith.cmpi ne, %convert_element_type3A_616, %cond3A_617 : i32
        scf.if %cond3A_618 {
          %dma_start3A_624 = arith.constant 0 : i32
          %dma_start3A_625 = arith.constant 0 : i32
          %dma_start3A_626 = tpu.memref_slice %arg21[%dma_start3A_624, %dma_start3A_625] : memref<2x128xi32, #tpu.memory_space<vmem>> -> memref<1x128xi32, #tpu.memory_space<vmem>>
          %dma_start3A_627 = tpu.memref_squeeze %dma_start3A_626 : memref<1x128xi32, #tpu.memory_space<vmem>> -> memref<128xi32, #tpu.memory_space<vmem>>
          %dma_start3A_628 = arith.constant 0 : i32
          %dma_start3A_629 = arith.constant 0 : i32
          %dma_start3A_630 = tpu.memref_slice %arg6[%dma_start3A_628, %dma_start3A_629] : memref<10112x16xf32, #tpu.memory_space<hbm>> -> memref<10112x16xf32, #tpu.memory_space<hbm>>
          tpu.enqueue_indirect_dma source(%dma_start3A_630 : memref<10112x16xf32, #tpu.memory_space<hbm>>) target(%arg25 : memref<128x16xf32, #tpu.memory_space<vmem>>) offsets(%dma_start3A_627 : memref<128xi32, #tpu.memory_space<vmem>>) semaphore(%arg37 : memref<!tpu.dma_semaphore, #tpu.memory_space<semaphore_mem>>)
          %dma_start3A_631 = arith.constant 1 : i32
          %dma_start3A_632 = arith.constant 0 : i32
          %dma_start3A_633 = tpu.memref_slice %arg21[%dma_start3A_631, %dma_start3A_632] : memref<2x128xi32, #tpu.memory_space<vmem>> -> memref<1x128xi32, #tpu.memory_space<vmem>>
          %dma_start3A_634 = tpu.memref_squeeze %dma_start3A_633 : memref<1x128xi32, #tpu.memory_space<vmem>> -> memref<128xi32, #tpu.memory_space<vmem>>
          %dma_start3A_635 = arith.constant 0 : i32
          %dma_start3A_636 = arith.constant 0 : i32
          %dma_start3A_637 = tpu.memref_slice %arg2[%dma_start3A_635, %dma_start3A_636] : memref<10000x48xf32, #tpu.memory_space<hbm>> -> memref<10000x48xf32, #tpu.memory_space<hbm>>
          tpu.enqueue_indirect_dma source(%dma_start3A_637 : memref<10000x48xf32, #tpu.memory_space<hbm>>) target(%arg29 : memref<128x48xf32, #tpu.memory_space<vmem>>) offsets(%dma_start3A_634 : memref<128xi32, #tpu.memory_space<vmem>>) semaphore(%arg37 : memref<!tpu.dma_semaphore, #tpu.memory_space<semaphore_mem>>)
          %dma_start3A_638 = arith.constant 1 : i32
          %dma_start3A_639 = arith.constant 0 : i32
          %dma_start3A_640 = tpu.memref_slice %arg21[%dma_start3A_638, %dma_start3A_639] : memref<2x128xi32, #tpu.memory_space<vmem>> -> memref<1x128xi32, #tpu.memory_space<vmem>>
          %dma_start3A_641 = tpu.memref_squeeze %dma_start3A_640 : memref<1x128xi32, #tpu.memory_space<vmem>> -> memref<128xi32, #tpu.memory_space<vmem>>
          %dma_start3A_642 = arith.constant 0 : i32
          %dma_start3A_643 = arith.constant 0 : i32
          %dma_start3A_644 = tpu.memref_slice %arg3[%dma_start3A_642, %dma_start3A_643] : memref<10000x32xf32, #tpu.memory_space<hbm>> -> memref<10000x32xf32, #tpu.memory_space<hbm>>
          tpu.enqueue_indirect_dma source(%dma_start3A_644 : memref<10000x32xf32, #tpu.memory_space<hbm>>) target(%arg33 : memref<128x32xf32, #tpu.memory_space<vmem>>) offsets(%dma_start3A_641 : memref<128xi32, #tpu.memory_space<vmem>>) semaphore(%arg37 : memref<!tpu.dma_semaphore, #tpu.memory_space<semaphore_mem>>)
        } else {
        }
        %eq3A_619 = arith.constant 1 : i32
        %eq3A_620 = arith.cmpi eq, %arg0, %eq3A_619 : i32
        %convert_element_type3A_621 = arith.extui %eq3A_620 : i1 to i32
        %cond3A_622 = arith.constant 0 : i32
        %cond3A_623 = arith.cmpi ne, %convert_element_type3A_621, %cond3A_622 : i32
        scf.if %cond3A_623 {
          %dma_start3A_624 = arith.constant 0 : i32
          %dma_start3A_625 = arith.constant 0 : i32
          %dma_start3A_626 = tpu.memref_slice %arg21[%dma_start3A_624, %dma_start3A_625] : memref<2x128xi32, #tpu.memory_space<vmem>> -> memref<1x128xi32, #tpu.memory_space<vmem>>
          %dma_start3A_627 = tpu.memref_squeeze %dma_start3A_626 : memref<1x128xi32, #tpu.memory_space<vmem>> -> memref<128xi32, #tpu.memory_space<vmem>>
          %dma_start3A_628 = arith.constant 0 : i32
          %dma_start3A_629 = arith.constant 0 : i32
          %dma_start3A_630 = tpu.memref_slice %arg7[%dma_start3A_628, %dma_start3A_629] : memref<10112x16xf32, #tpu.memory_space<hbm>> -> memref<10112x16xf32, #tpu.memory_space<hbm>>
          tpu.enqueue_indirect_dma source(%dma_start3A_630 : memref<10112x16xf32, #tpu.memory_space<hbm>>) target(%arg25 : memref<128x16xf32, #tpu.memory_space<vmem>>) offsets(%dma_start3A_627 : memref<128xi32, #tpu.memory_space<vmem>>) semaphore(%arg37 : memref<!tpu.dma_semaphore, #tpu.memory_space<semaphore_mem>>)
          %dma_start3A_631 = arith.constant 1 : i32
          %dma_start3A_632 = arith.constant 0 : i32
          %dma_start3A_633 = tpu.memref_slice %arg21[%dma_start3A_631, %dma_start3A_632] : memref<2x128xi32, #tpu.memory_space<vmem>> -> memref<1x128xi32, #tpu.memory_space<vmem>>
          %dma_start3A_634 = tpu.memref_squeeze %dma_start3A_633 : memref<1x128xi32, #tpu.memory_space<vmem>> -> memref<128xi32, #tpu.memory_space<vmem>>
          %dma_start3A_635 = arith.constant 0 : i32
          %dma_start3A_636 = arith.constant 0 : i32
          %dma_start3A_637 = tpu.memref_slice %arg4[%dma_start3A_635, %dma_start3A_636] : memref<10000x48xf32, #tpu.memory_space<hbm>> -> memref<10000x48xf32, #tpu.memory_space<hbm>>
          tpu.enqueue_indirect_dma source(%dma_start3A_637 : memref<10000x48xf32, #tpu.memory_space<hbm>>) target(%arg29 : memref<128x48xf32, #tpu.memory_space<vmem>>) offsets(%dma_start3A_634 : memref<128xi32, #tpu.memory_space<vmem>>) semaphore(%arg37 : memref<!tpu.dma_semaphore, #tpu.memory_space<semaphore_mem>>)
          %dma_start3A_638 = arith.constant 1 : i32
          %dma_start3A_639 = arith.constant 0 : i32
          %dma_start3A_640 = tpu.memref_slice %arg21[%dma_start3A_638, %dma_start3A_639] : memref<2x128xi32, #tpu.memory_space<vmem>> -> memref<1x128xi32, #tpu.memory_space<vmem>>
          %dma_start3A_641 = tpu.memref_squeeze %dma_start3A_640 : memref<1x128xi32, #tpu.memory_space<vmem>> -> memref<128xi32, #tpu.memory_space<vmem>>
          %dma_start3A_642 = arith.constant 0 : i32
          %dma_start3A_643 = arith.constant 0 : i32
          %dma_start3A_644 = tpu.memref_slice %arg5[%dma_start3A_642, %dma_start3A_643] : memref<10000x32xf32, #tpu.memory_space<hbm>> -> memref<10000x32xf32, #tpu.memory_space<hbm>>
          tpu.enqueue_indirect_dma source(%dma_start3A_644 : memref<10000x32xf32, #tpu.memory_space<hbm>>) target(%arg33 : memref<128x32xf32, #tpu.memory_space<vmem>>) offsets(%dma_start3A_641 : memref<128xi32, #tpu.memory_space<vmem>>) semaphore(%arg37 : memref<!tpu.dma_semaphore, #tpu.memory_space<semaphore_mem>>)
        } else {
        }
      } else {
      }
      %add3A_418 = arith.constant 5 : i32
      %add3A_419 = arith.addi %add3A_114, %add3A_418 : i32
      %dma_wait3A_420 = arith.constant 0 : i32
      %dma_wait3A_421 = arith.constant 0 : i32
      %dma_wait3A_422 = tpu.memref_slice %arg20[%dma_wait3A_420, %dma_wait3A_421] : memref<2x128xi32, #tpu.memory_space<vmem>> -> memref<1x128xi32, #tpu.memory_space<vmem>>
      %dma_wait3A_423 = tpu.memref_squeeze %dma_wait3A_422 : memref<1x128xi32, #tpu.memory_space<vmem>> -> memref<128xi32, #tpu.memory_space<vmem>>
      %dma_wait3A_424 = arith.constant 0 : i32
      %dma_wait3A_425 = arith.constant 0 : i32
      %dma_wait3A_426 = tpu.memref_slice %arg6[%dma_wait3A_424, %dma_wait3A_425] : memref<10112x16xf32, #tpu.memory_space<hbm>> -> memref<10112x16xf32, #tpu.memory_space<hbm>>
      tpu.wait_indirect_dma semaphore(%arg36 : memref<!tpu.dma_semaphore, #tpu.memory_space<semaphore_mem>>) src(%dma_wait3A_426 : memref<10112x16xf32, #tpu.memory_space<hbm>>) dst(%arg24 : memref<128x16xf32, #tpu.memory_space<vmem>>)
      %dma_wait3A_427 = arith.constant 1 : i32
      %dma_wait3A_428 = arith.constant 0 : i32
      %dma_wait3A_429 = tpu.memref_slice %arg20[%dma_wait3A_427, %dma_wait3A_428] : memref<2x128xi32, #tpu.memory_space<vmem>> -> memref<1x128xi32, #tpu.memory_space<vmem>>
      %dma_wait3A_430 = tpu.memref_squeeze %dma_wait3A_429 : memref<1x128xi32, #tpu.memory_space<vmem>> -> memref<128xi32, #tpu.memory_space<vmem>>
      %dma_wait3A_431 = arith.constant 0 : i32
      %dma_wait3A_432 = arith.constant 0 : i32
      %dma_wait3A_433 = tpu.memref_slice %arg2[%dma_wait3A_431, %dma_wait3A_432] : memref<10000x48xf32, #tpu.memory_space<hbm>> -> memref<10000x48xf32, #tpu.memory_space<hbm>>
      tpu.wait_indirect_dma semaphore(%arg36 : memref<!tpu.dma_semaphore, #tpu.memory_space<semaphore_mem>>) src(%dma_wait3A_433 : memref<10000x48xf32, #tpu.memory_space<hbm>>) dst(%arg28 : memref<128x48xf32, #tpu.memory_space<vmem>>)
      %dma_wait3A_434 = arith.constant 1 : i32
      %dma_wait3A_435 = arith.constant 0 : i32
      %dma_wait3A_436 = tpu.memref_slice %arg20[%dma_wait3A_434, %dma_wait3A_435] : memref<2x128xi32, #tpu.memory_space<vmem>> -> memref<1x128xi32, #tpu.memory_space<vmem>>
      %dma_wait3A_437 = tpu.memref_squeeze %dma_wait3A_436 : memref<1x128xi32, #tpu.memory_space<vmem>> -> memref<128xi32, #tpu.memory_space<vmem>>
      %dma_wait3A_438 = arith.constant 0 : i32
      %dma_wait3A_439 = arith.constant 0 : i32
      %dma_wait3A_440 = tpu.memref_slice %arg3[%dma_wait3A_438, %dma_wait3A_439] : memref<10000x32xf32, #tpu.memory_space<hbm>> -> memref<10000x32xf32, #tpu.memory_space<hbm>>
      tpu.wait_indirect_dma semaphore(%arg36 : memref<!tpu.dma_semaphore, #tpu.memory_space<semaphore_mem>>) src(%dma_wait3A_440 : memref<10000x32xf32, #tpu.memory_space<hbm>>) dst(%arg32 : memref<128x32xf32, #tpu.memory_space<vmem>>)
      %scan3A_441 = arith.constant 0 : i32
      %scan3A_442 = arith.constant 128 : i32
      %scan3A_443 = arith.addi %scan3A_441, %scan3A_442 : i32
      %scan3A_444 = arith.constant 2 : i32
      scf.for %scan3A_601 = %scan3A_441 to %scan3A_443 step %scan3A_444  : i32 {
        %mul3A_602 = arith.constant 1 : i32
        %mul3A_603 = arith.muli %scan3A_601, %mul3A_602 : i32
        %add3A_604 = arith.constant 0 : i32
        %add3A_605 = arith.addi %add3A_604, %mul3A_603 : i32
        %get3A = arith.index_cast %add3A_605 : i32 to index
        %get3A_606 = arith.constant 0 : index
        %get3A_607 = tpu.vector_load %arg24[%get3A, %get3A_606] {strides = array<i32>} : memref<128x16xf32, #tpu.memory_space<vmem>>, vector<1x16xf32>,
        %get3A_608 = vector.shape_cast %get3A_607 : vector<1x16xf32> to vector<16xf32>
        %get3A_609 = arith.index_cast %add3A_605 : i32 to index
        %get3A_610 = arith.constant 16 : index
        %get3A_611 = tpu.vector_load %arg32[%get3A_609, %get3A_610] {strides = array<i32>} : memref<128x32xf32, #tpu.memory_space<vmem>>, vector<1x16xf32>,
        %get3A_612 = vector.shape_cast %get3A_611 : vector<1x16xf32> to vector<16xf32>
        %add3A_613 = arith.addf %get3A_608, %get3A_612 : vector<16xf32>
        %mul3A_614 = arith.constant 2.000000e-01 : f32
        %mul3A_615 = vector.broadcast %mul3A_614 : f32 to vector<16xf32>
        %mul3A_616 = arith.mulf %mul3A_615, %add3A_613 : vector<16xf32>
        %max3A = arith.maximumf %add3A_613, %mul3A_616 : vector<16xf32>
        %exp3A = math.exp %max3A : vector<16xf32>
        %swap3A = arith.index_cast %add3A_605 : i32 to index
        %swap3A_617 = arith.constant 16 : index
        %swap3A_618 = tpu.vector_load %arg32[%swap3A, %swap3A_617] {strides = array<i32>} : memref<128x32xf32, #tpu.memory_space<vmem>>, vector<1x16xf32>,
        %swap3A_619 = vector.shape_cast %swap3A_618 : vector<1x16xf32> to vector<16xf32>
        %swap3A_620 = vector.shape_cast %exp3A : vector<16xf32> to vector<1x16xf32>
        tpu.vector_store %arg32[%swap3A, %swap3A_617], %swap3A_620 {strides = array<i32>} : memref<128x32xf32, #tpu.memory_space<vmem>>, vector<1x16xf32>,
        %broadcast_in_dim3A = arith.constant 0 : i32
        %broadcast_in_dim3A_621 = vector.broadcast %broadcast_in_dim3A : i32 to vector<16x1xi32>
        %gather3A = vector.shape_cast %broadcast_in_dim3A_621 : vector<16x1xi32> to vector<16xi32>
        %gather3A_622 = tpu.dynamic_gather %exp3A[%gather3A] in [0] : vector<16xf32>, vector<16xi32> -> vector<16xf32>
        %get3A_623 = arith.index_cast %add3A_605 : i32 to index
        %get3A_624 = arith.constant 0 : index
        %get3A_625 = tpu.vector_load %arg28[%get3A_623, %get3A_624] {strides = array<i32>} : memref<128x48xf32, #tpu.memory_space<vmem>>, vector<1x16xf32>,
        %get3A_626 = vector.shape_cast %get3A_625 : vector<1x16xf32> to vector<16xf32>
        %mul3A_627 = arith.mulf %get3A_626, %gather3A_622 : vector<16xf32>
        %swap3A_628 = arith.index_cast %add3A_605 : i32 to index
        %swap3A_629 = arith.constant 0 : index
        %swap3A_630 = tpu.vector_load %arg28[%swap3A_628, %swap3A_629] {strides = array<i32>} : memref<128x48xf32, #tpu.memory_space<vmem>>, vector<1x16xf32>,
        %swap3A_631 = vector.shape_cast %swap3A_630 : vector<1x16xf32> to vector<16xf32>
        %swap3A_632 = vector.shape_cast %mul3A_627 : vector<16xf32> to vector<1x16xf32>
        tpu.vector_store %arg28[%swap3A_628, %swap3A_629], %swap3A_632 {strides = array<i32>} : memref<128x48xf32, #tpu.memory_space<vmem>>, vector<1x16xf32>,
        %broadcast_in_dim3A_633 = arith.constant 1 : i32
        %broadcast_in_dim3A_634 = vector.broadcast %broadcast_in_dim3A_633 : i32 to vector<16x1xi32>
        %gather3A_635 = vector.shape_cast %broadcast_in_dim3A_634 : vector<16x1xi32> to vector<16xi32>
        %gather3A_636 = tpu.dynamic_gather %exp3A[%gather3A_635] in [0] : vector<16xf32>, vector<16xi32> -> vector<16xf32>
        %get3A_637 = arith.index_cast %add3A_605 : i32 to index
        %get3A_638 = arith.constant 16 : index
        %get3A_639 = tpu.vector_load %arg28[%get3A_637, %get3A_638] {strides = array<i32>} : memref<128x48xf32, #tpu.memory_space<vmem>>, vector<1x16xf32>,
        %get3A_640 = vector.shape_cast %get3A_639 : vector<1x16xf32> to vector<16xf32>
        %mul3A_641 = arith.mulf %get3A_640, %gather3A_636 : vector<16xf32>
        %swap3A_642 = arith.index_cast %add3A_605 : i32 to index
        %swap3A_643 = arith.constant 16 : index
        %swap3A_644 = tpu.vector_load %arg28[%swap3A_642, %swap3A_643] {strides = array<i32>} : memref<128x48xf32, #tpu.memory_space<vmem>>, vector<1x16xf32>,
        %swap3A_645 = vector.shape_cast %swap3A_644 : vector<1x16xf32> to vector<16xf32>
        %swap3A_646 = vector.shape_cast %mul3A_641 : vector<16xf32> to vector<1x16xf32>
        tpu.vector_store %arg28[%swap3A_642, %swap3A_643], %swap3A_646 {strides = array<i32>} : memref<128x48xf32, #tpu.memory_space<vmem>>, vector<1x16xf32>,
        %broadcast_in_dim3A_647 = arith.constant 2 : i32
        %broadcast_in_dim3A_648 = vector.broadcast %broadcast_in_dim3A_647 : i32 to vector<16x1xi32>
        %gather3A_649 = vector.shape_cast %broadcast_in_dim3A_648 : vector<16x1xi32> to vector<16xi32>
        %gather3A_650 = tpu.dynamic_gather %exp3A[%gather3A_649] in [0] : vector<16xf32>, vector<16xi32> -> vector<16xf32>
        %get3A_651 = arith.index_cast %add3A_605 : i32 to index
        %get3A_652 = arith.constant 32 : index
        %get3A_653 = tpu.vector_load %arg28[%get3A_651, %get3A_652] {strides = array<i32>} : memref<128x48xf32, #tpu.memory_space<vmem>>, vector<1x16xf32>,
        %get3A_654 = vector.shape_cast %get3A_653 : vector<1x16xf32> to vector<16xf32>
        %mul3A_655 = arith.mulf %get3A_654, %gather3A_650 : vector<16xf32>
        %swap3A_656 = arith.index_cast %add3A_605 : i32 to index
        %swap3A_657 = arith.constant 32 : index
        %swap3A_658 = tpu.vector_load %arg28[%swap3A_656, %swap3A_657] {strides = array<i32>} : memref<128x48xf32, #tpu.memory_space<vmem>>, vector<1x16xf32>,
        %swap3A_659 = vector.shape_cast %swap3A_658 : vector<1x16xf32> to vector<16xf32>
        %swap3A_660 = vector.shape_cast %mul3A_655 : vector<16xf32> to vector<1x16xf32>
        tpu.vector_store %arg28[%swap3A_656, %swap3A_657], %swap3A_660 {strides = array<i32>} : memref<128x48xf32, #tpu.memory_space<vmem>>, vector<1x16xf32>,
        %broadcast_in_dim3A_661 = arith.constant 3 : i32
        %broadcast_in_dim3A_662 = vector.broadcast %broadcast_in_dim3A_661 : i32 to vector<16x1xi32>
        %gather3A_663 = vector.shape_cast %broadcast_in_dim3A_662 : vector<16x1xi32> to vector<16xi32>
        %gather3A_664 = tpu.dynamic_gather %exp3A[%gather3A_663] in [0] : vector<16xf32>, vector<16xi32> -> vector<16xf32>
        %get3A_665 = arith.index_cast %add3A_605 : i32 to index
        %get3A_666 = arith.constant 0 : index
        %get3A_667 = tpu.vector_load %arg32[%get3A_665, %get3A_666] {strides = array<i32>} : memref<128x32xf32, #tpu.memory_space<vmem>>, vector<1x16xf32>,
        %get3A_668 = vector.shape_cast %get3A_667 : vector<1x16xf32> to vector<16xf32>
        %mul3A_669 = arith.mulf %get3A_668, %gather3A_664 : vector<16xf32>
        %swap3A_670 = arith.index_cast %add3A_605 : i32 to index
        %swap3A_671 = arith.constant 0 : index
        %swap3A_672 = tpu.vector_load %arg32[%swap3A_670, %swap3A_671] {strides = array<i32>} : memref<128x32xf32, #tpu.memory_space<vmem>>, vector<1x16xf32>,
        %swap3A_673 = vector.shape_cast %swap3A_672 : vector<1x16xf32> to vector<16xf32>
        %swap3A_674 = vector.shape_cast %mul3A_669 : vector<16xf32> to vector<1x16xf32>
        tpu.vector_store %arg32[%swap3A_670, %swap3A_671], %swap3A_674 {strides = array<i32>} : memref<128x32xf32, #tpu.memory_space<vmem>>, vector<1x16xf32>,
        %scan3A_675 = arith.constant 1 : i32
        %scan3A_676 = arith.addi %scan3A_601, %scan3A_675 : i32
        %mul3A_677 = arith.constant 1 : i32
        %mul3A_678 = arith.muli %scan3A_676, %mul3A_677 : i32
        %add3A_679 = arith.constant 0 : i32
        %add3A_680 = arith.addi %add3A_679, %mul3A_678 : i32
        %get3A_681 = arith.index_cast %add3A_680 : i32 to index
        %get3A_682 = arith.constant 0 : index
        %get3A_683 = tpu.vector_load %arg24[%get3A_681, %get3A_682] {strides = array<i32>} : memref<128x16xf32, #tpu.memory_space<vmem>>, vector<1x16xf32>,
        %get3A_684 = vector.shape_cast %get3A_683 : vector<1x16xf32> to vector<16xf32>
        %get3A_685 = arith.index_cast %add3A_680 : i32 to index
        %get3A_686 = arith.constant 16 : index
        %get3A_687 = tpu.vector_load %arg32[%get3A_685, %get3A_686] {strides = array<i32>} : memref<128x32xf32, #tpu.memory_space<vmem>>, vector<1x16xf32>,
        %get3A_688 = vector.shape_cast %get3A_687 : vector<1x16xf32> to vector<16xf32>
        %add3A_689 = arith.addf %get3A_684, %get3A_688 : vector<16xf32>
        %mul3A_690 = arith.constant 2.000000e-01 : f32
        %mul3A_691 = vector.broadcast %mul3A_690 : f32 to vector<16xf32>
        %mul3A_692 = arith.mulf %mul3A_691, %add3A_689 : vector<16xf32>
        %max3A_693 = arith.maximumf %add3A_689, %mul3A_692 : vector<16xf32>
        %exp3A_694 = math.exp %max3A_693 : vector<16xf32>
        %swap3A_695 = arith.index_cast %add3A_680 : i32 to index
        %swap3A_696 = arith.constant 16 : index
        %swap3A_697 = tpu.vector_load %arg32[%swap3A_695, %swap3A_696] {strides = array<i32>} : memref<128x32xf32, #tpu.memory_space<vmem>>, vector<1x16xf32>,
        %swap3A_698 = vector.shape_cast %swap3A_697 : vector<1x16xf32> to vector<16xf32>
        %swap3A_699 = vector.shape_cast %exp3A_694 : vector<16xf32> to vector<1x16xf32>
        tpu.vector_store %arg32[%swap3A_695, %swap3A_696], %swap3A_699 {strides = array<i32>} : memref<128x32xf32, #tpu.memory_space<vmem>>, vector<1x16xf32>,
        %broadcast_in_dim3A_700 = arith.constant 0 : i32
        %broadcast_in_dim3A_701 = vector.broadcast %broadcast_in_dim3A_700 : i32 to vector<16x1xi32>
        %gather3A_702 = vector.shape_cast %broadcast_in_dim3A_701 : vector<16x1xi32> to vector<16xi32>
        %gather3A_703 = tpu.dynamic_gather %exp3A_694[%gather3A_702] in [0] : vector<16xf32>, vector<16xi32> -> vector<16xf32>
        %get3A_704 = arith.index_cast %add3A_680 : i32 to index
        %get3A_705 = arith.constant 0 : index
        %get3A_706 = tpu.vector_load %arg28[%get3A_704, %get3A_705] {strides = array<i32>} : memref<128x48xf32, #tpu.memory_space<vmem>>, vector<1x16xf32>,
        %get3A_707 = vector.shape_cast %get3A_706 : vector<1x16xf32> to vector<16xf32>
        %mul3A_708 = arith.mulf %get3A_707, %gather3A_703 : vector<16xf32>
        %swap3A_709 = arith.index_cast %add3A_680 : i32 to index
        %swap3A_710 = arith.constant 0 : index
        %swap3A_711 = tpu.vector_load %arg28[%swap3A_709, %swap3A_710] {strides = array<i32>} : memref<128x48xf32, #tpu.memory_space<vmem>>, vector<1x16xf32>,
        %swap3A_712 = vector.shape_cast %swap3A_711 : vector<1x16xf32> to vector<16xf32>
        %swap3A_713 = vector.shape_cast %mul3A_708 : vector<16xf32> to vector<1x16xf32>
        tpu.vector_store %arg28[%swap3A_709, %swap3A_710], %swap3A_713 {strides = array<i32>} : memref<128x48xf32, #tpu.memory_space<vmem>>, vector<1x16xf32>,
        %broadcast_in_dim3A_714 = arith.constant 1 : i32
        %broadcast_in_dim3A_715 = vector.broadcast %broadcast_in_dim3A_714 : i32 to vector<16x1xi32>
        %gather3A_716 = vector.shape_cast %broadcast_in_dim3A_715 : vector<16x1xi32> to vector<16xi32>
        %gather3A_717 = tpu.dynamic_gather %exp3A_694[%gather3A_716] in [0] : vector<16xf32>, vector<16xi32> -> vector<16xf32>
        %get3A_718 = arith.index_cast %add3A_680 : i32 to index
        %get3A_719 = arith.constant 16 : index
        %get3A_720 = tpu.vector_load %arg28[%get3A_718, %get3A_719] {strides = array<i32>} : memref<128x48xf32, #tpu.memory_space<vmem>>, vector<1x16xf32>,
        %get3A_721 = vector.shape_cast %get3A_720 : vector<1x16xf32> to vector<16xf32>
        %mul3A_722 = arith.mulf %get3A_721, %gather3A_717 : vector<16xf32>
        %swap3A_723 = arith.index_cast %add3A_680 : i32 to index
        %swap3A_724 = arith.constant 16 : index
        %swap3A_725 = tpu.vector_load %arg28[%swap3A_723, %swap3A_724] {strides = array<i32>} : memref<128x48xf32, #tpu.memory_space<vmem>>, vector<1x16xf32>,
        %swap3A_726 = vector.shape_cast %swap3A_725 : vector<1x16xf32> to vector<16xf32>
        %swap3A_727 = vector.shape_cast %mul3A_722 : vector<16xf32> to vector<1x16xf32>
        tpu.vector_store %arg28[%swap3A_723, %swap3A_724], %swap3A_727 {strides = array<i32>} : memref<128x48xf32, #tpu.memory_space<vmem>>, vector<1x16xf32>,
        %broadcast_in_dim3A_728 = arith.constant 2 : i32
        %broadcast_in_dim3A_729 = vector.broadcast %broadcast_in_dim3A_728 : i32 to vector<16x1xi32>
        %gather3A_730 = vector.shape_cast %broadcast_in_dim3A_729 : vector<16x1xi32> to vector<16xi32>
        %gather3A_731 = tpu.dynamic_gather %exp3A_694[%gather3A_730] in [0] : vector<16xf32>, vector<16xi32> -> vector<16xf32>
        %get3A_732 = arith.index_cast %add3A_680 : i32 to index
        %get3A_733 = arith.constant 32 : index
        %get3A_734 = tpu.vector_load %arg28[%get3A_732, %get3A_733] {strides = array<i32>} : memref<128x48xf32, #tpu.memory_space<vmem>>, vector<1x16xf32>,
        %get3A_735 = vector.shape_cast %get3A_734 : vector<1x16xf32> to vector<16xf32>
        %mul3A_736 = arith.mulf %get3A_735, %gather3A_731 : vector<16xf32>
        %swap3A_737 = arith.index_cast %add3A_680 : i32 to index
        %swap3A_738 = arith.constant 32 : index
        %swap3A_739 = tpu.vector_load %arg28[%swap3A_737, %swap3A_738] {strides = array<i32>} : memref<128x48xf32, #tpu.memory_space<vmem>>, vector<1x16xf32>,
        %swap3A_740 = vector.shape_cast %swap3A_739 : vector<1x16xf32> to vector<16xf32>
        %swap3A_741 = vector.shape_cast %mul3A_736 : vector<16xf32> to vector<1x16xf32>
        tpu.vector_store %arg28[%swap3A_737, %swap3A_738], %swap3A_741 {strides = array<i32>} : memref<128x48xf32, #tpu.memory_space<vmem>>, vector<1x16xf32>,
        %broadcast_in_dim3A_742 = arith.constant 3 : i32
        %broadcast_in_dim3A_743 = vector.broadcast %broadcast_in_dim3A_742 : i32 to vector<16x1xi32>
        %gather3A_744 = vector.shape_cast %broadcast_in_dim3A_743 : vector<16x1xi32> to vector<16xi32>
        %gather3A_745 = tpu.dynamic_gather %exp3A_694[%gather3A_744] in [0] : vector<16xf32>, vector<16xi32> -> vector<16xf32>
        %get3A_746 = arith.index_cast %add3A_680 : i32 to index
        %get3A_747 = arith.constant 0 : index
        %get3A_748 = tpu.vector_load %arg32[%get3A_746, %get3A_747] {strides = array<i32>} : memref<128x32xf32, #tpu.memory_space<vmem>>, vector<1x16xf32>,
        %get3A_749 = vector.shape_cast %get3A_748 : vector<1x16xf32> to vector<16xf32>
        %mul3A_750 = arith.mulf %get3A_749, %gather3A_745 : vector<16xf32>
        %swap3A_751 = arith.index_cast %add3A_680 : i32 to index
        %swap3A_752 = arith.constant 0 : index
        %swap3A_753 = tpu.vector_load %arg32[%swap3A_751, %swap3A_752] {strides = array<i32>} : memref<128x32xf32, #tpu.memory_space<vmem>>, vector<1x16xf32>,
        %swap3A_754 = vector.shape_cast %swap3A_753 : vector<1x16xf32> to vector<16xf32>
        %swap3A_755 = vector.shape_cast %mul3A_750 : vector<16xf32> to vector<1x16xf32>
        tpu.vector_store %arg32[%swap3A_751, %swap3A_752], %swap3A_755 {strides = array<i32>} : memref<128x32xf32, #tpu.memory_space<vmem>>, vector<1x16xf32>,
      }
      %scan3A_445 = arith.constant 128 : i32
      %dma_start3A_446 = arith.constant 0 : i32
      %dma_start3A_447 = arith.constant 0 : i32
      %dma_start3A_448 = tpu.memref_slice %arg20[%dma_start3A_446, %dma_start3A_447] : memref<2x128xi32, #tpu.memory_space<vmem>> -> memref<1x128xi32, #tpu.memory_space<vmem>>
      %dma_start3A_449 = tpu.memref_squeeze %dma_start3A_448 : memref<1x128xi32, #tpu.memory_space<vmem>> -> memref<128xi32, #tpu.memory_space<vmem>>
      %dma_start3A_450 = arith.constant 0 : i32
      %dma_start3A_451 = arith.constant 0 : i32
      %dma_start3A_452 = tpu.memref_slice %arg13[%dma_start3A_450, %dma_start3A_451] : memref<10112x48xf32, #tpu.memory_space<vmem_shared>> -> memref<10112x48xf32, #tpu.memory_space<vmem_shared>>
      tpu.enqueue_indirect_dma source(%arg28 : memref<128x48xf32, #tpu.memory_space<vmem>>) target(%dma_start3A_452 : memref<10112x48xf32, #tpu.memory_space<vmem_shared>>) offsets(%dma_start3A_449 : memref<128xi32, #tpu.memory_space<vmem>>) semaphore(%arg40 : memref<!tpu.dma_semaphore, #tpu.memory_space<semaphore_mem>>) {add = true}
      %dma_start3A_453 = arith.constant 0 : i32
      %dma_start3A_454 = arith.constant 0 : i32
      %dma_start3A_455 = tpu.memref_slice %arg20[%dma_start3A_453, %dma_start3A_454] : memref<2x128xi32, #tpu.memory_space<vmem>> -> memref<1x128xi32, #tpu.memory_space<vmem>>
      %dma_start3A_456 = tpu.memref_squeeze %dma_start3A_455 : memref<1x128xi32, #tpu.memory_space<vmem>> -> memref<128xi32, #tpu.memory_space<vmem>>
      %dma_start3A_457 = arith.constant 0 : i32
      %dma_start3A_458 = arith.constant 0 : i32
      %dma_start3A_459 = tpu.memref_slice %arg14[%dma_start3A_457, %dma_start3A_458] : memref<10112x32xf32, #tpu.memory_space<vmem_shared>> -> memref<10112x32xf32, #tpu.memory_space<vmem_shared>>
      tpu.enqueue_indirect_dma source(%arg32 : memref<128x32xf32, #tpu.memory_space<vmem>>) target(%dma_start3A_459 : memref<10112x32xf32, #tpu.memory_space<vmem_shared>>) offsets(%dma_start3A_456 : memref<128xi32, #tpu.memory_space<vmem>>) semaphore(%arg40 : memref<!tpu.dma_semaphore, #tpu.memory_space<semaphore_mem>>) {add = true}
      %ge3A_460 = arith.constant 2 : i32
      %ge3A_461 = arith.cmpi sge, %add3A_419, %ge3A_460 : i32
      %convert_element_type3A_462 = arith.extui %ge3A_461 : i1 to i32
      %cond3A_463 = arith.constant 0 : i32
      %cond3A_464 = arith.cmpi ne, %convert_element_type3A_462, %cond3A_463 : i32
      scf.if %cond3A_464 {
        %dma_wait3A_601 = arith.constant 0 : i32
        %dma_wait3A_602 = arith.constant 0 : i32
        %dma_wait3A_603 = tpu.memref_slice %arg18[%dma_wait3A_601, %dma_wait3A_602] : memref<2x128xi32, #tpu.memory_space<vmem>> -> memref<1x128xi32, #tpu.memory_space<vmem>>
        %dma_wait3A_604 = tpu.memref_squeeze %dma_wait3A_603 : memref<1x128xi32, #tpu.memory_space<vmem>> -> memref<128xi32, #tpu.memory_space<vmem>>
        %dma_wait3A_605 = arith.constant 0 : i32
        %dma_wait3A_606 = arith.constant 0 : i32
        %dma_wait3A_607 = tpu.memref_slice %arg13[%dma_wait3A_605, %dma_wait3A_606] : memref<10112x48xf32, #tpu.memory_space<vmem_shared>> -> memref<10112x48xf32, #tpu.memory_space<vmem_shared>>
        tpu.wait_indirect_dma semaphore(%arg42 : memref<!tpu.dma_semaphore, #tpu.memory_space<semaphore_mem>>) src(%arg30 : memref<128x48xf32, #tpu.memory_space<vmem>>) dst(%dma_wait3A_607 : memref<10112x48xf32, #tpu.memory_space<vmem_shared>>)
        %dma_wait3A_608 = arith.constant 0 : i32
        %dma_wait3A_609 = arith.constant 0 : i32
        %dma_wait3A_610 = tpu.memref_slice %arg18[%dma_wait3A_608, %dma_wait3A_609] : memref<2x128xi32, #tpu.memory_space<vmem>> -> memref<1x128xi32, #tpu.memory_space<vmem>>
        %dma_wait3A_611 = tpu.memref_squeeze %dma_wait3A_610 : memref<1x128xi32, #tpu.memory_space<vmem>> -> memref<128xi32, #tpu.memory_space<vmem>>
        %dma_wait3A_612 = arith.constant 0 : i32
        %dma_wait3A_613 = arith.constant 0 : i32
        %dma_wait3A_614 = tpu.memref_slice %arg14[%dma_wait3A_612, %dma_wait3A_613] : memref<10112x32xf32, #tpu.memory_space<vmem_shared>> -> memref<10112x32xf32, #tpu.memory_space<vmem_shared>>
        tpu.wait_indirect_dma semaphore(%arg42 : memref<!tpu.dma_semaphore, #tpu.memory_space<semaphore_mem>>) src(%arg34 : memref<128x32xf32, #tpu.memory_space<vmem>>) dst(%dma_wait3A_614 : memref<10112x32xf32, #tpu.memory_space<vmem_shared>>)
      } else {
      }
      %add3A_465 = arith.constant 3 : i32
      %add3A_466 = arith.addi %add3A_419, %add3A_465 : i32
      %lt3A_467 = arith.constant 168 : i32
      %lt3A_468 = arith.cmpi slt, %add3A_466, %lt3A_467 : i32
      %convert_element_type3A_469 = arith.extui %lt3A_468 : i1 to i32
      %cond3A_470 = arith.constant 0 : i32
      %cond3A_471 = arith.cmpi ne, %convert_element_type3A_469, %cond3A_470 : i32
      scf.if %cond3A_471 {
        %add3A_601 = arith.constant 3 : i32
        %add3A_602 = arith.addi %add3A_419, %add3A_601 : i32
        %mul3A_603 = arith.constant 168 : i32
        %mul3A_604 = arith.muli %arg1, %mul3A_603 : i32
        %add3A_605 = arith.addi %mul3A_604, %add3A_602 : i32
        %dma_start3A_606 = arith.constant 0 : i32
        %dma_start3A_607 = arith.constant 0 : i32
        %dma_start3A_608 = tpu.memref_slice %arg8[%add3A_605, %dma_start3A_606, %dma_start3A_607] : memref<2688x2x128xi32, #tpu.memory_space<hbm>> -> memref<1x2x128xi32, #tpu.memory_space<hbm>>
        %dma_start3A_609 = tpu.memref_squeeze %dma_start3A_608 : memref<1x2x128xi32, #tpu.memory_space<hbm>> -> memref<2x128xi32, #tpu.memory_space<hbm>>
        %dma_start3A_610 = arith.constant 0 : i32
        %dma_start3A_611 = arith.constant 0 : i32
        %dma_start3A_612 = tpu.memref_slice %arg8[%add3A_605, %dma_start3A_610, %dma_start3A_611] : memref<2688x2x128xi32, #tpu.memory_space<hbm>> -> memref<1x2x128xi32, #tpu.memory_space<hbm>>
        %dma_start3A_613 = tpu.memref_squeeze %dma_start3A_612 : memref<1x2x128xi32, #tpu.memory_space<hbm>> -> memref<2x128xi32, #tpu.memory_space<hbm>>
        tpu.enqueue_dma source(%dma_start3A_613 : memref<2x128xi32, #tpu.memory_space<hbm>>) target(%arg15 : memref<2x128xi32, #tpu.memory_space<vmem>>) target_semaphore(%arg43 : memref<!tpu.dma_semaphore, #tpu.memory_space<semaphore_mem>>)
      } else {
      }
      %add3A_472 = arith.constant 2 : i32
      %add3A_473 = arith.addi %add3A_419, %add3A_472 : i32
      %lt3A_474 = arith.constant 168 : i32
      %lt3A_475 = arith.cmpi slt, %add3A_473, %lt3A_474 : i32
      %convert_element_type3A_476 = arith.extui %lt3A_475 : i1 to i32
      %cond3A_477 = arith.constant 0 : i32
      %cond3A_478 = arith.cmpi ne, %convert_element_type3A_476, %cond3A_477 : i32
      scf.if %cond3A_478 {
        %add3A_601 = arith.constant 2 : i32
        %add3A_602 = arith.addi %add3A_419, %add3A_601 : i32
        %mul3A_603 = arith.constant 168 : i32
        %mul3A_604 = arith.muli %arg1, %mul3A_603 : i32
        %add3A_605 = arith.addi %mul3A_604, %add3A_602 : i32
        %dma_wait3A_606 = arith.constant 0 : i32
        %dma_wait3A_607 = arith.constant 0 : i32
        %dma_wait3A_608 = tpu.memref_slice %arg8[%add3A_605, %dma_wait3A_606, %dma_wait3A_607] : memref<2688x2x128xi32, #tpu.memory_space<hbm>> -> memref<1x2x128xi32, #tpu.memory_space<hbm>>
        %dma_wait3A_609 = tpu.memref_squeeze %dma_wait3A_608 : memref<1x2x128xi32, #tpu.memory_space<hbm>> -> memref<2x128xi32, #tpu.memory_space<hbm>>
        %dma_wait3A_610 = arith.constant 0 : i32
        %dma_wait3A_611 = arith.constant 0 : i32
        %dma_wait3A_612 = tpu.memref_slice %arg8[%add3A_605, %dma_wait3A_610, %dma_wait3A_611] : memref<2688x2x128xi32, #tpu.memory_space<hbm>> -> memref<1x2x128xi32, #tpu.memory_space<hbm>>
        %dma_wait3A_613 = tpu.memref_squeeze %dma_wait3A_612 : memref<1x2x128xi32, #tpu.memory_space<hbm>> -> memref<2x128xi32, #tpu.memory_space<hbm>>
        tpu.wait_dma2 semaphore(%arg50 : memref<!tpu.dma_semaphore, #tpu.memory_space<semaphore_mem>>) src(%dma_wait3A_613 : memref<2x128xi32, #tpu.memory_space<hbm>>) dst(%arg22 : memref<2x128xi32, #tpu.memory_space<vmem>>)
        %eq3A_614 = arith.constant 0 : i32
        %eq3A_615 = arith.cmpi eq, %arg0, %eq3A_614 : i32
        %convert_element_type3A_616 = arith.extui %eq3A_615 : i1 to i32
        %cond3A_617 = arith.constant 0 : i32
        %cond3A_618 = arith.cmpi ne, %convert_element_type3A_616, %cond3A_617 : i32
        scf.if %cond3A_618 {
          %dma_start3A_624 = arith.constant 0 : i32
          %dma_start3A_625 = arith.constant 0 : i32
          %dma_start3A_626 = tpu.memref_slice %arg22[%dma_start3A_624, %dma_start3A_625] : memref<2x128xi32, #tpu.memory_space<vmem>> -> memref<1x128xi32, #tpu.memory_space<vmem>>
          %dma_start3A_627 = tpu.memref_squeeze %dma_start3A_626 : memref<1x128xi32, #tpu.memory_space<vmem>> -> memref<128xi32, #tpu.memory_space<vmem>>
          %dma_start3A_628 = arith.constant 0 : i32
          %dma_start3A_629 = arith.constant 0 : i32
          %dma_start3A_630 = tpu.memref_slice %arg6[%dma_start3A_628, %dma_start3A_629] : memref<10112x16xf32, #tpu.memory_space<hbm>> -> memref<10112x16xf32, #tpu.memory_space<hbm>>
          tpu.enqueue_indirect_dma source(%dma_start3A_630 : memref<10112x16xf32, #tpu.memory_space<hbm>>) target(%arg26 : memref<128x16xf32, #tpu.memory_space<vmem>>) offsets(%dma_start3A_627 : memref<128xi32, #tpu.memory_space<vmem>>) semaphore(%arg38 : memref<!tpu.dma_semaphore, #tpu.memory_space<semaphore_mem>>)
          %dma_start3A_631 = arith.constant 1 : i32
          %dma_start3A_632 = arith.constant 0 : i32
          %dma_start3A_633 = tpu.memref_slice %arg22[%dma_start3A_631, %dma_start3A_632] : memref<2x128xi32, #tpu.memory_space<vmem>> -> memref<1x128xi32, #tpu.memory_space<vmem>>
          %dma_start3A_634 = tpu.memref_squeeze %dma_start3A_633 : memref<1x128xi32, #tpu.memory_space<vmem>> -> memref<128xi32, #tpu.memory_space<vmem>>
          %dma_start3A_635 = arith.constant 0 : i32
          %dma_start3A_636 = arith.constant 0 : i32
          %dma_start3A_637 = tpu.memref_slice %arg2[%dma_start3A_635, %dma_start3A_636] : memref<10000x48xf32, #tpu.memory_space<hbm>> -> memref<10000x48xf32, #tpu.memory_space<hbm>>
          tpu.enqueue_indirect_dma source(%dma_start3A_637 : memref<10000x48xf32, #tpu.memory_space<hbm>>) target(%arg30 : memref<128x48xf32, #tpu.memory_space<vmem>>) offsets(%dma_start3A_634 : memref<128xi32, #tpu.memory_space<vmem>>) semaphore(%arg38 : memref<!tpu.dma_semaphore, #tpu.memory_space<semaphore_mem>>)
          %dma_start3A_638 = arith.constant 1 : i32
          %dma_start3A_639 = arith.constant 0 : i32
          %dma_start3A_640 = tpu.memref_slice %arg22[%dma_start3A_638, %dma_start3A_639] : memref<2x128xi32, #tpu.memory_space<vmem>> -> memref<1x128xi32, #tpu.memory_space<vmem>>
          %dma_start3A_641 = tpu.memref_squeeze %dma_start3A_640 : memref<1x128xi32, #tpu.memory_space<vmem>> -> memref<128xi32, #tpu.memory_space<vmem>>
          %dma_start3A_642 = arith.constant 0 : i32
          %dma_start3A_643 = arith.constant 0 : i32
          %dma_start3A_644 = tpu.memref_slice %arg3[%dma_start3A_642, %dma_start3A_643] : memref<10000x32xf32, #tpu.memory_space<hbm>> -> memref<10000x32xf32, #tpu.memory_space<hbm>>
          tpu.enqueue_indirect_dma source(%dma_start3A_644 : memref<10000x32xf32, #tpu.memory_space<hbm>>) target(%arg34 : memref<128x32xf32, #tpu.memory_space<vmem>>) offsets(%dma_start3A_641 : memref<128xi32, #tpu.memory_space<vmem>>) semaphore(%arg38 : memref<!tpu.dma_semaphore, #tpu.memory_space<semaphore_mem>>)
        } else {
        }
        %eq3A_619 = arith.constant 1 : i32
        %eq3A_620 = arith.cmpi eq, %arg0, %eq3A_619 : i32
        %convert_element_type3A_621 = arith.extui %eq3A_620 : i1 to i32
        %cond3A_622 = arith.constant 0 : i32
        %cond3A_623 = arith.cmpi ne, %convert_element_type3A_621, %cond3A_622 : i32
        scf.if %cond3A_623 {
          %dma_start3A_624 = arith.constant 0 : i32
          %dma_start3A_625 = arith.constant 0 : i32
          %dma_start3A_626 = tpu.memref_slice %arg22[%dma_start3A_624, %dma_start3A_625] : memref<2x128xi32, #tpu.memory_space<vmem>> -> memref<1x128xi32, #tpu.memory_space<vmem>>
          %dma_start3A_627 = tpu.memref_squeeze %dma_start3A_626 : memref<1x128xi32, #tpu.memory_space<vmem>> -> memref<128xi32, #tpu.memory_space<vmem>>
          %dma_start3A_628 = arith.constant 0 : i32
          %dma_start3A_629 = arith.constant 0 : i32
          %dma_start3A_630 = tpu.memref_slice %arg7[%dma_start3A_628, %dma_start3A_629] : memref<10112x16xf32, #tpu.memory_space<hbm>> -> memref<10112x16xf32, #tpu.memory_space<hbm>>
          tpu.enqueue_indirect_dma source(%dma_start3A_630 : memref<10112x16xf32, #tpu.memory_space<hbm>>) target(%arg26 : memref<128x16xf32, #tpu.memory_space<vmem>>) offsets(%dma_start3A_627 : memref<128xi32, #tpu.memory_space<vmem>>) semaphore(%arg38 : memref<!tpu.dma_semaphore, #tpu.memory_space<semaphore_mem>>)
          %dma_start3A_631 = arith.constant 1 : i32
          %dma_start3A_632 = arith.constant 0 : i32
          %dma_start3A_633 = tpu.memref_slice %arg22[%dma_start3A_631, %dma_start3A_632] : memref<2x128xi32, #tpu.memory_space<vmem>> -> memref<1x128xi32, #tpu.memory_space<vmem>>
          %dma_start3A_634 = tpu.memref_squeeze %dma_start3A_633 : memref<1x128xi32, #tpu.memory_space<vmem>> -> memref<128xi32, #tpu.memory_space<vmem>>
          %dma_start3A_635 = arith.constant 0 : i32
          %dma_start3A_636 = arith.constant 0 : i32
          %dma_start3A_637 = tpu.memref_slice %arg4[%dma_start3A_635, %dma_start3A_636] : memref<10000x48xf32, #tpu.memory_space<hbm>> -> memref<10000x48xf32, #tpu.memory_space<hbm>>
          tpu.enqueue_indirect_dma source(%dma_start3A_637 : memref<10000x48xf32, #tpu.memory_space<hbm>>) target(%arg30 : memref<128x48xf32, #tpu.memory_space<vmem>>) offsets(%dma_start3A_634 : memref<128xi32, #tpu.memory_space<vmem>>) semaphore(%arg38 : memref<!tpu.dma_semaphore, #tpu.memory_space<semaphore_mem>>)
          %dma_start3A_638 = arith.constant 1 : i32
          %dma_start3A_639 = arith.constant 0 : i32
          %dma_start3A_640 = tpu.memref_slice %arg22[%dma_start3A_638, %dma_start3A_639] : memref<2x128xi32, #tpu.memory_space<vmem>> -> memref<1x128xi32, #tpu.memory_space<vmem>>
          %dma_start3A_641 = tpu.memref_squeeze %dma_start3A_640 : memref<1x128xi32, #tpu.memory_space<vmem>> -> memref<128xi32, #tpu.memory_space<vmem>>
          %dma_start3A_642 = arith.constant 0 : i32
          %dma_start3A_643 = arith.constant 0 : i32
          %dma_start3A_644 = tpu.memref_slice %arg5[%dma_start3A_642, %dma_start3A_643] : memref<10000x32xf32, #tpu.memory_space<hbm>> -> memref<10000x32xf32, #tpu.memory_space<hbm>>
          tpu.enqueue_indirect_dma source(%dma_start3A_644 : memref<10000x32xf32, #tpu.memory_space<hbm>>) target(%arg34 : memref<128x32xf32, #tpu.memory_space<vmem>>) offsets(%dma_start3A_641 : memref<128xi32, #tpu.memory_space<vmem>>) semaphore(%arg38 : memref<!tpu.dma_semaphore, #tpu.memory_space<semaphore_mem>>)
        } else {
        }
      } else {
      }
      %add3A_479 = arith.constant 6 : i32
      %add3A_480 = arith.addi %add3A_114, %add3A_479 : i32
      %dma_wait3A_481 = arith.constant 0 : i32
      %dma_wait3A_482 = arith.constant 0 : i32
      %dma_wait3A_483 = tpu.memref_slice %arg21[%dma_wait3A_481, %dma_wait3A_482] : memref<2x128xi32, #tpu.memory_space<vmem>> -> memref<1x128xi32, #tpu.memory_space<vmem>>
      %dma_wait3A_484 = tpu.memref_squeeze %dma_wait3A_483 : memref<1x128xi32, #tpu.memory_space<vmem>> -> memref<128xi32, #tpu.memory_space<vmem>>
      %dma_wait3A_485 = arith.constant 0 : i32
      %dma_wait3A_486 = arith.constant 0 : i32
      %dma_wait3A_487 = tpu.memref_slice %arg6[%dma_wait3A_485, %dma_wait3A_486] : memref<10112x16xf32, #tpu.memory_space<hbm>> -> memref<10112x16xf32, #tpu.memory_space<hbm>>
      tpu.wait_indirect_dma semaphore(%arg37 : memref<!tpu.dma_semaphore, #tpu.memory_space<semaphore_mem>>) src(%dma_wait3A_487 : memref<10112x16xf32, #tpu.memory_space<hbm>>) dst(%arg25 : memref<128x16xf32, #tpu.memory_space<vmem>>)
      %dma_wait3A_488 = arith.constant 1 : i32
      %dma_wait3A_489 = arith.constant 0 : i32
      %dma_wait3A_490 = tpu.memref_slice %arg21[%dma_wait3A_488, %dma_wait3A_489] : memref<2x128xi32, #tpu.memory_space<vmem>> -> memref<1x128xi32, #tpu.memory_space<vmem>>
      %dma_wait3A_491 = tpu.memref_squeeze %dma_wait3A_490 : memref<1x128xi32, #tpu.memory_space<vmem>> -> memref<128xi32, #tpu.memory_space<vmem>>
      %dma_wait3A_492 = arith.constant 0 : i32
      %dma_wait3A_493 = arith.constant 0 : i32
      %dma_wait3A_494 = tpu.memref_slice %arg2[%dma_wait3A_492, %dma_wait3A_493] : memref<10000x48xf32, #tpu.memory_space<hbm>> -> memref<10000x48xf32, #tpu.memory_space<hbm>>
      tpu.wait_indirect_dma semaphore(%arg37 : memref<!tpu.dma_semaphore, #tpu.memory_space<semaphore_mem>>) src(%dma_wait3A_494 : memref<10000x48xf32, #tpu.memory_space<hbm>>) dst(%arg29 : memref<128x48xf32, #tpu.memory_space<vmem>>)
      %dma_wait3A_495 = arith.constant 1 : i32
      %dma_wait3A_496 = arith.constant 0 : i32
      %dma_wait3A_497 = tpu.memref_slice %arg21[%dma_wait3A_495, %dma_wait3A_496] : memref<2x128xi32, #tpu.memory_space<vmem>> -> memref<1x128xi32, #tpu.memory_space<vmem>>
      %dma_wait3A_498 = tpu.memref_squeeze %dma_wait3A_497 : memref<1x128xi32, #tpu.memory_space<vmem>> -> memref<128xi32, #tpu.memory_space<vmem>>
      %dma_wait3A_499 = arith.constant 0 : i32
      %dma_wait3A_500 = arith.constant 0 : i32
      %dma_wait3A_501 = tpu.memref_slice %arg3[%dma_wait3A_499, %dma_wait3A_500] : memref<10000x32xf32, #tpu.memory_space<hbm>> -> memref<10000x32xf32, #tpu.memory_space<hbm>>
      tpu.wait_indirect_dma semaphore(%arg37 : memref<!tpu.dma_semaphore, #tpu.memory_space<semaphore_mem>>) src(%dma_wait3A_501 : memref<10000x32xf32, #tpu.memory_space<hbm>>) dst(%arg33 : memref<128x32xf32, #tpu.memory_space<vmem>>)
      %scan3A_502 = arith.constant 0 : i32
      %scan3A_503 = arith.constant 128 : i32
      %scan3A_504 = arith.addi %scan3A_502, %scan3A_503 : i32
      %scan3A_505 = arith.constant 2 : i32
      scf.for %scan3A_601 = %scan3A_502 to %scan3A_504 step %scan3A_505  : i32 {
        %mul3A_602 = arith.constant 1 : i32
        %mul3A_603 = arith.muli %scan3A_601, %mul3A_602 : i32
        %add3A_604 = arith.constant 0 : i32
        %add3A_605 = arith.addi %add3A_604, %mul3A_603 : i32
        %get3A = arith.index_cast %add3A_605 : i32 to index
        %get3A_606 = arith.constant 0 : index
        %get3A_607 = tpu.vector_load %arg25[%get3A, %get3A_606] {strides = array<i32>} : memref<128x16xf32, #tpu.memory_space<vmem>>, vector<1x16xf32>,
        %get3A_608 = vector.shape_cast %get3A_607 : vector<1x16xf32> to vector<16xf32>
        %get3A_609 = arith.index_cast %add3A_605 : i32 to index
        %get3A_610 = arith.constant 16 : index
        %get3A_611 = tpu.vector_load %arg33[%get3A_609, %get3A_610] {strides = array<i32>} : memref<128x32xf32, #tpu.memory_space<vmem>>, vector<1x16xf32>,
        %get3A_612 = vector.shape_cast %get3A_611 : vector<1x16xf32> to vector<16xf32>
        %add3A_613 = arith.addf %get3A_608, %get3A_612 : vector<16xf32>
        %mul3A_614 = arith.constant 2.000000e-01 : f32
        %mul3A_615 = vector.broadcast %mul3A_614 : f32 to vector<16xf32>
        %mul3A_616 = arith.mulf %mul3A_615, %add3A_613 : vector<16xf32>
        %max3A = arith.maximumf %add3A_613, %mul3A_616 : vector<16xf32>
        %exp3A = math.exp %max3A : vector<16xf32>
        %swap3A = arith.index_cast %add3A_605 : i32 to index
        %swap3A_617 = arith.constant 16 : index
        %swap3A_618 = tpu.vector_load %arg33[%swap3A, %swap3A_617] {strides = array<i32>} : memref<128x32xf32, #tpu.memory_space<vmem>>, vector<1x16xf32>,
        %swap3A_619 = vector.shape_cast %swap3A_618 : vector<1x16xf32> to vector<16xf32>
        %swap3A_620 = vector.shape_cast %exp3A : vector<16xf32> to vector<1x16xf32>
        tpu.vector_store %arg33[%swap3A, %swap3A_617], %swap3A_620 {strides = array<i32>} : memref<128x32xf32, #tpu.memory_space<vmem>>, vector<1x16xf32>,
        %broadcast_in_dim3A = arith.constant 0 : i32
        %broadcast_in_dim3A_621 = vector.broadcast %broadcast_in_dim3A : i32 to vector<16x1xi32>
        %gather3A = vector.shape_cast %broadcast_in_dim3A_621 : vector<16x1xi32> to vector<16xi32>
        %gather3A_622 = tpu.dynamic_gather %exp3A[%gather3A] in [0] : vector<16xf32>, vector<16xi32> -> vector<16xf32>
        %get3A_623 = arith.index_cast %add3A_605 : i32 to index
        %get3A_624 = arith.constant 0 : index
        %get3A_625 = tpu.vector_load %arg29[%get3A_623, %get3A_624] {strides = array<i32>} : memref<128x48xf32, #tpu.memory_space<vmem>>, vector<1x16xf32>,
        %get3A_626 = vector.shape_cast %get3A_625 : vector<1x16xf32> to vector<16xf32>
        %mul3A_627 = arith.mulf %get3A_626, %gather3A_622 : vector<16xf32>
        %swap3A_628 = arith.index_cast %add3A_605 : i32 to index
        %swap3A_629 = arith.constant 0 : index
        %swap3A_630 = tpu.vector_load %arg29[%swap3A_628, %swap3A_629] {strides = array<i32>} : memref<128x48xf32, #tpu.memory_space<vmem>>, vector<1x16xf32>,
        %swap3A_631 = vector.shape_cast %swap3A_630 : vector<1x16xf32> to vector<16xf32>
        %swap3A_632 = vector.shape_cast %mul3A_627 : vector<16xf32> to vector<1x16xf32>
        tpu.vector_store %arg29[%swap3A_628, %swap3A_629], %swap3A_632 {strides = array<i32>} : memref<128x48xf32, #tpu.memory_space<vmem>>, vector<1x16xf32>,
        %broadcast_in_dim3A_633 = arith.constant 1 : i32
        %broadcast_in_dim3A_634 = vector.broadcast %broadcast_in_dim3A_633 : i32 to vector<16x1xi32>
        %gather3A_635 = vector.shape_cast %broadcast_in_dim3A_634 : vector<16x1xi32> to vector<16xi32>
        %gather3A_636 = tpu.dynamic_gather %exp3A[%gather3A_635] in [0] : vector<16xf32>, vector<16xi32> -> vector<16xf32>
        %get3A_637 = arith.index_cast %add3A_605 : i32 to index
        %get3A_638 = arith.constant 16 : index
        %get3A_639 = tpu.vector_load %arg29[%get3A_637, %get3A_638] {strides = array<i32>} : memref<128x48xf32, #tpu.memory_space<vmem>>, vector<1x16xf32>,
        %get3A_640 = vector.shape_cast %get3A_639 : vector<1x16xf32> to vector<16xf32>
        %mul3A_641 = arith.mulf %get3A_640, %gather3A_636 : vector<16xf32>
        %swap3A_642 = arith.index_cast %add3A_605 : i32 to index
        %swap3A_643 = arith.constant 16 : index
        %swap3A_644 = tpu.vector_load %arg29[%swap3A_642, %swap3A_643] {strides = array<i32>} : memref<128x48xf32, #tpu.memory_space<vmem>>, vector<1x16xf32>,
        %swap3A_645 = vector.shape_cast %swap3A_644 : vector<1x16xf32> to vector<16xf32>
        %swap3A_646 = vector.shape_cast %mul3A_641 : vector<16xf32> to vector<1x16xf32>
        tpu.vector_store %arg29[%swap3A_642, %swap3A_643], %swap3A_646 {strides = array<i32>} : memref<128x48xf32, #tpu.memory_space<vmem>>, vector<1x16xf32>,
        %broadcast_in_dim3A_647 = arith.constant 2 : i32
        %broadcast_in_dim3A_648 = vector.broadcast %broadcast_in_dim3A_647 : i32 to vector<16x1xi32>
        %gather3A_649 = vector.shape_cast %broadcast_in_dim3A_648 : vector<16x1xi32> to vector<16xi32>
        %gather3A_650 = tpu.dynamic_gather %exp3A[%gather3A_649] in [0] : vector<16xf32>, vector<16xi32> -> vector<16xf32>
        %get3A_651 = arith.index_cast %add3A_605 : i32 to index
        %get3A_652 = arith.constant 32 : index
        %get3A_653 = tpu.vector_load %arg29[%get3A_651, %get3A_652] {strides = array<i32>} : memref<128x48xf32, #tpu.memory_space<vmem>>, vector<1x16xf32>,
        %get3A_654 = vector.shape_cast %get3A_653 : vector<1x16xf32> to vector<16xf32>
        %mul3A_655 = arith.mulf %get3A_654, %gather3A_650 : vector<16xf32>
        %swap3A_656 = arith.index_cast %add3A_605 : i32 to index
        %swap3A_657 = arith.constant 32 : index
        %swap3A_658 = tpu.vector_load %arg29[%swap3A_656, %swap3A_657] {strides = array<i32>} : memref<128x48xf32, #tpu.memory_space<vmem>>, vector<1x16xf32>,
        %swap3A_659 = vector.shape_cast %swap3A_658 : vector<1x16xf32> to vector<16xf32>
        %swap3A_660 = vector.shape_cast %mul3A_655 : vector<16xf32> to vector<1x16xf32>
        tpu.vector_store %arg29[%swap3A_656, %swap3A_657], %swap3A_660 {strides = array<i32>} : memref<128x48xf32, #tpu.memory_space<vmem>>, vector<1x16xf32>,
        %broadcast_in_dim3A_661 = arith.constant 3 : i32
        %broadcast_in_dim3A_662 = vector.broadcast %broadcast_in_dim3A_661 : i32 to vector<16x1xi32>
        %gather3A_663 = vector.shape_cast %broadcast_in_dim3A_662 : vector<16x1xi32> to vector<16xi32>
        %gather3A_664 = tpu.dynamic_gather %exp3A[%gather3A_663] in [0] : vector<16xf32>, vector<16xi32> -> vector<16xf32>
        %get3A_665 = arith.index_cast %add3A_605 : i32 to index
        %get3A_666 = arith.constant 0 : index
        %get3A_667 = tpu.vector_load %arg33[%get3A_665, %get3A_666] {strides = array<i32>} : memref<128x32xf32, #tpu.memory_space<vmem>>, vector<1x16xf32>,
        %get3A_668 = vector.shape_cast %get3A_667 : vector<1x16xf32> to vector<16xf32>
        %mul3A_669 = arith.mulf %get3A_668, %gather3A_664 : vector<16xf32>
        %swap3A_670 = arith.index_cast %add3A_605 : i32 to index
        %swap3A_671 = arith.constant 0 : index
        %swap3A_672 = tpu.vector_load %arg33[%swap3A_670, %swap3A_671] {strides = array<i32>} : memref<128x32xf32, #tpu.memory_space<vmem>>, vector<1x16xf32>,
        %swap3A_673 = vector.shape_cast %swap3A_672 : vector<1x16xf32> to vector<16xf32>
        %swap3A_674 = vector.shape_cast %mul3A_669 : vector<16xf32> to vector<1x16xf32>
        tpu.vector_store %arg33[%swap3A_670, %swap3A_671], %swap3A_674 {strides = array<i32>} : memref<128x32xf32, #tpu.memory_space<vmem>>, vector<1x16xf32>,
        %scan3A_675 = arith.constant 1 : i32
        %scan3A_676 = arith.addi %scan3A_601, %scan3A_675 : i32
        %mul3A_677 = arith.constant 1 : i32
        %mul3A_678 = arith.muli %scan3A_676, %mul3A_677 : i32
        %add3A_679 = arith.constant 0 : i32
        %add3A_680 = arith.addi %add3A_679, %mul3A_678 : i32
        %get3A_681 = arith.index_cast %add3A_680 : i32 to index
        %get3A_682 = arith.constant 0 : index
        %get3A_683 = tpu.vector_load %arg25[%get3A_681, %get3A_682] {strides = array<i32>} : memref<128x16xf32, #tpu.memory_space<vmem>>, vector<1x16xf32>,
        %get3A_684 = vector.shape_cast %get3A_683 : vector<1x16xf32> to vector<16xf32>
        %get3A_685 = arith.index_cast %add3A_680 : i32 to index
        %get3A_686 = arith.constant 16 : index
        %get3A_687 = tpu.vector_load %arg33[%get3A_685, %get3A_686] {strides = array<i32>} : memref<128x32xf32, #tpu.memory_space<vmem>>, vector<1x16xf32>,
        %get3A_688 = vector.shape_cast %get3A_687 : vector<1x16xf32> to vector<16xf32>
        %add3A_689 = arith.addf %get3A_684, %get3A_688 : vector<16xf32>
        %mul3A_690 = arith.constant 2.000000e-01 : f32
        %mul3A_691 = vector.broadcast %mul3A_690 : f32 to vector<16xf32>
        %mul3A_692 = arith.mulf %mul3A_691, %add3A_689 : vector<16xf32>
        %max3A_693 = arith.maximumf %add3A_689, %mul3A_692 : vector<16xf32>
        %exp3A_694 = math.exp %max3A_693 : vector<16xf32>
        %swap3A_695 = arith.index_cast %add3A_680 : i32 to index
        %swap3A_696 = arith.constant 16 : index
        %swap3A_697 = tpu.vector_load %arg33[%swap3A_695, %swap3A_696] {strides = array<i32>} : memref<128x32xf32, #tpu.memory_space<vmem>>, vector<1x16xf32>,
        %swap3A_698 = vector.shape_cast %swap3A_697 : vector<1x16xf32> to vector<16xf32>
        %swap3A_699 = vector.shape_cast %exp3A_694 : vector<16xf32> to vector<1x16xf32>
        tpu.vector_store %arg33[%swap3A_695, %swap3A_696], %swap3A_699 {strides = array<i32>} : memref<128x32xf32, #tpu.memory_space<vmem>>, vector<1x16xf32>,
        %broadcast_in_dim3A_700 = arith.constant 0 : i32
        %broadcast_in_dim3A_701 = vector.broadcast %broadcast_in_dim3A_700 : i32 to vector<16x1xi32>
        %gather3A_702 = vector.shape_cast %broadcast_in_dim3A_701 : vector<16x1xi32> to vector<16xi32>
        %gather3A_703 = tpu.dynamic_gather %exp3A_694[%gather3A_702] in [0] : vector<16xf32>, vector<16xi32> -> vector<16xf32>
        %get3A_704 = arith.index_cast %add3A_680 : i32 to index
        %get3A_705 = arith.constant 0 : index
        %get3A_706 = tpu.vector_load %arg29[%get3A_704, %get3A_705] {strides = array<i32>} : memref<128x48xf32, #tpu.memory_space<vmem>>, vector<1x16xf32>,
        %get3A_707 = vector.shape_cast %get3A_706 : vector<1x16xf32> to vector<16xf32>
        %mul3A_708 = arith.mulf %get3A_707, %gather3A_703 : vector<16xf32>
        %swap3A_709 = arith.index_cast %add3A_680 : i32 to index
        %swap3A_710 = arith.constant 0 : index
        %swap3A_711 = tpu.vector_load %arg29[%swap3A_709, %swap3A_710] {strides = array<i32>} : memref<128x48xf32, #tpu.memory_space<vmem>>, vector<1x16xf32>,
        %swap3A_712 = vector.shape_cast %swap3A_711 : vector<1x16xf32> to vector<16xf32>
        %swap3A_713 = vector.shape_cast %mul3A_708 : vector<16xf32> to vector<1x16xf32>
        tpu.vector_store %arg29[%swap3A_709, %swap3A_710], %swap3A_713 {strides = array<i32>} : memref<128x48xf32, #tpu.memory_space<vmem>>, vector<1x16xf32>,
        %broadcast_in_dim3A_714 = arith.constant 1 : i32
        %broadcast_in_dim3A_715 = vector.broadcast %broadcast_in_dim3A_714 : i32 to vector<16x1xi32>
        %gather3A_716 = vector.shape_cast %broadcast_in_dim3A_715 : vector<16x1xi32> to vector<16xi32>
        %gather3A_717 = tpu.dynamic_gather %exp3A_694[%gather3A_716] in [0] : vector<16xf32>, vector<16xi32> -> vector<16xf32>
        %get3A_718 = arith.index_cast %add3A_680 : i32 to index
        %get3A_719 = arith.constant 16 : index
        %get3A_720 = tpu.vector_load %arg29[%get3A_718, %get3A_719] {strides = array<i32>} : memref<128x48xf32, #tpu.memory_space<vmem>>, vector<1x16xf32>,
        %get3A_721 = vector.shape_cast %get3A_720 : vector<1x16xf32> to vector<16xf32>
        %mul3A_722 = arith.mulf %get3A_721, %gather3A_717 : vector<16xf32>
        %swap3A_723 = arith.index_cast %add3A_680 : i32 to index
        %swap3A_724 = arith.constant 16 : index
        %swap3A_725 = tpu.vector_load %arg29[%swap3A_723, %swap3A_724] {strides = array<i32>} : memref<128x48xf32, #tpu.memory_space<vmem>>, vector<1x16xf32>,
        %swap3A_726 = vector.shape_cast %swap3A_725 : vector<1x16xf32> to vector<16xf32>
        %swap3A_727 = vector.shape_cast %mul3A_722 : vector<16xf32> to vector<1x16xf32>
        tpu.vector_store %arg29[%swap3A_723, %swap3A_724], %swap3A_727 {strides = array<i32>} : memref<128x48xf32, #tpu.memory_space<vmem>>, vector<1x16xf32>,
        %broadcast_in_dim3A_728 = arith.constant 2 : i32
        %broadcast_in_dim3A_729 = vector.broadcast %broadcast_in_dim3A_728 : i32 to vector<16x1xi32>
        %gather3A_730 = vector.shape_cast %broadcast_in_dim3A_729 : vector<16x1xi32> to vector<16xi32>
        %gather3A_731 = tpu.dynamic_gather %exp3A_694[%gather3A_730] in [0] : vector<16xf32>, vector<16xi32> -> vector<16xf32>
        %get3A_732 = arith.index_cast %add3A_680 : i32 to index
        %get3A_733 = arith.constant 32 : index
        %get3A_734 = tpu.vector_load %arg29[%get3A_732, %get3A_733] {strides = array<i32>} : memref<128x48xf32, #tpu.memory_space<vmem>>, vector<1x16xf32>,
        %get3A_735 = vector.shape_cast %get3A_734 : vector<1x16xf32> to vector<16xf32>
        %mul3A_736 = arith.mulf %get3A_735, %gather3A_731 : vector<16xf32>
        %swap3A_737 = arith.index_cast %add3A_680 : i32 to index
        %swap3A_738 = arith.constant 32 : index
        %swap3A_739 = tpu.vector_load %arg29[%swap3A_737, %swap3A_738] {strides = array<i32>} : memref<128x48xf32, #tpu.memory_space<vmem>>, vector<1x16xf32>,
        %swap3A_740 = vector.shape_cast %swap3A_739 : vector<1x16xf32> to vector<16xf32>
        %swap3A_741 = vector.shape_cast %mul3A_736 : vector<16xf32> to vector<1x16xf32>
        tpu.vector_store %arg29[%swap3A_737, %swap3A_738], %swap3A_741 {strides = array<i32>} : memref<128x48xf32, #tpu.memory_space<vmem>>, vector<1x16xf32>,
        %broadcast_in_dim3A_742 = arith.constant 3 : i32
        %broadcast_in_dim3A_743 = vector.broadcast %broadcast_in_dim3A_742 : i32 to vector<16x1xi32>
        %gather3A_744 = vector.shape_cast %broadcast_in_dim3A_743 : vector<16x1xi32> to vector<16xi32>
        %gather3A_745 = tpu.dynamic_gather %exp3A_694[%gather3A_744] in [0] : vector<16xf32>, vector<16xi32> -> vector<16xf32>
        %get3A_746 = arith.index_cast %add3A_680 : i32 to index
        %get3A_747 = arith.constant 0 : index
        %get3A_748 = tpu.vector_load %arg33[%get3A_746, %get3A_747] {strides = array<i32>} : memref<128x32xf32, #tpu.memory_space<vmem>>, vector<1x16xf32>,
        %get3A_749 = vector.shape_cast %get3A_748 : vector<1x16xf32> to vector<16xf32>
        %mul3A_750 = arith.mulf %get3A_749, %gather3A_745 : vector<16xf32>
        %swap3A_751 = arith.index_cast %add3A_680 : i32 to index
        %swap3A_752 = arith.constant 0 : index
        %swap3A_753 = tpu.vector_load %arg33[%swap3A_751, %swap3A_752] {strides = array<i32>} : memref<128x32xf32, #tpu.memory_space<vmem>>, vector<1x16xf32>,
        %swap3A_754 = vector.shape_cast %swap3A_753 : vector<1x16xf32> to vector<16xf32>
        %swap3A_755 = vector.shape_cast %mul3A_750 : vector<16xf32> to vector<1x16xf32>
        tpu.vector_store %arg33[%swap3A_751, %swap3A_752], %swap3A_755 {strides = array<i32>} : memref<128x32xf32, #tpu.memory_space<vmem>>, vector<1x16xf32>,
      }
      %scan3A_506 = arith.constant 128 : i32
      %dma_start3A_507 = arith.constant 0 : i32
      %dma_start3A_508 = arith.constant 0 : i32
      %dma_start3A_509 = tpu.memref_slice %arg21[%dma_start3A_507, %dma_start3A_508] : memref<2x128xi32, #tpu.memory_space<vmem>> -> memref<1x128xi32, #tpu.memory_space<vmem>>
      %dma_start3A_510 = tpu.memref_squeeze %dma_start3A_509 : memref<1x128xi32, #tpu.memory_space<vmem>> -> memref<128xi32, #tpu.memory_space<vmem>>
      %dma_start3A_511 = arith.constant 0 : i32
      %dma_start3A_512 = arith.constant 0 : i32
      %dma_start3A_513 = tpu.memref_slice %arg13[%dma_start3A_511, %dma_start3A_512] : memref<10112x48xf32, #tpu.memory_space<vmem_shared>> -> memref<10112x48xf32, #tpu.memory_space<vmem_shared>>
      tpu.enqueue_indirect_dma source(%arg29 : memref<128x48xf32, #tpu.memory_space<vmem>>) target(%dma_start3A_513 : memref<10112x48xf32, #tpu.memory_space<vmem_shared>>) offsets(%dma_start3A_510 : memref<128xi32, #tpu.memory_space<vmem>>) semaphore(%arg41 : memref<!tpu.dma_semaphore, #tpu.memory_space<semaphore_mem>>) {add = true}
      %dma_start3A_514 = arith.constant 0 : i32
      %dma_start3A_515 = arith.constant 0 : i32
      %dma_start3A_516 = tpu.memref_slice %arg21[%dma_start3A_514, %dma_start3A_515] : memref<2x128xi32, #tpu.memory_space<vmem>> -> memref<1x128xi32, #tpu.memory_space<vmem>>
      %dma_start3A_517 = tpu.memref_squeeze %dma_start3A_516 : memref<1x128xi32, #tpu.memory_space<vmem>> -> memref<128xi32, #tpu.memory_space<vmem>>
      %dma_start3A_518 = arith.constant 0 : i32
      %dma_start3A_519 = arith.constant 0 : i32
      %dma_start3A_520 = tpu.memref_slice %arg14[%dma_start3A_518, %dma_start3A_519] : memref<10112x32xf32, #tpu.memory_space<vmem_shared>> -> memref<10112x32xf32, #tpu.memory_space<vmem_shared>>
      tpu.enqueue_indirect_dma source(%arg33 : memref<128x32xf32, #tpu.memory_space<vmem>>) target(%dma_start3A_520 : memref<10112x32xf32, #tpu.memory_space<vmem_shared>>) offsets(%dma_start3A_517 : memref<128xi32, #tpu.memory_space<vmem>>) semaphore(%arg41 : memref<!tpu.dma_semaphore, #tpu.memory_space<semaphore_mem>>) {add = true}
      %ge3A_521 = arith.constant 2 : i32
      %ge3A_522 = arith.cmpi sge, %add3A_480, %ge3A_521 : i32
      %convert_element_type3A_523 = arith.extui %ge3A_522 : i1 to i32
      %cond3A_524 = arith.constant 0 : i32
      %cond3A_525 = arith.cmpi ne, %convert_element_type3A_523, %cond3A_524 : i32
      scf.if %cond3A_525 {
        %dma_wait3A_601 = arith.constant 0 : i32
        %dma_wait3A_602 = arith.constant 0 : i32
        %dma_wait3A_603 = tpu.memref_slice %arg19[%dma_wait3A_601, %dma_wait3A_602] : memref<2x128xi32, #tpu.memory_space<vmem>> -> memref<1x128xi32, #tpu.memory_space<vmem>>
        %dma_wait3A_604 = tpu.memref_squeeze %dma_wait3A_603 : memref<1x128xi32, #tpu.memory_space<vmem>> -> memref<128xi32, #tpu.memory_space<vmem>>
        %dma_wait3A_605 = arith.constant 0 : i32
        %dma_wait3A_606 = arith.constant 0 : i32
        %dma_wait3A_607 = tpu.memref_slice %arg13[%dma_wait3A_605, %dma_wait3A_606] : memref<10112x48xf32, #tpu.memory_space<vmem_shared>> -> memref<10112x48xf32, #tpu.memory_space<vmem_shared>>
        tpu.wait_indirect_dma semaphore(%arg39 : memref<!tpu.dma_semaphore, #tpu.memory_space<semaphore_mem>>) src(%arg27 : memref<128x48xf32, #tpu.memory_space<vmem>>) dst(%dma_wait3A_607 : memref<10112x48xf32, #tpu.memory_space<vmem_shared>>)
        %dma_wait3A_608 = arith.constant 0 : i32
        %dma_wait3A_609 = arith.constant 0 : i32
        %dma_wait3A_610 = tpu.memref_slice %arg19[%dma_wait3A_608, %dma_wait3A_609] : memref<2x128xi32, #tpu.memory_space<vmem>> -> memref<1x128xi32, #tpu.memory_space<vmem>>
        %dma_wait3A_611 = tpu.memref_squeeze %dma_wait3A_610 : memref<1x128xi32, #tpu.memory_space<vmem>> -> memref<128xi32, #tpu.memory_space<vmem>>
        %dma_wait3A_612 = arith.constant 0 : i32
        %dma_wait3A_613 = arith.constant 0 : i32
        %dma_wait3A_614 = tpu.memref_slice %arg14[%dma_wait3A_612, %dma_wait3A_613] : memref<10112x32xf32, #tpu.memory_space<vmem_shared>> -> memref<10112x32xf32, #tpu.memory_space<vmem_shared>>
        tpu.wait_indirect_dma semaphore(%arg39 : memref<!tpu.dma_semaphore, #tpu.memory_space<semaphore_mem>>) src(%arg31 : memref<128x32xf32, #tpu.memory_space<vmem>>) dst(%dma_wait3A_614 : memref<10112x32xf32, #tpu.memory_space<vmem_shared>>)
      } else {
      }
      %add3A_526 = arith.constant 3 : i32
      %add3A_527 = arith.addi %add3A_480, %add3A_526 : i32
      %lt3A_528 = arith.constant 168 : i32
      %lt3A_529 = arith.cmpi slt, %add3A_527, %lt3A_528 : i32
      %convert_element_type3A_530 = arith.extui %lt3A_529 : i1 to i32
      %cond3A_531 = arith.constant 0 : i32
      %cond3A_532 = arith.cmpi ne, %convert_element_type3A_530, %cond3A_531 : i32
      scf.if %cond3A_532 {
        %add3A_601 = arith.constant 3 : i32
        %add3A_602 = arith.addi %add3A_480, %add3A_601 : i32
        %mul3A_603 = arith.constant 168 : i32
        %mul3A_604 = arith.muli %arg1, %mul3A_603 : i32
        %add3A_605 = arith.addi %mul3A_604, %add3A_602 : i32
        %dma_start3A_606 = arith.constant 0 : i32
        %dma_start3A_607 = arith.constant 0 : i32
        %dma_start3A_608 = tpu.memref_slice %arg8[%add3A_605, %dma_start3A_606, %dma_start3A_607] : memref<2688x2x128xi32, #tpu.memory_space<hbm>> -> memref<1x2x128xi32, #tpu.memory_space<hbm>>
        %dma_start3A_609 = tpu.memref_squeeze %dma_start3A_608 : memref<1x2x128xi32, #tpu.memory_space<hbm>> -> memref<2x128xi32, #tpu.memory_space<hbm>>
        %dma_start3A_610 = arith.constant 0 : i32
        %dma_start3A_611 = arith.constant 0 : i32
        %dma_start3A_612 = tpu.memref_slice %arg8[%add3A_605, %dma_start3A_610, %dma_start3A_611] : memref<2688x2x128xi32, #tpu.memory_space<hbm>> -> memref<1x2x128xi32, #tpu.memory_space<hbm>>
        %dma_start3A_613 = tpu.memref_squeeze %dma_start3A_612 : memref<1x2x128xi32, #tpu.memory_space<hbm>> -> memref<2x128xi32, #tpu.memory_space<hbm>>
        tpu.enqueue_dma source(%dma_start3A_613 : memref<2x128xi32, #tpu.memory_space<hbm>>) target(%arg16 : memref<2x128xi32, #tpu.memory_space<vmem>>) target_semaphore(%arg44 : memref<!tpu.dma_semaphore, #tpu.memory_space<semaphore_mem>>)
      } else {
      }
      %add3A_533 = arith.constant 2 : i32
      %add3A_534 = arith.addi %add3A_480, %add3A_533 : i32
      %lt3A_535 = arith.constant 168 : i32
      %lt3A_536 = arith.cmpi slt, %add3A_534, %lt3A_535 : i32
      %convert_element_type3A_537 = arith.extui %lt3A_536 : i1 to i32
      %cond3A_538 = arith.constant 0 : i32
      %cond3A_539 = arith.cmpi ne, %convert_element_type3A_537, %cond3A_538 : i32
      scf.if %cond3A_539 {
        %add3A_601 = arith.constant 2 : i32
        %add3A_602 = arith.addi %add3A_480, %add3A_601 : i32
        %mul3A_603 = arith.constant 168 : i32
        %mul3A_604 = arith.muli %arg1, %mul3A_603 : i32
        %add3A_605 = arith.addi %mul3A_604, %add3A_602 : i32
        %dma_wait3A_606 = arith.constant 0 : i32
        %dma_wait3A_607 = arith.constant 0 : i32
        %dma_wait3A_608 = tpu.memref_slice %arg8[%add3A_605, %dma_wait3A_606, %dma_wait3A_607] : memref<2688x2x128xi32, #tpu.memory_space<hbm>> -> memref<1x2x128xi32, #tpu.memory_space<hbm>>
        %dma_wait3A_609 = tpu.memref_squeeze %dma_wait3A_608 : memref<1x2x128xi32, #tpu.memory_space<hbm>> -> memref<2x128xi32, #tpu.memory_space<hbm>>
        %dma_wait3A_610 = arith.constant 0 : i32
        %dma_wait3A_611 = arith.constant 0 : i32
        %dma_wait3A_612 = tpu.memref_slice %arg8[%add3A_605, %dma_wait3A_610, %dma_wait3A_611] : memref<2688x2x128xi32, #tpu.memory_space<hbm>> -> memref<1x2x128xi32, #tpu.memory_space<hbm>>
        %dma_wait3A_613 = tpu.memref_squeeze %dma_wait3A_612 : memref<1x2x128xi32, #tpu.memory_space<hbm>> -> memref<2x128xi32, #tpu.memory_space<hbm>>
        tpu.wait_dma2 semaphore(%arg43 : memref<!tpu.dma_semaphore, #tpu.memory_space<semaphore_mem>>) src(%dma_wait3A_613 : memref<2x128xi32, #tpu.memory_space<hbm>>) dst(%arg15 : memref<2x128xi32, #tpu.memory_space<vmem>>)
        %eq3A_614 = arith.constant 0 : i32
        %eq3A_615 = arith.cmpi eq, %arg0, %eq3A_614 : i32
        %convert_element_type3A_616 = arith.extui %eq3A_615 : i1 to i32
        %cond3A_617 = arith.constant 0 : i32
        %cond3A_618 = arith.cmpi ne, %convert_element_type3A_616, %cond3A_617 : i32
        scf.if %cond3A_618 {
          %dma_start3A_624 = arith.constant 0 : i32
          %dma_start3A_625 = arith.constant 0 : i32
          %dma_start3A_626 = tpu.memref_slice %arg15[%dma_start3A_624, %dma_start3A_625] : memref<2x128xi32, #tpu.memory_space<vmem>> -> memref<1x128xi32, #tpu.memory_space<vmem>>
          %dma_start3A_627 = tpu.memref_squeeze %dma_start3A_626 : memref<1x128xi32, #tpu.memory_space<vmem>> -> memref<128xi32, #tpu.memory_space<vmem>>
          %dma_start3A_628 = arith.constant 0 : i32
          %dma_start3A_629 = arith.constant 0 : i32
          %dma_start3A_630 = tpu.memref_slice %arg6[%dma_start3A_628, %dma_start3A_629] : memref<10112x16xf32, #tpu.memory_space<hbm>> -> memref<10112x16xf32, #tpu.memory_space<hbm>>
          tpu.enqueue_indirect_dma source(%dma_start3A_630 : memref<10112x16xf32, #tpu.memory_space<hbm>>) target(%arg23 : memref<128x16xf32, #tpu.memory_space<vmem>>) offsets(%dma_start3A_627 : memref<128xi32, #tpu.memory_space<vmem>>) semaphore(%arg35 : memref<!tpu.dma_semaphore, #tpu.memory_space<semaphore_mem>>)
          %dma_start3A_631 = arith.constant 1 : i32
          %dma_start3A_632 = arith.constant 0 : i32
          %dma_start3A_633 = tpu.memref_slice %arg15[%dma_start3A_631, %dma_start3A_632] : memref<2x128xi32, #tpu.memory_space<vmem>> -> memref<1x128xi32, #tpu.memory_space<vmem>>
          %dma_start3A_634 = tpu.memref_squeeze %dma_start3A_633 : memref<1x128xi32, #tpu.memory_space<vmem>> -> memref<128xi32, #tpu.memory_space<vmem>>
          %dma_start3A_635 = arith.constant 0 : i32
          %dma_start3A_636 = arith.constant 0 : i32
          %dma_start3A_637 = tpu.memref_slice %arg2[%dma_start3A_635, %dma_start3A_636] : memref<10000x48xf32, #tpu.memory_space<hbm>> -> memref<10000x48xf32, #tpu.memory_space<hbm>>
          tpu.enqueue_indirect_dma source(%dma_start3A_637 : memref<10000x48xf32, #tpu.memory_space<hbm>>) target(%arg27 : memref<128x48xf32, #tpu.memory_space<vmem>>) offsets(%dma_start3A_634 : memref<128xi32, #tpu.memory_space<vmem>>) semaphore(%arg35 : memref<!tpu.dma_semaphore, #tpu.memory_space<semaphore_mem>>)
          %dma_start3A_638 = arith.constant 1 : i32
          %dma_start3A_639 = arith.constant 0 : i32
          %dma_start3A_640 = tpu.memref_slice %arg15[%dma_start3A_638, %dma_start3A_639] : memref<2x128xi32, #tpu.memory_space<vmem>> -> memref<1x128xi32, #tpu.memory_space<vmem>>
          %dma_start3A_641 = tpu.memref_squeeze %dma_start3A_640 : memref<1x128xi32, #tpu.memory_space<vmem>> -> memref<128xi32, #tpu.memory_space<vmem>>
          %dma_start3A_642 = arith.constant 0 : i32
          %dma_start3A_643 = arith.constant 0 : i32
          %dma_start3A_644 = tpu.memref_slice %arg3[%dma_start3A_642, %dma_start3A_643] : memref<10000x32xf32, #tpu.memory_space<hbm>> -> memref<10000x32xf32, #tpu.memory_space<hbm>>
          tpu.enqueue_indirect_dma source(%dma_start3A_644 : memref<10000x32xf32, #tpu.memory_space<hbm>>) target(%arg31 : memref<128x32xf32, #tpu.memory_space<vmem>>) offsets(%dma_start3A_641 : memref<128xi32, #tpu.memory_space<vmem>>) semaphore(%arg35 : memref<!tpu.dma_semaphore, #tpu.memory_space<semaphore_mem>>)
        } else {
        }
        %eq3A_619 = arith.constant 1 : i32
        %eq3A_620 = arith.cmpi eq, %arg0, %eq3A_619 : i32
        %convert_element_type3A_621 = arith.extui %eq3A_620 : i1 to i32
        %cond3A_622 = arith.constant 0 : i32
        %cond3A_623 = arith.cmpi ne, %convert_element_type3A_621, %cond3A_622 : i32
        scf.if %cond3A_623 {
          %dma_start3A_624 = arith.constant 0 : i32
          %dma_start3A_625 = arith.constant 0 : i32
          %dma_start3A_626 = tpu.memref_slice %arg15[%dma_start3A_624, %dma_start3A_625] : memref<2x128xi32, #tpu.memory_space<vmem>> -> memref<1x128xi32, #tpu.memory_space<vmem>>
          %dma_start3A_627 = tpu.memref_squeeze %dma_start3A_626 : memref<1x128xi32, #tpu.memory_space<vmem>> -> memref<128xi32, #tpu.memory_space<vmem>>
          %dma_start3A_628 = arith.constant 0 : i32
          %dma_start3A_629 = arith.constant 0 : i32
          %dma_start3A_630 = tpu.memref_slice %arg7[%dma_start3A_628, %dma_start3A_629] : memref<10112x16xf32, #tpu.memory_space<hbm>> -> memref<10112x16xf32, #tpu.memory_space<hbm>>
          tpu.enqueue_indirect_dma source(%dma_start3A_630 : memref<10112x16xf32, #tpu.memory_space<hbm>>) target(%arg23 : memref<128x16xf32, #tpu.memory_space<vmem>>) offsets(%dma_start3A_627 : memref<128xi32, #tpu.memory_space<vmem>>) semaphore(%arg35 : memref<!tpu.dma_semaphore, #tpu.memory_space<semaphore_mem>>)
          %dma_start3A_631 = arith.constant 1 : i32
          %dma_start3A_632 = arith.constant 0 : i32
          %dma_start3A_633 = tpu.memref_slice %arg15[%dma_start3A_631, %dma_start3A_632] : memref<2x128xi32, #tpu.memory_space<vmem>> -> memref<1x128xi32, #tpu.memory_space<vmem>>
          %dma_start3A_634 = tpu.memref_squeeze %dma_start3A_633 : memref<1x128xi32, #tpu.memory_space<vmem>> -> memref<128xi32, #tpu.memory_space<vmem>>
          %dma_start3A_635 = arith.constant 0 : i32
          %dma_start3A_636 = arith.constant 0 : i32
          %dma_start3A_637 = tpu.memref_slice %arg4[%dma_start3A_635, %dma_start3A_636] : memref<10000x48xf32, #tpu.memory_space<hbm>> -> memref<10000x48xf32, #tpu.memory_space<hbm>>
          tpu.enqueue_indirect_dma source(%dma_start3A_637 : memref<10000x48xf32, #tpu.memory_space<hbm>>) target(%arg27 : memref<128x48xf32, #tpu.memory_space<vmem>>) offsets(%dma_start3A_634 : memref<128xi32, #tpu.memory_space<vmem>>) semaphore(%arg35 : memref<!tpu.dma_semaphore, #tpu.memory_space<semaphore_mem>>)
          %dma_start3A_638 = arith.constant 1 : i32
          %dma_start3A_639 = arith.constant 0 : i32
          %dma_start3A_640 = tpu.memref_slice %arg15[%dma_start3A_638, %dma_start3A_639] : memref<2x128xi32, #tpu.memory_space<vmem>> -> memref<1x128xi32, #tpu.memory_space<vmem>>
          %dma_start3A_641 = tpu.memref_squeeze %dma_start3A_640 : memref<1x128xi32, #tpu.memory_space<vmem>> -> memref<128xi32, #tpu.memory_space<vmem>>
          %dma_start3A_642 = arith.constant 0 : i32
          %dma_start3A_643 = arith.constant 0 : i32
          %dma_start3A_644 = tpu.memref_slice %arg5[%dma_start3A_642, %dma_start3A_643] : memref<10000x32xf32, #tpu.memory_space<hbm>> -> memref<10000x32xf32, #tpu.memory_space<hbm>>
          tpu.enqueue_indirect_dma source(%dma_start3A_644 : memref<10000x32xf32, #tpu.memory_space<hbm>>) target(%arg31 : memref<128x32xf32, #tpu.memory_space<vmem>>) offsets(%dma_start3A_641 : memref<128xi32, #tpu.memory_space<vmem>>) semaphore(%arg35 : memref<!tpu.dma_semaphore, #tpu.memory_space<semaphore_mem>>)
        } else {
        }
      } else {
      }
      %add3A_540 = arith.constant 7 : i32
      %add3A_541 = arith.addi %add3A_114, %add3A_540 : i32
      %dma_wait3A_542 = arith.constant 0 : i32
      %dma_wait3A_543 = arith.constant 0 : i32
      %dma_wait3A_544 = tpu.memref_slice %arg22[%dma_wait3A_542, %dma_wait3A_543] : memref<2x128xi32, #tpu.memory_space<vmem>> -> memref<1x128xi32, #tpu.memory_space<vmem>>
      %dma_wait3A_545 = tpu.memref_squeeze %dma_wait3A_544 : memref<1x128xi32, #tpu.memory_space<vmem>> -> memref<128xi32, #tpu.memory_space<vmem>>
      %dma_wait3A_546 = arith.constant 0 : i32
      %dma_wait3A_547 = arith.constant 0 : i32
      %dma_wait3A_548 = tpu.memref_slice %arg6[%dma_wait3A_546, %dma_wait3A_547] : memref<10112x16xf32, #tpu.memory_space<hbm>> -> memref<10112x16xf32, #tpu.memory_space<hbm>>
      tpu.wait_indirect_dma semaphore(%arg38 : memref<!tpu.dma_semaphore, #tpu.memory_space<semaphore_mem>>) src(%dma_wait3A_548 : memref<10112x16xf32, #tpu.memory_space<hbm>>) dst(%arg26 : memref<128x16xf32, #tpu.memory_space<vmem>>)
      %dma_wait3A_549 = arith.constant 1 : i32
      %dma_wait3A_550 = arith.constant 0 : i32
      %dma_wait3A_551 = tpu.memref_slice %arg22[%dma_wait3A_549, %dma_wait3A_550] : memref<2x128xi32, #tpu.memory_space<vmem>> -> memref<1x128xi32, #tpu.memory_space<vmem>>
      %dma_wait3A_552 = tpu.memref_squeeze %dma_wait3A_551 : memref<1x128xi32, #tpu.memory_space<vmem>> -> memref<128xi32, #tpu.memory_space<vmem>>
      %dma_wait3A_553 = arith.constant 0 : i32
      %dma_wait3A_554 = arith.constant 0 : i32
      %dma_wait3A_555 = tpu.memref_slice %arg2[%dma_wait3A_553, %dma_wait3A_554] : memref<10000x48xf32, #tpu.memory_space<hbm>> -> memref<10000x48xf32, #tpu.memory_space<hbm>>
      tpu.wait_indirect_dma semaphore(%arg38 : memref<!tpu.dma_semaphore, #tpu.memory_space<semaphore_mem>>) src(%dma_wait3A_555 : memref<10000x48xf32, #tpu.memory_space<hbm>>) dst(%arg30 : memref<128x48xf32, #tpu.memory_space<vmem>>)
      %dma_wait3A_556 = arith.constant 1 : i32
      %dma_wait3A_557 = arith.constant 0 : i32
      %dma_wait3A_558 = tpu.memref_slice %arg22[%dma_wait3A_556, %dma_wait3A_557] : memref<2x128xi32, #tpu.memory_space<vmem>> -> memref<1x128xi32, #tpu.memory_space<vmem>>
      %dma_wait3A_559 = tpu.memref_squeeze %dma_wait3A_558 : memref<1x128xi32, #tpu.memory_space<vmem>> -> memref<128xi32, #tpu.memory_space<vmem>>
      %dma_wait3A_560 = arith.constant 0 : i32
      %dma_wait3A_561 = arith.constant 0 : i32
      %dma_wait3A_562 = tpu.memref_slice %arg3[%dma_wait3A_560, %dma_wait3A_561] : memref<10000x32xf32, #tpu.memory_space<hbm>> -> memref<10000x32xf32, #tpu.memory_space<hbm>>
      tpu.wait_indirect_dma semaphore(%arg38 : memref<!tpu.dma_semaphore, #tpu.memory_space<semaphore_mem>>) src(%dma_wait3A_562 : memref<10000x32xf32, #tpu.memory_space<hbm>>) dst(%arg34 : memref<128x32xf32, #tpu.memory_space<vmem>>)
      %scan3A_563 = arith.constant 0 : i32
      %scan3A_564 = arith.constant 128 : i32
      %scan3A_565 = arith.addi %scan3A_563, %scan3A_564 : i32
      %scan3A_566 = arith.constant 2 : i32
      scf.for %scan3A_601 = %scan3A_563 to %scan3A_565 step %scan3A_566  : i32 {
        %mul3A_602 = arith.constant 1 : i32
        %mul3A_603 = arith.muli %scan3A_601, %mul3A_602 : i32
        %add3A_604 = arith.constant 0 : i32
        %add3A_605 = arith.addi %add3A_604, %mul3A_603 : i32
        %get3A = arith.index_cast %add3A_605 : i32 to index
        %get3A_606 = arith.constant 0 : index
        %get3A_607 = tpu.vector_load %arg26[%get3A, %get3A_606] {strides = array<i32>} : memref<128x16xf32, #tpu.memory_space<vmem>>, vector<1x16xf32>,
        %get3A_608 = vector.shape_cast %get3A_607 : vector<1x16xf32> to vector<16xf32>
        %get3A_609 = arith.index_cast %add3A_605 : i32 to index
        %get3A_610 = arith.constant 16 : index
        %get3A_611 = tpu.vector_load %arg34[%get3A_609, %get3A_610] {strides = array<i32>} : memref<128x32xf32, #tpu.memory_space<vmem>>, vector<1x16xf32>,
        %get3A_612 = vector.shape_cast %get3A_611 : vector<1x16xf32> to vector<16xf32>
        %add3A_613 = arith.addf %get3A_608, %get3A_612 : vector<16xf32>
        %mul3A_614 = arith.constant 2.000000e-01 : f32
        %mul3A_615 = vector.broadcast %mul3A_614 : f32 to vector<16xf32>
        %mul3A_616 = arith.mulf %mul3A_615, %add3A_613 : vector<16xf32>
        %max3A = arith.maximumf %add3A_613, %mul3A_616 : vector<16xf32>
        %exp3A = math.exp %max3A : vector<16xf32>
        %swap3A = arith.index_cast %add3A_605 : i32 to index
        %swap3A_617 = arith.constant 16 : index
        %swap3A_618 = tpu.vector_load %arg34[%swap3A, %swap3A_617] {strides = array<i32>} : memref<128x32xf32, #tpu.memory_space<vmem>>, vector<1x16xf32>,
        %swap3A_619 = vector.shape_cast %swap3A_618 : vector<1x16xf32> to vector<16xf32>
        %swap3A_620 = vector.shape_cast %exp3A : vector<16xf32> to vector<1x16xf32>
        tpu.vector_store %arg34[%swap3A, %swap3A_617], %swap3A_620 {strides = array<i32>} : memref<128x32xf32, #tpu.memory_space<vmem>>, vector<1x16xf32>,
        %broadcast_in_dim3A = arith.constant 0 : i32
        %broadcast_in_dim3A_621 = vector.broadcast %broadcast_in_dim3A : i32 to vector<16x1xi32>
        %gather3A = vector.shape_cast %broadcast_in_dim3A_621 : vector<16x1xi32> to vector<16xi32>
        %gather3A_622 = tpu.dynamic_gather %exp3A[%gather3A] in [0] : vector<16xf32>, vector<16xi32> -> vector<16xf32>
        %get3A_623 = arith.index_cast %add3A_605 : i32 to index
        %get3A_624 = arith.constant 0 : index
        %get3A_625 = tpu.vector_load %arg30[%get3A_623, %get3A_624] {strides = array<i32>} : memref<128x48xf32, #tpu.memory_space<vmem>>, vector<1x16xf32>,
        %get3A_626 = vector.shape_cast %get3A_625 : vector<1x16xf32> to vector<16xf32>
        %mul3A_627 = arith.mulf %get3A_626, %gather3A_622 : vector<16xf32>
        %swap3A_628 = arith.index_cast %add3A_605 : i32 to index
        %swap3A_629 = arith.constant 0 : index
        %swap3A_630 = tpu.vector_load %arg30[%swap3A_628, %swap3A_629] {strides = array<i32>} : memref<128x48xf32, #tpu.memory_space<vmem>>, vector<1x16xf32>,
        %swap3A_631 = vector.shape_cast %swap3A_630 : vector<1x16xf32> to vector<16xf32>
        %swap3A_632 = vector.shape_cast %mul3A_627 : vector<16xf32> to vector<1x16xf32>
        tpu.vector_store %arg30[%swap3A_628, %swap3A_629], %swap3A_632 {strides = array<i32>} : memref<128x48xf32, #tpu.memory_space<vmem>>, vector<1x16xf32>,
        %broadcast_in_dim3A_633 = arith.constant 1 : i32
        %broadcast_in_dim3A_634 = vector.broadcast %broadcast_in_dim3A_633 : i32 to vector<16x1xi32>
        %gather3A_635 = vector.shape_cast %broadcast_in_dim3A_634 : vector<16x1xi32> to vector<16xi32>
        %gather3A_636 = tpu.dynamic_gather %exp3A[%gather3A_635] in [0] : vector<16xf32>, vector<16xi32> -> vector<16xf32>
        %get3A_637 = arith.index_cast %add3A_605 : i32 to index
        %get3A_638 = arith.constant 16 : index
        %get3A_639 = tpu.vector_load %arg30[%get3A_637, %get3A_638] {strides = array<i32>} : memref<128x48xf32, #tpu.memory_space<vmem>>, vector<1x16xf32>,
        %get3A_640 = vector.shape_cast %get3A_639 : vector<1x16xf32> to vector<16xf32>
        %mul3A_641 = arith.mulf %get3A_640, %gather3A_636 : vector<16xf32>
        %swap3A_642 = arith.index_cast %add3A_605 : i32 to index
        %swap3A_643 = arith.constant 16 : index
        %swap3A_644 = tpu.vector_load %arg30[%swap3A_642, %swap3A_643] {strides = array<i32>} : memref<128x48xf32, #tpu.memory_space<vmem>>, vector<1x16xf32>,
        %swap3A_645 = vector.shape_cast %swap3A_644 : vector<1x16xf32> to vector<16xf32>
        %swap3A_646 = vector.shape_cast %mul3A_641 : vector<16xf32> to vector<1x16xf32>
        tpu.vector_store %arg30[%swap3A_642, %swap3A_643], %swap3A_646 {strides = array<i32>} : memref<128x48xf32, #tpu.memory_space<vmem>>, vector<1x16xf32>,
        %broadcast_in_dim3A_647 = arith.constant 2 : i32
        %broadcast_in_dim3A_648 = vector.broadcast %broadcast_in_dim3A_647 : i32 to vector<16x1xi32>
        %gather3A_649 = vector.shape_cast %broadcast_in_dim3A_648 : vector<16x1xi32> to vector<16xi32>
        %gather3A_650 = tpu.dynamic_gather %exp3A[%gather3A_649] in [0] : vector<16xf32>, vector<16xi32> -> vector<16xf32>
        %get3A_651 = arith.index_cast %add3A_605 : i32 to index
        %get3A_652 = arith.constant 32 : index
        %get3A_653 = tpu.vector_load %arg30[%get3A_651, %get3A_652] {strides = array<i32>} : memref<128x48xf32, #tpu.memory_space<vmem>>, vector<1x16xf32>,
        %get3A_654 = vector.shape_cast %get3A_653 : vector<1x16xf32> to vector<16xf32>
        %mul3A_655 = arith.mulf %get3A_654, %gather3A_650 : vector<16xf32>
        %swap3A_656 = arith.index_cast %add3A_605 : i32 to index
        %swap3A_657 = arith.constant 32 : index
        %swap3A_658 = tpu.vector_load %arg30[%swap3A_656, %swap3A_657] {strides = array<i32>} : memref<128x48xf32, #tpu.memory_space<vmem>>, vector<1x16xf32>,
        %swap3A_659 = vector.shape_cast %swap3A_658 : vector<1x16xf32> to vector<16xf32>
        %swap3A_660 = vector.shape_cast %mul3A_655 : vector<16xf32> to vector<1x16xf32>
        tpu.vector_store %arg30[%swap3A_656, %swap3A_657], %swap3A_660 {strides = array<i32>} : memref<128x48xf32, #tpu.memory_space<vmem>>, vector<1x16xf32>,
        %broadcast_in_dim3A_661 = arith.constant 3 : i32
        %broadcast_in_dim3A_662 = vector.broadcast %broadcast_in_dim3A_661 : i32 to vector<16x1xi32>
        %gather3A_663 = vector.shape_cast %broadcast_in_dim3A_662 : vector<16x1xi32> to vector<16xi32>
        %gather3A_664 = tpu.dynamic_gather %exp3A[%gather3A_663] in [0] : vector<16xf32>, vector<16xi32> -> vector<16xf32>
        %get3A_665 = arith.index_cast %add3A_605 : i32 to index
        %get3A_666 = arith.constant 0 : index
        %get3A_667 = tpu.vector_load %arg34[%get3A_665, %get3A_666] {strides = array<i32>} : memref<128x32xf32, #tpu.memory_space<vmem>>, vector<1x16xf32>,
        %get3A_668 = vector.shape_cast %get3A_667 : vector<1x16xf32> to vector<16xf32>
        %mul3A_669 = arith.mulf %get3A_668, %gather3A_664 : vector<16xf32>
        %swap3A_670 = arith.index_cast %add3A_605 : i32 to index
        %swap3A_671 = arith.constant 0 : index
        %swap3A_672 = tpu.vector_load %arg34[%swap3A_670, %swap3A_671] {strides = array<i32>} : memref<128x32xf32, #tpu.memory_space<vmem>>, vector<1x16xf32>,
        %swap3A_673 = vector.shape_cast %swap3A_672 : vector<1x16xf32> to vector<16xf32>
        %swap3A_674 = vector.shape_cast %mul3A_669 : vector<16xf32> to vector<1x16xf32>
        tpu.vector_store %arg34[%swap3A_670, %swap3A_671], %swap3A_674 {strides = array<i32>} : memref<128x32xf32, #tpu.memory_space<vmem>>, vector<1x16xf32>,
        %scan3A_675 = arith.constant 1 : i32
        %scan3A_676 = arith.addi %scan3A_601, %scan3A_675 : i32
        %mul3A_677 = arith.constant 1 : i32
        %mul3A_678 = arith.muli %scan3A_676, %mul3A_677 : i32
        %add3A_679 = arith.constant 0 : i32
        %add3A_680 = arith.addi %add3A_679, %mul3A_678 : i32
        %get3A_681 = arith.index_cast %add3A_680 : i32 to index
        %get3A_682 = arith.constant 0 : index
        %get3A_683 = tpu.vector_load %arg26[%get3A_681, %get3A_682] {strides = array<i32>} : memref<128x16xf32, #tpu.memory_space<vmem>>, vector<1x16xf32>,
        %get3A_684 = vector.shape_cast %get3A_683 : vector<1x16xf32> to vector<16xf32>
        %get3A_685 = arith.index_cast %add3A_680 : i32 to index
        %get3A_686 = arith.constant 16 : index
        %get3A_687 = tpu.vector_load %arg34[%get3A_685, %get3A_686] {strides = array<i32>} : memref<128x32xf32, #tpu.memory_space<vmem>>, vector<1x16xf32>,
        %get3A_688 = vector.shape_cast %get3A_687 : vector<1x16xf32> to vector<16xf32>
        %add3A_689 = arith.addf %get3A_684, %get3A_688 : vector<16xf32>
        %mul3A_690 = arith.constant 2.000000e-01 : f32
        %mul3A_691 = vector.broadcast %mul3A_690 : f32 to vector<16xf32>
        %mul3A_692 = arith.mulf %mul3A_691, %add3A_689 : vector<16xf32>
        %max3A_693 = arith.maximumf %add3A_689, %mul3A_692 : vector<16xf32>
        %exp3A_694 = math.exp %max3A_693 : vector<16xf32>
        %swap3A_695 = arith.index_cast %add3A_680 : i32 to index
        %swap3A_696 = arith.constant 16 : index
        %swap3A_697 = tpu.vector_load %arg34[%swap3A_695, %swap3A_696] {strides = array<i32>} : memref<128x32xf32, #tpu.memory_space<vmem>>, vector<1x16xf32>,
        %swap3A_698 = vector.shape_cast %swap3A_697 : vector<1x16xf32> to vector<16xf32>
        %swap3A_699 = vector.shape_cast %exp3A_694 : vector<16xf32> to vector<1x16xf32>
        tpu.vector_store %arg34[%swap3A_695, %swap3A_696], %swap3A_699 {strides = array<i32>} : memref<128x32xf32, #tpu.memory_space<vmem>>, vector<1x16xf32>,
        %broadcast_in_dim3A_700 = arith.constant 0 : i32
        %broadcast_in_dim3A_701 = vector.broadcast %broadcast_in_dim3A_700 : i32 to vector<16x1xi32>
        %gather3A_702 = vector.shape_cast %broadcast_in_dim3A_701 : vector<16x1xi32> to vector<16xi32>
        %gather3A_703 = tpu.dynamic_gather %exp3A_694[%gather3A_702] in [0] : vector<16xf32>, vector<16xi32> -> vector<16xf32>
        %get3A_704 = arith.index_cast %add3A_680 : i32 to index
        %get3A_705 = arith.constant 0 : index
        %get3A_706 = tpu.vector_load %arg30[%get3A_704, %get3A_705] {strides = array<i32>} : memref<128x48xf32, #tpu.memory_space<vmem>>, vector<1x16xf32>,
        %get3A_707 = vector.shape_cast %get3A_706 : vector<1x16xf32> to vector<16xf32>
        %mul3A_708 = arith.mulf %get3A_707, %gather3A_703 : vector<16xf32>
        %swap3A_709 = arith.index_cast %add3A_680 : i32 to index
        %swap3A_710 = arith.constant 0 : index
        %swap3A_711 = tpu.vector_load %arg30[%swap3A_709, %swap3A_710] {strides = array<i32>} : memref<128x48xf32, #tpu.memory_space<vmem>>, vector<1x16xf32>,
        %swap3A_712 = vector.shape_cast %swap3A_711 : vector<1x16xf32> to vector<16xf32>
        %swap3A_713 = vector.shape_cast %mul3A_708 : vector<16xf32> to vector<1x16xf32>
        tpu.vector_store %arg30[%swap3A_709, %swap3A_710], %swap3A_713 {strides = array<i32>} : memref<128x48xf32, #tpu.memory_space<vmem>>, vector<1x16xf32>,
        %broadcast_in_dim3A_714 = arith.constant 1 : i32
        %broadcast_in_dim3A_715 = vector.broadcast %broadcast_in_dim3A_714 : i32 to vector<16x1xi32>
        %gather3A_716 = vector.shape_cast %broadcast_in_dim3A_715 : vector<16x1xi32> to vector<16xi32>
        %gather3A_717 = tpu.dynamic_gather %exp3A_694[%gather3A_716] in [0] : vector<16xf32>, vector<16xi32> -> vector<16xf32>
        %get3A_718 = arith.index_cast %add3A_680 : i32 to index
        %get3A_719 = arith.constant 16 : index
        %get3A_720 = tpu.vector_load %arg30[%get3A_718, %get3A_719] {strides = array<i32>} : memref<128x48xf32, #tpu.memory_space<vmem>>, vector<1x16xf32>,
        %get3A_721 = vector.shape_cast %get3A_720 : vector<1x16xf32> to vector<16xf32>
        %mul3A_722 = arith.mulf %get3A_721, %gather3A_717 : vector<16xf32>
        %swap3A_723 = arith.index_cast %add3A_680 : i32 to index
        %swap3A_724 = arith.constant 16 : index
        %swap3A_725 = tpu.vector_load %arg30[%swap3A_723, %swap3A_724] {strides = array<i32>} : memref<128x48xf32, #tpu.memory_space<vmem>>, vector<1x16xf32>,
        %swap3A_726 = vector.shape_cast %swap3A_725 : vector<1x16xf32> to vector<16xf32>
        %swap3A_727 = vector.shape_cast %mul3A_722 : vector<16xf32> to vector<1x16xf32>
        tpu.vector_store %arg30[%swap3A_723, %swap3A_724], %swap3A_727 {strides = array<i32>} : memref<128x48xf32, #tpu.memory_space<vmem>>, vector<1x16xf32>,
        %broadcast_in_dim3A_728 = arith.constant 2 : i32
        %broadcast_in_dim3A_729 = vector.broadcast %broadcast_in_dim3A_728 : i32 to vector<16x1xi32>
        %gather3A_730 = vector.shape_cast %broadcast_in_dim3A_729 : vector<16x1xi32> to vector<16xi32>
        %gather3A_731 = tpu.dynamic_gather %exp3A_694[%gather3A_730] in [0] : vector<16xf32>, vector<16xi32> -> vector<16xf32>
        %get3A_732 = arith.index_cast %add3A_680 : i32 to index
        %get3A_733 = arith.constant 32 : index
        %get3A_734 = tpu.vector_load %arg30[%get3A_732, %get3A_733] {strides = array<i32>} : memref<128x48xf32, #tpu.memory_space<vmem>>, vector<1x16xf32>,
        %get3A_735 = vector.shape_cast %get3A_734 : vector<1x16xf32> to vector<16xf32>
        %mul3A_736 = arith.mulf %get3A_735, %gather3A_731 : vector<16xf32>
        %swap3A_737 = arith.index_cast %add3A_680 : i32 to index
        %swap3A_738 = arith.constant 32 : index
        %swap3A_739 = tpu.vector_load %arg30[%swap3A_737, %swap3A_738] {strides = array<i32>} : memref<128x48xf32, #tpu.memory_space<vmem>>, vector<1x16xf32>,
        %swap3A_740 = vector.shape_cast %swap3A_739 : vector<1x16xf32> to vector<16xf32>
        %swap3A_741 = vector.shape_cast %mul3A_736 : vector<16xf32> to vector<1x16xf32>
        tpu.vector_store %arg30[%swap3A_737, %swap3A_738], %swap3A_741 {strides = array<i32>} : memref<128x48xf32, #tpu.memory_space<vmem>>, vector<1x16xf32>,
        %broadcast_in_dim3A_742 = arith.constant 3 : i32
        %broadcast_in_dim3A_743 = vector.broadcast %broadcast_in_dim3A_742 : i32 to vector<16x1xi32>
        %gather3A_744 = vector.shape_cast %broadcast_in_dim3A_743 : vector<16x1xi32> to vector<16xi32>
        %gather3A_745 = tpu.dynamic_gather %exp3A_694[%gather3A_744] in [0] : vector<16xf32>, vector<16xi32> -> vector<16xf32>
        %get3A_746 = arith.index_cast %add3A_680 : i32 to index
        %get3A_747 = arith.constant 0 : index
        %get3A_748 = tpu.vector_load %arg34[%get3A_746, %get3A_747] {strides = array<i32>} : memref<128x32xf32, #tpu.memory_space<vmem>>, vector<1x16xf32>,
        %get3A_749 = vector.shape_cast %get3A_748 : vector<1x16xf32> to vector<16xf32>
        %mul3A_750 = arith.mulf %get3A_749, %gather3A_745 : vector<16xf32>
        %swap3A_751 = arith.index_cast %add3A_680 : i32 to index
        %swap3A_752 = arith.constant 0 : index
        %swap3A_753 = tpu.vector_load %arg34[%swap3A_751, %swap3A_752] {strides = array<i32>} : memref<128x32xf32, #tpu.memory_space<vmem>>, vector<1x16xf32>,
        %swap3A_754 = vector.shape_cast %swap3A_753 : vector<1x16xf32> to vector<16xf32>
        %swap3A_755 = vector.shape_cast %mul3A_750 : vector<16xf32> to vector<1x16xf32>
        tpu.vector_store %arg34[%swap3A_751, %swap3A_752], %swap3A_755 {strides = array<i32>} : memref<128x32xf32, #tpu.memory_space<vmem>>, vector<1x16xf32>,
      }
      %scan3A_567 = arith.constant 128 : i32
      %dma_start3A_568 = arith.constant 0 : i32
      %dma_start3A_569 = arith.constant 0 : i32
      %dma_start3A_570 = tpu.memref_slice %arg22[%dma_start3A_568, %dma_start3A_569] : memref<2x128xi32, #tpu.memory_space<vmem>> -> memref<1x128xi32, #tpu.memory_space<vmem>>
      %dma_start3A_571 = tpu.memref_squeeze %dma_start3A_570 : memref<1x128xi32, #tpu.memory_space<vmem>> -> memref<128xi32, #tpu.memory_space<vmem>>
      %dma_start3A_572 = arith.constant 0 : i32
      %dma_start3A_573 = arith.constant 0 : i32
      %dma_start3A_574 = tpu.memref_slice %arg13[%dma_start3A_572, %dma_start3A_573] : memref<10112x48xf32, #tpu.memory_space<vmem_shared>> -> memref<10112x48xf32, #tpu.memory_space<vmem_shared>>
      tpu.enqueue_indirect_dma source(%arg30 : memref<128x48xf32, #tpu.memory_space<vmem>>) target(%dma_start3A_574 : memref<10112x48xf32, #tpu.memory_space<vmem_shared>>) offsets(%dma_start3A_571 : memref<128xi32, #tpu.memory_space<vmem>>) semaphore(%arg42 : memref<!tpu.dma_semaphore, #tpu.memory_space<semaphore_mem>>) {add = true}
      %dma_start3A_575 = arith.constant 0 : i32
      %dma_start3A_576 = arith.constant 0 : i32
      %dma_start3A_577 = tpu.memref_slice %arg22[%dma_start3A_575, %dma_start3A_576] : memref<2x128xi32, #tpu.memory_space<vmem>> -> memref<1x128xi32, #tpu.memory_space<vmem>>
      %dma_start3A_578 = tpu.memref_squeeze %dma_start3A_577 : memref<1x128xi32, #tpu.memory_space<vmem>> -> memref<128xi32, #tpu.memory_space<vmem>>
      %dma_start3A_579 = arith.constant 0 : i32
      %dma_start3A_580 = arith.constant 0 : i32
      %dma_start3A_581 = tpu.memref_slice %arg14[%dma_start3A_579, %dma_start3A_580] : memref<10112x32xf32, #tpu.memory_space<vmem_shared>> -> memref<10112x32xf32, #tpu.memory_space<vmem_shared>>
      tpu.enqueue_indirect_dma source(%arg34 : memref<128x32xf32, #tpu.memory_space<vmem>>) target(%dma_start3A_581 : memref<10112x32xf32, #tpu.memory_space<vmem_shared>>) offsets(%dma_start3A_578 : memref<128xi32, #tpu.memory_space<vmem>>) semaphore(%arg42 : memref<!tpu.dma_semaphore, #tpu.memory_space<semaphore_mem>>) {add = true}
      %ge3A_582 = arith.constant 2 : i32
      %ge3A_583 = arith.cmpi sge, %add3A_541, %ge3A_582 : i32
      %convert_element_type3A_584 = arith.extui %ge3A_583 : i1 to i32
      %cond3A_585 = arith.constant 0 : i32
      %cond3A_586 = arith.cmpi ne, %convert_element_type3A_584, %cond3A_585 : i32
      scf.if %cond3A_586 {
        %dma_wait3A_601 = arith.constant 0 : i32
        %dma_wait3A_602 = arith.constant 0 : i32
        %dma_wait3A_603 = tpu.memref_slice %arg20[%dma_wait3A_601, %dma_wait3A_602] : memref<2x128xi32, #tpu.memory_space<vmem>> -> memref<1x128xi32, #tpu.memory_space<vmem>>
        %dma_wait3A_604 = tpu.memref_squeeze %dma_wait3A_603 : memref<1x128xi32, #tpu.memory_space<vmem>> -> memref<128xi32, #tpu.memory_space<vmem>>
        %dma_wait3A_605 = arith.constant 0 : i32
        %dma_wait3A_606 = arith.constant 0 : i32
        %dma_wait3A_607 = tpu.memref_slice %arg13[%dma_wait3A_605, %dma_wait3A_606] : memref<10112x48xf32, #tpu.memory_space<vmem_shared>> -> memref<10112x48xf32, #tpu.memory_space<vmem_shared>>
        tpu.wait_indirect_dma semaphore(%arg40 : memref<!tpu.dma_semaphore, #tpu.memory_space<semaphore_mem>>) src(%arg28 : memref<128x48xf32, #tpu.memory_space<vmem>>) dst(%dma_wait3A_607 : memref<10112x48xf32, #tpu.memory_space<vmem_shared>>)
        %dma_wait3A_608 = arith.constant 0 : i32
        %dma_wait3A_609 = arith.constant 0 : i32
        %dma_wait3A_610 = tpu.memref_slice %arg20[%dma_wait3A_608, %dma_wait3A_609] : memref<2x128xi32, #tpu.memory_space<vmem>> -> memref<1x128xi32, #tpu.memory_space<vmem>>
        %dma_wait3A_611 = tpu.memref_squeeze %dma_wait3A_610 : memref<1x128xi32, #tpu.memory_space<vmem>> -> memref<128xi32, #tpu.memory_space<vmem>>
        %dma_wait3A_612 = arith.constant 0 : i32
        %dma_wait3A_613 = arith.constant 0 : i32
        %dma_wait3A_614 = tpu.memref_slice %arg14[%dma_wait3A_612, %dma_wait3A_613] : memref<10112x32xf32, #tpu.memory_space<vmem_shared>> -> memref<10112x32xf32, #tpu.memory_space<vmem_shared>>
        tpu.wait_indirect_dma semaphore(%arg40 : memref<!tpu.dma_semaphore, #tpu.memory_space<semaphore_mem>>) src(%arg32 : memref<128x32xf32, #tpu.memory_space<vmem>>) dst(%dma_wait3A_614 : memref<10112x32xf32, #tpu.memory_space<vmem_shared>>)
      } else {
      }
      %add3A_587 = arith.constant 3 : i32
      %add3A_588 = arith.addi %add3A_541, %add3A_587 : i32
      %lt3A_589 = arith.constant 168 : i32
      %lt3A_590 = arith.cmpi slt, %add3A_588, %lt3A_589 : i32
      %convert_element_type3A_591 = arith.extui %lt3A_590 : i1 to i32
      %cond3A_592 = arith.constant 0 : i32
      %cond3A_593 = arith.cmpi ne, %convert_element_type3A_591, %cond3A_592 : i32
      scf.if %cond3A_593 {
        %add3A_601 = arith.constant 3 : i32
        %add3A_602 = arith.addi %add3A_541, %add3A_601 : i32
        %mul3A_603 = arith.constant 168 : i32
        %mul3A_604 = arith.muli %arg1, %mul3A_603 : i32
        %add3A_605 = arith.addi %mul3A_604, %add3A_602 : i32
        %dma_start3A_606 = arith.constant 0 : i32
        %dma_start3A_607 = arith.constant 0 : i32
        %dma_start3A_608 = tpu.memref_slice %arg8[%add3A_605, %dma_start3A_606, %dma_start3A_607] : memref<2688x2x128xi32, #tpu.memory_space<hbm>> -> memref<1x2x128xi32, #tpu.memory_space<hbm>>
        %dma_start3A_609 = tpu.memref_squeeze %dma_start3A_608 : memref<1x2x128xi32, #tpu.memory_space<hbm>> -> memref<2x128xi32, #tpu.memory_space<hbm>>
        %dma_start3A_610 = arith.constant 0 : i32
        %dma_start3A_611 = arith.constant 0 : i32
        %dma_start3A_612 = tpu.memref_slice %arg8[%add3A_605, %dma_start3A_610, %dma_start3A_611] : memref<2688x2x128xi32, #tpu.memory_space<hbm>> -> memref<1x2x128xi32, #tpu.memory_space<hbm>>
        %dma_start3A_613 = tpu.memref_squeeze %dma_start3A_612 : memref<1x2x128xi32, #tpu.memory_space<hbm>> -> memref<2x128xi32, #tpu.memory_space<hbm>>
        tpu.enqueue_dma source(%dma_start3A_613 : memref<2x128xi32, #tpu.memory_space<hbm>>) target(%arg17 : memref<2x128xi32, #tpu.memory_space<vmem>>) target_semaphore(%arg45 : memref<!tpu.dma_semaphore, #tpu.memory_space<semaphore_mem>>)
      } else {
      }
      %add3A_594 = arith.constant 2 : i32
      %add3A_595 = arith.addi %add3A_541, %add3A_594 : i32
      %lt3A_596 = arith.constant 168 : i32
      %lt3A_597 = arith.cmpi slt, %add3A_595, %lt3A_596 : i32
      %convert_element_type3A_598 = arith.extui %lt3A_597 : i1 to i32
      %cond3A_599 = arith.constant 0 : i32
      %cond3A_600 = arith.cmpi ne, %convert_element_type3A_598, %cond3A_599 : i32
      scf.if %cond3A_600 {
        %add3A_601 = arith.constant 2 : i32
        %add3A_602 = arith.addi %add3A_541, %add3A_601 : i32
        %mul3A_603 = arith.constant 168 : i32
        %mul3A_604 = arith.muli %arg1, %mul3A_603 : i32
        %add3A_605 = arith.addi %mul3A_604, %add3A_602 : i32
        %dma_wait3A_606 = arith.constant 0 : i32
        %dma_wait3A_607 = arith.constant 0 : i32
        %dma_wait3A_608 = tpu.memref_slice %arg8[%add3A_605, %dma_wait3A_606, %dma_wait3A_607] : memref<2688x2x128xi32, #tpu.memory_space<hbm>> -> memref<1x2x128xi32, #tpu.memory_space<hbm>>
        %dma_wait3A_609 = tpu.memref_squeeze %dma_wait3A_608 : memref<1x2x128xi32, #tpu.memory_space<hbm>> -> memref<2x128xi32, #tpu.memory_space<hbm>>
        %dma_wait3A_610 = arith.constant 0 : i32
        %dma_wait3A_611 = arith.constant 0 : i32
        %dma_wait3A_612 = tpu.memref_slice %arg8[%add3A_605, %dma_wait3A_610, %dma_wait3A_611] : memref<2688x2x128xi32, #tpu.memory_space<hbm>> -> memref<1x2x128xi32, #tpu.memory_space<hbm>>
        %dma_wait3A_613 = tpu.memref_squeeze %dma_wait3A_612 : memref<1x2x128xi32, #tpu.memory_space<hbm>> -> memref<2x128xi32, #tpu.memory_space<hbm>>
        tpu.wait_dma2 semaphore(%arg44 : memref<!tpu.dma_semaphore, #tpu.memory_space<semaphore_mem>>) src(%dma_wait3A_613 : memref<2x128xi32, #tpu.memory_space<hbm>>) dst(%arg16 : memref<2x128xi32, #tpu.memory_space<vmem>>)
        %eq3A_614 = arith.constant 0 : i32
        %eq3A_615 = arith.cmpi eq, %arg0, %eq3A_614 : i32
        %convert_element_type3A_616 = arith.extui %eq3A_615 : i1 to i32
        %cond3A_617 = arith.constant 0 : i32
        %cond3A_618 = arith.cmpi ne, %convert_element_type3A_616, %cond3A_617 : i32
        scf.if %cond3A_618 {
          %dma_start3A_624 = arith.constant 0 : i32
          %dma_start3A_625 = arith.constant 0 : i32
          %dma_start3A_626 = tpu.memref_slice %arg16[%dma_start3A_624, %dma_start3A_625] : memref<2x128xi32, #tpu.memory_space<vmem>> -> memref<1x128xi32, #tpu.memory_space<vmem>>
          %dma_start3A_627 = tpu.memref_squeeze %dma_start3A_626 : memref<1x128xi32, #tpu.memory_space<vmem>> -> memref<128xi32, #tpu.memory_space<vmem>>
          %dma_start3A_628 = arith.constant 0 : i32
          %dma_start3A_629 = arith.constant 0 : i32
          %dma_start3A_630 = tpu.memref_slice %arg6[%dma_start3A_628, %dma_start3A_629] : memref<10112x16xf32, #tpu.memory_space<hbm>> -> memref<10112x16xf32, #tpu.memory_space<hbm>>
          tpu.enqueue_indirect_dma source(%dma_start3A_630 : memref<10112x16xf32, #tpu.memory_space<hbm>>) target(%arg24 : memref<128x16xf32, #tpu.memory_space<vmem>>) offsets(%dma_start3A_627 : memref<128xi32, #tpu.memory_space<vmem>>) semaphore(%arg36 : memref<!tpu.dma_semaphore, #tpu.memory_space<semaphore_mem>>)
          %dma_start3A_631 = arith.constant 1 : i32
          %dma_start3A_632 = arith.constant 0 : i32
          %dma_start3A_633 = tpu.memref_slice %arg16[%dma_start3A_631, %dma_start3A_632] : memref<2x128xi32, #tpu.memory_space<vmem>> -> memref<1x128xi32, #tpu.memory_space<vmem>>
          %dma_start3A_634 = tpu.memref_squeeze %dma_start3A_633 : memref<1x128xi32, #tpu.memory_space<vmem>> -> memref<128xi32, #tpu.memory_space<vmem>>
          %dma_start3A_635 = arith.constant 0 : i32
          %dma_start3A_636 = arith.constant 0 : i32
          %dma_start3A_637 = tpu.memref_slice %arg2[%dma_start3A_635, %dma_start3A_636] : memref<10000x48xf32, #tpu.memory_space<hbm>> -> memref<10000x48xf32, #tpu.memory_space<hbm>>
          tpu.enqueue_indirect_dma source(%dma_start3A_637 : memref<10000x48xf32, #tpu.memory_space<hbm>>) target(%arg28 : memref<128x48xf32, #tpu.memory_space<vmem>>) offsets(%dma_start3A_634 : memref<128xi32, #tpu.memory_space<vmem>>) semaphore(%arg36 : memref<!tpu.dma_semaphore, #tpu.memory_space<semaphore_mem>>)
          %dma_start3A_638 = arith.constant 1 : i32
          %dma_start3A_639 = arith.constant 0 : i32
          %dma_start3A_640 = tpu.memref_slice %arg16[%dma_start3A_638, %dma_start3A_639] : memref<2x128xi32, #tpu.memory_space<vmem>> -> memref<1x128xi32, #tpu.memory_space<vmem>>
          %dma_start3A_641 = tpu.memref_squeeze %dma_start3A_640 : memref<1x128xi32, #tpu.memory_space<vmem>> -> memref<128xi32, #tpu.memory_space<vmem>>
          %dma_start3A_642 = arith.constant 0 : i32
          %dma_start3A_643 = arith.constant 0 : i32
          %dma_start3A_644 = tpu.memref_slice %arg3[%dma_start3A_642, %dma_start3A_643] : memref<10000x32xf32, #tpu.memory_space<hbm>> -> memref<10000x32xf32, #tpu.memory_space<hbm>>
          tpu.enqueue_indirect_dma source(%dma_start3A_644 : memref<10000x32xf32, #tpu.memory_space<hbm>>) target(%arg32 : memref<128x32xf32, #tpu.memory_space<vmem>>) offsets(%dma_start3A_641 : memref<128xi32, #tpu.memory_space<vmem>>) semaphore(%arg36 : memref<!tpu.dma_semaphore, #tpu.memory_space<semaphore_mem>>)
        } else {
        }
        %eq3A_619 = arith.constant 1 : i32
        %eq3A_620 = arith.cmpi eq, %arg0, %eq3A_619 : i32
        %convert_element_type3A_621 = arith.extui %eq3A_620 : i1 to i32
        %cond3A_622 = arith.constant 0 : i32
        %cond3A_623 = arith.cmpi ne, %convert_element_type3A_621, %cond3A_622 : i32
        scf.if %cond3A_623 {
          %dma_start3A_624 = arith.constant 0 : i32
          %dma_start3A_625 = arith.constant 0 : i32
          %dma_start3A_626 = tpu.memref_slice %arg16[%dma_start3A_624, %dma_start3A_625] : memref<2x128xi32, #tpu.memory_space<vmem>> -> memref<1x128xi32, #tpu.memory_space<vmem>>
          %dma_start3A_627 = tpu.memref_squeeze %dma_start3A_626 : memref<1x128xi32, #tpu.memory_space<vmem>> -> memref<128xi32, #tpu.memory_space<vmem>>
          %dma_start3A_628 = arith.constant 0 : i32
          %dma_start3A_629 = arith.constant 0 : i32
          %dma_start3A_630 = tpu.memref_slice %arg7[%dma_start3A_628, %dma_start3A_629] : memref<10112x16xf32, #tpu.memory_space<hbm>> -> memref<10112x16xf32, #tpu.memory_space<hbm>>
          tpu.enqueue_indirect_dma source(%dma_start3A_630 : memref<10112x16xf32, #tpu.memory_space<hbm>>) target(%arg24 : memref<128x16xf32, #tpu.memory_space<vmem>>) offsets(%dma_start3A_627 : memref<128xi32, #tpu.memory_space<vmem>>) semaphore(%arg36 : memref<!tpu.dma_semaphore, #tpu.memory_space<semaphore_mem>>)
          %dma_start3A_631 = arith.constant 1 : i32
          %dma_start3A_632 = arith.constant 0 : i32
          %dma_start3A_633 = tpu.memref_slice %arg16[%dma_start3A_631, %dma_start3A_632] : memref<2x128xi32, #tpu.memory_space<vmem>> -> memref<1x128xi32, #tpu.memory_space<vmem>>
          %dma_start3A_634 = tpu.memref_squeeze %dma_start3A_633 : memref<1x128xi32, #tpu.memory_space<vmem>> -> memref<128xi32, #tpu.memory_space<vmem>>
          %dma_start3A_635 = arith.constant 0 : i32
          %dma_start3A_636 = arith.constant 0 : i32
          %dma_start3A_637 = tpu.memref_slice %arg4[%dma_start3A_635, %dma_start3A_636] : memref<10000x48xf32, #tpu.memory_space<hbm>> -> memref<10000x48xf32, #tpu.memory_space<hbm>>
          tpu.enqueue_indirect_dma source(%dma_start3A_637 : memref<10000x48xf32, #tpu.memory_space<hbm>>) target(%arg28 : memref<128x48xf32, #tpu.memory_space<vmem>>) offsets(%dma_start3A_634 : memref<128xi32, #tpu.memory_space<vmem>>) semaphore(%arg36 : memref<!tpu.dma_semaphore, #tpu.memory_space<semaphore_mem>>)
          %dma_start3A_638 = arith.constant 1 : i32
          %dma_start3A_639 = arith.constant 0 : i32
          %dma_start3A_640 = tpu.memref_slice %arg16[%dma_start3A_638, %dma_start3A_639] : memref<2x128xi32, #tpu.memory_space<vmem>> -> memref<1x128xi32, #tpu.memory_space<vmem>>
          %dma_start3A_641 = tpu.memref_squeeze %dma_start3A_640 : memref<1x128xi32, #tpu.memory_space<vmem>> -> memref<128xi32, #tpu.memory_space<vmem>>
          %dma_start3A_642 = arith.constant 0 : i32
          %dma_start3A_643 = arith.constant 0 : i32
          %dma_start3A_644 = tpu.memref_slice %arg5[%dma_start3A_642, %dma_start3A_643] : memref<10000x32xf32, #tpu.memory_space<hbm>> -> memref<10000x32xf32, #tpu.memory_space<hbm>>
          tpu.enqueue_indirect_dma source(%dma_start3A_644 : memref<10000x32xf32, #tpu.memory_space<hbm>>) target(%arg32 : memref<128x32xf32, #tpu.memory_space<vmem>>) offsets(%dma_start3A_641 : memref<128xi32, #tpu.memory_space<vmem>>) semaphore(%arg36 : memref<!tpu.dma_semaphore, #tpu.memory_space<semaphore_mem>>)
        } else {
        }
      } else {
      }
    }
    %scan3A_78 = arith.constant 21 : i32
    %dma_wait3A_79 = arith.constant 0 : i32
    %dma_wait3A_80 = arith.constant 0 : i32
    %dma_wait3A_81 = tpu.memref_slice %arg21[%dma_wait3A_79, %dma_wait3A_80] : memref<2x128xi32, #tpu.memory_space<vmem>> -> memref<1x128xi32, #tpu.memory_space<vmem>>
    %dma_wait3A_82 = tpu.memref_squeeze %dma_wait3A_81 : memref<1x128xi32, #tpu.memory_space<vmem>> -> memref<128xi32, #tpu.memory_space<vmem>>
    %dma_wait3A_83 = arith.constant 0 : i32
    %dma_wait3A_84 = arith.constant 0 : i32
    %dma_wait3A_85 = tpu.memref_slice %arg13[%dma_wait3A_83, %dma_wait3A_84] : memref<10112x48xf32, #tpu.memory_space<vmem_shared>> -> memref<10112x48xf32, #tpu.memory_space<vmem_shared>>
    tpu.wait_indirect_dma semaphore(%arg41 : memref<!tpu.dma_semaphore, #tpu.memory_space<semaphore_mem>>) src(%arg29 : memref<128x48xf32, #tpu.memory_space<vmem>>) dst(%dma_wait3A_85 : memref<10112x48xf32, #tpu.memory_space<vmem_shared>>)
    %dma_wait3A_86 = arith.constant 0 : i32
    %dma_wait3A_87 = arith.constant 0 : i32
    %dma_wait3A_88 = tpu.memref_slice %arg21[%dma_wait3A_86, %dma_wait3A_87] : memref<2x128xi32, #tpu.memory_space<vmem>> -> memref<1x128xi32, #tpu.memory_space<vmem>>
    %dma_wait3A_89 = tpu.memref_squeeze %dma_wait3A_88 : memref<1x128xi32, #tpu.memory_space<vmem>> -> memref<128xi32, #tpu.memory_space<vmem>>
    %dma_wait3A_90 = arith.constant 0 : i32
    %dma_wait3A_91 = arith.constant 0 : i32
    %dma_wait3A_92 = tpu.memref_slice %arg14[%dma_wait3A_90, %dma_wait3A_91] : memref<10112x32xf32, #tpu.memory_space<vmem_shared>> -> memref<10112x32xf32, #tpu.memory_space<vmem_shared>>
    tpu.wait_indirect_dma semaphore(%arg41 : memref<!tpu.dma_semaphore, #tpu.memory_space<semaphore_mem>>) src(%arg33 : memref<128x32xf32, #tpu.memory_space<vmem>>) dst(%dma_wait3A_92 : memref<10112x32xf32, #tpu.memory_space<vmem_shared>>)
    %dma_wait3A_93 = arith.constant 0 : i32
    %dma_wait3A_94 = arith.constant 0 : i32
    %dma_wait3A_95 = tpu.memref_slice %arg22[%dma_wait3A_93, %dma_wait3A_94] : memref<2x128xi32, #tpu.memory_space<vmem>> -> memref<1x128xi32, #tpu.memory_space<vmem>>
    %dma_wait3A_96 = tpu.memref_squeeze %dma_wait3A_95 : memref<1x128xi32, #tpu.memory_space<vmem>> -> memref<128xi32, #tpu.memory_space<vmem>>
    %dma_wait3A_97 = arith.constant 0 : i32
    %dma_wait3A_98 = arith.constant 0 : i32
    %dma_wait3A_99 = tpu.memref_slice %arg13[%dma_wait3A_97, %dma_wait3A_98] : memref<10112x48xf32, #tpu.memory_space<vmem_shared>> -> memref<10112x48xf32, #tpu.memory_space<vmem_shared>>
    tpu.wait_indirect_dma semaphore(%arg42 : memref<!tpu.dma_semaphore, #tpu.memory_space<semaphore_mem>>) src(%arg30 : memref<128x48xf32, #tpu.memory_space<vmem>>) dst(%dma_wait3A_99 : memref<10112x48xf32, #tpu.memory_space<vmem_shared>>)
    %dma_wait3A_100 = arith.constant 0 : i32
    %dma_wait3A_101 = arith.constant 0 : i32
    %dma_wait3A_102 = tpu.memref_slice %arg22[%dma_wait3A_100, %dma_wait3A_101] : memref<2x128xi32, #tpu.memory_space<vmem>> -> memref<1x128xi32, #tpu.memory_space<vmem>>
    %dma_wait3A_103 = tpu.memref_squeeze %dma_wait3A_102 : memref<1x128xi32, #tpu.memory_space<vmem>> -> memref<128xi32, #tpu.memory_space<vmem>>
    %dma_wait3A_104 = arith.constant 0 : i32
    %dma_wait3A_105 = arith.constant 0 : i32
    %dma_wait3A_106 = tpu.memref_slice %arg14[%dma_wait3A_104, %dma_wait3A_105] : memref<10112x32xf32, #tpu.memory_space<vmem_shared>> -> memref<10112x32xf32, #tpu.memory_space<vmem_shared>>
    tpu.wait_indirect_dma semaphore(%arg42 : memref<!tpu.dma_semaphore, #tpu.memory_space<semaphore_mem>>) src(%arg34 : memref<128x32xf32, #tpu.memory_space<vmem>>) dst(%dma_wait3A_106 : memref<10112x32xf32, #tpu.memory_space<vmem_shared>>)
    %barrier3A_107 = arith.constant 0 : index
    tpu.barrier barrier_id(%barrier3A_107)
    %mul3A_108 = arith.constant 632 : i32
    %mul3A_109 = arith.muli %arg1, %mul3A_108 : i32
    "tpu.region"() ({
      %run_scoped3A = tpu.sem_alloc : memref<!tpu.dma_semaphore, #tpu.memory_space<semaphore_mem>>
      %dma_start3A_110 = arith.constant 0 : i32
      %dma_start3A_111 = tpu.memref_slice %arg11[%arg0, %mul3A_109, %dma_start3A_110] : memref<2x10112x48xf32, #tpu.memory_space<hbm>> -> memref<1x632x48xf32, #tpu.memory_space<hbm>>
      %dma_start3A_112 = tpu.memref_squeeze %dma_start3A_111 : memref<1x632x48xf32, #tpu.memory_space<hbm>> -> memref<632x48xf32, #tpu.memory_space<hbm>>
      %dma_start3A_113 = arith.constant 0 : i32
      %dma_start3A_114 = tpu.memref_slice %arg13[%mul3A_109, %dma_start3A_113] : memref<10112x48xf32, #tpu.memory_space<vmem_shared>> -> memref<632x48xf32, #tpu.memory_space<vmem_shared>>
      tpu.enqueue_dma source(%dma_start3A_114 : memref<632x48xf32, #tpu.memory_space<vmem_shared>>) target(%dma_start3A_112 : memref<632x48xf32, #tpu.memory_space<hbm>>) target_semaphore(%run_scoped3A : memref<!tpu.dma_semaphore, #tpu.memory_space<semaphore_mem>>)
      %dma_wait3A_115 = arith.constant 0 : i32
      %dma_wait3A_116 = tpu.memref_slice %arg11[%arg0, %mul3A_109, %dma_wait3A_115] : memref<2x10112x48xf32, #tpu.memory_space<hbm>> -> memref<1x632x48xf32, #tpu.memory_space<hbm>>
      %dma_wait3A_117 = tpu.memref_squeeze %dma_wait3A_116 : memref<1x632x48xf32, #tpu.memory_space<hbm>> -> memref<632x48xf32, #tpu.memory_space<hbm>>
      %dma_wait3A_118 = arith.constant 0 : i32
      %dma_wait3A_119 = tpu.memref_slice %arg13[%mul3A_109, %dma_wait3A_118] : memref<10112x48xf32, #tpu.memory_space<vmem_shared>> -> memref<632x48xf32, #tpu.memory_space<vmem_shared>>
      tpu.wait_dma2 semaphore(%run_scoped3A : memref<!tpu.dma_semaphore, #tpu.memory_space<semaphore_mem>>) src(%dma_wait3A_119 : memref<632x48xf32, #tpu.memory_space<vmem_shared>>) dst(%dma_wait3A_117 : memref<632x48xf32, #tpu.memory_space<hbm>>)
      tpu.yield
    }) : () -> ()
    "tpu.region"() ({
      %run_scoped3A = tpu.sem_alloc : memref<!tpu.dma_semaphore, #tpu.memory_space<semaphore_mem>>
      %dma_start3A_110 = arith.constant 0 : i32
      %dma_start3A_111 = tpu.memref_slice %arg12[%arg0, %mul3A_109, %dma_start3A_110] : memref<2x10112x32xf32, #tpu.memory_space<hbm>> -> memref<1x632x32xf32, #tpu.memory_space<hbm>>
      %dma_start3A_112 = tpu.memref_squeeze %dma_start3A_111 : memref<1x632x32xf32, #tpu.memory_space<hbm>> -> memref<632x32xf32, #tpu.memory_space<hbm>>
      %dma_start3A_113 = arith.constant 0 : i32
      %dma_start3A_114 = tpu.memref_slice %arg14[%mul3A_109, %dma_start3A_113] : memref<10112x32xf32, #tpu.memory_space<vmem_shared>> -> memref<632x32xf32, #tpu.memory_space<vmem_shared>>
      tpu.enqueue_dma source(%dma_start3A_114 : memref<632x32xf32, #tpu.memory_space<vmem_shared>>) target(%dma_start3A_112 : memref<632x32xf32, #tpu.memory_space<hbm>>) target_semaphore(%run_scoped3A : memref<!tpu.dma_semaphore, #tpu.memory_space<semaphore_mem>>)
      %dma_wait3A_115 = arith.constant 0 : i32
      %dma_wait3A_116 = tpu.memref_slice %arg12[%arg0, %mul3A_109, %dma_wait3A_115] : memref<2x10112x32xf32, #tpu.memory_space<hbm>> -> memref<1x632x32xf32, #tpu.memory_space<hbm>>
      %dma_wait3A_117 = tpu.memref_squeeze %dma_wait3A_116 : memref<1x632x32xf32, #tpu.memory_space<hbm>> -> memref<632x32xf32, #tpu.memory_space<hbm>>
      %dma_wait3A_118 = arith.constant 0 : i32
      %dma_wait3A_119 = tpu.memref_slice %arg14[%mul3A_109, %dma_wait3A_118] : memref<10112x32xf32, #tpu.memory_space<vmem_shared>> -> memref<632x32xf32, #tpu.memory_space<vmem_shared>>
      tpu.wait_dma2 semaphore(%run_scoped3A : memref<!tpu.dma_semaphore, #tpu.memory_space<semaphore_mem>>) src(%dma_wait3A_119 : memref<632x32xf32, #tpu.memory_space<vmem_shared>>) dst(%dma_wait3A_117 : memref<632x32xf32, #tpu.memory_space<hbm>>)
      tpu.yield
    }) : () -> ()
    return
  }
}

module attributes {stable_mosaic.version = 14 : i64} {
  func.func @_proj_body(%arg0: i32, %arg1: memref<1000x128xf32, #tpu.memory_space<vmem>>, %arg2: memref<128x128xf32, #tpu.memory_space<vmem>>, %arg3: memref<128x32xf32, #tpu.memory_space<vmem>>, %arg4: memref<128x32xf32, #tpu.memory_space<vmem>>, %arg5: memref<1000x48xf32, #tpu.memory_space<vmem>>, %arg6: memref<1000x32xf32, #tpu.memory_space<vmem>>, %arg7: memref<1000x48xf32, #tpu.memory_space<vmem>>, %arg8: memref<1000x32xf32, #tpu.memory_space<vmem>>, %arg9: memref<1000x16xf32, #tpu.memory_space<vmem>>, %arg10: memref<1000x16xf32, #tpu.memory_space<vmem>>) attributes {dimension_semantics = [#tpu.dimension_semantics<arbitrary>], iteration_bounds = array<i64: 10>, scalar_prefetch = 0 : i64, scratch_operands = 0 : i64, tpu.core_type = #tpu.core_type<tc>, window_params = [{transform_indices = @transform_0, window_bounds = array<i64: 1000, 128>}, {pipeline_mode = #tpu.pipeline_mode<synchronous>, transform_indices = @transform_1, window_bounds = array<i64: 128, 128>}, {pipeline_mode = #tpu.pipeline_mode<synchronous>, transform_indices = @transform_2, window_bounds = array<i64: 128, 32>}, {pipeline_mode = #tpu.pipeline_mode<synchronous>, transform_indices = @transform_3, window_bounds = array<i64: 128, 32>}, {transform_indices = @transform_4, window_bounds = array<i64: 1000, 48>}, {transform_indices = @transform_5, window_bounds = array<i64: 1000, 32>}, {transform_indices = @transform_6, window_bounds = array<i64: 1000, 48>}, {transform_indices = @transform_7, window_bounds = array<i64: 1000, 32>}, {transform_indices = @transform_8, window_bounds = array<i64: 1000, 16>}, {transform_indices = @transform_9, window_bounds = array<i64: 1000, 16>}]} {
    %get3A = arith.constant 0 : index
    %get3A_0 = arith.constant 0 : index
    %get3A_1 = vector.load %arg1[%get3A, %get3A_0] : memref<1000x128xf32, #tpu.memory_space<vmem>>, vector<1000x128xf32>
    %get3A_2 = arith.constant 0 : index
    %get3A_3 = arith.constant 0 : index
    %get3A_4 = vector.load %arg2[%get3A_2, %get3A_3] : memref<128x128xf32, #tpu.memory_space<vmem>>, vector<128x128xf32>
    %dot_general3A = arith.constant dense<0.000000e+00> : vector<1000x128xf32>
    %dot_general3A_5 = tpu.matmul %get3A_1, %get3A_4, %dot_general3A {dimension_numbers = #tpu.dot_dimension_numbers<[1], [0], [0], [1], [0, 0, 1, 1], [], []>, transpose_lhs_hint = false} : vector<1000x128xf32>, vector<128x128xf32>, vector<1000x128xf32> -> vector<1000x128xf32>
    %get3A_6 = arith.constant 0 : index
    %get3A_7 = arith.constant 0 : index
    %get3A_8 = vector.load %arg3[%get3A_6, %get3A_7] : memref<128x32xf32, #tpu.memory_space<vmem>>, vector<128x32xf32>
    %dot_general3A_9 = arith.constant dense<0.000000e+00> : vector<1000x32xf32>
    %dot_general3A_10 = tpu.matmul %dot_general3A_5, %get3A_8, %dot_general3A_9 {dimension_numbers = #tpu.dot_dimension_numbers<[1], [0], [0], [1], [0, 0, 1, 1], [], []>, transpose_lhs_hint = false} : vector<1000x128xf32>, vector<128x32xf32>, vector<1000x32xf32> -> vector<1000x32xf32>
    %get3A_11 = arith.constant 0 : index
    %get3A_12 = arith.constant 0 : index
    %get3A_13 = vector.load %arg4[%get3A_11, %get3A_12] : memref<128x32xf32, #tpu.memory_space<vmem>>, vector<128x32xf32>
    %dot_general3A_14 = arith.constant dense<0.000000e+00> : vector<1000x32xf32>
    %dot_general3A_15 = tpu.matmul %dot_general3A_5, %get3A_13, %dot_general3A_14 {dimension_numbers = #tpu.dot_dimension_numbers<[1], [0], [0], [1], [0, 0, 1, 1], [], []>, transpose_lhs_hint = false} : vector<1000x128xf32>, vector<128x32xf32>, vector<1000x32xf32> -> vector<1000x32xf32>
    %slice3A = vector.extract_strided_slice %dot_general3A_5 {offsets = [0, 0], sizes = [1000, 48], strides = [1, 1]} : vector<1000x128xf32> to vector<1000x48xf32>
    %swap3A = arith.constant 0 : index
    %swap3A_16 = arith.constant 0 : index
    %swap3A_17 = vector.load %arg5[%swap3A, %swap3A_16] : memref<1000x48xf32, #tpu.memory_space<vmem>>, vector<1000x48xf32>
    tpu.vector_store %arg5[%swap3A, %swap3A_16], %slice3A {strides = array<i32>} : memref<1000x48xf32, #tpu.memory_space<vmem>>, vector<1000x48xf32>,
    %slice3A_18 = vector.extract_strided_slice %dot_general3A_5 {offsets = [0, 48], sizes = [1000, 16], strides = [1, 1]} : vector<1000x128xf32> to vector<1000x16xf32>
    %swap3A_19 = arith.constant 0 : index
    %swap3A_20 = arith.constant 0 : index
    %swap3A_21 = vector.load %arg6[%swap3A_19, %swap3A_20] : memref<1000x32xf32, #tpu.memory_space<vmem>>, vector<1000x16xf32>
    tpu.vector_store %arg6[%swap3A_19, %swap3A_20], %slice3A_18 {strides = array<i32>} : memref<1000x32xf32, #tpu.memory_space<vmem>>, vector<1000x16xf32>,
    %slice3A_22 = vector.extract_strided_slice %dot_general3A_15 {offsets = [0, 0], sizes = [1000, 16], strides = [1, 1]} : vector<1000x32xf32> to vector<1000x16xf32>
    %swap3A_23 = arith.constant 0 : index
    %swap3A_24 = arith.constant 16 : index
    %swap3A_25 = vector.load %arg6[%swap3A_23, %swap3A_24] : memref<1000x32xf32, #tpu.memory_space<vmem>>, vector<1000x16xf32>
    tpu.vector_store %arg6[%swap3A_23, %swap3A_24], %slice3A_22 {strides = array<i32>} : memref<1000x32xf32, #tpu.memory_space<vmem>>, vector<1000x16xf32>,
    %slice3A_26 = vector.extract_strided_slice %dot_general3A_5 {offsets = [0, 64], sizes = [1000, 48], strides = [1, 1]} : vector<1000x128xf32> to vector<1000x48xf32>
    %swap3A_27 = arith.constant 0 : index
    %swap3A_28 = arith.constant 0 : index
    %swap3A_29 = vector.load %arg7[%swap3A_27, %swap3A_28] : memref<1000x48xf32, #tpu.memory_space<vmem>>, vector<1000x48xf32>
    tpu.vector_store %arg7[%swap3A_27, %swap3A_28], %slice3A_26 {strides = array<i32>} : memref<1000x48xf32, #tpu.memory_space<vmem>>, vector<1000x48xf32>,
    %slice3A_30 = vector.extract_strided_slice %dot_general3A_5 {offsets = [0, 112], sizes = [1000, 16], strides = [1, 1]} : vector<1000x128xf32> to vector<1000x16xf32>
    %swap3A_31 = arith.constant 0 : index
    %swap3A_32 = arith.constant 0 : index
    %swap3A_33 = vector.load %arg8[%swap3A_31, %swap3A_32] : memref<1000x32xf32, #tpu.memory_space<vmem>>, vector<1000x16xf32>
    tpu.vector_store %arg8[%swap3A_31, %swap3A_32], %slice3A_30 {strides = array<i32>} : memref<1000x32xf32, #tpu.memory_space<vmem>>, vector<1000x16xf32>,
    %slice3A_34 = vector.extract_strided_slice %dot_general3A_15 {offsets = [0, 16], sizes = [1000, 16], strides = [1, 1]} : vector<1000x32xf32> to vector<1000x16xf32>
    %swap3A_35 = arith.constant 0 : index
    %swap3A_36 = arith.constant 16 : index
    %swap3A_37 = vector.load %arg8[%swap3A_35, %swap3A_36] : memref<1000x32xf32, #tpu.memory_space<vmem>>, vector<1000x16xf32>
    tpu.vector_store %arg8[%swap3A_35, %swap3A_36], %slice3A_34 {strides = array<i32>} : memref<1000x32xf32, #tpu.memory_space<vmem>>, vector<1000x16xf32>,
    %slice3A_38 = vector.extract_strided_slice %dot_general3A_10 {offsets = [0, 0], sizes = [1000, 16], strides = [1, 1]} : vector<1000x32xf32> to vector<1000x16xf32>
    %swap3A_39 = arith.constant 0 : index
    %swap3A_40 = arith.constant 0 : index
    %swap3A_41 = vector.load %arg9[%swap3A_39, %swap3A_40] : memref<1000x16xf32, #tpu.memory_space<vmem>>, vector<1000x16xf32>
    tpu.vector_store %arg9[%swap3A_39, %swap3A_40], %slice3A_38 {strides = array<i32>} : memref<1000x16xf32, #tpu.memory_space<vmem>>, vector<1000x16xf32>,
    %slice3A_42 = vector.extract_strided_slice %dot_general3A_10 {offsets = [0, 16], sizes = [1000, 16], strides = [1, 1]} : vector<1000x32xf32> to vector<1000x16xf32>
    %swap3A_43 = arith.constant 0 : index
    %swap3A_44 = arith.constant 0 : index
    %swap3A_45 = vector.load %arg10[%swap3A_43, %swap3A_44] : memref<1000x16xf32, #tpu.memory_space<vmem>>, vector<1000x16xf32>
    tpu.vector_store %arg10[%swap3A_43, %swap3A_44], %slice3A_42 {strides = array<i32>} : memref<1000x16xf32, #tpu.memory_space<vmem>>, vector<1000x16xf32>,
    return
  }
  func.func @transform_0(%arg0: i32) -> (i32, i32) {
    %c0_i32 = arith.constant 0 : i32
    %c0_i32_0 = arith.constant 0 : i32
    return %arg0, %c0_i32 : i32, i32
  }
  func.func @transform_1(%arg0: i32) -> (i32, i32) {
    %c0_i32 = arith.constant 0 : i32
    %c0_i32_0 = arith.constant 0 : i32
    %c0_i32_1 = arith.constant 0 : i32
    return %c0_i32, %c0_i32_0 : i32, i32
  }
  func.func @transform_2(%arg0: i32) -> (i32, i32) {
    %c0_i32 = arith.constant 0 : i32
    %c0_i32_0 = arith.constant 0 : i32
    %c0_i32_1 = arith.constant 0 : i32
    return %c0_i32, %c0_i32_0 : i32, i32
  }
  func.func @transform_3(%arg0: i32) -> (i32, i32) {
    %c0_i32 = arith.constant 0 : i32
    %c0_i32_0 = arith.constant 0 : i32
    %c0_i32_1 = arith.constant 0 : i32
    return %c0_i32, %c0_i32_0 : i32, i32
  }
  func.func @transform_4(%arg0: i32) -> (i32, i32) {
    %c0_i32 = arith.constant 0 : i32
    %c0_i32_0 = arith.constant 0 : i32
    return %arg0, %c0_i32 : i32, i32
  }
  func.func @transform_5(%arg0: i32) -> (i32, i32) {
    %c0_i32 = arith.constant 0 : i32
    %c0_i32_0 = arith.constant 0 : i32
    return %arg0, %c0_i32 : i32, i32
  }
  func.func @transform_6(%arg0: i32) -> (i32, i32) {
    %c0_i32 = arith.constant 0 : i32
    %c0_i32_0 = arith.constant 0 : i32
    return %arg0, %c0_i32 : i32, i32
  }
  func.func @transform_7(%arg0: i32) -> (i32, i32) {
    %c0_i32 = arith.constant 0 : i32
    %c0_i32_0 = arith.constant 0 : i32
    return %arg0, %c0_i32 : i32, i32
  }
  func.func @transform_8(%arg0: i32) -> (i32, i32) {
    %c0_i32 = arith.constant 0 : i32
    %c0_i32_0 = arith.constant 0 : i32
    return %arg0, %c0_i32 : i32, i32
  }
  func.func @transform_9(%arg0: i32) -> (i32, i32) {
    %c0_i32 = arith.constant 0 : i32
    %c0_i32_0 = arith.constant 0 : i32
    return %arg0, %c0_i32 : i32, i32
  }
}

module attributes {stable_mosaic.version = 14 : i64} {
  func.func @_finish_body(%arg0: i32, %arg1: memref<2x1000x48xf32, #tpu.memory_space<vmem>>, %arg2: memref<2x1000x32xf32, #tpu.memory_space<vmem>>, %arg3: memref<1000x128xf32, #tpu.memory_space<vmem>>) attributes {dimension_semantics = [#tpu.dimension_semantics<arbitrary>], iteration_bounds = array<i64: 10>, scalar_prefetch = 0 : i64, scratch_operands = 0 : i64, tpu.core_type = #tpu.core_type<tc>, window_params = [{transform_indices = @transform_0, window_bounds = array<i64: 2, 1000, 48>}, {transform_indices = @transform_1, window_bounds = array<i64: 2, 1000, 32>}, {transform_indices = @transform_2, window_bounds = array<i64: 1000, 128>}]} {
    %iota3A = tpu.iota {dimensions = array<i32: 1>} : vector<16x48xi32>
    %jit3A = arith.constant 16 : i32
    %div3A = vector.broadcast %jit3A : i32 to vector<16x48xi32>
    %div3A_0 = arith.divsi %iota3A, %div3A : vector<16x48xi32>
    %sign3A = arith.constant 0 : i32
    %sign3A_1 = vector.broadcast %sign3A : i32 to vector<16x48xi32>
    %sign3A_2 = arith.cmpi sgt, %iota3A, %sign3A_1 : vector<16x48xi32>
    %sign3A_3 = arith.extui %sign3A_2 : vector<16x48xi1> to vector<16x48xi32>
    %sign3A_4 = arith.constant 0 : i32
    %sign3A_5 = vector.broadcast %sign3A_4 : i32 to vector<16x48xi32>
    %sign3A_6 = arith.cmpi slt, %iota3A, %sign3A_5 : vector<16x48xi32>
    %sign3A_7 = arith.extui %sign3A_6 : vector<16x48xi1> to vector<16x48xi32>
    %sign3A_8 = arith.subi %sign3A_3, %sign3A_7 : vector<16x48xi32>
    %sign3A_9 = arith.constant 0 : i32
    %sign3A_10 = arith.cmpi sgt, %jit3A, %sign3A_9 : i32
    %sign3A_11 = arith.extui %sign3A_10 : i1 to i32
    %sign3A_12 = arith.constant 0 : i32
    %sign3A_13 = arith.cmpi slt, %jit3A, %sign3A_12 : i32
    %sign3A_14 = arith.extui %sign3A_13 : i1 to i32
    %sign3A_15 = arith.subi %sign3A_11, %sign3A_14 : i32
    %ne3A = vector.broadcast %sign3A_15 : i32 to vector<16x48xi32>
    %ne3A_16 = arith.cmpi ne, %sign3A_8, %ne3A : vector<16x48xi32>
    %rem3A = vector.broadcast %jit3A : i32 to vector<16x48xi32>
    %rem3A_17 = arith.remsi %iota3A, %rem3A : vector<16x48xi32>
    %ne3A_18 = arith.constant 0 : i32
    %ne3A_19 = vector.broadcast %ne3A_18 : i32 to vector<16x48xi32>
    %ne3A_20 = arith.cmpi ne, %rem3A_17, %ne3A_19 : vector<16x48xi32>
    %and3A = arith.andi %ne3A_16, %ne3A_20 : vector<16x48xi1>
    %sub3A = arith.constant 1 : i32
    %sub3A_21 = vector.broadcast %sub3A : i32 to vector<16x48xi32>
    %sub3A_22 = arith.subi %div3A_0, %sub3A_21 : vector<16x48xi32>
    %select_n3A = arith.select %and3A, %sub3A_22, %div3A_0 : vector<16x48xi1>, vector<16x48xi32>
    %iota3A_23 = tpu.iota {dimensions = array<i32: 0>} : vector<16x48xi32>
    %eq3A = arith.cmpi eq, %select_n3A, %iota3A_23 : vector<16x48xi32>
    %convert_element_type3A = arith.extui %eq3A : vector<16x48xi1> to vector<16x48xi32>
    %convert_element_type3A_24 = arith.sitofp %convert_element_type3A : vector<16x48xi32> to vector<16x48xf32>
    %iota3A_25 = tpu.iota {dimensions = array<i32: 0>} : vector<16x16xi32>
    %eq3A_26 = arith.constant 3 : i32
    %eq3A_27 = vector.broadcast %eq3A_26 : i32 to vector<16x16xi32>
    %eq3A_28 = arith.cmpi eq, %iota3A_25, %eq3A_27 : vector<16x16xi32>
    %convert_element_type3A_29 = arith.extui %eq3A_28 : vector<16x16xi1> to vector<16x16xi32>
    %convert_element_type3A_30 = arith.sitofp %convert_element_type3A_29 : vector<16x16xi32> to vector<16x16xf32>
    %get3A = arith.constant 0 : index
    %get3A_31 = arith.constant 0 : index
    %get3A_32 = arith.constant 0 : index
    %get3A_33 = vector.load %arg2[%get3A, %get3A_31, %get3A_32] : memref<2x1000x32xf32, #tpu.memory_space<vmem>>, vector<1x1000x32xf32>
    %get3A_34 = vector.shape_cast %get3A_33 : vector<1x1000x32xf32> to vector<1000x32xf32>
    %slice3A = vector.extract_strided_slice %get3A_34 {offsets = [0, 16], sizes = [1000, 16], strides = [1, 1]} : vector<1000x32xf32> to vector<1000x16xf32>
    %dot_general3A = arith.constant dense<0.000000e+00> : vector<1000x48xf32>
    %dot_general3A_35 = tpu.matmul %slice3A, %convert_element_type3A_24, %dot_general3A {dimension_numbers = #tpu.dot_dimension_numbers<[1], [0], [0], [1], [0, 0, 1, 1], [], []>, transpose_lhs_hint = false} : vector<1000x16xf32>, vector<16x48xf32>, vector<1000x48xf32> -> vector<1000x48xf32>
    %dot_general3A_36 = arith.constant dense<0.000000e+00> : vector<1000x16xf32>
    %dot_general3A_37 = tpu.matmul %slice3A, %convert_element_type3A_30, %dot_general3A_36 {dimension_numbers = #tpu.dot_dimension_numbers<[1], [0], [0], [1], [0, 0, 1, 1], [], []>, transpose_lhs_hint = false} : vector<1000x16xf32>, vector<16x16xf32>, vector<1000x16xf32> -> vector<1000x16xf32>
    %get3A_38 = arith.constant 0 : index
    %get3A_39 = arith.constant 0 : index
    %get3A_40 = arith.constant 0 : index
    %get3A_41 = vector.load %arg1[%get3A_38, %get3A_39, %get3A_40] : memref<2x1000x48xf32, #tpu.memory_space<vmem>>, vector<1x1000x48xf32>
    %get3A_42 = vector.shape_cast %get3A_41 : vector<1x1000x48xf32> to vector<1000x48xf32>
    %div3A_43 = arith.divf %get3A_42, %dot_general3A_35 : vector<1000x48xf32>
    %swap3A = arith.constant 0 : index
    %swap3A_44 = arith.constant 0 : index
    %swap3A_45 = vector.load %arg3[%swap3A, %swap3A_44] : memref<1000x128xf32, #tpu.memory_space<vmem>>, vector<1000x48xf32>
    tpu.vector_store %arg3[%swap3A, %swap3A_44], %div3A_43 {strides = array<i32>} : memref<1000x128xf32, #tpu.memory_space<vmem>>, vector<1000x48xf32>,
    %get3A_46 = arith.constant 0 : index
    %get3A_47 = arith.constant 0 : index
    %get3A_48 = arith.constant 0 : index
    %get3A_49 = vector.load %arg2[%get3A_46, %get3A_47, %get3A_48] : memref<2x1000x32xf32, #tpu.memory_space<vmem>>, vector<1x1000x32xf32>
    %get3A_50 = vector.shape_cast %get3A_49 : vector<1x1000x32xf32> to vector<1000x32xf32>
    %slice3A_51 = vector.extract_strided_slice %get3A_50 {offsets = [0, 0], sizes = [1000, 16], strides = [1, 1]} : vector<1000x32xf32> to vector<1000x16xf32>
    %div3A_52 = arith.divf %slice3A_51, %dot_general3A_37 : vector<1000x16xf32>
    %swap3A_53 = arith.constant 0 : index
    %swap3A_54 = arith.constant 48 : index
    %swap3A_55 = vector.load %arg3[%swap3A_53, %swap3A_54] : memref<1000x128xf32, #tpu.memory_space<vmem>>, vector<1000x16xf32>
    tpu.vector_store %arg3[%swap3A_53, %swap3A_54], %div3A_52 {strides = array<i32>} : memref<1000x128xf32, #tpu.memory_space<vmem>>, vector<1000x16xf32>,
    %get3A_56 = arith.constant 1 : index
    %get3A_57 = arith.constant 0 : index
    %get3A_58 = arith.constant 0 : index
    %get3A_59 = vector.load %arg2[%get3A_56, %get3A_57, %get3A_58] : memref<2x1000x32xf32, #tpu.memory_space<vmem>>, vector<1x1000x32xf32>
    %get3A_60 = vector.shape_cast %get3A_59 : vector<1x1000x32xf32> to vector<1000x32xf32>
    %slice3A_61 = vector.extract_strided_slice %get3A_60 {offsets = [0, 16], sizes = [1000, 16], strides = [1, 1]} : vector<1000x32xf32> to vector<1000x16xf32>
    %dot_general3A_62 = arith.constant dense<0.000000e+00> : vector<1000x48xf32>
    %dot_general3A_63 = tpu.matmul %slice3A_61, %convert_element_type3A_24, %dot_general3A_62 {dimension_numbers = #tpu.dot_dimension_numbers<[1], [0], [0], [1], [0, 0, 1, 1], [], []>, transpose_lhs_hint = false} : vector<1000x16xf32>, vector<16x48xf32>, vector<1000x48xf32> -> vector<1000x48xf32>
    %dot_general3A_64 = arith.constant dense<0.000000e+00> : vector<1000x16xf32>
    %dot_general3A_65 = tpu.matmul %slice3A_61, %convert_element_type3A_30, %dot_general3A_64 {dimension_numbers = #tpu.dot_dimension_numbers<[1], [0], [0], [1], [0, 0, 1, 1], [], []>, transpose_lhs_hint = false} : vector<1000x16xf32>, vector<16x16xf32>, vector<1000x16xf32> -> vector<1000x16xf32>
    %get3A_66 = arith.constant 1 : index
    %get3A_67 = arith.constant 0 : index
    %get3A_68 = arith.constant 0 : index
    %get3A_69 = vector.load %arg1[%get3A_66, %get3A_67, %get3A_68] : memref<2x1000x48xf32, #tpu.memory_space<vmem>>, vector<1x1000x48xf32>
    %get3A_70 = vector.shape_cast %get3A_69 : vector<1x1000x48xf32> to vector<1000x48xf32>
    %div3A_71 = arith.divf %get3A_70, %dot_general3A_63 : vector<1000x48xf32>
    %swap3A_72 = arith.constant 0 : index
    %swap3A_73 = arith.constant 64 : index
    %swap3A_74 = vector.load %arg3[%swap3A_72, %swap3A_73] : memref<1000x128xf32, #tpu.memory_space<vmem>>, vector<1000x48xf32>
    tpu.vector_store %arg3[%swap3A_72, %swap3A_73], %div3A_71 {strides = array<i32>} : memref<1000x128xf32, #tpu.memory_space<vmem>>, vector<1000x48xf32>,
    %get3A_75 = arith.constant 1 : index
    %get3A_76 = arith.constant 0 : index
    %get3A_77 = arith.constant 0 : index
    %get3A_78 = vector.load %arg2[%get3A_75, %get3A_76, %get3A_77] : memref<2x1000x32xf32, #tpu.memory_space<vmem>>, vector<1x1000x32xf32>
    %get3A_79 = vector.shape_cast %get3A_78 : vector<1x1000x32xf32> to vector<1000x32xf32>
    %slice3A_80 = vector.extract_strided_slice %get3A_79 {offsets = [0, 0], sizes = [1000, 16], strides = [1, 1]} : vector<1000x32xf32> to vector<1000x16xf32>
    %div3A_81 = arith.divf %slice3A_80, %dot_general3A_65 : vector<1000x16xf32>
    %swap3A_82 = arith.constant 0 : index
    %swap3A_83 = arith.constant 112 : index
    %swap3A_84 = vector.load %arg3[%swap3A_82, %swap3A_83] : memref<1000x128xf32, #tpu.memory_space<vmem>>, vector<1000x16xf32>
    tpu.vector_store %arg3[%swap3A_82, %swap3A_83], %div3A_81 {strides = array<i32>} : memref<1000x128xf32, #tpu.memory_space<vmem>>, vector<1000x16xf32>,
    return
  }
  func.func @transform_0(%arg0: i32) -> (i32, i32, i32) {
    %c0_i32 = arith.constant 0 : i32
    %c0_i32_0 = arith.constant 0 : i32
    %c0_i32_1 = arith.constant 0 : i32
    return %c0_i32, %arg0, %c0_i32_0 : i32, i32, i32
  }
  func.func @transform_1(%arg0: i32) -> (i32, i32, i32) {
    %c0_i32 = arith.constant 0 : i32
    %c0_i32_0 = arith.constant 0 : i32
    %c0_i32_1 = arith.constant 0 : i32
    return %c0_i32, %arg0, %c0_i32_0 : i32, i32, i32
  }
  func.func @transform_2(%arg0: i32) -> (i32, i32) {
    %c0_i32 = arith.constant 0 : i32
    %c0_i32_0 = arith.constant 0 : i32
    return %arg0, %c0_i32 : i32, i32
  }
}

</mosaic_0001>

<sc_bundles>
// kernel: kernel.5.cloned.1.call-start
scs
__scs_entry_jumppad:
0x0: {  	(pc) =	sbr.rel $0x88, $3  }
0x1: {  	(tag) =	ssettag $0x0;
	lr =	simm.s32 $0x1  }
0x2: {  	[smem:$0x3F9C] =	sst lr;
	_ =	strace $0xD0000000  }
0x3: {  	_ = 	snop  }
0x4: {  	_ = 	snop  }
0x5: {  	_ = 	snop  }
0x6: {  	_ = 	snop  }
0x7: {  	_ = 	snop  }
__scs_overlays_trampoline_lowered:
0x8: {  	[smem:$0x3FAB] =	sst s0  }
0x9: {  	[smem:$0x3FAC] =	sst s1  }
0xa: {  	[smem:$0x3FAD] =	sst s2  }
0xb: {  	[smem:$0x3FAE] =	sst s3  }
0xc: {  	[smem:$0x3FAF] =	sst s4  }
0xd: {  	[smem:$0x3FB0] =	sst s5  }
0xe: {  	[smem:$0x3FB1] =	sst s6  }
0xf: {  	[smem:$0x3FB2] =	sst s7  }
0x10: {  	[smem:$0x3FB3] =	sst s8  }
0x11: {  	[smem:$0x3FB4] =	sst s9;
	s0 =	simm.s32 @!p0 $0x0  }
0x12: {  	s1 =	sld [smem:$0x3F9A];
	s0 =	simm.s32 @p0 $0x1  }
0x13: {  	[smem:$0x3FB5] =	sst s0;
	s0 =	simm.s32 @!p1 $0x0  }
0x14: {  	s2 =	sld [smem:$0x3F99];
	s0 =	simm.s32 @p1 $0x1  }
0x15: {  	[smem:$0x3FB6] =	sst s0;
	s0 =	simm.s32 @!p2 $0x0  }
0x16: {  	s3 =	sld [smem:$0x3FDB];
	s0 =	simm.s32 @p2 $0x1  }
0x17: {  	s4 =	simm.s32 $0x1BF5;
	[smem:$0x3FB8] =	sst s0  }
0x18: {  	s0 =	sld [smem:$0x3F9B];
	_ =	swait.ge [sflag:s4], $0x0  }
0x19: {  	s7 =	sld [smem:$0x3F9C]  }
0x1a: {  	s8 =	sadd.s32 $0xFFFFE003, lr  }
0x1b: {  	s9 =	sadd.s32 $0xFFFFFEF7, lr;
	s5 =	simm.s32 $0xFFFFFFFF;
	p2 =	slt.u32 s8, $0xFFFFF086  }
0x1c: {  	p1 =	slt.u32 s9, $0xF7A;
	s5 =	simm.s32 @!p2 $0x0  }
0x1d: {  	s5 =	simm.s32 @p1 $0x1;
	p0 =	seq.s32 s7, s2  }
0x1e: {  	s7 =	smul.u32 @!p0 $0xF7A, s2;
	p2 =	seq.s32 @!p0 s5, $0x0  }
0x1f: {  	s9 =	smul.u32 $0xF7A, s1;
	s8 =	simm.s32 @!p0 $0x1BF5;
	p2 =	por !p2, p0  }
0x20: {  	[sflag:s8] =	ssyncset.s32 @!p0 $0xFFFFF086;
	s6 =	sadd.s32 @!p0 s3, s7;
	s7 =	simm.s32 @!p0 $0x108  }
0x21: {  	s3 =	sadd.s32 s3, s9;
	s6 =	sadd.s32 @!p0 $0x88, s6;
	s7 =	simm.s32 @p2 $0x1082  }
0x22: {  	[simem:s7], [sflag:s8] =	dma.local @!p0 [hbm:s6], $0xF7A  }
0x23: {  	s9 =	sor.u32 $0xD0000000, s2;
	s6 =	simm.s32 $0x108;
	_ =	swait.ge @!p0 [sflag:s8], $0x0  }
0x24: {  	s3 =	sadd.s32 $0x88, s3;
	s6 =	simm.s32 @!p1 $0x1082;
	[sflag:s4] =	ssyncset.s32 $0xFFFFF086  }
0x25: {  	[simem:s6], [sflag:s4] =	dma.local [hbm:s3], $0xF7A  }
0x26: {  	[smem:$0x3F9C] =	sst s1;
	(tag) =	ssettag s2;
	_ =	strace s9  }
0x27: {  	s1 =	sld [smem:$0x3FAC]  }
0x28: {  	s2 =	sld [smem:$0x3FAD]  }
0x29: {  	s4 =	sld [smem:$0x3FAF]  }
0x2a: {  	p0 =	seq.s32 s5, $0x0;
	s5 =	sld [smem:$0x3FB0]  }
0x2b: {  	s6 =	sld [smem:$0x3FB1]  }
0x2c: {  	s7 =	sld [smem:$0x3FB2]  }
0x2d: {  	s3 =	simm.s32 $0x108;
	s8 =	sld [smem:$0x3FB3]  }
0x2e: {  	s3 =	simm.s32 @!p0 $0x1082;
	s9 =	sld [smem:$0x3FB4]  }
0x2f: {  	lr =	sadd.s32 s0, s3;
	s0 =	sld [smem:$0x3FAB]  }
0x30: {  	s3 =	sld [smem:$0x3FAE]  }
0x31: {  	[smem:$0x3FB7] =	sst s10  }
0x32: {  	s10 =	sld [smem:$0x3FB5];
	_ =	sdelay $0x3  }
0x33: {  	p0 =	seq.s32 s10, $0x1;
	s10 =	sld [smem:$0x3FB7];
	_ =	sdelay $0x3  }
0x34: {  	[smem:$0x3FB7] =	sst s10  }
0x35: {  	s10 =	sld [smem:$0x3FB6];
	_ =	sdelay $0x3  }
0x36: {  	p1 =	seq.s32 s10, $0x1;
	s10 =	sld [smem:$0x3FB7];
	_ =	sdelay $0x3  }
0x37: {  	[smem:$0x3FB7] =	sst s10  }
0x38: {  	s10 =	sld [smem:$0x3FB8]  }
0x39: {  	_ = 	snop;
	(pc) =	sbr.ind lr, $3  }
0x3a: {  	_ = 	snop  }
0x3b: {  	_ = 	snop  }
0x3c: {  	p2 =	seq.s32 s10, $0x1;
	s10 =	sld [smem:$0x3FB7]  }
0x3d: {  	_ =	shalt  }
0x3e: {  	_ =	shalt  }
0x3f: {  	_ =	shalt  }
0x40: {  	_ =	shalt  }
0x41: {  	_ =	shalt  }
0x42: {  	_ =	shalt  }
0x43: {  	_ =	shalt  }
0x44: {  	_ =	shalt  }
0x45: {  	_ =	shalt  }
0x46: {  	_ =	shalt  }
0x47: {  	_ =	shalt  }
0x48: {  	_ =	shalt  }
0x49: {  	_ =	shalt  }
0x4a: {  	_ =	shalt  }
0x4b: {  	_ =	shalt  }
0x4c: {  	_ =	shalt  }
0x4d: {  	_ =	shalt  }
0x4e: {  	_ =	shalt  }
0x4f: {  	_ =	shalt  }
0x50: {  	_ =	shalt  }
0x51: {  	_ =	shalt  }
0x52: {  	_ =	shalt  }
0x53: {  	_ =	shalt  }
0x54: {  	_ =	shalt  }
0x55: {  	_ =	shalt  }
0x56: {  	_ =	shalt  }
0x57: {  	_ =	shalt  }
0x58: {  	_ =	shalt  }
0x59: {  	_ =	shalt  }
0x5a: {  	_ =	shalt  }
0x5b: {  	_ =	shalt  }
0x5c: {  	_ =	shalt  }
0x5d: {  	_ =	shalt  }
0x5e: {  	_ =	shalt  }
0x5f: {  	_ =	shalt  }
0x60: {  	_ =	shalt  }
0x61: {  	_ =	shalt  }
0x62: {  	_ =	shalt  }
0x63: {  	_ =	shalt  }
0x64: {  	_ =	shalt  }
0x65: {  	_ =	shalt  }
0x66: {  	_ =	shalt  }
0x67: {  	_ =	shalt  }
0x68: {  	_ =	shalt  }
0x69: {  	_ =	shalt  }
0x6a: {  	_ =	shalt  }
0x6b: {  	_ =	shalt  }
0x6c: {  	_ =	shalt  }
0x6d: {  	_ =	shalt  }
0x6e: {  	_ =	shalt  }
0x6f: {  	_ =	shalt  }
0x70: {  	_ =	shalt  }
0x71: {  	_ =	shalt  }
0x72: {  	_ =	shalt  }
0x73: {  	_ =	shalt  }
0x74: {  	_ =	shalt  }
0x75: {  	_ =	shalt  }
0x76: {  	_ =	shalt  }
0x77: {  	_ =	shalt  }
0x78: {  	_ =	shalt  }
0x79: {  	_ =	shalt  }
0x7a: {  	_ =	shalt  }
0x7b: {  	_ =	shalt  }
0x7c: {  	_ =	shalt  }
0x7d: {  	_ =	shalt  }
0x7e: {  	_ =	shalt  }
0x7f: {  	_ =	shalt  }
0x80: {  	_ =	shalt  }
0x81: {  	_ =	shalt  }
0x82: {  	_ =	shalt  }
0x83: {  	_ =	shalt  }
0x84: {  	_ =	shalt  }
0x85: {  	_ =	shalt  }
0x86: {  	_ =	shalt  }
0x87: {  	_ =	shalt  }
.Lfunc_end0:
.L_simem_size_0:
called_computation_lowered:
.L_overlay_start_0:
0x88: {  	s2 =	sld [smem:$0x3FD9]  }
0x89: {  	s3 =	sld [smem:$0x3FFE];
	_ =	sdelay $0x1  }
0x8a: {  	s1 =	srdreg.scid  }
0x8b: {  	s0 =	sand.u32 $0x1, s1  }
0x8c: {  	s17 =	sshll.u32 s0, $0xA;
	s2 =	sadd.s32 s3, s2  }
0x8d: {  	s2 =	sadd.s32 s2, s17  }
0x8e: {  	[smem:$0x3FC3] =	sst s2  }
0x8f: {  	_ = 	snop  }
0x90: {  	s2 =	sld [smem:$0x3FD0];
	(tm) =	ssettm $0x1  }
0x91: {  	s18 =	sld [smem:$0x3FFB];
	_ =	sdelay $0x3  }
0x92: {  	_ =	strace s18  }
0x93: {  	s3 =	sld [smem:$0x3FFC];
	_ =	sdelay $0x3  }
0x94: {  	_ =	strace s3  }
0x95: {  	s3 =	sld [smem:$0x3FFD];
	_ =	sdelay $0x3  }
0x96: {  	_ =	strace s3  }
0x97: {  	_ =	strace $0x8FFFFFFF  }
0x98: {  	s19 =	sld [smem:$0x3FDB];
	_ =	sdelay $0x1  }
0x99: {  	s4 =	simm.s32 $_scs_section_size  }
0x9a: {  	s5 =	simm.s32 $_size__tile_overlayer_lowered;
	s6 =	simm.s32 $_tile_overlayer_lowered  }
0x9b: {  	s22 =	simm.s32 $0x1BFF;
	s21 =	sshll.u32 s6, $0x1;
	s3 =	sadd.s32 s4, s19  }
0x9c: {  	s7 =	simm.s32 $0x0;
	s20 =	sshll.u32 s5, $0x1;
	s5 =	sadd.s32 s21, s3  }
0x9d: {  	[timem:s7], [sflag:s22] =	dma.local [hbm:s5], s20  }
0x9e: {  	_ =	swait.ge [sflag:s22], s20  }
0x9f: {  	s4 =	ssub.s32 $0x0, s20;
	[sflag:s22] =	ssyncset.done $0x0  }
0xa0: {  	[sflag:s22] =	ssyncadd.s32 s4;
	_ =	sdelay $0x1  }
0xa1: {  	s23 =	simm.s32 $0x1B8B  }
0xa2: {  	_ =	swait.ge [sflag:s23], $0x1  }
0xa3: {  	[sflag:s23] =	ssyncset.done $0x0  }
0xa4: {  	s25 =	simm.s32 $0x1B8E;
	s24 =	sld [smem:$0x3FFE];
	[sflag:s23] =	ssyncadd.s32 $0xFFFFFFFF  }
0xa5: {  	s26 =	simm.s32 $execute0_lowered;
	[smem:$0x3FD2] =	sst s25  }
0xa6: {  	s5 =	sshll.u32 s26, $0x1;
	_ =	strace $0x80000046;
	[dreg:$0x1] =	wrdreg $0xFFFFFFFF  }
0xa7: {  	s28 =	simm.s32 $_size_execute0_lowered;
	s3 =	sadd.s32 s3, s5;
	[dreg:$0x0] =	wrdreg $0x0  }
0xa8: {  	s5 =	sshll.u32 s28, $0x1;
	[dreg:$0x2] =	wrdreg s3  }
0xa9: {  	[dreg:$0x3] =	wrdreg s5  }
0xaa: {  	[dreg:$0x4] =	wrdreg $0xC0  }
0xab: {  	_ =	task [dreg:s7], $0x5FFFF  }
0xac: {  	[dreg:$0x1] =	wrdreg $0xFFFFFFFF  }
0xad: {  	[dreg:$0x0] =	wrdreg $0x60  }
0xae: {  	[dreg:$0x2] =	wrdreg s24  }
0xaf: {  	[dreg:$0x3] =	wrdreg s2  }
0xb0: {  	[dreg:$0x4] =	wrdreg $0x0  }
0xb1: {  	[dreg:$0x5] =	wrdreg $0x76800  }
0xb2: {  	[dreg:$0x6] =	wrdreg $0x9  }
0xb3: {  	_ =	task.clear_ibuf [dreg:s7], $0x7FFFF;
	_ =	strace $0x90000046  }
0xb4: {  	s29 =	simm.s32 $0x9;
	_ =	strace $0x80000048  }
0xb5: {  	_ =	swait.ge [sflag:s29], $0x1  }
0xb6: {  	[sflag:s29] =	ssyncadd.s32 $0xFFFFFFFF  }
0xb7: {  	_ =	strace $0x90000048  }
0xb8: {  	_ =	sfence  }
0xb9: {  	s30 =	sld [smem:$0x0];
	_ =	sdelay $0x2  }
0xba: {  	s31 =	sshll.u32 s1, $0xD;
	s1 =	sshrl.u32 s1, $0x2  }
0xbb: {  	s3 =	sand.u32 $0x4000, s31;
	s1 =	sadd.s32 s1, s30  }
0xbc: {  	s0 =	sor.u32 s3, s0;
	s1 =	sshll.u32 s1, $0x11  }
0xbd: {  	s0 =	sor.u32 s1, s0  }
0xbe: {  	s0 =	sadd.s32 $0x8F2B, s0  }
0xbf: {  	[sflag:s0] =	ssyncadd.remote.s32 $0x1  }
0xc0: {  	_ =	sfence.sel $0xFFFF  }
0xc1: {  	[dreg:$0x0] =	wrdreg $0xFFFFFFFF;
	(pc) =	sbr.abs _section_cstart, $3  }
0xc2: {  	[dreg:$0x1] =	wrdreg $0xFFFFFFFF  }
0xc3: {  	_ =	task.clear_ibuf [dreg:s7], $0x2FFFF;
	_ =	strace $0x9FFFFFFF  }
0xc4: {  	(tm) =	ssettm $0x7FFFFFFF  }
0xc5: {  	_ =	shalt  }
tec
execute0_lowered:
.L_overlay_start_1:
0x0: {  	(tag) =	ssettag $0x1  }
0x1: {  	s0 =	rddreg [dreg:$0x0]  }
0x2: {  	s4 =	rddreg [dreg:$0x1]  }
0x3: {  	s1 =	rddreg [dreg:$0x2]  }
0x4: {  	s2 =	rddreg [dreg:$0x3]  }
0x5: {  	s3 =	simm.s32 $0x0;
	s5 =	srdreg.scid;
	s18 =	stileid.u32  }
0x6: {  	s28 =	simm.s32 $0x6;
	s29 =	simm.s32 $0x7;
	[smem:$0x7FF] =	sst s3  }
0x7: {  	s9 =	sadd.s32 $0x28E00, s0;
	s10 =	sadd.s32 $0x37A00, s0;
	s11 =	sand.u32 $0x1, s5  }
0x8: {  	s12 =	smul.u32 $0x4F00, s18;
	s5 =	sadd.s32 $0x41800, s0;
	s6 =	sadd.s32 $0x50400, s0  }
0x9: {  	s14 =	sadd.s32 $0x5A200, s0;
	s7 =	sadd.s32 $0x1C00, s0;
	s16 =	smul.u32 $0x1500, s18  }
0xa: {  	s15 =	sadd.s32 $0x1BC00, s0;
	s22 =	sadd.s32 $0x1CC00, s0;
	s17 =	smul.u32 $0x7680, s18  }
0xb: {  	s26 =	smul.u32 $0xA8, s18;
	_ =	strace $0x80000047;
	[dreg:$0x5] =	wrdreg s15  }
0xc: {  	s8 =	sadd.s32 $0x6C00, s0;
	s13 =	smul.u32 $0x4F000, s11;
	[dreg:$0x6] =	wrdreg s22  }
0xd: {  	s23 =	ssub.s32 $0x2, s11;
	s25 =	smul.u32 $0x76800, s11;
	p0 =	seq.s32 s11, $0x0  }
0xe: {  	s15 =	simm.s32 $0xC880;
	s24 =	sshrl.u32 s23, $0x1;
	s19 =	sadd.s32 s8, s16  }
0xf: {  	s31 =	sadd.s32 s17, s1;
	s18 =	sor.u32 $0x3, s26;
	s20 =	sor.u32 $0x4, s26  }
0x10: {  	s21 =	sor.u32 $0x5, s26;
	s22 =	sor.u32 $0x6, s26;
	[dreg:$0x9] =	wrdreg s31  }
0x11: {  	s7 =	smov.u32 @p0 s14;
	s5 =	smov.u32 @p0 s9;
	[dreg:$0xb] =	wrdreg s18  }
0x12: {  	s6 =	smov.u32 @p0 s10;
	s16 =	simm.s32 $0x2;
	[dreg:$0xc] =	wrdreg s20  }
0x13: {  	s14 =	simm.s32 $0x3;
	s9 =	simm.s32 $0x8;
	[dreg:$0xd] =	wrdreg s21  }
0x14: {  	s13 =	sadd.s32 s12, s13;
	s30 =	sadd.s32 $0x20, s19;
	[dreg:$0xf] =	wrdreg s22  }
0x15: {  	s12 =	sadd.s32 s12, s2;
	s17 =	sadd.s32 s17, s25;
	[dreg:$0x7] =	wrdreg s19  }
0x16: {  	s25 =	sadd.s32 $0x9, s26;
	s31 =	sadd.s32 $0x40, s19;
	[dreg:$0x8] =	wrdreg s30  }
0x17: {  	s20 =	simm.s32 $0x11;
	s22 =	simm.s32 $0x13580;
	[dreg:$0xa] =	wrdreg s12  }
0x18: {  	s21 =	simm.s32 $0x4;
	s19 =	simm.s32 $0xCC80;
	[dreg:$0x12] =	wrdreg s25  }
0x19: {  	s13 =	sshrl.u32 s13, $0x3;
	s11 =	sshrl.u32 s17, $0x3;
	[dreg:$0x16] =	wrdreg s31  }
0x1a: {  	s17 =	simm.s32 $0xC980;
	s0 =	sadd.s32 s13, s0;
	s4 =	sadd.s32 s4, s11  }
0x1b: {  	s13 =	ssub.s32 s23, s24;
	s23 =	sor.u32 $0x7, s26;
	[dreg:$0xe] =	wrdreg s4  }
0x1c: {  	s25 =	simm.s32 $0x5;
	s24 =	sadd.s32 $0x8, s26;
	[dreg:$0x10] =	wrdreg s23  }
.Ltmp0:
0x1d: {  	s26 =	sadd.s32 $0xA, s26;
	[dreg:$0x11] =	wrdreg s24;
	(pc) =	sbr.rel .LBB2_1-.Ltmp0, $4  }
0x1e: {  	s12 =	simm.s32 $0xCB80;
	s11 =	simm.s32 $0x0;
	[dreg:$0x13] =	wrdreg s26  }
0x1f: {  	s0 =	sadd.s32 $0x5F200, s0;
	s30 =	smax.u32 s13, $0x1;
	s23 =	simm.s32 $0xC780  }
0x20: {  	v0 =	vimm.s32 $0x0;
	s26 =	simm.s32 $0x1;
	s13 =	simm.s32 $0x17D80;
	[dreg:$0x14] =	wrdreg s0  }
0x21: {  	v1 =	vimm.s32 $0x1;
	v2 =	vimm.s32 $0x2;
	v3 =	vimm.s32 $0x3;
	s4 =	simm.s32 $0xCA80;
	[dreg:$0x15] =	wrdreg s30;
	s0 =	simm.s32 $0x80  }
.LBB2_20:
0x22: {  	_ =	swait.ge [sflag:s29], $0x1800  }
0x23: {  	[sflag:s29] =	ssyncset.done $0x0  }
0x24: {  	[sflag:s29] =	ssyncadd.s32 $0xFFFFE800  }
0x25: {  	_ =	swait.ge [sflag:s29], $0x1000  }
0x26: {  	[sflag:s29] =	ssyncset.done $0x0  }
0x27: {  	[sflag:s29] =	ssyncadd.s32 $0xFFFFF000  }
0x28: {  	_ =	swait.ge [sflag:s9], $0x1800  }
0x29: {  	[sflag:s9] =	ssyncset.done $0x0  }
0x2a: {  	[sflag:s9] =	ssyncadd.s32 $0xFFFFE800  }
0x2b: {  	_ =	swait.ge [sflag:s9], $0x1000  }
0x2c: {  	[sflag:s9] =	ssyncset.done $0x0  }
0x2d: {  	[sflag:s9] =	ssyncadd.s32 $0xFFFFF000  }
0x2e: {  	[bflag:$0x0] =	sbarrier.arrive $0xFFFF  }
0x2f: {  	s10 =	rddreg [dreg:$0xe]  }
0x30: {  	s11 =	rddreg [dreg:$0x18]  }
0x31: {  	s20 =	simm.s32 $0x11;
	s18 =	rddreg [dreg:$0x19]  }
0x32: {  	[hbm:s10], [sflag:s11] =	dma.local [spmem:s18], $0xED0  }
0x33: {  	_ =	swait.ge [sflag:s20], $0xED0  }
0x34: {  	[sflag:s20] =	ssyncset.done $0x0;
	s18 =	rddreg [dreg:$0x14]  }
0x35: {  	s24 =	rddreg [dreg:$0x1a];
	[sflag:s20] =	ssyncadd.s32 $0xFFFFF130  }
0x36: {  	[hbm:s18], [sflag:s11] =	dma.local [spmem:s24], $0x9E0  }
0x37: {  	_ =	swait.ge [sflag:s20], $0x9E0  }
0x38: {  	s30 =	rddreg [dreg:$0x17]  }
0x39: {  	s31 =	rddreg [dreg:$0x15];
	s11 =	sadd.s32 $0x1, s30  }
0x3a: {  	p0 =	sne.s32 s11, s31  }
.Ltmp1:
0x3b: {  	_ = 	snop;
	(pc) =	sbr.rel @!p0 .LBB2_21-.Ltmp1, $3  }
0x3c: {  	_ =	sdelay $0x1  }
0x3d: {  	[sflag:s20] =	ssyncset.done $0x0  }
0x3e: {  	[sflag:s20] =	ssyncadd.s32 $0xFFFFF620  }
.LBB2_1:
0x3f: {  	[dreg:$0x17] =	wrdreg s11  }
0x40: {  	s10 =	rddreg [dreg:$0x7];
	s11 =	simm.s32 $0xC580  }
0x41: {  	[tilespmem:s11], [sflag:$0x9] =	stream.linear.gather [hbm4b:s10+s3], $0x100, $0x38;
	[tilespmem:$0x18D80] =	vst v63  }
0x42: {  	s30 =	rddreg [dreg:$0x8];
	s18 =	simm.s32 $0xC680  }
0x43: {  	[tilespmem:s18], [sflag:$0xA] =	stream.linear.gather [hbm4b:s30+s3], $0x100, $0x38;
	[tilespmem:$0x18D80] =	vst v63  }
0x44: {  	s24 =	rddreg [dreg:$0x16];
	s30 =	simm.s32 $0x9  }
0x45: {  	[tilespmem:s23], [sflag:$0xB] =	stream.linear.gather [hbm4b:s24+s3], $0x100, $0x38;
	[tilespmem:$0x18D80] =	vst v63  }
0x46: {  	_ =	swait.ge [sflag:s30], $0x100  }
0x47: {  	[sflag:s30] =	ssyncset.done $0x0  }
0x48: {  	s24 =	simm.s32 $0xCD80;
	[sflag:s30] =	ssyncadd.s32 $0xFFFFFF00  }
0x49: {  	[tilespmem:s24], [sflag:$0x1] =	stream.indirect.gather [hbm4b:s7+s0], $0x10, s11, s0, $0xb8;
	[tilespmem:$0x18D80] =	vst v63  }
0x4a: {  	s10 =	simm.s32 $0xC600;
	s30 =	simm.s32 $0xED80  }
0x4b: {  	[tilespmem:s30], [sflag:$0x1] =	stream.indirect.gather [hbm4b:s5+s0], $0x30, s10, s0, $0xb8;
	[tilespmem:$0x18D80] =	vst v63  }
0x4c: {  	s24 =	simm.s32 $0x14D80;
	s30 =	simm.s32 $0xA  }
0x4d: {  	[tilespmem:s24], [sflag:$0x1] =	stream.indirect.gather [hbm4b:s6+s0], $0x20, s10, s0, $0xb8;
	[tilespmem:$0x18D80] =	vst v63  }
0x4e: {  	_ =	swait.ge [sflag:s30], $0x100  }
0x4f: {  	[sflag:s30] =	ssyncset.done $0x0  }
0x50: {  	s11 =	simm.s32 $0xD580;
	[sflag:s30] =	ssyncadd.s32 $0xFFFFFF00  }
0x51: {  	[tilespmem:s11], [sflag:$0x2] =	stream.indirect.gather [hbm4b:s7+s0], $0x10, s18, s0, $0xb8;
	[tilespmem:$0x18D80] =	vst v63  }
0x52: {  	s24 =	simm.s32 $0x10580;
	s18 =	simm.s32 $0xC700  }
0x53: {  	[tilespmem:s24], [sflag:$0x2] =	stream.indirect.gather [hbm4b:s5+s0], $0x30, s18, s0, $0xb8;
	[tilespmem:$0x18D80] =	vst v63  }
0x54: {  	s30 =	simm.s32 $0x15D80  }
0x55: {  	[tilespmem:s30], [sflag:$0x2] =	stream.indirect.gather [hbm4b:s6+s0], $0x20, s18, s0, $0xb8;
	[tilespmem:$0x18D80] =	vst v63  }
0x56: {  	s11 =	stileid.u32;
	s18 =	rddreg [dreg:$0x9]  }
0x57: {  	s10 =	sshll.u32 s11, $0x6;
	s30 =	rddreg [dreg:$0x5];
	s24 =	sshrl.u32 s18, $0x3  }
0x58: {  	s11 =	sor.u32 $0x1C11, s10;
	[dreg:$0x19] =	wrdreg s24  }
0x59: {  	[spmem:s24], [sflag:s11] =	dma.local [hbm:s30], $0xED0  }
0x5a: {  	_ =	swait.ge [sflag:s20], $0xED0;
	[dreg:$0x18] =	wrdreg s11  }
0x5b: {  	s18 =	rddreg [dreg:$0xa]  }
0x5c: {  	[sflag:s20] =	ssyncset.done $0x0;
	s30 =	rddreg [dreg:$0x6];
	s24 =	sshrl.u32 s18, $0x3  }
0x5d: {  	[sflag:s20] =	ssyncadd.s32 $0xFFFFF130;
	[dreg:$0x1a] =	wrdreg s24  }
0x5e: {  	[spmem:s24], [sflag:s11] =	dma.local [hbm:s30], $0x9E0  }
0x5f: {  	_ =	swait.ge [sflag:s20], $0x9E0  }
0x60: {  	[sflag:s20] =	ssyncset.done $0x0  }
0x61: {  	[sflag:s20] =	ssyncadd.s32 $0xFFFFF620  }
0x62: {  	s31 =	simm.s32 $0x0;
	[bflag:$0x0] =	sbarrier.arrive $0xFFFF  }
.LBB2_2:
0x63: {  	_ =	swait.ge [sflag:s26], $0x800  }
0x64: {  	[sflag:s26] =	ssyncset.done $0x0  }
0x65: {  	[sflag:s26] =	ssyncadd.s32 $0xFFFFF800  }
0x66: {  	_ =	swait.ge [sflag:s26], $0x1800  }
0x67: {  	[sflag:s26] =	ssyncset.done $0x0  }
0x68: {  	[sflag:s26] =	ssyncadd.s32 $0xFFFFE800  }
0x69: {  	_ =	swait.ge [sflag:s26], $0x1000  }
0x6a: {  	[sflag:s26] =	ssyncset.done $0x0  }
0x6b: {  	s10 =	simm.s32 $0x14DA0;
	[sflag:s26] =	ssyncadd.s32 $0xFFFFF000  }
0x6c: {  	s20 =	simm.s32 $0xCD90;
	v4 =	vld [tilespmem:s10+$0xFFFFFFF0]  }
0x6d: {  	v5 =	vld [tilespmem:s20+$0xFFFFFFF0];
	_ =	sdelay $0x4  }
0x6e: {  	v4 =	vadd.f32 v4, v5;
	_ =	sdelay $0x1  }
0x6f: {  	v5 =	vmul.f32 $2.000000030e-01, v4;
	_ =	sdelay $0x1  }
0x70: {  	v4 =	vmax.f32 v4, v5  }
0x71: {  	v4 =	vmul.f32 $1.442695020e+00, v4;
	_ =	sdelay $0x1  }
0x72: {  	(erf) = vpow2.f32 v4;
	_ =	sdelay $0x8  }
0x73: {  	v4 =	vpop (erf)  }
0x74: {  	s11 =	simm.s32 $0xEDB0;
	[tilespmem:s10+$0xFFFFFFF0] =	vst v4  }
0x75: {  	v5 =	vld [tilespmem:s11+$0xFFFFFFF0]  }
0x76: {  	v6 =	vld [tilespmem:s11+$0xFFFFFFE0]  }
0x77: {  	v7 =	vld [tilespmem:s11+$0xFFFFFFD0]  }
0x78: {  	v8 =	vperm.xlane v4, v2  }
0x79: {  	v9 =	vperm.xlane v4, v1  }
0x7a: {  	v10 =	vperm.xlane v4, v0;
	v5 =	vmul.f32 v5, v8  }
0x7b: {  	v6 =	vmul.f32 v6, v9  }
0x7c: {  	v7 =	vmul.f32 v7, v10;
	[tilespmem:s11+$0xFFFFFFF0] =	vst v5  }
0x7d: {  	[tilespmem:s11+$0xFFFFFFE0] =	vst v6  }
0x7e: {  	[tilespmem:s11+$0xFFFFFFD0] =	vst v7  }
0x7f: {  	v5 =	vld [tilespmem:s10+$0xFFFFFFE0];
	_ =	sdelay $0x2  }
0x80: {  	v4 =	vperm.xlane v4, v3;
	_ =	sdelay $0x1  }
0x81: {  	v4 =	vmul.f32 v5, v4;
	_ =	sdelay $0x1  }
0x82: {  	[tilespmem:s10+$0xFFFFFFE0] =	vst v4;
	v4 =	vld [tilespmem:s10+$0x10]  }
0x83: {  	v5 =	vld [tilespmem:s20+$0x0];
	_ =	sdelay $0x4  }
0x84: {  	v4 =	vadd.f32 v4, v5;
	_ =	sdelay $0x1  }
0x85: {  	v5 =	vmul.f32 $2.000000030e-01, v4;
	_ =	sdelay $0x1  }
0x86: {  	v4 =	vmax.f32 v4, v5  }
0x87: {  	v4 =	vmul.f32 $1.442695020e+00, v4;
	_ =	sdelay $0x1  }
0x88: {  	(erf) = vpow2.f32 v4;
	_ =	sdelay $0x8  }
0x89: {  	v5 =	vpop (erf)  }
0x8a: {  	[tilespmem:s10+$0x10] =	vst v5  }
0x8b: {  	v4 =	vld [tilespmem:s11+$0x20]  }
0x8c: {  	v6 =	vld [tilespmem:s11+$0x0]  }
0x8d: {  	v7 =	vld [tilespmem:s11+$0x10]  }
0x8e: {  	v61 =	vperm.xlane v5, v2  }
0x8f: {  	v62 =	vperm.xlane v5, v0  }
0x90: {  	v63 =	vperm.xlane v5, v1;
	v4 =	vmul.f32 v4, v61  }
0x91: {  	v6 =	vmul.f32 v6, v62  }
0x92: {  	v7 =	vmul.f32 v7, v63;
	[tilespmem:s11+$0x20] =	vst v4  }
0x93: {  	[tilespmem:s11+$0x0] =	vst v6  }
0x94: {  	[tilespmem:s11+$0x10] =	vst v7  }
0x95: {  	v4 =	vld [tilespmem:s10+$0x0];
	_ =	sdelay $0x1  }
0x96: {  	s30 =	simm.s32 $0x0;
	s24 =	simm.s32 $0xEE10;
	s18 =	simm.s32 $0x14DA0;
	v5 =	vperm.xlane v5, v3  }
.LBB2_3:
0x97: {  	s30 =	sadd.s32 $0x2, s30;
	s20 =	sadd.s32 $0x20, s20;
	s10 =	sadd.s32 $0x40, s10  }
0x98: {  	p0 =	slt.u32 s30, $0x7E  }
0x99: {  	v4 =	vmul.f32 v4, v5;
	_ =	sdelay $0x1  }
0x9a: {  	v5 =	vld [tilespmem:s10+$0xFFFFFFF0];
	[tilespmem:s18+$0x0] =	vst v4;
	s18 =	smov.u32 s10  }
0x9b: {  	v4 =	vld [tilespmem:s20+$0xFFFFFFF0];
	_ =	sdelay $0x4  }
0x9c: {  	v4 =	vadd.f32 v5, v4;
	_ =	sdelay $0x1  }
0x9d: {  	v5 =	vmul.f32 $2.000000030e-01, v4;
	_ =	sdelay $0x1  }
0x9e: {  	v4 =	vmax.f32 v4, v5  }
0x9f: {  	v4 =	vmul.f32 $1.442695020e+00, v4;
	_ =	sdelay $0x1  }
0xa0: {  	(erf) = vpow2.f32 v4;
	_ =	sdelay $0x8  }
0xa1: {  	v4 =	vpop (erf)  }
0xa2: {  	[tilespmem:s10+$0xFFFFFFF0] =	vst v4  }
0xa3: {  	v5 =	vld [tilespmem:s24+$0xFFFFFFF0]  }
0xa4: {  	v6 =	vld [tilespmem:s24+$0xFFFFFFE0]  }
0xa5: {  	v7 =	vld [tilespmem:s24+$0xFFFFFFD0]  }
0xa6: {  	v8 =	vperm.xlane v4, v2  }
0xa7: {  	v9 =	vperm.xlane v4, v1  }
0xa8: {  	v10 =	vperm.xlane v4, v0;
	v5 =	vmul.f32 v5, v8  }
0xa9: {  	v6 =	vmul.f32 v6, v9  }
0xaa: {  	v7 =	vmul.f32 v7, v10;
	[tilespmem:s24+$0xFFFFFFF0] =	vst v5  }
0xab: {  	[tilespmem:s24+$0xFFFFFFE0] =	vst v6  }
0xac: {  	[tilespmem:s24+$0xFFFFFFD0] =	vst v7  }
0xad: {  	v5 =	vld [tilespmem:s10+$0xFFFFFFE0];
	_ =	sdelay $0x2  }
0xae: {  	v4 =	vperm.xlane v4, v3;
	_ =	sdelay $0x1  }
0xaf: {  	v4 =	vmul.f32 v5, v4;
	_ =	sdelay $0x1  }
0xb0: {  	[tilespmem:s10+$0xFFFFFFE0] =	vst v4;
	v4 =	vld [tilespmem:s10+$0x10]  }
0xb1: {  	v5 =	vld [tilespmem:s20+$0x0];
	_ =	sdelay $0x4  }
0xb2: {  	v4 =	vadd.f32 v4, v5;
	_ =	sdelay $0x1  }
0xb3: {  	v5 =	vmul.f32 $2.000000030e-01, v4;
	_ =	sdelay $0x1  }
0xb4: {  	v4 =	vmax.f32 v4, v5  }
0xb5: {  	v4 =	vmul.f32 $1.442695020e+00, v4;
	_ =	sdelay $0x1  }
0xb6: {  	(erf) = vpow2.f32 v4;
	_ =	sdelay $0x8  }
0xb7: {  	v5 =	vpop (erf)  }
0xb8: {  	[tilespmem:s10+$0x10] =	vst v5  }
0xb9: {  	v4 =	vld [tilespmem:s24+$0x20]  }
0xba: {  	v6 =	vld [tilespmem:s24+$0x0]  }
0xbb: {  	v7 =	vld [tilespmem:s24+$0x10]  }
0xbc: {  	v8 =	vperm.xlane v5, v2  }
0xbd: {  	v9 =	vperm.xlane v5, v0;
	v10 =	vperm.xlane v5, v1  }
0xbe: {  	v4 =	vmul.f32 v4, v8  }
0xbf: {  	v6 =	vmul.f32 v6, v9  }
0xc0: {  	v7 =	vmul.f32 v7, v10;
	[tilespmem:s24+$0x20] =	vst v4  }
.Ltmp2:
0xc1: {  	[tilespmem:s24+$0x0] =	vst v6;
	(pc) =	sbr.rel @p0 .LBB2_3-.Ltmp2, $3  }
0xc2: {  	[tilespmem:s24+$0x10] =	vst v7  }
0xc3: {  	v4 =	vld [tilespmem:s10+$0x0];
	_ =	sdelay $0x1  }
0xc4: {  	v5 =	vperm.xlane v5, v3;
	s24 =	sadd.s32 $0x60, s24  }
0xc5: {  	_ =	sdelay $0x1  }
0xc6: {  	v4 =	vmul.f32 v4, v5;
	_ =	sdelay $0x1  }
0xc7: {  	s10 =	simm.s32 $0xC580;
	s11 =	simm.s32 $0xED80;
	p0 =	seq.s32 s31, $0x0;
	[tilespmem:s18+$0x0] =	vst v4  }
0xc8: {  	[spmem:s1] =	stream.indirect.scatter.add.f32 [tilespmem:s11], [sflag:$0x5], $0x30, s10, s0, $0xb8;
	[tilespmem:$0x18D80] =	vst v63  }
0xc9: {  	s18 =	simm.s32 $0x14D80;
	s11 =	simm.s32 @!p0 $0x7  }
0xca: {  	[spmem:s2] =	stream.indirect.scatter.add.f32 [tilespmem:s18], [sflag:$0x5], $0x20, s10, s0, $0xb8;
	[tilespmem:$0x18D80] =	vst v63  }
0xcb: {  	_ =	swait.ge @!p0 [sflag:s11], $0x1800  }
0xcc: {  	[sflag:s11] =	ssyncset.done @!p0 $0x0  }
0xcd: {  	[sflag:s11] =	ssyncadd.s32 @!p0 $0xFFFFE800  }
0xce: {  	_ =	swait.ge @!p0 [sflag:s11], $0x1000  }
0xcf: {  	s10 =	sshll.u32 s31, $0x3;
	s20 =	rddreg [dreg:$0xb]  }
0xd0: {  	s18 =	sadd.s32 s10, s20  }
0xd1: {  	[sflag:s11] =	ssyncset.done @!p0 $0x0;
	s18 =	sshll.u32 s18, $0x5  }
0xd2: {  	[sflag:s11] =	ssyncadd.s32 @!p0 $0xFFFFF000;
	s24 =	sadd.s32 s8, s18;
	s18 =	simm.s32 $0xB  }
0xd3: {  	[tilespmem:s15], [sflag:$0xC] =	stream.linear.gather [hbm4b:s24+s3], $0x100, $0x38;
	[tilespmem:$0x18D80] =	vst v63  }
0xd4: {  	_ =	swait.ge [sflag:s18], $0x100  }
0xd5: {  	[sflag:s18] =	ssyncset.done $0x0  }
0xd6: {  	s20 =	simm.s32 $0xDD80;
	[sflag:s18] =	ssyncadd.s32 $0xFFFFFF00  }
0xd7: {  	[tilespmem:s20], [sflag:$0x3] =	stream.indirect.gather [hbm4b:s7+s0], $0x10, s23, s0, $0xb8;
	[tilespmem:$0x18D80] =	vst v63  }
0xd8: {  	s24 =	simm.s32 $0xC800;
	s20 =	simm.s32 $0x11D80  }
0xd9: {  	[tilespmem:s20], [sflag:$0x3] =	stream.indirect.gather [hbm4b:s5+s0], $0x30, s24, s0, $0xb8;
	[tilespmem:$0x18D80] =	vst v63  }
0xda: {  	s23 =	simm.s32 $0x16D80  }
0xdb: {  	[tilespmem:s23], [sflag:$0x3] =	stream.indirect.gather [hbm4b:s6+s0], $0x20, s24, s0, $0xb8;
	[tilespmem:$0x18D80] =	vst v63  }
0xdc: {  	_ =	swait.ge [sflag:s16], $0x800  }
0xdd: {  	[sflag:s16] =	ssyncset.done $0x0  }
0xde: {  	[sflag:s16] =	ssyncadd.s32 $0xFFFFF800  }
0xdf: {  	_ =	swait.ge [sflag:s16], $0x1800  }
0xe0: {  	[sflag:s16] =	ssyncset.done $0x0  }
0xe1: {  	[sflag:s16] =	ssyncadd.s32 $0xFFFFE800  }
0xe2: {  	_ =	swait.ge [sflag:s16], $0x1000  }
0xe3: {  	[sflag:s16] =	ssyncset.done $0x0  }
0xe4: {  	s20 =	simm.s32 $0x15DA0;
	[sflag:s16] =	ssyncadd.s32 $0xFFFFF000  }
0xe5: {  	s30 =	simm.s32 $0xD590;
	v4 =	vld [tilespmem:s20+$0xFFFFFFF0]  }
0xe6: {  	v5 =	vld [tilespmem:s30+$0xFFFFFFF0];
	_ =	sdelay $0x4  }
0xe7: {  	v4 =	vadd.f32 v4, v5;
	_ =	sdelay $0x1  }
0xe8: {  	v5 =	vmul.f32 $2.000000030e-01, v4;
	_ =	sdelay $0x1  }
0xe9: {  	v4 =	vmax.f32 v4, v5  }
0xea: {  	v4 =	vmul.f32 $1.442695020e+00, v4;
	_ =	sdelay $0x1  }
0xeb: {  	(erf) = vpow2.f32 v4;
	_ =	sdelay $0x8  }
0xec: {  	v4 =	vpop (erf)  }
0xed: {  	s24 =	simm.s32 $0x105B0;
	[tilespmem:s20+$0xFFFFFFF0] =	vst v4  }
0xee: {  	v5 =	vld [tilespmem:s24+$0xFFFFFFF0]  }
0xef: {  	v6 =	vld [tilespmem:s24+$0xFFFFFFE0]  }
0xf0: {  	v7 =	vld [tilespmem:s24+$0xFFFFFFD0]  }
0xf1: {  	v8 =	vperm.xlane v4, v2  }
0xf2: {  	v9 =	vperm.xlane v4, v1  }
0xf3: {  	v10 =	vperm.xlane v4, v0;
	v5 =	vmul.f32 v5, v8  }
0xf4: {  	v6 =	vmul.f32 v6, v9  }
0xf5: {  	v7 =	vmul.f32 v7, v10;
	[tilespmem:s24+$0xFFFFFFF0] =	vst v5  }
0xf6: {  	[tilespmem:s24+$0xFFFFFFE0] =	vst v6  }
0xf7: {  	[tilespmem:s24+$0xFFFFFFD0] =	vst v7  }
0xf8: {  	v5 =	vld [tilespmem:s20+$0xFFFFFFE0];
	_ =	sdelay $0x2  }
0xf9: {  	v4 =	vperm.xlane v4, v3;
	_ =	sdelay $0x1  }
0xfa: {  	v4 =	vmul.f32 v5, v4;
	_ =	sdelay $0x1  }
0xfb: {  	[tilespmem:s20+$0xFFFFFFE0] =	vst v4;
	v4 =	vld [tilespmem:s20+$0x10]  }
0xfc: {  	v5 =	vld [tilespmem:s30+$0x0];
	_ =	sdelay $0x4  }
0xfd: {  	v4 =	vadd.f32 v4, v5;
	_ =	sdelay $0x1  }
0xfe: {  	v5 =	vmul.f32 $2.000000030e-01, v4;
	_ =	sdelay $0x1  }
0xff: {  	v4 =	vmax.f32 v4, v5  }
0x100: {  	v4 =	vmul.f32 $1.442695020e+00, v4;
	_ =	sdelay $0x1  }
0x101: {  	(erf) = vpow2.f32 v4;
	_ =	sdelay $0x8  }
0x102: {  	v5 =	vpop (erf)  }
0x103: {  	[tilespmem:s20+$0x10] =	vst v5  }
0x104: {  	v4 =	vld [tilespmem:s24+$0x20]  }
0x105: {  	v6 =	vld [tilespmem:s24+$0x0]  }
0x106: {  	v7 =	vld [tilespmem:s24+$0x10]  }
0x107: {  	v61 =	vperm.xlane v5, v2  }
0x108: {  	v62 =	vperm.xlane v5, v0  }
0x109: {  	v63 =	vperm.xlane v5, v1;
	v4 =	vmul.f32 v4, v61  }
0x10a: {  	v6 =	vmul.f32 v6, v62  }
0x10b: {  	v7 =	vmul.f32 v7, v63;
	[tilespmem:s24+$0x20] =	vst v4  }
0x10c: {  	[tilespmem:s24+$0x0] =	vst v6  }
0x10d: {  	[tilespmem:s24+$0x10] =	vst v7  }
0x10e: {  	v4 =	vld [tilespmem:s20+$0x0];
	_ =	sdelay $0x1  }
0x10f: {  	s11 =	simm.s32 $0x10610;
	s18 =	simm.s32 $0x0;
	v5 =	vperm.xlane v5, v3;
	s24 =	simm.s32 $0x15DA0  }
.LBB2_5:
0x110: {  	s18 =	sadd.s32 $0x2, s18;
	s30 =	sadd.s32 $0x20, s30;
	s20 =	sadd.s32 $0x40, s20  }
0x111: {  	p1 =	slt.u32 s18, $0x7E  }
0x112: {  	v4 =	vmul.f32 v4, v5;
	_ =	sdelay $0x1  }
0x113: {  	v5 =	vld [tilespmem:s20+$0xFFFFFFF0];
	[tilespmem:s24+$0x0] =	vst v4;
	s24 =	smov.u32 s20  }
0x114: {  	v4 =	vld [tilespmem:s30+$0xFFFFFFF0];
	_ =	sdelay $0x4  }
0x115: {  	v4 =	vadd.f32 v5, v4;
	_ =	sdelay $0x1  }
0x116: {  	v5 =	vmul.f32 $2.000000030e-01, v4;
	_ =	sdelay $0x1  }
0x117: {  	v4 =	vmax.f32 v4, v5  }
0x118: {  	v4 =	vmul.f32 $1.442695020e+00, v4;
	_ =	sdelay $0x1  }
0x119: {  	(erf) = vpow2.f32 v4;
	_ =	sdelay $0x8  }
0x11a: {  	v4 =	vpop (erf)  }
0x11b: {  	[tilespmem:s20+$0xFFFFFFF0] =	vst v4  }
0x11c: {  	v5 =	vld [tilespmem:s11+$0xFFFFFFF0]  }
0x11d: {  	v6 =	vld [tilespmem:s11+$0xFFFFFFE0]  }
0x11e: {  	v7 =	vld [tilespmem:s11+$0xFFFFFFD0]  }
0x11f: {  	v8 =	vperm.xlane v4, v2  }
0x120: {  	v9 =	vperm.xlane v4, v1  }
0x121: {  	v10 =	vperm.xlane v4, v0;
	v5 =	vmul.f32 v5, v8  }
0x122: {  	v6 =	vmul.f32 v6, v9  }
0x123: {  	v7 =	vmul.f32 v7, v10;
	[tilespmem:s11+$0xFFFFFFF0] =	vst v5  }
0x124: {  	[tilespmem:s11+$0xFFFFFFE0] =	vst v6  }
0x125: {  	[tilespmem:s11+$0xFFFFFFD0] =	vst v7  }
0x126: {  	v5 =	vld [tilespmem:s20+$0xFFFFFFE0];
	_ =	sdelay $0x2  }
0x127: {  	v4 =	vperm.xlane v4, v3;
	_ =	sdelay $0x1  }
0x128: {  	v4 =	vmul.f32 v5, v4;
	_ =	sdelay $0x1  }
0x129: {  	[tilespmem:s20+$0xFFFFFFE0] =	vst v4;
	v4 =	vld [tilespmem:s20+$0x10]  }
0x12a: {  	v5 =	vld [tilespmem:s30+$0x0];
	_ =	sdelay $0x4  }
0x12b: {  	v4 =	vadd.f32 v4, v5;
	_ =	sdelay $0x1  }
0x12c: {  	v5 =	vmul.f32 $2.000000030e-01, v4;
	_ =	sdelay $0x1  }
0x12d: {  	v4 =	vmax.f32 v4, v5  }
0x12e: {  	v4 =	vmul.f32 $1.442695020e+00, v4;
	_ =	sdelay $0x1  }
0x12f: {  	(erf) = vpow2.f32 v4;
	_ =	sdelay $0x8  }
0x130: {  	v5 =	vpop (erf)  }
0x131: {  	[tilespmem:s20+$0x10] =	vst v5  }
0x132: {  	v4 =	vld [tilespmem:s11+$0x20]  }
0x133: {  	v6 =	vld [tilespmem:s11+$0x0]  }
0x134: {  	v7 =	vld [tilespmem:s11+$0x10]  }
0x135: {  	v8 =	vperm.xlane v5, v2  }
0x136: {  	v9 =	vperm.xlane v5, v0;
	v10 =	vperm.xlane v5, v1  }
0x137: {  	v4 =	vmul.f32 v4, v8  }
0x138: {  	v6 =	vmul.f32 v6, v9  }
0x139: {  	v7 =	vmul.f32 v7, v10;
	[tilespmem:s11+$0x20] =	vst v4  }
.Ltmp3:
0x13a: {  	[tilespmem:s11+$0x0] =	vst v6;
	(pc) =	sbr.rel @p1 .LBB2_5-.Ltmp3, $3  }
0x13b: {  	[tilespmem:s11+$0x10] =	vst v7  }
0x13c: {  	v4 =	vld [tilespmem:s20+$0x0];
	_ =	sdelay $0x1  }
0x13d: {  	v5 =	vperm.xlane v5, v3;
	s11 =	sadd.s32 $0x60, s11  }
0x13e: {  	_ =	sdelay $0x1  }
0x13f: {  	v4 =	vmul.f32 v4, v5;
	_ =	sdelay $0x1  }
0x140: {  	s11 =	simm.s32 $0xC680;
	s18 =	simm.s32 $0x10580;
	[tilespmem:s24+$0x0] =	vst v4  }
0x141: {  	[spmem:s1] =	stream.indirect.scatter.add.f32 [tilespmem:s18], [sflag:$0x6], $0x30, s11, s0, $0xb8;
	[tilespmem:$0x18D80] =	vst v63  }
0x142: {  	s20 =	simm.s32 $0x15D80  }
0x143: {  	[spmem:s2] =	stream.indirect.scatter.add.f32 [tilespmem:s20], [sflag:$0x6], $0x20, s11, s0, $0xb8;
	[tilespmem:$0x18D80] =	vst v63  }
0x144: {  	s11 =	simm.s32 @!p0 $0x8  }
0x145: {  	_ =	swait.ge @!p0 [sflag:s11], $0x1800  }
0x146: {  	[sflag:s11] =	ssyncset.done @!p0 $0x0  }
0x147: {  	[sflag:s11] =	ssyncadd.s32 @!p0 $0xFFFFE800  }
0x148: {  	_ =	swait.ge @!p0 [sflag:s11], $0x1000  }
0x149: {  	s23 =	rddreg [dreg:$0xc]  }
0x14a: {  	s18 =	sadd.s32 s10, s23  }
0x14b: {  	[sflag:s11] =	ssyncset.done @!p0 $0x0;
	s18 =	sshll.u32 s18, $0x5  }
0x14c: {  	[sflag:s11] =	ssyncadd.s32 @!p0 $0xFFFFF000;
	s24 =	sadd.s32 s8, s18;
	s18 =	simm.s32 $0xC  }
0x14d: {  	[tilespmem:s17], [sflag:$0xD] =	stream.linear.gather [hbm4b:s24+s3], $0x100, $0x38;
	[tilespmem:$0x18D80] =	vst v63  }
0x14e: {  	_ =	swait.ge [sflag:s18], $0x100  }
0x14f: {  	[sflag:s18] =	ssyncset.done $0x0  }
0x150: {  	s20 =	simm.s32 $0xE580;
	[sflag:s18] =	ssyncadd.s32 $0xFFFFFF00  }
0x151: {  	[tilespmem:s20], [sflag:$0x4] =	stream.indirect.gather [hbm4b:s7+s0], $0x10, s15, s0, $0xb8;
	[tilespmem:$0x18D80] =	vst v63  }
0x152: {  	s23 =	simm.s32 $0xC900  }
0x153: {  	[tilespmem:s22], [sflag:$0x4] =	stream.indirect.gather [hbm4b:s5+s0], $0x30, s23, s0, $0xb8;
	[tilespmem:$0x18D80] =	vst v63  }
0x154: {  	_ = 	snop  }
0x155: {  	[tilespmem:s13], [sflag:$0x4] =	stream.indirect.gather [hbm4b:s6+s0], $0x20, s23, s0, $0xb8;
	[tilespmem:$0x18D80] =	vst v63  }
0x156: {  	_ =	swait.ge [sflag:s14], $0x800  }
0x157: {  	[sflag:s14] =	ssyncset.done $0x0  }
0x158: {  	[sflag:s14] =	ssyncadd.s32 $0xFFFFF800  }
0x159: {  	_ =	swait.ge [sflag:s14], $0x1800  }
0x15a: {  	[sflag:s14] =	ssyncset.done $0x0  }
0x15b: {  	[sflag:s14] =	ssyncadd.s32 $0xFFFFE800  }
0x15c: {  	_ =	swait.ge [sflag:s14], $0x1000  }
0x15d: {  	[sflag:s14] =	ssyncset.done $0x0  }
0x15e: {  	s20 =	simm.s32 $0x16DA0;
	[sflag:s14] =	ssyncadd.s32 $0xFFFFF000  }
0x15f: {  	s30 =	simm.s32 $0xDD90;
	v4 =	vld [tilespmem:s20+$0xFFFFFFF0]  }
0x160: {  	v5 =	vld [tilespmem:s30+$0xFFFFFFF0];
	_ =	sdelay $0x4  }
0x161: {  	v4 =	vadd.f32 v4, v5;
	_ =	sdelay $0x1  }
0x162: {  	v5 =	vmul.f32 $2.000000030e-01, v4;
	_ =	sdelay $0x1  }
0x163: {  	v4 =	vmax.f32 v4, v5  }
0x164: {  	v4 =	vmul.f32 $1.442695020e+00, v4;
	_ =	sdelay $0x1  }
0x165: {  	(erf) = vpow2.f32 v4;
	_ =	sdelay $0x8  }
0x166: {  	v4 =	vpop (erf)  }
0x167: {  	s24 =	simm.s32 $0x11DB0;
	[tilespmem:s20+$0xFFFFFFF0] =	vst v4  }
0x168: {  	v5 =	vld [tilespmem:s24+$0xFFFFFFF0]  }
0x169: {  	v6 =	vld [tilespmem:s24+$0xFFFFFFE0]  }
0x16a: {  	v7 =	vld [tilespmem:s24+$0xFFFFFFD0]  }
0x16b: {  	v8 =	vperm.xlane v4, v2  }
0x16c: {  	v9 =	vperm.xlane v4, v1  }
0x16d: {  	v10 =	vperm.xlane v4, v0;
	v5 =	vmul.f32 v5, v8  }
0x16e: {  	v6 =	vmul.f32 v6, v9  }
0x16f: {  	v7 =	vmul.f32 v7, v10;
	[tilespmem:s24+$0xFFFFFFF0] =	vst v5  }
0x170: {  	[tilespmem:s24+$0xFFFFFFE0] =	vst v6  }
0x171: {  	[tilespmem:s24+$0xFFFFFFD0] =	vst v7  }
0x172: {  	v5 =	vld [tilespmem:s20+$0xFFFFFFE0];
	_ =	sdelay $0x2  }
0x173: {  	v4 =	vperm.xlane v4, v3;
	_ =	sdelay $0x1  }
0x174: {  	v4 =	vmul.f32 v5, v4;
	_ =	sdelay $0x1  }
0x175: {  	[tilespmem:s20+$0xFFFFFFE0] =	vst v4;
	v4 =	vld [tilespmem:s20+$0x10]  }
0x176: {  	v5 =	vld [tilespmem:s30+$0x0];
	_ =	sdelay $0x4  }
0x177: {  	v4 =	vadd.f32 v4, v5;
	_ =	sdelay $0x1  }
0x178: {  	v5 =	vmul.f32 $2.000000030e-01, v4;
	_ =	sdelay $0x1  }
0x179: {  	v4 =	vmax.f32 v4, v5  }
0x17a: {  	v4 =	vmul.f32 $1.442695020e+00, v4;
	_ =	sdelay $0x1  }
0x17b: {  	(erf) = vpow2.f32 v4;
	_ =	sdelay $0x8  }
0x17c: {  	v5 =	vpop (erf)  }
0x17d: {  	[tilespmem:s20+$0x10] =	vst v5  }
0x17e: {  	v4 =	vld [tilespmem:s24+$0x20]  }
0x17f: {  	v6 =	vld [tilespmem:s24+$0x0]  }
0x180: {  	v7 =	vld [tilespmem:s24+$0x10]  }
0x181: {  	v61 =	vperm.xlane v5, v2  }
0x182: {  	v62 =	vperm.xlane v5, v0  }
0x183: {  	v63 =	vperm.xlane v5, v1;
	v4 =	vmul.f32 v4, v61  }
0x184: {  	v6 =	vmul.f32 v6, v62  }
0x185: {  	v7 =	vmul.f32 v7, v63;
	[tilespmem:s24+$0x20] =	vst v4  }
0x186: {  	[tilespmem:s24+$0x0] =	vst v6  }
0x187: {  	[tilespmem:s24+$0x10] =	vst v7  }
0x188: {  	v4 =	vld [tilespmem:s20+$0x0];
	_ =	sdelay $0x1  }
0x189: {  	s11 =	simm.s32 $0x11E10;
	s18 =	simm.s32 $0x0;
	v5 =	vperm.xlane v5, v3;
	s24 =	simm.s32 $0x16DA0  }
.LBB2_7:
0x18a: {  	s18 =	sadd.s32 $0x2, s18;
	s30 =	sadd.s32 $0x20, s30;
	s20 =	sadd.s32 $0x40, s20  }
0x18b: {  	p0 =	slt.u32 s18, $0x7E  }
0x18c: {  	v4 =	vmul.f32 v4, v5;
	_ =	sdelay $0x1  }
0x18d: {  	v5 =	vld [tilespmem:s20+$0xFFFFFFF0];
	[tilespmem:s24+$0x0] =	vst v4;
	s24 =	smov.u32 s20  }
0x18e: {  	v4 =	vld [tilespmem:s30+$0xFFFFFFF0];
	_ =	sdelay $0x4  }
0x18f: {  	v4 =	vadd.f32 v5, v4;
	_ =	sdelay $0x1  }
0x190: {  	v5 =	vmul.f32 $2.000000030e-01, v4;
	_ =	sdelay $0x1  }
0x191: {  	v4 =	vmax.f32 v4, v5  }
0x192: {  	v4 =	vmul.f32 $1.442695020e+00, v4;
	_ =	sdelay $0x1  }
0x193: {  	(erf) = vpow2.f32 v4;
	_ =	sdelay $0x8  }
0x194: {  	v4 =	vpop (erf)  }
0x195: {  	[tilespmem:s20+$0xFFFFFFF0] =	vst v4  }
0x196: {  	v5 =	vld [tilespmem:s11+$0xFFFFFFF0]  }
0x197: {  	v6 =	vld [tilespmem:s11+$0xFFFFFFE0]  }
0x198: {  	v7 =	vld [tilespmem:s11+$0xFFFFFFD0]  }
0x199: {  	v8 =	vperm.xlane v4, v2  }
0x19a: {  	v9 =	vperm.xlane v4, v1  }
0x19b: {  	v10 =	vperm.xlane v4, v0;
	v5 =	vmul.f32 v5, v8  }
0x19c: {  	v6 =	vmul.f32 v6, v9  }
0x19d: {  	v7 =	vmul.f32 v7, v10;
	[tilespmem:s11+$0xFFFFFFF0] =	vst v5  }
0x19e: {  	[tilespmem:s11+$0xFFFFFFE0] =	vst v6  }
0x19f: {  	[tilespmem:s11+$0xFFFFFFD0] =	vst v7  }
0x1a0: {  	v5 =	vld [tilespmem:s20+$0xFFFFFFE0];
	_ =	sdelay $0x2  }
0x1a1: {  	v4 =	vperm.xlane v4, v3;
	_ =	sdelay $0x1  }
0x1a2: {  	v4 =	vmul.f32 v5, v4;
	_ =	sdelay $0x1  }
0x1a3: {  	[tilespmem:s20+$0xFFFFFFE0] =	vst v4;
	v4 =	vld [tilespmem:s20+$0x10]  }
0x1a4: {  	v5 =	vld [tilespmem:s30+$0x0];
	_ =	sdelay $0x4  }
0x1a5: {  	v4 =	vadd.f32 v4, v5;
	_ =	sdelay $0x1  }
0x1a6: {  	v5 =	vmul.f32 $2.000000030e-01, v4;
	_ =	sdelay $0x1  }
0x1a7: {  	v4 =	vmax.f32 v4, v5  }
0x1a8: {  	v4 =	vmul.f32 $1.442695020e+00, v4;
	_ =	sdelay $0x1  }
0x1a9: {  	(erf) = vpow2.f32 v4;
	_ =	sdelay $0x8  }
0x1aa: {  	v5 =	vpop (erf)  }
0x1ab: {  	[tilespmem:s20+$0x10] =	vst v5  }
0x1ac: {  	v4 =	vld [tilespmem:s11+$0x20]  }
0x1ad: {  	v6 =	vld [tilespmem:s11+$0x0]  }
0x1ae: {  	v7 =	vld [tilespmem:s11+$0x10]  }
0x1af: {  	v8 =	vperm.xlane v5, v2  }
0x1b0: {  	v9 =	vperm.xlane v5, v0;
	v10 =	vperm.xlane v5, v1  }
0x1b1: {  	v4 =	vmul.f32 v4, v8  }
0x1b2: {  	v6 =	vmul.f32 v6, v9  }
0x1b3: {  	v7 =	vmul.f32 v7, v10;
	[tilespmem:s11+$0x20] =	vst v4  }
.Ltmp4:
0x1b4: {  	[tilespmem:s11+$0x0] =	vst v6;
	(pc) =	sbr.rel @p0 .LBB2_7-.Ltmp4, $3  }
0x1b5: {  	[tilespmem:s11+$0x10] =	vst v7  }
0x1b6: {  	v4 =	vld [tilespmem:s20+$0x0];
	_ =	sdelay $0x1  }
0x1b7: {  	v5 =	vperm.xlane v5, v3;
	s11 =	sadd.s32 $0x60, s11  }
0x1b8: {  	_ =	sdelay $0x1  }
0x1b9: {  	v4 =	vmul.f32 v4, v5;
	_ =	sdelay $0x1  }
0x1ba: {  	s11 =	simm.s32 $0xC780;
	s15 =	simm.s32 $0x11D80;
	[tilespmem:s24+$0x0] =	vst v4  }
0x1bb: {  	[spmem:s1] =	stream.indirect.scatter.add.f32 [tilespmem:s15], [sflag:$0x7], $0x30, s11, s0, $0xb8;
	[tilespmem:$0x18D80] =	vst v63  }
0x1bc: {  	s24 =	simm.s32 $0x16D80  }
0x1bd: {  	[spmem:s2] =	stream.indirect.scatter.add.f32 [tilespmem:s24], [sflag:$0x7], $0x20, s11, s0, $0xb8;
	[tilespmem:$0x18D80] =	vst v63  }
0x1be: {  	_ =	swait.ge [sflag:s25], $0x1800  }
0x1bf: {  	[sflag:s25] =	ssyncset.done $0x0  }
0x1c0: {  	[sflag:s25] =	ssyncadd.s32 $0xFFFFE800  }
0x1c1: {  	_ =	swait.ge [sflag:s25], $0x1000  }
0x1c2: {  	s18 =	rddreg [dreg:$0xd]  }
0x1c3: {  	s11 =	sadd.s32 s10, s18  }
0x1c4: {  	[sflag:s25] =	ssyncset.done $0x0;
	s11 =	sshll.u32 s11, $0x5  }
0x1c5: {  	s20 =	simm.s32 $0xD;
	[sflag:s25] =	ssyncadd.s32 $0xFFFFF000;
	s11 =	sadd.s32 s8, s11  }
0x1c6: {  	[tilespmem:s4], [sflag:$0xE] =	stream.linear.gather [hbm4b:s11+s3], $0x100, $0x38;
	[tilespmem:$0x18D80] =	vst v63  }
0x1c7: {  	_ =	swait.ge [sflag:s20], $0x100  }
0x1c8: {  	[sflag:s20] =	ssyncset.done $0x0  }
0x1c9: {  	s24 =	simm.s32 $0xCD80;
	[sflag:s20] =	ssyncadd.s32 $0xFFFFFF00  }
0x1ca: {  	[tilespmem:s24], [sflag:$0x1] =	stream.indirect.gather [hbm4b:s7+s0], $0x10, s17, s0, $0xb8;
	[tilespmem:$0x18D80] =	vst v63  }
0x1cb: {  	s15 =	simm.s32 $0xED80;
	s18 =	simm.s32 $0xCA00  }
0x1cc: {  	[tilespmem:s15], [sflag:$0x1] =	stream.indirect.gather [hbm4b:s5+s0], $0x30, s18, s0, $0xb8;
	[tilespmem:$0x18D80] =	vst v63  }
0x1cd: {  	s20 =	simm.s32 $0x14D80  }
0x1ce: {  	[tilespmem:s20], [sflag:$0x1] =	stream.indirect.gather [hbm4b:s6+s0], $0x20, s18, s0, $0xb8;
	[tilespmem:$0x18D80] =	vst v63  }
0x1cf: {  	_ =	swait.ge [sflag:s21], $0x800  }
0x1d0: {  	[sflag:s21] =	ssyncset.done $0x0  }
0x1d1: {  	[sflag:s21] =	ssyncadd.s32 $0xFFFFF800  }
0x1d2: {  	_ =	swait.ge [sflag:s21], $0x1800  }
0x1d3: {  	[sflag:s21] =	ssyncset.done $0x0  }
0x1d4: {  	[sflag:s21] =	ssyncadd.s32 $0xFFFFE800  }
0x1d5: {  	_ =	swait.ge [sflag:s21], $0x1000  }
0x1d6: {  	[sflag:s21] =	ssyncset.done $0x0  }
0x1d7: {  	s20 =	simm.s32 $0x17DA0;
	[sflag:s21] =	ssyncadd.s32 $0xFFFFF000  }
0x1d8: {  	s30 =	simm.s32 $0xE590;
	v4 =	vld [tilespmem:s20+$0xFFFFFFF0]  }
0x1d9: {  	v5 =	vld [tilespmem:s30+$0xFFFFFFF0];
	_ =	sdelay $0x4  }
0x1da: {  	v4 =	vadd.f32 v4, v5;
	_ =	sdelay $0x1  }
0x1db: {  	v5 =	vmul.f32 $2.000000030e-01, v4;
	_ =	sdelay $0x1  }
0x1dc: {  	v4 =	vmax.f32 v4, v5  }
0x1dd: {  	v4 =	vmul.f32 $1.442695020e+00, v4;
	_ =	sdelay $0x1  }
0x1de: {  	(erf) = vpow2.f32 v4;
	_ =	sdelay $0x8  }
0x1df: {  	v4 =	vpop (erf)  }
0x1e0: {  	s24 =	simm.s32 $0x135B0;
	[tilespmem:s20+$0xFFFFFFF0] =	vst v4  }
0x1e1: {  	v5 =	vld [tilespmem:s24+$0xFFFFFFF0]  }
0x1e2: {  	v6 =	vld [tilespmem:s24+$0xFFFFFFE0]  }
0x1e3: {  	v7 =	vld [tilespmem:s24+$0xFFFFFFD0]  }
0x1e4: {  	v8 =	vperm.xlane v4, v2  }
0x1e5: {  	v9 =	vperm.xlane v4, v1  }
0x1e6: {  	v10 =	vperm.xlane v4, v0;
	v5 =	vmul.f32 v5, v8  }
0x1e7: {  	v6 =	vmul.f32 v6, v9  }
0x1e8: {  	v7 =	vmul.f32 v7, v10;
	[tilespmem:s24+$0xFFFFFFF0] =	vst v5  }
0x1e9: {  	[tilespmem:s24+$0xFFFFFFE0] =	vst v6  }
0x1ea: {  	[tilespmem:s24+$0xFFFFFFD0] =	vst v7  }
0x1eb: {  	v5 =	vld [tilespmem:s20+$0xFFFFFFE0];
	_ =	sdelay $0x2  }
0x1ec: {  	v4 =	vperm.xlane v4, v3;
	_ =	sdelay $0x1  }
0x1ed: {  	v4 =	vmul.f32 v5, v4;
	_ =	sdelay $0x1  }
0x1ee: {  	[tilespmem:s20+$0xFFFFFFE0] =	vst v4;
	v4 =	vld [tilespmem:s20+$0x10]  }
0x1ef: {  	v5 =	vld [tilespmem:s30+$0x0];
	_ =	sdelay $0x4  }
0x1f0: {  	v4 =	vadd.f32 v4, v5;
	_ =	sdelay $0x1  }
0x1f1: {  	v5 =	vmul.f32 $2.000000030e-01, v4;
	_ =	sdelay $0x1  }
0x1f2: {  	v4 =	vmax.f32 v4, v5  }
0x1f3: {  	v4 =	vmul.f32 $1.442695020e+00, v4;
	_ =	sdelay $0x1  }
0x1f4: {  	(erf) = vpow2.f32 v4;
	_ =	sdelay $0x8  }
0x1f5: {  	v5 =	vpop (erf)  }
0x1f6: {  	[tilespmem:s20+$0x10] =	vst v5  }
0x1f7: {  	v4 =	vld [tilespmem:s24+$0x20]  }
0x1f8: {  	v6 =	vld [tilespmem:s24+$0x0]  }
0x1f9: {  	v7 =	vld [tilespmem:s24+$0x10]  }
0x1fa: {  	v61 =	vperm.xlane v5, v2  }
0x1fb: {  	v62 =	vperm.xlane v5, v0  }
0x1fc: {  	v63 =	vperm.xlane v5, v1;
	v4 =	vmul.f32 v4, v61  }
0x1fd: {  	v6 =	vmul.f32 v6, v62  }
0x1fe: {  	v7 =	vmul.f32 v7, v63;
	[tilespmem:s24+$0x20] =	vst v4  }
0x1ff: {  	[tilespmem:s24+$0x0] =	vst v6  }
0x200: {  	[tilespmem:s24+$0x10] =	vst v7  }
0x201: {  	v4 =	vld [tilespmem:s20+$0x0]  }
0x202: {  	s23 =	simm.s32 $0xC780  }
0x203: {  	s11 =	simm.s32 $0x13610;
	s18 =	simm.s32 $0x0;
	v5 =	vperm.xlane v5, v3;
	s24 =	simm.s32 $0x17DA0  }
.LBB2_9:
0x204: {  	s18 =	sadd.s32 $0x2, s18;
	s30 =	sadd.s32 $0x20, s30;
	s20 =	sadd.s32 $0x40, s20  }
0x205: {  	p0 =	slt.u32 s18, $0x7E  }
0x206: {  	v4 =	vmul.f32 v4, v5;
	_ =	sdelay $0x1  }
0x207: {  	v5 =	vld [tilespmem:s20+$0xFFFFFFF0];
	[tilespmem:s24+$0x0] =	vst v4;
	s24 =	smov.u32 s20  }
0x208: {  	v4 =	vld [tilespmem:s30+$0xFFFFFFF0];
	_ =	sdelay $0x4  }
0x209: {  	v4 =	vadd.f32 v5, v4;
	_ =	sdelay $0x1  }
0x20a: {  	v5 =	vmul.f32 $2.000000030e-01, v4;
	_ =	sdelay $0x1  }
0x20b: {  	v4 =	vmax.f32 v4, v5  }
0x20c: {  	v4 =	vmul.f32 $1.442695020e+00, v4;
	_ =	sdelay $0x1  }
0x20d: {  	(erf) = vpow2.f32 v4;
	_ =	sdelay $0x8  }
0x20e: {  	v4 =	vpop (erf)  }
0x20f: {  	[tilespmem:s20+$0xFFFFFFF0] =	vst v4  }
0x210: {  	v5 =	vld [tilespmem:s11+$0xFFFFFFF0]  }
0x211: {  	v6 =	vld [tilespmem:s11+$0xFFFFFFE0]  }
0x212: {  	v7 =	vld [tilespmem:s11+$0xFFFFFFD0]  }
0x213: {  	v8 =	vperm.xlane v4, v2  }
0x214: {  	v9 =	vperm.xlane v4, v1  }
0x215: {  	v10 =	vperm.xlane v4, v0;
	v5 =	vmul.f32 v5, v8  }
0x216: {  	v6 =	vmul.f32 v6, v9  }
0x217: {  	v7 =	vmul.f32 v7, v10;
	[tilespmem:s11+$0xFFFFFFF0] =	vst v5  }
0x218: {  	[tilespmem:s11+$0xFFFFFFE0] =	vst v6  }
0x219: {  	[tilespmem:s11+$0xFFFFFFD0] =	vst v7  }
0x21a: {  	v5 =	vld [tilespmem:s20+$0xFFFFFFE0];
	_ =	sdelay $0x2  }
0x21b: {  	v4 =	vperm.xlane v4, v3;
	_ =	sdelay $0x1  }
0x21c: {  	v4 =	vmul.f32 v5, v4;
	_ =	sdelay $0x1  }
0x21d: {  	[tilespmem:s20+$0xFFFFFFE0] =	vst v4;
	v4 =	vld [tilespmem:s20+$0x10]  }
0x21e: {  	v5 =	vld [tilespmem:s30+$0x0];
	_ =	sdelay $0x4  }
0x21f: {  	v4 =	vadd.f32 v4, v5;
	_ =	sdelay $0x1  }
0x220: {  	v5 =	vmul.f32 $2.000000030e-01, v4;
	_ =	sdelay $0x1  }
0x221: {  	v4 =	vmax.f32 v4, v5  }
0x222: {  	v4 =	vmul.f32 $1.442695020e+00, v4;
	_ =	sdelay $0x1  }
0x223: {  	(erf) = vpow2.f32 v4;
	_ =	sdelay $0x8  }
0x224: {  	v5 =	vpop (erf)  }
0x225: {  	[tilespmem:s20+$0x10] =	vst v5  }
0x226: {  	v4 =	vld [tilespmem:s11+$0x20]  }
0x227: {  	v6 =	vld [tilespmem:s11+$0x0]  }
0x228: {  	v7 =	vld [tilespmem:s11+$0x10]  }
0x229: {  	v8 =	vperm.xlane v5, v2  }
0x22a: {  	v9 =	vperm.xlane v5, v0;
	v10 =	vperm.xlane v5, v1  }
0x22b: {  	v4 =	vmul.f32 v4, v8  }
0x22c: {  	v6 =	vmul.f32 v6, v9  }
0x22d: {  	v7 =	vmul.f32 v7, v10;
	[tilespmem:s11+$0x20] =	vst v4  }
.Ltmp5:
0x22e: {  	[tilespmem:s11+$0x0] =	vst v6;
	(pc) =	sbr.rel @p0 .LBB2_9-.Ltmp5, $3  }
0x22f: {  	[tilespmem:s11+$0x10] =	vst v7  }
0x230: {  	v4 =	vld [tilespmem:s20+$0x0];
	_ =	sdelay $0x1  }
0x231: {  	v5 =	vperm.xlane v5, v3;
	s11 =	sadd.s32 $0x60, s11  }
0x232: {  	_ =	sdelay $0x1  }
0x233: {  	v4 =	vmul.f32 v4, v5;
	_ =	sdelay $0x1  }
0x234: {  	s11 =	simm.s32 $0xC880;
	[tilespmem:s24+$0x0] =	vst v4  }
0x235: {  	[spmem:s1] =	stream.indirect.scatter.add.f32 [tilespmem:s22], [sflag:$0x8], $0x30, s11, s0, $0xb8;
	[tilespmem:$0x18D80] =	vst v63  }
0x236: {  	_ = 	snop  }
0x237: {  	[spmem:s2] =	stream.indirect.scatter.add.f32 [tilespmem:s13], [sflag:$0x8], $0x20, s11, s0, $0xb8;
	[tilespmem:$0x18D80] =	vst v63  }
0x238: {  	_ =	swait.ge [sflag:s28], $0x1800  }
0x239: {  	[sflag:s28] =	ssyncset.done $0x0  }
0x23a: {  	[sflag:s28] =	ssyncadd.s32 $0xFFFFE800  }
0x23b: {  	_ =	swait.ge [sflag:s28], $0x1000  }
0x23c: {  	s24 =	rddreg [dreg:$0xf]  }
0x23d: {  	s11 =	sadd.s32 s10, s24  }
0x23e: {  	[sflag:s28] =	ssyncset.done $0x0;
	s11 =	sshll.u32 s11, $0x5  }
0x23f: {  	s18 =	simm.s32 $0xE;
	[sflag:s28] =	ssyncadd.s32 $0xFFFFF000;
	s11 =	sadd.s32 s8, s11  }
0x240: {  	[tilespmem:s12], [sflag:$0xF] =	stream.linear.gather [hbm4b:s11+s3], $0x100, $0x38;
	[tilespmem:$0x18D80] =	vst v63  }
0x241: {  	_ =	swait.ge [sflag:s18], $0x100  }
0x242: {  	[sflag:s18] =	ssyncset.done $0x0  }
0x243: {  	s20 =	simm.s32 $0xD580;
	[sflag:s18] =	ssyncadd.s32 $0xFFFFFF00  }
0x244: {  	[tilespmem:s20], [sflag:$0x2] =	stream.indirect.gather [hbm4b:s7+s0], $0x10, s4, s0, $0xb8;
	[tilespmem:$0x18D80] =	vst v63  }
0x245: {  	s24 =	simm.s32 $0x10580;
	s18 =	simm.s32 $0xCB00  }
0x246: {  	[tilespmem:s24], [sflag:$0x2] =	stream.indirect.gather [hbm4b:s5+s0], $0x30, s18, s0, $0xb8;
	[tilespmem:$0x18D80] =	vst v63  }
0x247: {  	s20 =	simm.s32 $0x15D80  }
0x248: {  	[tilespmem:s20], [sflag:$0x2] =	stream.indirect.gather [hbm4b:s6+s0], $0x20, s18, s0, $0xb8;
	[tilespmem:$0x18D80] =	vst v63  }
0x249: {  	_ =	swait.ge [sflag:s26], $0x800  }
0x24a: {  	[sflag:s26] =	ssyncset.done $0x0  }
0x24b: {  	[sflag:s26] =	ssyncadd.s32 $0xFFFFF800  }
0x24c: {  	_ =	swait.ge [sflag:s26], $0x1800  }
0x24d: {  	[sflag:s26] =	ssyncset.done $0x0  }
0x24e: {  	[sflag:s26] =	ssyncadd.s32 $0xFFFFE800  }
0x24f: {  	_ =	swait.ge [sflag:s26], $0x1000  }
0x250: {  	[sflag:s26] =	ssyncset.done $0x0  }
0x251: {  	s20 =	simm.s32 $0x14DA0;
	[sflag:s26] =	ssyncadd.s32 $0xFFFFF000  }
0x252: {  	s30 =	simm.s32 $0xCD90;
	v4 =	vld [tilespmem:s20+$0xFFFFFFF0]  }
0x253: {  	v5 =	vld [tilespmem:s30+$0xFFFFFFF0];
	_ =	sdelay $0x4  }
0x254: {  	v4 =	vadd.f32 v4, v5;
	_ =	sdelay $0x1  }
0x255: {  	v5 =	vmul.f32 $2.000000030e-01, v4;
	_ =	sdelay $0x1  }
0x256: {  	v4 =	vmax.f32 v4, v5  }
0x257: {  	v4 =	vmul.f32 $1.442695020e+00, v4;
	_ =	sdelay $0x1  }
0x258: {  	(erf) = vpow2.f32 v4;
	_ =	sdelay $0x8  }
0x259: {  	v4 =	vpop (erf)  }
0x25a: {  	s24 =	simm.s32 $0xEDB0;
	[tilespmem:s20+$0xFFFFFFF0] =	vst v4  }
0x25b: {  	v5 =	vld [tilespmem:s24+$0xFFFFFFF0]  }
0x25c: {  	v6 =	vld [tilespmem:s24+$0xFFFFFFE0]  }
0x25d: {  	v7 =	vld [tilespmem:s24+$0xFFFFFFD0]  }
0x25e: {  	v8 =	vperm.xlane v4, v2  }
0x25f: {  	v9 =	vperm.xlane v4, v1  }
0x260: {  	v10 =	vperm.xlane v4, v0;
	v5 =	vmul.f32 v5, v8  }
0x261: {  	v6 =	vmul.f32 v6, v9  }
0x262: {  	v7 =	vmul.f32 v7, v10;
	[tilespmem:s24+$0xFFFFFFF0] =	vst v5  }
0x263: {  	[tilespmem:s24+$0xFFFFFFE0] =	vst v6  }
0x264: {  	[tilespmem:s24+$0xFFFFFFD0] =	vst v7  }
0x265: {  	v5 =	vld [tilespmem:s20+$0xFFFFFFE0];
	_ =	sdelay $0x2  }
0x266: {  	v4 =	vperm.xlane v4, v3;
	_ =	sdelay $0x1  }
0x267: {  	v4 =	vmul.f32 v5, v4;
	_ =	sdelay $0x1  }
0x268: {  	[tilespmem:s20+$0xFFFFFFE0] =	vst v4;
	v4 =	vld [tilespmem:s20+$0x10]  }
0x269: {  	v5 =	vld [tilespmem:s30+$0x0];
	_ =	sdelay $0x4  }
0x26a: {  	v4 =	vadd.f32 v4, v5;
	_ =	sdelay $0x1  }
0x26b: {  	v5 =	vmul.f32 $2.000000030e-01, v4;
	_ =	sdelay $0x1  }
0x26c: {  	v4 =	vmax.f32 v4, v5  }
0x26d: {  	v4 =	vmul.f32 $1.442695020e+00, v4;
	_ =	sdelay $0x1  }
0x26e: {  	(erf) = vpow2.f32 v4;
	_ =	sdelay $0x8  }
0x26f: {  	v5 =	vpop (erf)  }
0x270: {  	[tilespmem:s20+$0x10] =	vst v5  }
0x271: {  	v4 =	vld [tilespmem:s24+$0x20]  }
0x272: {  	v6 =	vld [tilespmem:s24+$0x0]  }
0x273: {  	v7 =	vld [tilespmem:s24+$0x10]  }
0x274: {  	v61 =	vperm.xlane v5, v2  }
0x275: {  	v62 =	vperm.xlane v5, v0  }
0x276: {  	v63 =	vperm.xlane v5, v1;
	v4 =	vmul.f32 v4, v61  }
0x277: {  	v6 =	vmul.f32 v6, v62  }
0x278: {  	v7 =	vmul.f32 v7, v63;
	[tilespmem:s24+$0x20] =	vst v4  }
0x279: {  	[tilespmem:s24+$0x0] =	vst v6  }
0x27a: {  	[tilespmem:s24+$0x10] =	vst v7  }
0x27b: {  	v4 =	vld [tilespmem:s20+$0x0]  }
0x27c: {  	s15 =	simm.s32 $0xC880  }
0x27d: {  	s11 =	simm.s32 $0xEE10;
	s18 =	simm.s32 $0x0;
	v5 =	vperm.xlane v5, v3;
	s24 =	simm.s32 $0x14DA0  }
.LBB2_11:
0x27e: {  	s18 =	sadd.s32 $0x2, s18;
	s30 =	sadd.s32 $0x20, s30;
	s20 =	sadd.s32 $0x40, s20  }
0x27f: {  	p0 =	slt.u32 s18, $0x7E  }
0x280: {  	v4 =	vmul.f32 v4, v5;
	_ =	sdelay $0x1  }
0x281: {  	v5 =	vld [tilespmem:s20+$0xFFFFFFF0];
	[tilespmem:s24+$0x0] =	vst v4;
	s24 =	smov.u32 s20  }
0x282: {  	v4 =	vld [tilespmem:s30+$0xFFFFFFF0];
	_ =	sdelay $0x4  }
0x283: {  	v4 =	vadd.f32 v5, v4;
	_ =	sdelay $0x1  }
0x284: {  	v5 =	vmul.f32 $2.000000030e-01, v4;
	_ =	sdelay $0x1  }
0x285: {  	v4 =	vmax.f32 v4, v5  }
0x286: {  	v4 =	vmul.f32 $1.442695020e+00, v4;
	_ =	sdelay $0x1  }
0x287: {  	(erf) = vpow2.f32 v4;
	_ =	sdelay $0x8  }
0x288: {  	v4 =	vpop (erf)  }
0x289: {  	[tilespmem:s20+$0xFFFFFFF0] =	vst v4  }
0x28a: {  	v5 =	vld [tilespmem:s11+$0xFFFFFFF0]  }
0x28b: {  	v6 =	vld [tilespmem:s11+$0xFFFFFFE0]  }
0x28c: {  	v7 =	vld [tilespmem:s11+$0xFFFFFFD0]  }
0x28d: {  	v8 =	vperm.xlane v4, v2  }
0x28e: {  	v9 =	vperm.xlane v4, v1  }
0x28f: {  	v10 =	vperm.xlane v4, v0;
	v5 =	vmul.f32 v5, v8  }
0x290: {  	v6 =	vmul.f32 v6, v9  }
0x291: {  	v7 =	vmul.f32 v7, v10;
	[tilespmem:s11+$0xFFFFFFF0] =	vst v5  }
0x292: {  	[tilespmem:s11+$0xFFFFFFE0] =	vst v6  }
0x293: {  	[tilespmem:s11+$0xFFFFFFD0] =	vst v7  }
0x294: {  	v5 =	vld [tilespmem:s20+$0xFFFFFFE0];
	_ =	sdelay $0x2  }
0x295: {  	v4 =	vperm.xlane v4, v3;
	_ =	sdelay $0x1  }
0x296: {  	v4 =	vmul.f32 v5, v4;
	_ =	sdelay $0x1  }
0x297: {  	[tilespmem:s20+$0xFFFFFFE0] =	vst v4;
	v4 =	vld [tilespmem:s20+$0x10]  }
0x298: {  	v5 =	vld [tilespmem:s30+$0x0];
	_ =	sdelay $0x4  }
0x299: {  	v4 =	vadd.f32 v4, v5;
	_ =	sdelay $0x1  }
0x29a: {  	v5 =	vmul.f32 $2.000000030e-01, v4;
	_ =	sdelay $0x1  }
0x29b: {  	v4 =	vmax.f32 v4, v5  }
0x29c: {  	v4 =	vmul.f32 $1.442695020e+00, v4;
	_ =	sdelay $0x1  }
0x29d: {  	(erf) = vpow2.f32 v4;
	_ =	sdelay $0x8  }
0x29e: {  	v5 =	vpop (erf)  }
0x29f: {  	[tilespmem:s20+$0x10] =	vst v5  }
0x2a0: {  	v4 =	vld [tilespmem:s11+$0x20]  }
0x2a1: {  	v6 =	vld [tilespmem:s11+$0x0]  }
0x2a2: {  	v7 =	vld [tilespmem:s11+$0x10]  }
0x2a3: {  	v8 =	vperm.xlane v5, v2  }
0x2a4: {  	v9 =	vperm.xlane v5, v0;
	v10 =	vperm.xlane v5, v1  }
0x2a5: {  	v4 =	vmul.f32 v4, v8  }
0x2a6: {  	v6 =	vmul.f32 v6, v9  }
0x2a7: {  	v7 =	vmul.f32 v7, v10;
	[tilespmem:s11+$0x20] =	vst v4  }
.Ltmp6:
0x2a8: {  	[tilespmem:s11+$0x0] =	vst v6;
	(pc) =	sbr.rel @p0 .LBB2_11-.Ltmp6, $3  }
0x2a9: {  	[tilespmem:s11+$0x10] =	vst v7  }
0x2aa: {  	v4 =	vld [tilespmem:s20+$0x0];
	_ =	sdelay $0x1  }
0x2ab: {  	v5 =	vperm.xlane v5, v3;
	s11 =	sadd.s32 $0x60, s11  }
0x2ac: {  	_ =	sdelay $0x1  }
0x2ad: {  	v4 =	vmul.f32 v4, v5;
	_ =	sdelay $0x1  }
0x2ae: {  	s11 =	simm.s32 $0xED80;
	[tilespmem:s24+$0x0] =	vst v4  }
0x2af: {  	[spmem:s1] =	stream.indirect.scatter.add.f32 [tilespmem:s11], [sflag:$0x5], $0x30, s17, s0, $0xb8;
	[tilespmem:$0x18D80] =	vst v63  }
0x2b0: {  	s20 =	simm.s32 $0x14D80  }
0x2b1: {  	[spmem:s2] =	stream.indirect.scatter.add.f32 [tilespmem:s20], [sflag:$0x5], $0x20, s17, s0, $0xb8;
	[tilespmem:$0x18D80] =	vst v63  }
0x2b2: {  	_ =	swait.ge [sflag:s29], $0x1800  }
0x2b3: {  	[sflag:s29] =	ssyncset.done $0x0  }
0x2b4: {  	[sflag:s29] =	ssyncadd.s32 $0xFFFFE800  }
0x2b5: {  	_ =	swait.ge [sflag:s29], $0x1000  }
0x2b6: {  	s24 =	rddreg [dreg:$0x10]  }
0x2b7: {  	s11 =	sadd.s32 s10, s24  }
0x2b8: {  	[sflag:s29] =	ssyncset.done $0x0;
	s11 =	sshll.u32 s11, $0x5  }
0x2b9: {  	s18 =	simm.s32 $0xF;
	[sflag:s29] =	ssyncadd.s32 $0xFFFFF000;
	s11 =	sadd.s32 s8, s11  }
0x2ba: {  	[tilespmem:s19], [sflag:$0x10] =	stream.linear.gather [hbm4b:s11+s3], $0x100, $0x38;
	[tilespmem:$0x18D80] =	vst v63  }
0x2bb: {  	_ =	swait.ge [sflag:s18], $0x100  }
0x2bc: {  	[sflag:s18] =	ssyncset.done $0x0  }
0x2bd: {  	s20 =	simm.s32 $0xDD80;
	[sflag:s18] =	ssyncadd.s32 $0xFFFFFF00  }
0x2be: {  	[tilespmem:s20], [sflag:$0x3] =	stream.indirect.gather [hbm4b:s7+s0], $0x10, s12, s0, $0xb8;
	[tilespmem:$0x18D80] =	vst v63  }
0x2bf: {  	s24 =	simm.s32 $0x11D80;
	s18 =	simm.s32 $0xCC00  }
0x2c0: {  	[tilespmem:s24], [sflag:$0x3] =	stream.indirect.gather [hbm4b:s5+s0], $0x30, s18, s0, $0xb8;
	[tilespmem:$0x18D80] =	vst v63  }
0x2c1: {  	s20 =	simm.s32 $0x16D80  }
0x2c2: {  	[tilespmem:s20], [sflag:$0x3] =	stream.indirect.gather [hbm4b:s6+s0], $0x20, s18, s0, $0xb8;
	[tilespmem:$0x18D80] =	vst v63  }
0x2c3: {  	_ =	swait.ge [sflag:s16], $0x800  }
0x2c4: {  	[sflag:s16] =	ssyncset.done $0x0  }
0x2c5: {  	[sflag:s16] =	ssyncadd.s32 $0xFFFFF800  }
0x2c6: {  	_ =	swait.ge [sflag:s16], $0x1800  }
0x2c7: {  	[sflag:s16] =	ssyncset.done $0x0  }
0x2c8: {  	[sflag:s16] =	ssyncadd.s32 $0xFFFFE800  }
0x2c9: {  	_ =	swait.ge [sflag:s16], $0x1000  }
0x2ca: {  	[sflag:s16] =	ssyncset.done $0x0  }
0x2cb: {  	s20 =	simm.s32 $0x15DA0;
	[sflag:s16] =	ssyncadd.s32 $0xFFFFF000  }
0x2cc: {  	s30 =	simm.s32 $0xD590;
	v4 =	vld [tilespmem:s20+$0xFFFFFFF0]  }
0x2cd: {  	v5 =	vld [tilespmem:s30+$0xFFFFFFF0];
	_ =	sdelay $0x4  }
0x2ce: {  	v4 =	vadd.f32 v4, v5;
	_ =	sdelay $0x1  }
0x2cf: {  	v5 =	vmul.f32 $2.000000030e-01, v4;
	_ =	sdelay $0x1  }
0x2d0: {  	v4 =	vmax.f32 v4, v5  }
0x2d1: {  	v4 =	vmul.f32 $1.442695020e+00, v4;
	_ =	sdelay $0x1  }
0x2d2: {  	(erf) = vpow2.f32 v4;
	_ =	sdelay $0x8  }
0x2d3: {  	v4 =	vpop (erf)  }
0x2d4: {  	s24 =	simm.s32 $0x105B0;
	[tilespmem:s20+$0xFFFFFFF0] =	vst v4  }
0x2d5: {  	v5 =	vld [tilespmem:s24+$0xFFFFFFF0]  }
0x2d6: {  	v6 =	vld [tilespmem:s24+$0xFFFFFFE0]  }
0x2d7: {  	v7 =	vld [tilespmem:s24+$0xFFFFFFD0]  }
0x2d8: {  	v8 =	vperm.xlane v4, v2  }
0x2d9: {  	v9 =	vperm.xlane v4, v1  }
0x2da: {  	v10 =	vperm.xlane v4, v0;
	v5 =	vmul.f32 v5, v8  }
0x2db: {  	v6 =	vmul.f32 v6, v9  }
0x2dc: {  	v7 =	vmul.f32 v7, v10;
	[tilespmem:s24+$0xFFFFFFF0] =	vst v5  }
0x2dd: {  	[tilespmem:s24+$0xFFFFFFE0] =	vst v6  }
0x2de: {  	[tilespmem:s24+$0xFFFFFFD0] =	vst v7  }
0x2df: {  	v5 =	vld [tilespmem:s20+$0xFFFFFFE0];
	_ =	sdelay $0x2  }
0x2e0: {  	v4 =	vperm.xlane v4, v3;
	_ =	sdelay $0x1  }
0x2e1: {  	v4 =	vmul.f32 v5, v4;
	_ =	sdelay $0x1  }
0x2e2: {  	[tilespmem:s20+$0xFFFFFFE0] =	vst v4;
	v4 =	vld [tilespmem:s20+$0x10]  }
0x2e3: {  	v5 =	vld [tilespmem:s30+$0x0];
	_ =	sdelay $0x4  }
0x2e4: {  	v4 =	vadd.f32 v4, v5;
	_ =	sdelay $0x1  }
0x2e5: {  	v5 =	vmul.f32 $2.000000030e-01, v4;
	_ =	sdelay $0x1  }
0x2e6: {  	v4 =	vmax.f32 v4, v5  }
0x2e7: {  	v4 =	vmul.f32 $1.442695020e+00, v4;
	_ =	sdelay $0x1  }
0x2e8: {  	(erf) = vpow2.f32 v4;
	_ =	sdelay $0x8  }
0x2e9: {  	v5 =	vpop (erf)  }
0x2ea: {  	[tilespmem:s20+$0x10] =	vst v5  }
0x2eb: {  	v4 =	vld [tilespmem:s24+$0x20]  }
0x2ec: {  	v6 =	vld [tilespmem:s24+$0x0]  }
0x2ed: {  	v7 =	vld [tilespmem:s24+$0x10]  }
0x2ee: {  	v61 =	vperm.xlane v5, v2  }
0x2ef: {  	v62 =	vperm.xlane v5, v0  }
0x2f0: {  	v63 =	vperm.xlane v5, v1;
	v4 =	vmul.f32 v4, v61  }
0x2f1: {  	v6 =	vmul.f32 v6, v62  }
0x2f2: {  	v7 =	vmul.f32 v7, v63;
	[tilespmem:s24+$0x20] =	vst v4  }
0x2f3: {  	[tilespmem:s24+$0x0] =	vst v6  }
0x2f4: {  	[tilespmem:s24+$0x10] =	vst v7  }
0x2f5: {  	v4 =	vld [tilespmem:s20+$0x0];
	_ =	sdelay $0x1  }
0x2f6: {  	s11 =	simm.s32 $0x10610;
	s18 =	simm.s32 $0x0;
	v5 =	vperm.xlane v5, v3;
	s24 =	simm.s32 $0x15DA0  }
.LBB2_13:
0x2f7: {  	s18 =	sadd.s32 $0x2, s18;
	s30 =	sadd.s32 $0x20, s30;
	s20 =	sadd.s32 $0x40, s20  }
0x2f8: {  	p0 =	slt.u32 s18, $0x7E  }
0x2f9: {  	v4 =	vmul.f32 v4, v5;
	_ =	sdelay $0x1  }
0x2fa: {  	v5 =	vld [tilespmem:s20+$0xFFFFFFF0];
	[tilespmem:s24+$0x0] =	vst v4;
	s24 =	smov.u32 s20  }
0x2fb: {  	v4 =	vld [tilespmem:s30+$0xFFFFFFF0];
	_ =	sdelay $0x4  }
0x2fc: {  	v4 =	vadd.f32 v5, v4;
	_ =	sdelay $0x1  }
0x2fd: {  	v5 =	vmul.f32 $2.000000030e-01, v4;
	_ =	sdelay $0x1  }
0x2fe: {  	v4 =	vmax.f32 v4, v5  }
0x2ff: {  	v4 =	vmul.f32 $1.442695020e+00, v4;
	_ =	sdelay $0x1  }
0x300: {  	(erf) = vpow2.f32 v4;
	_ =	sdelay $0x8  }
0x301: {  	v4 =	vpop (erf)  }
0x302: {  	[tilespmem:s20+$0xFFFFFFF0] =	vst v4  }
0x303: {  	v5 =	vld [tilespmem:s11+$0xFFFFFFF0]  }
0x304: {  	v6 =	vld [tilespmem:s11+$0xFFFFFFE0]  }
0x305: {  	v7 =	vld [tilespmem:s11+$0xFFFFFFD0]  }
0x306: {  	v8 =	vperm.xlane v4, v2  }
0x307: {  	v9 =	vperm.xlane v4, v1  }
0x308: {  	v10 =	vperm.xlane v4, v0;
	v5 =	vmul.f32 v5, v8  }
0x309: {  	v6 =	vmul.f32 v6, v9  }
0x30a: {  	v7 =	vmul.f32 v7, v10;
	[tilespmem:s11+$0xFFFFFFF0] =	vst v5  }
0x30b: {  	[tilespmem:s11+$0xFFFFFFE0] =	vst v6  }
0x30c: {  	[tilespmem:s11+$0xFFFFFFD0] =	vst v7  }
0x30d: {  	v5 =	vld [tilespmem:s20+$0xFFFFFFE0];
	_ =	sdelay $0x2  }
0x30e: {  	v4 =	vperm.xlane v4, v3;
	_ =	sdelay $0x1  }
0x30f: {  	v4 =	vmul.f32 v5, v4;
	_ =	sdelay $0x1  }
0x310: {  	[tilespmem:s20+$0xFFFFFFE0] =	vst v4;
	v4 =	vld [tilespmem:s20+$0x10]  }
0x311: {  	v5 =	vld [tilespmem:s30+$0x0];
	_ =	sdelay $0x4  }
0x312: {  	v4 =	vadd.f32 v4, v5;
	_ =	sdelay $0x1  }
0x313: {  	v5 =	vmul.f32 $2.000000030e-01, v4;
	_ =	sdelay $0x1  }
0x314: {  	v4 =	vmax.f32 v4, v5  }
0x315: {  	v4 =	vmul.f32 $1.442695020e+00, v4;
	_ =	sdelay $0x1  }
0x316: {  	(erf) = vpow2.f32 v4;
	_ =	sdelay $0x8  }
0x317: {  	v5 =	vpop (erf)  }
0x318: {  	[tilespmem:s20+$0x10] =	vst v5  }
0x319: {  	v4 =	vld [tilespmem:s11+$0x20]  }
0x31a: {  	v6 =	vld [tilespmem:s11+$0x0]  }
0x31b: {  	v7 =	vld [tilespmem:s11+$0x10]  }
0x31c: {  	v8 =	vperm.xlane v5, v2  }
0x31d: {  	v9 =	vperm.xlane v5, v0;
	v10 =	vperm.xlane v5, v1  }
0x31e: {  	v4 =	vmul.f32 v4, v8  }
0x31f: {  	v6 =	vmul.f32 v6, v9  }
0x320: {  	v7 =	vmul.f32 v7, v10;
	[tilespmem:s11+$0x20] =	vst v4  }
.Ltmp7:
0x321: {  	[tilespmem:s11+$0x0] =	vst v6;
	(pc) =	sbr.rel @p0 .LBB2_13-.Ltmp7, $3  }
0x322: {  	[tilespmem:s11+$0x10] =	vst v7  }
0x323: {  	v4 =	vld [tilespmem:s20+$0x0];
	_ =	sdelay $0x1  }
0x324: {  	v5 =	vperm.xlane v5, v3;
	s11 =	sadd.s32 $0x60, s11  }
0x325: {  	_ =	sdelay $0x1  }
0x326: {  	v4 =	vmul.f32 v4, v5;
	_ =	sdelay $0x1  }
0x327: {  	s11 =	simm.s32 $0x10580;
	[tilespmem:s24+$0x0] =	vst v4  }
0x328: {  	[spmem:s1] =	stream.indirect.scatter.add.f32 [tilespmem:s11], [sflag:$0x6], $0x30, s4, s0, $0xb8;
	[tilespmem:$0x18D80] =	vst v63  }
0x329: {  	s20 =	simm.s32 $0x15D80  }
0x32a: {  	[spmem:s2] =	stream.indirect.scatter.add.f32 [tilespmem:s20], [sflag:$0x6], $0x20, s4, s0, $0xb8;
	[tilespmem:$0x18D80] =	vst v63  }
0x32b: {  	_ =	swait.ge [sflag:s9], $0x1800  }
0x32c: {  	[sflag:s9] =	ssyncset.done $0x0  }
0x32d: {  	[sflag:s9] =	ssyncadd.s32 $0xFFFFE800  }
0x32e: {  	_ =	swait.ge [sflag:s9], $0x1000  }
0x32f: {  	p0 =	seq.s32 s31, $0x14;
	s11 =	rddreg [dreg:$0x11]  }
0x330: {  	s18 =	simm.s32 @!p0 $0x0;
	s11 =	sadd.s32 @!p0 s10, s11  }
0x331: {  	s24 =	simm.s32 $0x10;
	[sflag:s9] =	ssyncset.done $0x0;
	s11 =	sshll.u32 @!p0 s11, $0x5  }
0x332: {  	s20 =	simm.s32 @!p0 $0xC580;
	[sflag:s9] =	ssyncadd.s32 $0xFFFFF000;
	s11 =	sadd.s32 @!p0 s8, s11  }
0x333: {  	[tilespmem:s20], [sflag:$0x9] =	stream.linear.gather @!p0 [hbm4b:s11+s18], $0x100, $0x38;
	[tilespmem:$0x18D80] =	vst v63  }
0x334: {  	_ =	swait.ge [sflag:s24], $0x100  }
0x335: {  	[sflag:s24] =	ssyncset.done $0x0  }
0x336: {  	s18 =	simm.s32 $0xE580;
	[sflag:s24] =	ssyncadd.s32 $0xFFFFFF00  }
0x337: {  	[tilespmem:s18], [sflag:$0x4] =	stream.indirect.gather [hbm4b:s7+s0], $0x10, s19, s0, $0xb8;
	[tilespmem:$0x18D80] =	vst v63  }
0x338: {  	s20 =	simm.s32 $0xCD00  }
0x339: {  	[tilespmem:s22], [sflag:$0x4] =	stream.indirect.gather [hbm4b:s5+s0], $0x30, s20, s0, $0xb8;
	[tilespmem:$0x18D80] =	vst v63  }
0x33a: {  	_ = 	snop  }
0x33b: {  	[tilespmem:s13], [sflag:$0x4] =	stream.indirect.gather [hbm4b:s6+s0], $0x20, s20, s0, $0xb8;
	[tilespmem:$0x18D80] =	vst v63  }
0x33c: {  	_ =	swait.ge [sflag:s14], $0x800  }
0x33d: {  	[sflag:s14] =	ssyncset.done $0x0  }
0x33e: {  	[sflag:s14] =	ssyncadd.s32 $0xFFFFF800  }
0x33f: {  	_ =	swait.ge [sflag:s14], $0x1800  }
0x340: {  	[sflag:s14] =	ssyncset.done $0x0  }
0x341: {  	[sflag:s14] =	ssyncadd.s32 $0xFFFFE800  }
0x342: {  	_ =	swait.ge [sflag:s14], $0x1000  }
0x343: {  	[sflag:s14] =	ssyncset.done $0x0  }
0x344: {  	s20 =	simm.s32 $0x16DA0;
	[sflag:s14] =	ssyncadd.s32 $0xFFFFF000  }
0x345: {  	s30 =	simm.s32 $0xDD90;
	v4 =	vld [tilespmem:s20+$0xFFFFFFF0]  }
0x346: {  	v5 =	vld [tilespmem:s30+$0xFFFFFFF0];
	_ =	sdelay $0x4  }
0x347: {  	v4 =	vadd.f32 v4, v5;
	_ =	sdelay $0x1  }
0x348: {  	v5 =	vmul.f32 $2.000000030e-01, v4;
	_ =	sdelay $0x1  }
0x349: {  	v4 =	vmax.f32 v4, v5  }
0x34a: {  	v4 =	vmul.f32 $1.442695020e+00, v4;
	_ =	sdelay $0x1  }
0x34b: {  	(erf) = vpow2.f32 v4;
	_ =	sdelay $0x8  }
0x34c: {  	v4 =	vpop (erf)  }
0x34d: {  	s24 =	simm.s32 $0x11DB0;
	[tilespmem:s20+$0xFFFFFFF0] =	vst v4  }
0x34e: {  	v5 =	vld [tilespmem:s24+$0xFFFFFFF0]  }
0x34f: {  	v6 =	vld [tilespmem:s24+$0xFFFFFFE0]  }
0x350: {  	v7 =	vld [tilespmem:s24+$0xFFFFFFD0]  }
0x351: {  	v8 =	vperm.xlane v4, v2  }
0x352: {  	v9 =	vperm.xlane v4, v1  }
0x353: {  	v10 =	vperm.xlane v4, v0;
	v5 =	vmul.f32 v5, v8  }
0x354: {  	v6 =	vmul.f32 v6, v9  }
0x355: {  	v7 =	vmul.f32 v7, v10;
	[tilespmem:s24+$0xFFFFFFF0] =	vst v5  }
0x356: {  	[tilespmem:s24+$0xFFFFFFE0] =	vst v6  }
0x357: {  	[tilespmem:s24+$0xFFFFFFD0] =	vst v7  }
0x358: {  	v5 =	vld [tilespmem:s20+$0xFFFFFFE0];
	_ =	sdelay $0x2  }
0x359: {  	v4 =	vperm.xlane v4, v3;
	_ =	sdelay $0x1  }
0x35a: {  	v4 =	vmul.f32 v5, v4;
	_ =	sdelay $0x1  }
0x35b: {  	[tilespmem:s20+$0xFFFFFFE0] =	vst v4;
	v4 =	vld [tilespmem:s20+$0x10]  }
0x35c: {  	v5 =	vld [tilespmem:s30+$0x0];
	_ =	sdelay $0x4  }
0x35d: {  	v4 =	vadd.f32 v4, v5;
	_ =	sdelay $0x1  }
0x35e: {  	v5 =	vmul.f32 $2.000000030e-01, v4;
	_ =	sdelay $0x1  }
0x35f: {  	v4 =	vmax.f32 v4, v5  }
0x360: {  	v4 =	vmul.f32 $1.442695020e+00, v4;
	_ =	sdelay $0x1  }
0x361: {  	(erf) = vpow2.f32 v4;
	_ =	sdelay $0x8  }
0x362: {  	v5 =	vpop (erf)  }
0x363: {  	[tilespmem:s20+$0x10] =	vst v5  }
0x364: {  	v4 =	vld [tilespmem:s24+$0x20]  }
0x365: {  	v6 =	vld [tilespmem:s24+$0x0]  }
0x366: {  	v7 =	vld [tilespmem:s24+$0x10]  }
0x367: {  	v61 =	vperm.xlane v5, v2  }
0x368: {  	v62 =	vperm.xlane v5, v0  }
0x369: {  	v63 =	vperm.xlane v5, v1;
	v4 =	vmul.f32 v4, v61  }
0x36a: {  	v6 =	vmul.f32 v6, v62  }
0x36b: {  	v7 =	vmul.f32 v7, v63;
	[tilespmem:s24+$0x20] =	vst v4  }
0x36c: {  	[tilespmem:s24+$0x0] =	vst v6  }
0x36d: {  	[tilespmem:s24+$0x10] =	vst v7  }
0x36e: {  	v4 =	vld [tilespmem:s20+$0x0];
	_ =	sdelay $0x1  }
0x36f: {  	s11 =	simm.s32 $0x11E10;
	s18 =	simm.s32 $0x0;
	v5 =	vperm.xlane v5, v3;
	s24 =	simm.s32 $0x16DA0  }
.LBB2_15:
0x370: {  	s18 =	sadd.s32 $0x2, s18;
	s30 =	sadd.s32 $0x20, s30;
	s20 =	sadd.s32 $0x40, s20  }
0x371: {  	p1 =	slt.u32 s18, $0x7E  }
0x372: {  	v4 =	vmul.f32 v4, v5;
	_ =	sdelay $0x1  }
0x373: {  	v5 =	vld [tilespmem:s20+$0xFFFFFFF0];
	[tilespmem:s24+$0x0] =	vst v4;
	s24 =	smov.u32 s20  }
0x374: {  	v4 =	vld [tilespmem:s30+$0xFFFFFFF0];
	_ =	sdelay $0x4  }
0x375: {  	v4 =	vadd.f32 v5, v4;
	_ =	sdelay $0x1  }
0x376: {  	v5 =	vmul.f32 $2.000000030e-01, v4;
	_ =	sdelay $0x1  }
0x377: {  	v4 =	vmax.f32 v4, v5  }
0x378: {  	v4 =	vmul.f32 $1.442695020e+00, v4;
	_ =	sdelay $0x1  }
0x379: {  	(erf) = vpow2.f32 v4;
	_ =	sdelay $0x8  }
0x37a: {  	v4 =	vpop (erf)  }
0x37b: {  	[tilespmem:s20+$0xFFFFFFF0] =	vst v4  }
0x37c: {  	v5 =	vld [tilespmem:s11+$0xFFFFFFF0]  }
0x37d: {  	v6 =	vld [tilespmem:s11+$0xFFFFFFE0]  }
0x37e: {  	v7 =	vld [tilespmem:s11+$0xFFFFFFD0]  }
0x37f: {  	v8 =	vperm.xlane v4, v2  }
0x380: {  	v9 =	vperm.xlane v4, v1  }
0x381: {  	v10 =	vperm.xlane v4, v0;
	v5 =	vmul.f32 v5, v8  }
0x382: {  	v6 =	vmul.f32 v6, v9  }
0x383: {  	v7 =	vmul.f32 v7, v10;
	[tilespmem:s11+$0xFFFFFFF0] =	vst v5  }
0x384: {  	[tilespmem:s11+$0xFFFFFFE0] =	vst v6  }
0x385: {  	[tilespmem:s11+$0xFFFFFFD0] =	vst v7  }
0x386: {  	v5 =	vld [tilespmem:s20+$0xFFFFFFE0];
	_ =	sdelay $0x2  }
0x387: {  	v4 =	vperm.xlane v4, v3;
	_ =	sdelay $0x1  }
0x388: {  	v4 =	vmul.f32 v5, v4;
	_ =	sdelay $0x1  }
0x389: {  	[tilespmem:s20+$0xFFFFFFE0] =	vst v4;
	v4 =	vld [tilespmem:s20+$0x10]  }
0x38a: {  	v5 =	vld [tilespmem:s30+$0x0];
	_ =	sdelay $0x4  }
0x38b: {  	v4 =	vadd.f32 v4, v5;
	_ =	sdelay $0x1  }
0x38c: {  	v5 =	vmul.f32 $2.000000030e-01, v4;
	_ =	sdelay $0x1  }
0x38d: {  	v4 =	vmax.f32 v4, v5  }
0x38e: {  	v4 =	vmul.f32 $1.442695020e+00, v4;
	_ =	sdelay $0x1  }
0x38f: {  	(erf) = vpow2.f32 v4;
	_ =	sdelay $0x8  }
0x390: {  	v5 =	vpop (erf)  }
0x391: {  	[tilespmem:s20+$0x10] =	vst v5  }
0x392: {  	v4 =	vld [tilespmem:s11+$0x20]  }
0x393: {  	v6 =	vld [tilespmem:s11+$0x0]  }
0x394: {  	v7 =	vld [tilespmem:s11+$0x10]  }
0x395: {  	v8 =	vperm.xlane v5, v2  }
0x396: {  	v9 =	vperm.xlane v5, v0;
	v10 =	vperm.xlane v5, v1  }
0x397: {  	v4 =	vmul.f32 v4, v8  }
0x398: {  	v6 =	vmul.f32 v6, v9  }
0x399: {  	v7 =	vmul.f32 v7, v10;
	[tilespmem:s11+$0x20] =	vst v4  }
.Ltmp8:
0x39a: {  	[tilespmem:s11+$0x0] =	vst v6;
	(pc) =	sbr.rel @p1 .LBB2_15-.Ltmp8, $3  }
0x39b: {  	[tilespmem:s11+$0x10] =	vst v7  }
0x39c: {  	v4 =	vld [tilespmem:s20+$0x0];
	_ =	sdelay $0x1  }
0x39d: {  	v5 =	vperm.xlane v5, v3;
	s11 =	sadd.s32 $0x60, s11  }
0x39e: {  	_ =	sdelay $0x1  }
0x39f: {  	v4 =	vmul.f32 v4, v5;
	_ =	sdelay $0x1  }
0x3a0: {  	s11 =	simm.s32 $0x11D80;
	[tilespmem:s24+$0x0] =	vst v4  }
0x3a1: {  	[spmem:s1] =	stream.indirect.scatter.add.f32 [tilespmem:s11], [sflag:$0x7], $0x30, s12, s0, $0xb8;
	[tilespmem:$0x18D80] =	vst v63  }
0x3a2: {  	s20 =	simm.s32 $0x16D80  }
0x3a3: {  	[spmem:s2] =	stream.indirect.scatter.add.f32 [tilespmem:s20], [sflag:$0x7], $0x20, s12, s0, $0xb8;
	[tilespmem:$0x18D80] =	vst v63  }
0x3a4: {  	_ =	swait.ge [sflag:s25], $0x1800  }
0x3a5: {  	[sflag:s25] =	ssyncset.done $0x0  }
0x3a6: {  	[sflag:s25] =	ssyncadd.s32 $0xFFFFE800  }
0x3a7: {  	_ =	swait.ge [sflag:s25], $0x1000  }
0x3a8: {  	s11 =	rddreg [dreg:$0x12]  }
0x3a9: {  	s11 =	sadd.s32 @!p0 s10, s11  }
0x3aa: {  	s18 =	simm.s32 @!p0 $0x0;
	[sflag:s25] =	ssyncset.done $0x0;
	s11 =	sshll.u32 @!p0 s11, $0x5  }
0x3ab: {  	s20 =	simm.s32 @!p0 $0xC680;
	[sflag:s25] =	ssyncadd.s32 $0xFFFFF000;
	s11 =	sadd.s32 @!p0 s8, s11  }
0x3ac: {  	[tilespmem:s20], [sflag:$0xA] =	stream.linear.gather @!p0 [hbm4b:s11+s18], $0x100, $0x38;
	[tilespmem:$0x18D80] =	vst v63  }
0x3ad: {  	s11 =	simm.s32 @!p0 $0x9  }
0x3ae: {  	_ =	swait.ge @!p0 [sflag:s11], $0x100  }
0x3af: {  	s18 =	simm.s32 @!p0 $0xC580;
	[sflag:s11] =	ssyncset.done @!p0 $0x0  }
0x3b0: {  	s20 =	simm.s32 @!p0 $0xCD80;
	[sflag:s11] =	ssyncadd.s32 @!p0 $0xFFFFFF00;
	s11 =	simm.s32 @!p0 $0x80  }
0x3b1: {  	[tilespmem:s20], [sflag:$0x1] =	stream.indirect.gather @!p0 [hbm4b:s7+s11], $0x10, s18, s11, $0xb8;
	[tilespmem:$0x18D80] =	vst v63  }
0x3b2: {  	s18 =	simm.s32 @!p0 $0xC600;
	s20 =	simm.s32 @!p0 $0xED80  }
0x3b3: {  	[tilespmem:s20], [sflag:$0x1] =	stream.indirect.gather @!p0 [hbm4b:s5+s11], $0x30, s18, s11, $0xb8;
	[tilespmem:$0x18D80] =	vst v63  }
0x3b4: {  	s20 =	simm.s32 @!p0 $0x14D80  }
0x3b5: {  	[tilespmem:s20], [sflag:$0x1] =	stream.indirect.gather @!p0 [hbm4b:s6+s11], $0x20, s18, s11, $0xb8;
	[tilespmem:$0x18D80] =	vst v63  }
0x3b6: {  	_ =	swait.ge [sflag:s21], $0x800  }
0x3b7: {  	[sflag:s21] =	ssyncset.done $0x0  }
0x3b8: {  	[sflag:s21] =	ssyncadd.s32 $0xFFFFF800  }
0x3b9: {  	_ =	swait.ge [sflag:s21], $0x1800  }
0x3ba: {  	[sflag:s21] =	ssyncset.done $0x0  }
0x3bb: {  	[sflag:s21] =	ssyncadd.s32 $0xFFFFE800  }
0x3bc: {  	_ =	swait.ge [sflag:s21], $0x1000  }
0x3bd: {  	[sflag:s21] =	ssyncset.done $0x0  }
0x3be: {  	s20 =	simm.s32 $0x17DA0;
	[sflag:s21] =	ssyncadd.s32 $0xFFFFF000  }
0x3bf: {  	s30 =	simm.s32 $0xE590;
	v4 =	vld [tilespmem:s20+$0xFFFFFFF0]  }
0x3c0: {  	v5 =	vld [tilespmem:s30+$0xFFFFFFF0];
	_ =	sdelay $0x4  }
0x3c1: {  	v4 =	vadd.f32 v4, v5;
	_ =	sdelay $0x1  }
0x3c2: {  	v5 =	vmul.f32 $2.000000030e-01, v4;
	_ =	sdelay $0x1  }
0x3c3: {  	v4 =	vmax.f32 v4, v5  }
0x3c4: {  	v4 =	vmul.f32 $1.442695020e+00, v4;
	_ =	sdelay $0x1  }
0x3c5: {  	(erf) = vpow2.f32 v4;
	_ =	sdelay $0x8  }
0x3c6: {  	v4 =	vpop (erf)  }
0x3c7: {  	s24 =	simm.s32 $0x135B0;
	[tilespmem:s20+$0xFFFFFFF0] =	vst v4  }
0x3c8: {  	v5 =	vld [tilespmem:s24+$0xFFFFFFF0]  }
0x3c9: {  	v6 =	vld [tilespmem:s24+$0xFFFFFFE0]  }
0x3ca: {  	v7 =	vld [tilespmem:s24+$0xFFFFFFD0]  }
0x3cb: {  	v8 =	vperm.xlane v4, v2  }
0x3cc: {  	v9 =	vperm.xlane v4, v1  }
0x3cd: {  	v10 =	vperm.xlane v4, v0;
	v5 =	vmul.f32 v5, v8  }
0x3ce: {  	v6 =	vmul.f32 v6, v9  }
0x3cf: {  	v7 =	vmul.f32 v7, v10;
	[tilespmem:s24+$0xFFFFFFF0] =	vst v5  }
0x3d0: {  	[tilespmem:s24+$0xFFFFFFE0] =	vst v6  }
0x3d1: {  	[tilespmem:s24+$0xFFFFFFD0] =	vst v7  }
0x3d2: {  	v5 =	vld [tilespmem:s20+$0xFFFFFFE0];
	_ =	sdelay $0x2  }
0x3d3: {  	v4 =	vperm.xlane v4, v3;
	_ =	sdelay $0x1  }
0x3d4: {  	v4 =	vmul.f32 v5, v4;
	_ =	sdelay $0x1  }
0x3d5: {  	[tilespmem:s20+$0xFFFFFFE0] =	vst v4;
	v4 =	vld [tilespmem:s20+$0x10]  }
0x3d6: {  	v5 =	vld [tilespmem:s30+$0x0];
	_ =	sdelay $0x4  }
0x3d7: {  	v4 =	vadd.f32 v4, v5;
	_ =	sdelay $0x1  }
0x3d8: {  	v5 =	vmul.f32 $2.000000030e-01, v4;
	_ =	sdelay $0x1  }
0x3d9: {  	v4 =	vmax.f32 v4, v5  }
0x3da: {  	v4 =	vmul.f32 $1.442695020e+00, v4;
	_ =	sdelay $0x1  }
0x3db: {  	(erf) = vpow2.f32 v4;
	_ =	sdelay $0x8  }
0x3dc: {  	v5 =	vpop (erf)  }
0x3dd: {  	[tilespmem:s20+$0x10] =	vst v5  }
0x3de: {  	v4 =	vld [tilespmem:s24+$0x20]  }
0x3df: {  	v6 =	vld [tilespmem:s24+$0x0]  }
0x3e0: {  	v7 =	vld [tilespmem:s24+$0x10]  }
0x3e1: {  	v61 =	vperm.xlane v5, v2  }
0x3e2: {  	v62 =	vperm.xlane v5, v0  }
0x3e3: {  	v63 =	vperm.xlane v5, v1;
	v4 =	vmul.f32 v4, v61  }
0x3e4: {  	v6 =	vmul.f32 v6, v62  }
0x3e5: {  	v7 =	vmul.f32 v7, v63;
	[tilespmem:s24+$0x20] =	vst v4  }
0x3e6: {  	[tilespmem:s24+$0x0] =	vst v6  }
0x3e7: {  	[tilespmem:s24+$0x10] =	vst v7  }
0x3e8: {  	v4 =	vld [tilespmem:s20+$0x0];
	_ =	sdelay $0x1  }
0x3e9: {  	s18 =	simm.s32 $0x0;
	s11 =	simm.s32 $0x13610;
	v5 =	vperm.xlane v5, v3;
	s24 =	simm.s32 $0x17DA0  }
.LBB2_17:
0x3ea: {  	s18 =	sadd.s32 $0x2, s18;
	s30 =	sadd.s32 $0x20, s30;
	s20 =	sadd.s32 $0x40, s20  }
0x3eb: {  	p1 =	slt.u32 s18, $0x7E  }
0x3ec: {  	v4 =	vmul.f32 v4, v5;
	_ =	sdelay $0x1  }
0x3ed: {  	v5 =	vld [tilespmem:s20+$0xFFFFFFF0];
	[tilespmem:s24+$0x0] =	vst v4;
	s24 =	smov.u32 s20  }
0x3ee: {  	v4 =	vld [tilespmem:s30+$0xFFFFFFF0];
	_ =	sdelay $0x4  }
0x3ef: {  	v4 =	vadd.f32 v5, v4;
	_ =	sdelay $0x1  }
0x3f0: {  	v5 =	vmul.f32 $2.000000030e-01, v4;
	_ =	sdelay $0x1  }
0x3f1: {  	v4 =	vmax.f32 v4, v5  }
0x3f2: {  	v4 =	vmul.f32 $1.442695020e+00, v4;
	_ =	sdelay $0x1  }
0x3f3: {  	(erf) = vpow2.f32 v4;
	_ =	sdelay $0x8  }
0x3f4: {  	v4 =	vpop (erf)  }
0x3f5: {  	[tilespmem:s20+$0xFFFFFFF0] =	vst v4  }
0x3f6: {  	v5 =	vld [tilespmem:s11+$0xFFFFFFF0]  }
0x3f7: {  	v6 =	vld [tilespmem:s11+$0xFFFFFFE0]  }
0x3f8: {  	v7 =	vld [tilespmem:s11+$0xFFFFFFD0]  }
0x3f9: {  	v8 =	vperm.xlane v4, v2  }
0x3fa: {  	v9 =	vperm.xlane v4, v1  }
0x3fb: {  	v10 =	vperm.xlane v4, v0;
	v5 =	vmul.f32 v5, v8  }
0x3fc: {  	v6 =	vmul.f32 v6, v9  }
0x3fd: {  	v7 =	vmul.f32 v7, v10;
	[tilespmem:s11+$0xFFFFFFF0] =	vst v5  }
0x3fe: {  	[tilespmem:s11+$0xFFFFFFE0] =	vst v6  }
0x3ff: {  	[tilespmem:s11+$0xFFFFFFD0] =	vst v7  }
0x400: {  	v5 =	vld [tilespmem:s20+$0xFFFFFFE0];
	_ =	sdelay $0x2  }
0x401: {  	v4 =	vperm.xlane v4, v3;
	_ =	sdelay $0x1  }
0x402: {  	v4 =	vmul.f32 v5, v4;
	_ =	sdelay $0x1  }
0x403: {  	[tilespmem:s20+$0xFFFFFFE0] =	vst v4;
	v4 =	vld [tilespmem:s20+$0x10]  }
0x404: {  	v5 =	vld [tilespmem:s30+$0x0];
	_ =	sdelay $0x4  }
0x405: {  	v4 =	vadd.f32 v4, v5;
	_ =	sdelay $0x1  }
0x406: {  	v5 =	vmul.f32 $2.000000030e-01, v4;
	_ =	sdelay $0x1  }
0x407: {  	v4 =	vmax.f32 v4, v5  }
0x408: {  	v4 =	vmul.f32 $1.442695020e+00, v4;
	_ =	sdelay $0x1  }
0x409: {  	(erf) = vpow2.f32 v4;
	_ =	sdelay $0x8  }
0x40a: {  	v5 =	vpop (erf)  }
0x40b: {  	[tilespmem:s20+$0x10] =	vst v5  }
0x40c: {  	v4 =	vld [tilespmem:s11+$0x20]  }
0x40d: {  	v6 =	vld [tilespmem:s11+$0x0]  }
0x40e: {  	v7 =	vld [tilespmem:s11+$0x10]  }
0x40f: {  	v8 =	vperm.xlane v5, v2  }
0x410: {  	v9 =	vperm.xlane v5, v0;
	v10 =	vperm.xlane v5, v1  }
0x411: {  	v4 =	vmul.f32 v4, v8  }
0x412: {  	v6 =	vmul.f32 v6, v9  }
0x413: {  	v7 =	vmul.f32 v7, v10;
	[tilespmem:s11+$0x20] =	vst v4  }
.Ltmp9:
0x414: {  	[tilespmem:s11+$0x0] =	vst v6;
	(pc) =	sbr.rel @p1 .LBB2_17-.Ltmp9, $3  }
0x415: {  	[tilespmem:s11+$0x10] =	vst v7  }
0x416: {  	v4 =	vld [tilespmem:s20+$0x0];
	_ =	sdelay $0x1  }
0x417: {  	v5 =	vperm.xlane v5, v3;
	s11 =	sadd.s32 $0x60, s11  }
0x418: {  	_ =	sdelay $0x1  }
0x419: {  	v4 =	vmul.f32 v4, v5;
	_ =	sdelay $0x1  }
0x41a: {  	[tilespmem:s24+$0x0] =	vst v4  }
0x41b: {  	[spmem:s1] =	stream.indirect.scatter.add.f32 [tilespmem:s22], [sflag:$0x8], $0x30, s19, s0, $0xb8;
	[tilespmem:$0x18D80] =	vst v63  }
0x41c: {  	_ = 	snop  }
0x41d: {  	[spmem:s2] =	stream.indirect.scatter.add.f32 [tilespmem:s13], [sflag:$0x8], $0x20, s19, s0, $0xb8;
	[tilespmem:$0x18D80] =	vst v63  }
0x41e: {  	_ =	swait.ge [sflag:s28], $0x1800  }
.Ltmp10:
0x41f: {  	[sflag:s28] =	ssyncset.done $0x0;
	(pc) =	sbr.rel @p0 .LBB2_20-.Ltmp10, $4  }
0x420: {  	[sflag:s28] =	ssyncadd.s32 $0xFFFFE800  }
0x421: {  	_ =	swait.ge [sflag:s28], $0x1000  }
0x422: {  	[sflag:s28] =	ssyncset.done $0x0  }
0x423: {  	[sflag:s28] =	ssyncadd.s32 $0xFFFFF000  }
0x424: {  	s11 =	rddreg [dreg:$0x13]  }
0x425: {  	s10 =	sadd.s32 s10, s11  }
0x426: {  	s10 =	sshll.u32 s10, $0x5  }
0x427: {  	s30 =	simm.s32 $0xA;
	s10 =	sadd.s32 s8, s10  }
0x428: {  	[tilespmem:s23], [sflag:$0xB] =	stream.linear.gather [hbm4b:s10+s3], $0x100, $0x38;
	[tilespmem:$0x18D80] =	vst v63  }
0x429: {  	_ =	swait.ge [sflag:s30], $0x100  }
0x42a: {  	[sflag:s30] =	ssyncset.done $0x0  }
0x42b: {  	s18 =	simm.s32 $0xD580;
	s11 =	simm.s32 $0xC680;
	[sflag:s30] =	ssyncadd.s32 $0xFFFFFF00  }
0x42c: {  	[tilespmem:s18], [sflag:$0x2] =	stream.indirect.gather [hbm4b:s7+s0], $0x10, s11, s0, $0xb8;
	[tilespmem:$0x18D80] =	vst v63  }
.Ltmp11:
0x42d: {  	_ = 	snop;
	(pc) =	sbr.rel .LBB2_2-.Ltmp11, $4  }
0x42e: {  	s20 =	simm.s32 $0xC700;
	s24 =	simm.s32 $0x10580  }
0x42f: {  	[tilespmem:s24], [sflag:$0x2] =	stream.indirect.gather [hbm4b:s5+s0], $0x30, s20, s0, $0xb8;
	[tilespmem:$0x18D80] =	vst v63  }
0x430: {  	s31 =	sadd.s32 $0x1, s31;
	s30 =	simm.s32 $0x15D80  }
0x431: {  	[tilespmem:s30], [sflag:$0x2] =	stream.indirect.gather [hbm4b:s6+s0], $0x20, s20, s0, $0xb8;
	[tilespmem:$0x18D80] =	vst v63  }
.LBB2_21:
0x432: {  	_ =	sfence.sel $0x180000  }
0x433: {  	[bflag:$0x0] =	sbarrier.arrive $0xFFFF  }
0x434: {  	_ =	strace $0x90000047  }
0x435: {  	s0 =	stileid.u32;
	[bflag:$0x2] =	sbarrier.arrive $0xFFFF  }
0x436: {  	p0 =	sne.s32 s0, $0x0;
	s0 =	rddreg [dreg:$0x4]  }
0x437: {  	s0 =	sadd.s32 @!p0 $0x100000, s0  }
0x438: {  	[sflag:s0] =	ssyncadd.tile.s32 @!p0 $0x1;
	_ =	shalt  }
.Lfunc_end2:
_tile_overlayer_lowered:
.L_overlay_start_2:
0x439: {  	(tag) =	ssettag $0x2  }
0x43a: {  	s0 =	rddreg [dreg:$0x0];
	s2 =	stileid.u32  }
0x43b: {  	s1 =	rddreg [dreg:$0x1];
	p0 =	sne.s32 s2, $0x0  }
0x43c: {  	s3 =	rddreg [dreg:$0x2];
	[bflag:$0x3] =	sbarrier.arrive $0xFFFF;
	s2 =	simm.s32 @!p0 $0x1C11  }
0x43d: {  	[timem:s3], [sflag:s2] =	dma.local @!p0 [hbm:s0], s1  }
0x43e: {  	s0 =	simm.s32 @!p0 $0x11  }
0x43f: {  	_ =	swait.ge @!p0 [sflag:s0], s1  }
0x440: {  	s1 =	ssub.s32 @!p0 $0x0, s1;
	[sflag:s0] =	ssyncset.done @!p0 $0x0  }
0x441: {  	[sflag:s0] =	ssyncadd.s32 @!p0 s1  }
0x442: {  	[bflag:$0x3] =	sbarrier.arrive $0xFFFF  }
0x443: {  	_ =	shalt  }

</sc_bundles>
